<compile_context>
chip_gen: v7x
topology: tpu7x:2x2x1
jax: 0.10.2.dev20260603
libtpu: 0.0.44.dev20260713+nightly
codegen_flags: <defaults>
</compile_context>

<pallas_src>
import functools

import jax
import jax.numpy as jnp
from jax import lax
from jax.experimental import pallas as pl
from jax.experimental.pallas import tpu as pltpu
from jax.experimental.pallas import tpu_sc as plsc

B, S = 4, 2048
T = B * S
D = 768
E = 8
TB = 1024
NB_A = T // TB
BLK = 512
PAD = T + E * BLK
NB_C = PAD // BLK


def _gating_body(x_ref, gw_ref, gb_ref, idx_ref, rank_ref, cnt_ref, var_ref,
                 cnt_s, sum_s, sq_s, tri_s):
    i = pl.program_id(0)

    @pl.when(i == 0)
    def _():
        cnt_s[...] = jnp.zeros_like(cnt_s)
        sum_s[...] = jnp.zeros_like(sum_s)
        sq_s[...] = jnp.zeros_like(sq_s)
        tr = jax.lax.broadcasted_iota(jnp.int32, (TB, TB), 0)
        tc = jax.lax.broadcasted_iota(jnp.int32, (TB, TB), 1)
        tri_s[...] = (tr <= tc).astype(jnp.float32)

    x = x_ref[...]
    gw = gw_ref[...]
    logits = jax.lax.dot_general(gw, x, (((1,), (1,)), ((), ())),
                                 preferred_element_type=jnp.float32)
    logits = logits + gb_ref[...][:, 0:1]
    m = jnp.max(logits, axis=0, keepdims=True)
    ex = jnp.exp(logits - m)
    s = ex / jnp.sum(ex, axis=0, keepdims=True)

    smax = jnp.max(s, axis=0, keepdims=True)
    eiota = jax.lax.broadcasted_iota(jnp.int32, (E, TB), 0)
    idx = jnp.min(jnp.where(s >= smax, eiota, E), axis=0, keepdims=True)
    onehot = (eiota == idx).astype(jnp.float32)
    incl = jax.lax.dot_general(onehot, tri_s[...], (((1,), (0,)), ((), ())),
                               preferred_element_type=jnp.float32)
    prev = cnt_s[...][:, 0:1]
    rank = jnp.sum(onehot * (prev + incl - 1.0), axis=0, keepdims=True)

    idx_ref[...] = idx.reshape(1, 1, TB)
    rank_ref[...] = rank.astype(jnp.int32).reshape(1, 1, TB)

    newcnt = prev + incl[:, TB - 1:TB]
    cnt_s[...] = jnp.broadcast_to(newcnt, cnt_s.shape)
    sum_new = sum_s[...][:, 0:1] + jnp.sum(s, axis=1, keepdims=True)
    sq_new = sq_s[...][:, 0:1] + jnp.sum(s * s, axis=1, keepdims=True)
    sum_s[...] = jnp.broadcast_to(sum_new, sum_s.shape)
    sq_s[...] = jnp.broadcast_to(sq_new, sq_s.shape)

    nf = float(T)
    var = (sq_new - sum_new * sum_new / nf) / (nf - 1.0)
    cnt_ref[...] = jnp.broadcast_to(newcnt, cnt_ref.shape)
    var_ref[...] = jnp.broadcast_to(var, var_ref.shape)


_gating_call = pl.pallas_call(
    _gating_body,
    grid=(NB_A,),
    in_specs=[
        pl.BlockSpec((TB, D), lambda i: (i, 0)),
        pl.BlockSpec((E, D), lambda i: (0, 0)),
        pl.BlockSpec((E, 128), lambda i: (0, 0)),
    ],
    out_specs=[
        pl.BlockSpec((1, 1, TB), lambda i: (i, 0, 0)),
        pl.BlockSpec((1, 1, TB), lambda i: (i, 0, 0)),
        pl.BlockSpec((E, 128), lambda i: (0, 0)),
        pl.BlockSpec((E, 128), lambda i: (0, 0)),
    ],
    out_shape=[
        jax.ShapeDtypeStruct((NB_A, 1, TB), jnp.int32),
        jax.ShapeDtypeStruct((NB_A, 1, TB), jnp.int32),
        jax.ShapeDtypeStruct((E, 128), jnp.float32),
        jax.ShapeDtypeStruct((E, 128), jnp.float32),
    ],
    scratch_shapes=[
        pltpu.VMEM((E, 128), jnp.float32),
        pltpu.VMEM((E, 128), jnp.float32),
        pltpu.VMEM((E, 128), jnp.float32),
        pltpu.VMEM((TB, TB), jnp.float32),
    ],
)



_NC, _NS = 2, 16
_NW = _NC * _NS
_TPW = T // _NW
_CH = 16
_NCH = _TPW // _CH
_NBUF = 8

_sc_mesh = plsc.VectorSubcoreMesh(core_axis_name="c", subcore_axis_name="s")


@functools.partial(
    pl.kernel,
    out_type=[
        jax.ShapeDtypeStruct((PAD, D), jnp.float32),
        jax.ShapeDtypeStruct((T // _CH, _CH), jnp.int32),
    ],
    mesh=_sc_mesh,
    scratch_types=[
        pltpu.VMEM((_TPW,), jnp.int32),
        pltpu.VMEM((_TPW,), jnp.int32),
        pltpu.VMEM((16,), jnp.int32),
        pltpu.VMEM((_NCH, _CH), jnp.int32),
        pltpu.VMEM((_NBUF, _CH, D), jnp.float32),
        pltpu.SemaphoreType.DMA,
        pltpu.SemaphoreType.DMA,
    ],
    compiler_params=pltpu.CompilerParams(needs_layout_passes=False),
)
def _dispatch_call(flat_hbm, idx_hbm, rank_hbm, base_hbm, xs_hbm, pos_hbm,
                   idx_v, rank_v, base_v, pos_c, rows, sem_lin, sem_ind):
    wid = lax.axis_index("s") * _NC + lax.axis_index("c")
    t0 = wid * _TPW
    lins = [None] * _NCH
    inds = [None] * _NCH
    for j in range(_NBUF - 1):
        lins[j] = pltpu.async_copy(flat_hbm.at[pl.ds(t0 + j * _CH, _CH)],
                                   rows.at[j], sem_lin)
    pltpu.sync_copy(idx_hbm.at[pl.ds(t0, _TPW)], idx_v)
    pltpu.sync_copy(rank_hbm.at[pl.ds(t0, _TPW)], rank_v)
    pltpu.sync_copy(base_hbm, base_v)
    for c in range(_TPW // 16):
        e16 = idx_v[pl.ds(c * 16, 16)]
        b16 = plsc.load_gather(base_v, [e16])
        r16 = rank_v[pl.ds(c * 16, 16)]
        pos_c[c * 16 // _CH, pl.ds((c * 16) % _CH, 16)] = b16 + r16
    pltpu.sync_copy(pos_c, pos_hbm.at[pl.ds(wid * _NCH, _NCH)])
    for j in range(_NCH):
        k = j + _NBUF - 1
        if k < _NCH:
            if j >= 1:
                inds[j - 1].wait()
            lins[k] = pltpu.async_copy(
                flat_hbm.at[pl.ds(t0 + k * _CH, _CH)],
                rows.at[k % _NBUF], sem_lin)
        lins[j].wait()
        inds[j] = pltpu.async_copy(rows.at[j % _NBUF],
                                   xs_hbm.at[pos_c.at[j]], sem_ind)
    for j in range(max(0, _NCH - _NBUF), _NCH):
        inds[j].wait()


@functools.partial(
    pl.kernel,
    out_type=jax.ShapeDtypeStruct((T, D), jnp.float32),
    mesh=_sc_mesh,
    scratch_types=[
        pltpu.VMEM((_NCH, _CH), jnp.int32),
        pltpu.VMEM((_NBUF, _CH, D), jnp.float32),
        pltpu.SemaphoreType.DMA,
        pltpu.SemaphoreType.DMA,
    ],
)
def _combine_call(ys_hbm, pos_hbm, out_hbm, pos_c, rows, sem_g, sem_lin):
    wid = lax.axis_index("s") * _NC + lax.axis_index("c")
    t0 = wid * _TPW
    pltpu.sync_copy(pos_hbm.at[pl.ds(wid * _NCH, _NCH)], pos_c)
    gats = [None] * _NCH
    outs = [None] * _NCH
    for j in range(_NBUF - 1):
        gats[j] = pltpu.async_copy(ys_hbm.at[pos_c.at[j]], rows.at[j], sem_g)
    for j in range(_NCH):
        k = j + _NBUF - 1
        if k < _NCH:
            if j >= 1:
                outs[j - 1].wait()
            gats[k] = pltpu.async_copy(ys_hbm.at[pos_c.at[k]],
                                       rows.at[k % _NBUF], sem_g)
        gats[j].wait()
        outs[j] = pltpu.async_copy(rows.at[j % _NBUF],
                                   out_hbm.at[pl.ds(t0 + j * _CH, _CH)],
                                   sem_lin)
    for j in range(max(0, _NCH - _NBUF), _NCH):
        outs[j].wait()


def _matmul_body(be_ref, slot_ref, first_ref, pref_ref, act_ref, x_ref, w_hbm,
                 b_ref, o_ref, w2, sems):
    i = pl.program_id(0)
    slot = slot_ref[i]

    @pl.when(i == 0)
    def _():
        pltpu.make_async_copy(w_hbm.at[be_ref[0]], w2.at[0], sems.at[0]).start()

    @pl.when(pref_ref[i] == 1)
    def _():
        nslot = slot_ref[i + 1]
        pltpu.make_async_copy(w_hbm.at[be_ref[i + 1]], w2.at[nslot],
                              sems.at[nslot]).start()

    @pl.when(first_ref[i] == 1)
    def _():
        pltpu.make_async_copy(w_hbm.at[be_ref[i]], w2.at[slot],
                              sems.at[slot]).wait()

    for s in range(2):
        @pl.when(jnp.logical_and(act_ref[i] == 1, slot == s))
        def _(s=s):
            x = x_ref[...]
            o_ref[...] = jax.lax.dot_general(
                x, w2[s], (((1,), (1,)), ((), ())),
                preferred_element_type=jnp.float32) + b_ref[0]


def _act_idx(i, act):
    return jnp.where(act[i] == 1, i, NB_C - 1)


_matmul_call = pl.pallas_call(
    _matmul_body,
    grid_spec=pltpu.PrefetchScalarGridSpec(
        num_scalar_prefetch=5,
        grid=(NB_C,),
        in_specs=[
            pl.BlockSpec((BLK, D),
                         lambda i, be, sl, fi, pf, ac: (_act_idx(i, ac), 0)),
            pl.BlockSpec(memory_space=pl.ANY),
            pl.BlockSpec((1, 1, D),
                         lambda i, be, sl, fi, pf, ac: (be[i], 0, 0)),
        ],
        out_specs=pl.BlockSpec(
            (BLK, D), lambda i, be, sl, fi, pf, ac: (_act_idx(i, ac), 0)),
        scratch_shapes=[
            pltpu.VMEM((2, D, D), jnp.float32),
            pltpu.SemaphoreType.DMA((2,)),
        ],
    ),
    out_shape=jax.ShapeDtypeStruct((PAD, D), jnp.float32),
)


def kernel(sequences, expert_w, expert_b, gating_w, gating_b):
    flat = sequences.reshape(T, D)
    gb2 = jnp.broadcast_to(gating_b[:, None], (E, 128))

    idx3, rank3, cnt, var = _gating_call(flat, gating_w, gb2)
    idx = idx3.reshape(T)
    rank = rank3.reshape(T)
    variances = var[:, 0]

    counts = cnt[:, 0].astype(jnp.int32)
    padded = ((counts + BLK - 1) // BLK) * BLK
    cum = jnp.cumsum(padded)
    base = cum - padded
    blk_starts = jnp.arange(NB_C, dtype=jnp.int32) * BLK
    be = jnp.minimum(
        jnp.sum((cum[None, :] <= blk_starts[:, None]).astype(jnp.int32), axis=1),
        E - 1).astype(jnp.int32)

    base16 = jnp.concatenate([base, jnp.zeros((8,), jnp.int32)])

    nactive = cum[E - 1] // BLK
    act = (jnp.arange(NB_C, dtype=jnp.int32) < nactive).astype(jnp.int32)
    chg = (be[1:] != be[:-1]).astype(jnp.int32)
    first = jnp.concatenate([jnp.ones((1,), jnp.int32), chg]) * act
    slot = (jnp.cumsum(first) - 1) % 2
    pref = jnp.concatenate([first[1:], jnp.zeros((1,), jnp.int32)])

    x_sorted, pos = _dispatch_call(flat, idx, rank, base16)
    y_sorted = _matmul_call(be, slot, first, pref, act, x_sorted, expert_w,
                            expert_b.reshape(E, 1, D))
    out = _combine_call(y_sorted, pos)
    return (out.reshape(B, S, D), variances)

# --- scband reference (transcript-rebuilt; emitter-appended) ---
"""Pipeline reference for scband-sparse-mo-e-19000935318137 (READ-ONLY COPY).

The authoritative reference and input builder live on the scoring server;
editing this copy changes nothing except your own understanding.
"""

import jax, jax.numpy as jnp
import numpy as np

B, S = 4, 2048
D_MODEL = 768
D_INNER = 768
E = 8
TOP_K = 1


def setup_inputs(seed: int = 0) -> dict:
    key = jax.random.key(seed)
    k0, k1, k2, k3 = jax.random.split(key, 4)
    sequences = jax.random.normal(k0, (B, S, D_MODEL), dtype=jnp.float32)
    # expert weights: xavier_uniform_, bias zeros (per reset_parameters)
    limit = float(np.sqrt(6.0 / (D_MODEL + D_INNER)))
    expert_w = jax.random.uniform(k1, (E, D_INNER, D_MODEL), dtype=jnp.float32, minval=-limit, maxval=limit)
    expert_b = jnp.zeros((E, D_INNER), dtype=jnp.float32)
    # gating linear: default torch init ~ U(-1/sqrt(fan_in), 1/sqrt(fan_in))
    bound = float(1.0 / np.sqrt(D_MODEL))
    gating_w = jax.random.uniform(k2, (E, D_MODEL), dtype=jnp.float32, minval=-bound, maxval=bound)
    gating_b = jax.random.uniform(k3, (E,), dtype=jnp.float32, minval=-bound, maxval=bound)
    return {
        "sequences": sequences,
        "expert_w": expert_w,
        "expert_b": expert_b,
        "gating_w": gating_w,
        "gating_b": gating_b,
    }


def reference(sequences, expert_w, expert_b, gating_w, gating_b):
    N, P, D = sequences.shape
    flat = sequences.reshape(-1, D)
    logits = flat @ gating_w.T + gating_b
    gating_scores = jax.nn.softmax(logits, axis=-1)
    _, top_k_indices = jax.lax.top_k(gating_scores, TOP_K)
    output = jnp.zeros((N * P, D_INNER), dtype=jnp.float32)
    for i in range(E):
        # tokens routed to expert i (any of its top-k slots == i)
        mask = jnp.any(top_k_indices == i, axis=1)
        expert_out = flat @ expert_w[i].T + expert_b[i]
        # equivalent to output[mask] += expert(flat[mask])
        output = output + jnp.where(mask[:, None], expert_out, 0.0)
    # training branch of the torch module computes per-expert gating variance
    gating_variances = jnp.var(gating_scores, axis=0, ddof=1)
    output = output / TOP_K
    return (output.reshape(N, P, -1), gating_variances)

if __name__ == "__main__":
    import jax
    _d = setup_inputs()
    print(jax.jit(kernel)(*tuple(_d.values())))

</pallas_src>

<mosaic_0001>
#map = affine_map<(d0, d1) -> (0, 0)>
#map1 = affine_map<(d0, d1) -> (0)>
module attributes {stable_mosaic.version = 14 : i64} {
  func.func @_dispatch_call(%arg0: i32, %arg1: i32, %arg2: memref<8192x768xf32, #tpu.memory_space<hbm>>, %arg3: memref<8192xi32, #tpu.memory_space<hbm>>, %arg4: memref<8192xi32, #tpu.memory_space<hbm>>, %arg5: memref<16xi32, #tpu.memory_space<hbm>>, %arg6: memref<12288x768xf32, #tpu.memory_space<hbm>>, %arg7: memref<512x16xi32, #tpu.memory_space<hbm>>, %arg8: memref<256xi32, #tpu.memory_space<vmem>>, %arg9: memref<256xi32, #tpu.memory_space<vmem>>, %arg10: memref<16xi32, #tpu.memory_space<vmem>>, %arg11: memref<16x16xi32, #tpu.memory_space<vmem>>, %arg12: memref<8x16x768xf32, #tpu.memory_space<vmem>>, %arg13: memref<!tpu.dma_semaphore, #tpu.memory_space<semaphore_mem>>, %arg14: memref<!tpu.dma_semaphore, #tpu.memory_space<semaphore_mem>>) attributes {dimension_semantics = [#tpu.dimension_semantics<core_parallel>, #tpu.dimension_semantics<subcore_parallel>], iteration_bounds = array<i64: 2, 16>, scalar_prefetch = 0 : i64, scratch_operands = 7 : i64, tpu.core_type = #tpu.core_type<sc_vector_subcore>, window_params = [{transform_indices = #map}, {transform_indices = #map1}, {transform_indices = #map1}, {transform_indices = #map1}, {transform_indices = #map}, {transform_indices = #map}]} {
    %mul3A = arith.constant 2 : i32
    %mul3A_0 = arith.muli %arg1, %mul3A : i32
    %add3A = arith.addi %mul3A_0, %arg0 : i32
    %mul3A_1 = arith.constant 256 : i32
    %mul3A_2 = arith.muli %add3A, %mul3A_1 : i32
    %add3A_3 = arith.constant 0 : i32
    %add3A_4 = arith.addi %mul3A_2, %add3A_3 : i32
    %dma_start3A = arith.constant 0 : i32
    %dma_start3A_5 = arith.constant 0 : i32
    %dma_start3A_6 = arith.constant 0 : i32
    %dma_start3A_7 = tpu.memref_slice %arg12[%dma_start3A, %dma_start3A_5, %dma_start3A_6] : memref<8x16x768xf32, #tpu.memory_space<vmem>> -> memref<1x16x768xf32, #tpu.memory_space<vmem>>
    %dma_start3A_8 = tpu.memref_squeeze %dma_start3A_7 : memref<1x16x768xf32, #tpu.memory_space<vmem>> -> memref<16x768xf32, #tpu.memory_space<vmem>>
    %dma_start3A_9 = arith.constant 0 : i32
    %dma_start3A_10 = tpu.memref_slice %arg2[%add3A_4, %dma_start3A_9] : memref<8192x768xf32, #tpu.memory_space<hbm>> -> memref<16x768xf32, #tpu.memory_space<hbm>>
    %dma_start3A_11 = arith.constant 0 : i32
    %dma_start3A_12 = arith.constant 0 : i32
    %dma_start3A_13 = tpu.memref_slice %arg12[%dma_start3A, %dma_start3A_11, %dma_start3A_12] : memref<8x16x768xf32, #tpu.memory_space<vmem>> -> memref<1x16x768xf32, #tpu.memory_space<vmem>>
    %dma_start3A_14 = tpu.memref_squeeze %dma_start3A_13 : memref<1x16x768xf32, #tpu.memory_space<vmem>> -> memref<16x768xf32, #tpu.memory_space<vmem>>
    %dma_start3A_15 = arith.constant 0 : i32
    %dma_start3A_16 = tpu.memref_slice %arg2[%add3A_4, %dma_start3A_15] : memref<8192x768xf32, #tpu.memory_space<hbm>> -> memref<16x768xf32, #tpu.memory_space<hbm>>
    tpu.enqueue_dma source(%dma_start3A_16 : memref<16x768xf32, #tpu.memory_space<hbm>>) target(%dma_start3A_14 : memref<16x768xf32, #tpu.memory_space<vmem>>) target_semaphore(%arg13 : memref<!tpu.dma_semaphore, #tpu.memory_space<semaphore_mem>>)
    %add3A_17 = arith.constant 16 : i32
    %add3A_18 = arith.addi %mul3A_2, %add3A_17 : i32
    %dma_start3A_19 = arith.constant 1 : i32
    %dma_start3A_20 = arith.constant 0 : i32
    %dma_start3A_21 = arith.constant 0 : i32
    %dma_start3A_22 = tpu.memref_slice %arg12[%dma_start3A_19, %dma_start3A_20, %dma_start3A_21] : memref<8x16x768xf32, #tpu.memory_space<vmem>> -> memref<1x16x768xf32, #tpu.memory_space<vmem>>
    %dma_start3A_23 = tpu.memref_squeeze %dma_start3A_22 : memref<1x16x768xf32, #tpu.memory_space<vmem>> -> memref<16x768xf32, #tpu.memory_space<vmem>>
    %dma_start3A_24 = arith.constant 0 : i32
    %dma_start3A_25 = tpu.memref_slice %arg2[%add3A_18, %dma_start3A_24] : memref<8192x768xf32, #tpu.memory_space<hbm>> -> memref<16x768xf32, #tpu.memory_space<hbm>>
    %dma_start3A_26 = arith.constant 0 : i32
    %dma_start3A_27 = arith.constant 0 : i32
    %dma_start3A_28 = tpu.memref_slice %arg12[%dma_start3A_19, %dma_start3A_26, %dma_start3A_27] : memref<8x16x768xf32, #tpu.memory_space<vmem>> -> memref<1x16x768xf32, #tpu.memory_space<vmem>>
    %dma_start3A_29 = tpu.memref_squeeze %dma_start3A_28 : memref<1x16x768xf32, #tpu.memory_space<vmem>> -> memref<16x768xf32, #tpu.memory_space<vmem>>
    %dma_start3A_30 = arith.constant 0 : i32
    %dma_start3A_31 = tpu.memref_slice %arg2[%add3A_18, %dma_start3A_30] : memref<8192x768xf32, #tpu.memory_space<hbm>> -> memref<16x768xf32, #tpu.memory_space<hbm>>
    tpu.enqueue_dma source(%dma_start3A_31 : memref<16x768xf32, #tpu.memory_space<hbm>>) target(%dma_start3A_29 : memref<16x768xf32, #tpu.memory_space<vmem>>) target_semaphore(%arg13 : memref<!tpu.dma_semaphore, #tpu.memory_space<semaphore_mem>>)
    %add3A_32 = arith.constant 32 : i32
    %add3A_33 = arith.addi %mul3A_2, %add3A_32 : i32
    %dma_start3A_34 = arith.constant 2 : i32
    %dma_start3A_35 = arith.constant 0 : i32
    %dma_start3A_36 = arith.constant 0 : i32
    %dma_start3A_37 = tpu.memref_slice %arg12[%dma_start3A_34, %dma_start3A_35, %dma_start3A_36] : memref<8x16x768xf32, #tpu.memory_space<vmem>> -> memref<1x16x768xf32, #tpu.memory_space<vmem>>
    %dma_start3A_38 = tpu.memref_squeeze %dma_start3A_37 : memref<1x16x768xf32, #tpu.memory_space<vmem>> -> memref<16x768xf32, #tpu.memory_space<vmem>>
    %dma_start3A_39 = arith.constant 0 : i32
    %dma_start3A_40 = tpu.memref_slice %arg2[%add3A_33, %dma_start3A_39] : memref<8192x768xf32, #tpu.memory_space<hbm>> -> memref<16x768xf32, #tpu.memory_space<hbm>>
    %dma_start3A_41 = arith.constant 0 : i32
    %dma_start3A_42 = arith.constant 0 : i32
    %dma_start3A_43 = tpu.memref_slice %arg12[%dma_start3A_34, %dma_start3A_41, %dma_start3A_42] : memref<8x16x768xf32, #tpu.memory_space<vmem>> -> memref<1x16x768xf32, #tpu.memory_space<vmem>>
    %dma_start3A_44 = tpu.memref_squeeze %dma_start3A_43 : memref<1x16x768xf32, #tpu.memory_space<vmem>> -> memref<16x768xf32, #tpu.memory_space<vmem>>
    %dma_start3A_45 = arith.constant 0 : i32
    %dma_start3A_46 = tpu.memref_slice %arg2[%add3A_33, %dma_start3A_45] : memref<8192x768xf32, #tpu.memory_space<hbm>> -> memref<16x768xf32, #tpu.memory_space<hbm>>
    tpu.enqueue_dma source(%dma_start3A_46 : memref<16x768xf32, #tpu.memory_space<hbm>>) target(%dma_start3A_44 : memref<16x768xf32, #tpu.memory_space<vmem>>) target_semaphore(%arg13 : memref<!tpu.dma_semaphore, #tpu.memory_space<semaphore_mem>>)
    %add3A_47 = arith.constant 48 : i32
    %add3A_48 = arith.addi %mul3A_2, %add3A_47 : i32
    %dma_start3A_49 = arith.constant 3 : i32
    %dma_start3A_50 = arith.constant 0 : i32
    %dma_start3A_51 = arith.constant 0 : i32
    %dma_start3A_52 = tpu.memref_slice %arg12[%dma_start3A_49, %dma_start3A_50, %dma_start3A_51] : memref<8x16x768xf32, #tpu.memory_space<vmem>> -> memref<1x16x768xf32, #tpu.memory_space<vmem>>
    %dma_start3A_53 = tpu.memref_squeeze %dma_start3A_52 : memref<1x16x768xf32, #tpu.memory_space<vmem>> -> memref<16x768xf32, #tpu.memory_space<vmem>>
    %dma_start3A_54 = arith.constant 0 : i32
    %dma_start3A_55 = tpu.memref_slice %arg2[%add3A_48, %dma_start3A_54] : memref<8192x768xf32, #tpu.memory_space<hbm>> -> memref<16x768xf32, #tpu.memory_space<hbm>>
    %dma_start3A_56 = arith.constant 0 : i32
    %dma_start3A_57 = arith.constant 0 : i32
    %dma_start3A_58 = tpu.memref_slice %arg12[%dma_start3A_49, %dma_start3A_56, %dma_start3A_57] : memref<8x16x768xf32, #tpu.memory_space<vmem>> -> memref<1x16x768xf32, #tpu.memory_space<vmem>>
    %dma_start3A_59 = tpu.memref_squeeze %dma_start3A_58 : memref<1x16x768xf32, #tpu.memory_space<vmem>> -> memref<16x768xf32, #tpu.memory_space<vmem>>
    %dma_start3A_60 = arith.constant 0 : i32
    %dma_start3A_61 = tpu.memref_slice %arg2[%add3A_48, %dma_start3A_60] : memref<8192x768xf32, #tpu.memory_space<hbm>> -> memref<16x768xf32, #tpu.memory_space<hbm>>
    tpu.enqueue_dma source(%dma_start3A_61 : memref<16x768xf32, #tpu.memory_space<hbm>>) target(%dma_start3A_59 : memref<16x768xf32, #tpu.memory_space<vmem>>) target_semaphore(%arg13 : memref<!tpu.dma_semaphore, #tpu.memory_space<semaphore_mem>>)
    %add3A_62 = arith.constant 64 : i32
    %add3A_63 = arith.addi %mul3A_2, %add3A_62 : i32
    %dma_start3A_64 = arith.constant 4 : i32
    %dma_start3A_65 = arith.constant 0 : i32
    %dma_start3A_66 = arith.constant 0 : i32
    %dma_start3A_67 = tpu.memref_slice %arg12[%dma_start3A_64, %dma_start3A_65, %dma_start3A_66] : memref<8x16x768xf32, #tpu.memory_space<vmem>> -> memref<1x16x768xf32, #tpu.memory_space<vmem>>
    %dma_start3A_68 = tpu.memref_squeeze %dma_start3A_67 : memref<1x16x768xf32, #tpu.memory_space<vmem>> -> memref<16x768xf32, #tpu.memory_space<vmem>>
    %dma_start3A_69 = arith.constant 0 : i32
    %dma_start3A_70 = tpu.memref_slice %arg2[%add3A_63, %dma_start3A_69] : memref<8192x768xf32, #tpu.memory_space<hbm>> -> memref<16x768xf32, #tpu.memory_space<hbm>>
    %dma_start3A_71 = arith.constant 0 : i32
    %dma_start3A_72 = arith.constant 0 : i32
    %dma_start3A_73 = tpu.memref_slice %arg12[%dma_start3A_64, %dma_start3A_71, %dma_start3A_72] : memref<8x16x768xf32, #tpu.memory_space<vmem>> -> memref<1x16x768xf32, #tpu.memory_space<vmem>>
    %dma_start3A_74 = tpu.memref_squeeze %dma_start3A_73 : memref<1x16x768xf32, #tpu.memory_space<vmem>> -> memref<16x768xf32, #tpu.memory_space<vmem>>
    %dma_start3A_75 = arith.constant 0 : i32
    %dma_start3A_76 = tpu.memref_slice %arg2[%add3A_63, %dma_start3A_75] : memref<8192x768xf32, #tpu.memory_space<hbm>> -> memref<16x768xf32, #tpu.memory_space<hbm>>
    tpu.enqueue_dma source(%dma_start3A_76 : memref<16x768xf32, #tpu.memory_space<hbm>>) target(%dma_start3A_74 : memref<16x768xf32, #tpu.memory_space<vmem>>) target_semaphore(%arg13 : memref<!tpu.dma_semaphore, #tpu.memory_space<semaphore_mem>>)
    %add3A_77 = arith.constant 80 : i32
    %add3A_78 = arith.addi %mul3A_2, %add3A_77 : i32
    %dma_start3A_79 = arith.constant 5 : i32
    %dma_start3A_80 = arith.constant 0 : i32
    %dma_start3A_81 = arith.constant 0 : i32
    %dma_start3A_82 = tpu.memref_slice %arg12[%dma_start3A_79, %dma_start3A_80, %dma_start3A_81] : memref<8x16x768xf32, #tpu.memory_space<vmem>> -> memref<1x16x768xf32, #tpu.memory_space<vmem>>
    %dma_start3A_83 = tpu.memref_squeeze %dma_start3A_82 : memref<1x16x768xf32, #tpu.memory_space<vmem>> -> memref<16x768xf32, #tpu.memory_space<vmem>>
    %dma_start3A_84 = arith.constant 0 : i32
    %dma_start3A_85 = tpu.memref_slice %arg2[%add3A_78, %dma_start3A_84] : memref<8192x768xf32, #tpu.memory_space<hbm>> -> memref<16x768xf32, #tpu.memory_space<hbm>>
    %dma_start3A_86 = arith.constant 0 : i32
    %dma_start3A_87 = arith.constant 0 : i32
    %dma_start3A_88 = tpu.memref_slice %arg12[%dma_start3A_79, %dma_start3A_86, %dma_start3A_87] : memref<8x16x768xf32, #tpu.memory_space<vmem>> -> memref<1x16x768xf32, #tpu.memory_space<vmem>>
    %dma_start3A_89 = tpu.memref_squeeze %dma_start3A_88 : memref<1x16x768xf32, #tpu.memory_space<vmem>> -> memref<16x768xf32, #tpu.memory_space<vmem>>
    %dma_start3A_90 = arith.constant 0 : i32
    %dma_start3A_91 = tpu.memref_slice %arg2[%add3A_78, %dma_start3A_90] : memref<8192x768xf32, #tpu.memory_space<hbm>> -> memref<16x768xf32, #tpu.memory_space<hbm>>
    tpu.enqueue_dma source(%dma_start3A_91 : memref<16x768xf32, #tpu.memory_space<hbm>>) target(%dma_start3A_89 : memref<16x768xf32, #tpu.memory_space<vmem>>) target_semaphore(%arg13 : memref<!tpu.dma_semaphore, #tpu.memory_space<semaphore_mem>>)
    %add3A_92 = arith.constant 96 : i32
    %add3A_93 = arith.addi %mul3A_2, %add3A_92 : i32
    %dma_start3A_94 = arith.constant 6 : i32
    %dma_start3A_95 = arith.constant 0 : i32
    %dma_start3A_96 = arith.constant 0 : i32
    %dma_start3A_97 = tpu.memref_slice %arg12[%dma_start3A_94, %dma_start3A_95, %dma_start3A_96] : memref<8x16x768xf32, #tpu.memory_space<vmem>> -> memref<1x16x768xf32, #tpu.memory_space<vmem>>
    %dma_start3A_98 = tpu.memref_squeeze %dma_start3A_97 : memref<1x16x768xf32, #tpu.memory_space<vmem>> -> memref<16x768xf32, #tpu.memory_space<vmem>>
    %dma_start3A_99 = arith.constant 0 : i32
    %dma_start3A_100 = tpu.memref_slice %arg2[%add3A_93, %dma_start3A_99] : memref<8192x768xf32, #tpu.memory_space<hbm>> -> memref<16x768xf32, #tpu.memory_space<hbm>>
    %dma_start3A_101 = arith.constant 0 : i32
    %dma_start3A_102 = arith.constant 0 : i32
    %dma_start3A_103 = tpu.memref_slice %arg12[%dma_start3A_94, %dma_start3A_101, %dma_start3A_102] : memref<8x16x768xf32, #tpu.memory_space<vmem>> -> memref<1x16x768xf32, #tpu.memory_space<vmem>>
    %dma_start3A_104 = tpu.memref_squeeze %dma_start3A_103 : memref<1x16x768xf32, #tpu.memory_space<vmem>> -> memref<16x768xf32, #tpu.memory_space<vmem>>
    %dma_start3A_105 = arith.constant 0 : i32
    %dma_start3A_106 = tpu.memref_slice %arg2[%add3A_93, %dma_start3A_105] : memref<8192x768xf32, #tpu.memory_space<hbm>> -> memref<16x768xf32, #tpu.memory_space<hbm>>
    tpu.enqueue_dma source(%dma_start3A_106 : memref<16x768xf32, #tpu.memory_space<hbm>>) target(%dma_start3A_104 : memref<16x768xf32, #tpu.memory_space<vmem>>) target_semaphore(%arg13 : memref<!tpu.dma_semaphore, #tpu.memory_space<semaphore_mem>>)
    "tpu.region"() ({
      %run_scoped3A = tpu.sem_alloc : memref<!tpu.dma_semaphore, #tpu.memory_space<semaphore_mem>>
      %dma_start3A_992 = tpu.memref_slice %arg3[%mul3A_2] : memref<8192xi32, #tpu.memory_space<hbm>> -> memref<256xi32, #tpu.memory_space<hbm>>
      %dma_start3A_993 = tpu.memref_slice %arg3[%mul3A_2] : memref<8192xi32, #tpu.memory_space<hbm>> -> memref<256xi32, #tpu.memory_space<hbm>>
      tpu.enqueue_dma source(%dma_start3A_993 : memref<256xi32, #tpu.memory_space<hbm>>) target(%arg8 : memref<256xi32, #tpu.memory_space<vmem>>) target_semaphore(%run_scoped3A : memref<!tpu.dma_semaphore, #tpu.memory_space<semaphore_mem>>)
      %dma_wait3A_994 = tpu.memref_slice %arg3[%mul3A_2] : memref<8192xi32, #tpu.memory_space<hbm>> -> memref<256xi32, #tpu.memory_space<hbm>>
      %dma_wait3A_995 = tpu.memref_slice %arg3[%mul3A_2] : memref<8192xi32, #tpu.memory_space<hbm>> -> memref<256xi32, #tpu.memory_space<hbm>>
      tpu.wait_dma2 semaphore(%run_scoped3A : memref<!tpu.dma_semaphore, #tpu.memory_space<semaphore_mem>>) src(%dma_wait3A_995 : memref<256xi32, #tpu.memory_space<hbm>>) dst(%arg8 : memref<256xi32, #tpu.memory_space<vmem>>)
      tpu.yield
    }) : () -> ()
    "tpu.region"() ({
      %run_scoped3A = tpu.sem_alloc : memref<!tpu.dma_semaphore, #tpu.memory_space<semaphore_mem>>
      %dma_start3A_992 = tpu.memref_slice %arg4[%mul3A_2] : memref<8192xi32, #tpu.memory_space<hbm>> -> memref<256xi32, #tpu.memory_space<hbm>>
      %dma_start3A_993 = tpu.memref_slice %arg4[%mul3A_2] : memref<8192xi32, #tpu.memory_space<hbm>> -> memref<256xi32, #tpu.memory_space<hbm>>
      tpu.enqueue_dma source(%dma_start3A_993 : memref<256xi32, #tpu.memory_space<hbm>>) target(%arg9 : memref<256xi32, #tpu.memory_space<vmem>>) target_semaphore(%run_scoped3A : memref<!tpu.dma_semaphore, #tpu.memory_space<semaphore_mem>>)
      %dma_wait3A_994 = tpu.memref_slice %arg4[%mul3A_2] : memref<8192xi32, #tpu.memory_space<hbm>> -> memref<256xi32, #tpu.memory_space<hbm>>
      %dma_wait3A_995 = tpu.memref_slice %arg4[%mul3A_2] : memref<8192xi32, #tpu.memory_space<hbm>> -> memref<256xi32, #tpu.memory_space<hbm>>
      tpu.wait_dma2 semaphore(%run_scoped3A : memref<!tpu.dma_semaphore, #tpu.memory_space<semaphore_mem>>) src(%dma_wait3A_995 : memref<256xi32, #tpu.memory_space<hbm>>) dst(%arg9 : memref<256xi32, #tpu.memory_space<vmem>>)
      tpu.yield
    }) : () -> ()
    "tpu.region"() ({
      %run_scoped3A = tpu.sem_alloc : memref<!tpu.dma_semaphore, #tpu.memory_space<semaphore_mem>>
      tpu.enqueue_dma source(%arg5 : memref<16xi32, #tpu.memory_space<hbm>>) target(%arg10 : memref<16xi32, #tpu.memory_space<vmem>>) target_semaphore(%run_scoped3A : memref<!tpu.dma_semaphore, #tpu.memory_space<semaphore_mem>>)
      tpu.wait_dma2 semaphore(%run_scoped3A : memref<!tpu.dma_semaphore, #tpu.memory_space<semaphore_mem>>) src(%arg5 : memref<16xi32, #tpu.memory_space<hbm>>) dst(%arg10 : memref<16xi32, #tpu.memory_space<vmem>>)
      tpu.yield
    }) : () -> ()
    %get3A = arith.constant 0 : index
    %get3A_107 = tpu.vector_load %arg8[%get3A] {strides = array<i32>} : memref<256xi32, #tpu.memory_space<vmem>>, vector<16xi32>,
    %gather3A = tpu.vector_load_idx %arg10[%get3A_107] : memref<16xi32, #tpu.memory_space<vmem>>[vector<16xi32>], vector<16xi32>,
    %get3A_108 = arith.constant 0 : index
    %get3A_109 = tpu.vector_load %arg9[%get3A_108] {strides = array<i32>} : memref<256xi32, #tpu.memory_space<vmem>>, vector<16xi32>,
    %add3A_110 = arith.addi %gather3A, %get3A_109 : vector<16xi32>
    %swap3A = arith.constant 0 : i32
    %swap3A_111 = arith.index_cast %swap3A : i32 to index
    %swap3A_112 = arith.constant 0 : index
    %swap3A_113 = tpu.vector_load %arg11[%swap3A_111, %swap3A_112] {strides = array<i32>} : memref<16x16xi32, #tpu.memory_space<vmem>>, vector<16xi32>,
    tpu.vector_store %arg11[%swap3A_111, %swap3A_112], %add3A_110 {strides = array<i32>} : memref<16x16xi32, #tpu.memory_space<vmem>>, vector<16xi32>,
    %get3A_114 = arith.constant 16 : index
    %get3A_115 = tpu.vector_load %arg8[%get3A_114] {strides = array<i32>} : memref<256xi32, #tpu.memory_space<vmem>>, vector<16xi32>,
    %gather3A_116 = tpu.vector_load_idx %arg10[%get3A_115] : memref<16xi32, #tpu.memory_space<vmem>>[vector<16xi32>], vector<16xi32>,
    %get3A_117 = arith.constant 16 : index
    %get3A_118 = tpu.vector_load %arg9[%get3A_117] {strides = array<i32>} : memref<256xi32, #tpu.memory_space<vmem>>, vector<16xi32>,
    %add3A_119 = arith.addi %gather3A_116, %get3A_118 : vector<16xi32>
    %swap3A_120 = arith.constant 1 : i32
    %swap3A_121 = arith.index_cast %swap3A_120 : i32 to index
    %swap3A_122 = arith.constant 0 : index
    %swap3A_123 = tpu.vector_load %arg11[%swap3A_121, %swap3A_122] {strides = array<i32>} : memref<16x16xi32, #tpu.memory_space<vmem>>, vector<16xi32>,
    tpu.vector_store %arg11[%swap3A_121, %swap3A_122], %add3A_119 {strides = array<i32>} : memref<16x16xi32, #tpu.memory_space<vmem>>, vector<16xi32>,
    %get3A_124 = arith.constant 32 : index
    %get3A_125 = tpu.vector_load %arg8[%get3A_124] {strides = array<i32>} : memref<256xi32, #tpu.memory_space<vmem>>, vector<16xi32>,
    %gather3A_126 = tpu.vector_load_idx %arg10[%get3A_125] : memref<16xi32, #tpu.memory_space<vmem>>[vector<16xi32>], vector<16xi32>,
    %get3A_127 = arith.constant 32 : index
    %get3A_128 = tpu.vector_load %arg9[%get3A_127] {strides = array<i32>} : memref<256xi32, #tpu.memory_space<vmem>>, vector<16xi32>,
    %add3A_129 = arith.addi %gather3A_126, %get3A_128 : vector<16xi32>
    %swap3A_130 = arith.constant 2 : i32
    %swap3A_131 = arith.index_cast %swap3A_130 : i32 to index
    %swap3A_132 = arith.constant 0 : index
    %swap3A_133 = tpu.vector_load %arg11[%swap3A_131, %swap3A_132] {strides = array<i32>} : memref<16x16xi32, #tpu.memory_space<vmem>>, vector<16xi32>,
    tpu.vector_store %arg11[%swap3A_131, %swap3A_132], %add3A_129 {strides = array<i32>} : memref<16x16xi32, #tpu.memory_space<vmem>>, vector<16xi32>,
    %get3A_134 = arith.constant 48 : index
    %get3A_135 = tpu.vector_load %arg8[%get3A_134] {strides = array<i32>} : memref<256xi32, #tpu.memory_space<vmem>>, vector<16xi32>,
    %gather3A_136 = tpu.vector_load_idx %arg10[%get3A_135] : memref<16xi32, #tpu.memory_space<vmem>>[vector<16xi32>], vector<16xi32>,
    %get3A_137 = arith.constant 48 : index
    %get3A_138 = tpu.vector_load %arg9[%get3A_137] {strides = array<i32>} : memref<256xi32, #tpu.memory_space<vmem>>, vector<16xi32>,
    %add3A_139 = arith.addi %gather3A_136, %get3A_138 : vector<16xi32>
    %swap3A_140 = arith.constant 3 : i32
    %swap3A_141 = arith.index_cast %swap3A_140 : i32 to index
    %swap3A_142 = arith.constant 0 : index
    %swap3A_143 = tpu.vector_load %arg11[%swap3A_141, %swap3A_142] {strides = array<i32>} : memref<16x16xi32, #tpu.memory_space<vmem>>, vector<16xi32>,
    tpu.vector_store %arg11[%swap3A_141, %swap3A_142], %add3A_139 {strides = array<i32>} : memref<16x16xi32, #tpu.memory_space<vmem>>, vector<16xi32>,
    %get3A_144 = arith.constant 64 : index
    %get3A_145 = tpu.vector_load %arg8[%get3A_144] {strides = array<i32>} : memref<256xi32, #tpu.memory_space<vmem>>, vector<16xi32>,
    %gather3A_146 = tpu.vector_load_idx %arg10[%get3A_145] : memref<16xi32, #tpu.memory_space<vmem>>[vector<16xi32>], vector<16xi32>,
    %get3A_147 = arith.constant 64 : index
    %get3A_148 = tpu.vector_load %arg9[%get3A_147] {strides = array<i32>} : memref<256xi32, #tpu.memory_space<vmem>>, vector<16xi32>,
    %add3A_149 = arith.addi %gather3A_146, %get3A_148 : vector<16xi32>
    %swap3A_150 = arith.constant 4 : i32
    %swap3A_151 = arith.index_cast %swap3A_150 : i32 to index
    %swap3A_152 = arith.constant 0 : index
    %swap3A_153 = tpu.vector_load %arg11[%swap3A_151, %swap3A_152] {strides = array<i32>} : memref<16x16xi32, #tpu.memory_space<vmem>>, vector<16xi32>,
    tpu.vector_store %arg11[%swap3A_151, %swap3A_152], %add3A_149 {strides = array<i32>} : memref<16x16xi32, #tpu.memory_space<vmem>>, vector<16xi32>,
    %get3A_154 = arith.constant 80 : index
    %get3A_155 = tpu.vector_load %arg8[%get3A_154] {strides = array<i32>} : memref<256xi32, #tpu.memory_space<vmem>>, vector<16xi32>,
    %gather3A_156 = tpu.vector_load_idx %arg10[%get3A_155] : memref<16xi32, #tpu.memory_space<vmem>>[vector<16xi32>], vector<16xi32>,
    %get3A_157 = arith.constant 80 : index
    %get3A_158 = tpu.vector_load %arg9[%get3A_157] {strides = array<i32>} : memref<256xi32, #tpu.memory_space<vmem>>, vector<16xi32>,
    %add3A_159 = arith.addi %gather3A_156, %get3A_158 : vector<16xi32>
    %swap3A_160 = arith.constant 5 : i32
    %swap3A_161 = arith.index_cast %swap3A_160 : i32 to index
    %swap3A_162 = arith.constant 0 : index
    %swap3A_163 = tpu.vector_load %arg11[%swap3A_161, %swap3A_162] {strides = array<i32>} : memref<16x16xi32, #tpu.memory_space<vmem>>, vector<16xi32>,
    tpu.vector_store %arg11[%swap3A_161, %swap3A_162], %add3A_159 {strides = array<i32>} : memref<16x16xi32, #tpu.memory_space<vmem>>, vector<16xi32>,
    %get3A_164 = arith.constant 96 : index
    %get3A_165 = tpu.vector_load %arg8[%get3A_164] {strides = array<i32>} : memref<256xi32, #tpu.memory_space<vmem>>, vector<16xi32>,
    %gather3A_166 = tpu.vector_load_idx %arg10[%get3A_165] : memref<16xi32, #tpu.memory_space<vmem>>[vector<16xi32>], vector<16xi32>,
    %get3A_167 = arith.constant 96 : index
    %get3A_168 = tpu.vector_load %arg9[%get3A_167] {strides = array<i32>} : memref<256xi32, #tpu.memory_space<vmem>>, vector<16xi32>,
    %add3A_169 = arith.addi %gather3A_166, %get3A_168 : vector<16xi32>
    %swap3A_170 = arith.constant 6 : i32
    %swap3A_171 = arith.index_cast %swap3A_170 : i32 to index
    %swap3A_172 = arith.constant 0 : index
    %swap3A_173 = tpu.vector_load %arg11[%swap3A_171, %swap3A_172] {strides = array<i32>} : memref<16x16xi32, #tpu.memory_space<vmem>>, vector<16xi32>,
    tpu.vector_store %arg11[%swap3A_171, %swap3A_172], %add3A_169 {strides = array<i32>} : memref<16x16xi32, #tpu.memory_space<vmem>>, vector<16xi32>,
    %get3A_174 = arith.constant 112 : index
    %get3A_175 = tpu.vector_load %arg8[%get3A_174] {strides = array<i32>} : memref<256xi32, #tpu.memory_space<vmem>>, vector<16xi32>,
    %gather3A_176 = tpu.vector_load_idx %arg10[%get3A_175] : memref<16xi32, #tpu.memory_space<vmem>>[vector<16xi32>], vector<16xi32>,
    %get3A_177 = arith.constant 112 : index
    %get3A_178 = tpu.vector_load %arg9[%get3A_177] {strides = array<i32>} : memref<256xi32, #tpu.memory_space<vmem>>, vector<16xi32>,
    %add3A_179 = arith.addi %gather3A_176, %get3A_178 : vector<16xi32>
    %swap3A_180 = arith.constant 7 : i32
    %swap3A_181 = arith.index_cast %swap3A_180 : i32 to index
    %swap3A_182 = arith.constant 0 : index
    %swap3A_183 = tpu.vector_load %arg11[%swap3A_181, %swap3A_182] {strides = array<i32>} : memref<16x16xi32, #tpu.memory_space<vmem>>, vector<16xi32>,
    tpu.vector_store %arg11[%swap3A_181, %swap3A_182], %add3A_179 {strides = array<i32>} : memref<16x16xi32, #tpu.memory_space<vmem>>, vector<16xi32>,
    %get3A_184 = arith.constant 128 : index
    %get3A_185 = tpu.vector_load %arg8[%get3A_184] {strides = array<i32>} : memref<256xi32, #tpu.memory_space<vmem>>, vector<16xi32>,
    %gather3A_186 = tpu.vector_load_idx %arg10[%get3A_185] : memref<16xi32, #tpu.memory_space<vmem>>[vector<16xi32>], vector<16xi32>,
    %get3A_187 = arith.constant 128 : index
    %get3A_188 = tpu.vector_load %arg9[%get3A_187] {strides = array<i32>} : memref<256xi32, #tpu.memory_space<vmem>>, vector<16xi32>,
    %add3A_189 = arith.addi %gather3A_186, %get3A_188 : vector<16xi32>
    %swap3A_190 = arith.constant 8 : i32
    %swap3A_191 = arith.index_cast %swap3A_190 : i32 to index
    %swap3A_192 = arith.constant 0 : index
    %swap3A_193 = tpu.vector_load %arg11[%swap3A_191, %swap3A_192] {strides = array<i32>} : memref<16x16xi32, #tpu.memory_space<vmem>>, vector<16xi32>,
    tpu.vector_store %arg11[%swap3A_191, %swap3A_192], %add3A_189 {strides = array<i32>} : memref<16x16xi32, #tpu.memory_space<vmem>>, vector<16xi32>,
    %get3A_194 = arith.constant 144 : index
    %get3A_195 = tpu.vector_load %arg8[%get3A_194] {strides = array<i32>} : memref<256xi32, #tpu.memory_space<vmem>>, vector<16xi32>,
    %gather3A_196 = tpu.vector_load_idx %arg10[%get3A_195] : memref<16xi32, #tpu.memory_space<vmem>>[vector<16xi32>], vector<16xi32>,
    %get3A_197 = arith.constant 144 : index
    %get3A_198 = tpu.vector_load %arg9[%get3A_197] {strides = array<i32>} : memref<256xi32, #tpu.memory_space<vmem>>, vector<16xi32>,
    %add3A_199 = arith.addi %gather3A_196, %get3A_198 : vector<16xi32>
    %swap3A_200 = arith.constant 9 : i32
    %swap3A_201 = arith.index_cast %swap3A_200 : i32 to index
    %swap3A_202 = arith.constant 0 : index
    %swap3A_203 = tpu.vector_load %arg11[%swap3A_201, %swap3A_202] {strides = array<i32>} : memref<16x16xi32, #tpu.memory_space<vmem>>, vector<16xi32>,
    tpu.vector_store %arg11[%swap3A_201, %swap3A_202], %add3A_199 {strides = array<i32>} : memref<16x16xi32, #tpu.memory_space<vmem>>, vector<16xi32>,
    %get3A_204 = arith.constant 160 : index
    %get3A_205 = tpu.vector_load %arg8[%get3A_204] {strides = array<i32>} : memref<256xi32, #tpu.memory_space<vmem>>, vector<16xi32>,
    %gather3A_206 = tpu.vector_load_idx %arg10[%get3A_205] : memref<16xi32, #tpu.memory_space<vmem>>[vector<16xi32>], vector<16xi32>,
    %get3A_207 = arith.constant 160 : index
    %get3A_208 = tpu.vector_load %arg9[%get3A_207] {strides = array<i32>} : memref<256xi32, #tpu.memory_space<vmem>>, vector<16xi32>,
    %add3A_209 = arith.addi %gather3A_206, %get3A_208 : vector<16xi32>
    %swap3A_210 = arith.constant 10 : i32
    %swap3A_211 = arith.index_cast %swap3A_210 : i32 to index
    %swap3A_212 = arith.constant 0 : index
    %swap3A_213 = tpu.vector_load %arg11[%swap3A_211, %swap3A_212] {strides = array<i32>} : memref<16x16xi32, #tpu.memory_space<vmem>>, vector<16xi32>,
    tpu.vector_store %arg11[%swap3A_211, %swap3A_212], %add3A_209 {strides = array<i32>} : memref<16x16xi32, #tpu.memory_space<vmem>>, vector<16xi32>,
    %get3A_214 = arith.constant 176 : index
    %get3A_215 = tpu.vector_load %arg8[%get3A_214] {strides = array<i32>} : memref<256xi32, #tpu.memory_space<vmem>>, vector<16xi32>,
    %gather3A_216 = tpu.vector_load_idx %arg10[%get3A_215] : memref<16xi32, #tpu.memory_space<vmem>>[vector<16xi32>], vector<16xi32>,
    %get3A_217 = arith.constant 176 : index
    %get3A_218 = tpu.vector_load %arg9[%get3A_217] {strides = array<i32>} : memref<256xi32, #tpu.memory_space<vmem>>, vector<16xi32>,
    %add3A_219 = arith.addi %gather3A_216, %get3A_218 : vector<16xi32>
    %swap3A_220 = arith.constant 11 : i32
    %swap3A_221 = arith.index_cast %swap3A_220 : i32 to index
    %swap3A_222 = arith.constant 0 : index
    %swap3A_223 = tpu.vector_load %arg11[%swap3A_221, %swap3A_222] {strides = array<i32>} : memref<16x16xi32, #tpu.memory_space<vmem>>, vector<16xi32>,
    tpu.vector_store %arg11[%swap3A_221, %swap3A_222], %add3A_219 {strides = array<i32>} : memref<16x16xi32, #tpu.memory_space<vmem>>, vector<16xi32>,
    %get3A_224 = arith.constant 192 : index
    %get3A_225 = tpu.vector_load %arg8[%get3A_224] {strides = array<i32>} : memref<256xi32, #tpu.memory_space<vmem>>, vector<16xi32>,
    %gather3A_226 = tpu.vector_load_idx %arg10[%get3A_225] : memref<16xi32, #tpu.memory_space<vmem>>[vector<16xi32>], vector<16xi32>,
    %get3A_227 = arith.constant 192 : index
    %get3A_228 = tpu.vector_load %arg9[%get3A_227] {strides = array<i32>} : memref<256xi32, #tpu.memory_space<vmem>>, vector<16xi32>,
    %add3A_229 = arith.addi %gather3A_226, %get3A_228 : vector<16xi32>
    %swap3A_230 = arith.constant 12 : i32
    %swap3A_231 = arith.index_cast %swap3A_230 : i32 to index
    %swap3A_232 = arith.constant 0 : index
    %swap3A_233 = tpu.vector_load %arg11[%swap3A_231, %swap3A_232] {strides = array<i32>} : memref<16x16xi32, #tpu.memory_space<vmem>>, vector<16xi32>,
    tpu.vector_store %arg11[%swap3A_231, %swap3A_232], %add3A_229 {strides = array<i32>} : memref<16x16xi32, #tpu.memory_space<vmem>>, vector<16xi32>,
    %get3A_234 = arith.constant 208 : index
    %get3A_235 = tpu.vector_load %arg8[%get3A_234] {strides = array<i32>} : memref<256xi32, #tpu.memory_space<vmem>>, vector<16xi32>,
    %gather3A_236 = tpu.vector_load_idx %arg10[%get3A_235] : memref<16xi32, #tpu.memory_space<vmem>>[vector<16xi32>], vector<16xi32>,
    %get3A_237 = arith.constant 208 : index
    %get3A_238 = tpu.vector_load %arg9[%get3A_237] {strides = array<i32>} : memref<256xi32, #tpu.memory_space<vmem>>, vector<16xi32>,
    %add3A_239 = arith.addi %gather3A_236, %get3A_238 : vector<16xi32>
    %swap3A_240 = arith.constant 13 : i32
    %swap3A_241 = arith.index_cast %swap3A_240 : i32 to index
    %swap3A_242 = arith.constant 0 : index
    %swap3A_243 = tpu.vector_load %arg11[%swap3A_241, %swap3A_242] {strides = array<i32>} : memref<16x16xi32, #tpu.memory_space<vmem>>, vector<16xi32>,
    tpu.vector_store %arg11[%swap3A_241, %swap3A_242], %add3A_239 {strides = array<i32>} : memref<16x16xi32, #tpu.memory_space<vmem>>, vector<16xi32>,
    %get3A_244 = arith.constant 224 : index
    %get3A_245 = tpu.vector_load %arg8[%get3A_244] {strides = array<i32>} : memref<256xi32, #tpu.memory_space<vmem>>, vector<16xi32>,
    %gather3A_246 = tpu.vector_load_idx %arg10[%get3A_245] : memref<16xi32, #tpu.memory_space<vmem>>[vector<16xi32>], vector<16xi32>,
    %get3A_247 = arith.constant 224 : index
    %get3A_248 = tpu.vector_load %arg9[%get3A_247] {strides = array<i32>} : memref<256xi32, #tpu.memory_space<vmem>>, vector<16xi32>,
    %add3A_249 = arith.addi %gather3A_246, %get3A_248 : vector<16xi32>
    %swap3A_250 = arith.constant 14 : i32
    %swap3A_251 = arith.index_cast %swap3A_250 : i32 to index
    %swap3A_252 = arith.constant 0 : index
    %swap3A_253 = tpu.vector_load %arg11[%swap3A_251, %swap3A_252] {strides = array<i32>} : memref<16x16xi32, #tpu.memory_space<vmem>>, vector<16xi32>,
    tpu.vector_store %arg11[%swap3A_251, %swap3A_252], %add3A_249 {strides = array<i32>} : memref<16x16xi32, #tpu.memory_space<vmem>>, vector<16xi32>,
    %get3A_254 = arith.constant 240 : index
    %get3A_255 = tpu.vector_load %arg8[%get3A_254] {strides = array<i32>} : memref<256xi32, #tpu.memory_space<vmem>>, vector<16xi32>,
    %gather3A_256 = tpu.vector_load_idx %arg10[%get3A_255] : memref<16xi32, #tpu.memory_space<vmem>>[vector<16xi32>], vector<16xi32>,
    %get3A_257 = arith.constant 240 : index
    %get3A_258 = tpu.vector_load %arg9[%get3A_257] {strides = array<i32>} : memref<256xi32, #tpu.memory_space<vmem>>, vector<16xi32>,
    %add3A_259 = arith.addi %gather3A_256, %get3A_258 : vector<16xi32>
    %swap3A_260 = arith.constant 15 : i32
    %swap3A_261 = arith.index_cast %swap3A_260 : i32 to index
    %swap3A_262 = arith.constant 0 : index
    %swap3A_263 = tpu.vector_load %arg11[%swap3A_261, %swap3A_262] {strides = array<i32>} : memref<16x16xi32, #tpu.memory_space<vmem>>, vector<16xi32>,
    tpu.vector_store %arg11[%swap3A_261, %swap3A_262], %add3A_259 {strides = array<i32>} : memref<16x16xi32, #tpu.memory_space<vmem>>, vector<16xi32>,
    %mul3A_264 = arith.constant 16 : i32
    %mul3A_265 = arith.muli %add3A, %mul3A_264 : i32
    "tpu.region"() ({
      %run_scoped3A = tpu.sem_alloc : memref<!tpu.dma_semaphore, #tpu.memory_space<semaphore_mem>>
      %dma_start3A_992 = arith.constant 0 : i32
      %dma_start3A_993 = tpu.memref_slice %arg7[%mul3A_265, %dma_start3A_992] : memref<512x16xi32, #tpu.memory_space<hbm>> -> memref<16x16xi32, #tpu.memory_space<hbm>>
      %dma_start3A_994 = arith.constant 0 : i32
      %dma_start3A_995 = tpu.memref_slice %arg7[%mul3A_265, %dma_start3A_994] : memref<512x16xi32, #tpu.memory_space<hbm>> -> memref<16x16xi32, #tpu.memory_space<hbm>>
      tpu.enqueue_dma source(%arg11 : memref<16x16xi32, #tpu.memory_space<vmem>>) target(%dma_start3A_995 : memref<16x16xi32, #tpu.memory_space<hbm>>) target_semaphore(%run_scoped3A : memref<!tpu.dma_semaphore, #tpu.memory_space<semaphore_mem>>)
      %dma_wait3A_996 = arith.constant 0 : i32
      %dma_wait3A_997 = tpu.memref_slice %arg7[%mul3A_265, %dma_wait3A_996] : memref<512x16xi32, #tpu.memory_space<hbm>> -> memref<16x16xi32, #tpu.memory_space<hbm>>
      %dma_wait3A_998 = arith.constant 0 : i32
      %dma_wait3A_999 = tpu.memref_slice %arg7[%mul3A_265, %dma_wait3A_998] : memref<512x16xi32, #tpu.memory_space<hbm>> -> memref<16x16xi32, #tpu.memory_space<hbm>>
      tpu.wait_dma2 semaphore(%run_scoped3A : memref<!tpu.dma_semaphore, #tpu.memory_space<semaphore_mem>>) src(%arg11 : memref<16x16xi32, #tpu.memory_space<vmem>>) dst(%dma_wait3A_999 : memref<16x16xi32, #tpu.memory_space<hbm>>)
      tpu.yield
    }) : () -> ()
    %add3A_266 = arith.constant 112 : i32
    %add3A_267 = arith.addi %mul3A_2, %add3A_266 : i32
    %dma_start3A_268 = arith.constant 7 : i32
    %dma_start3A_269 = arith.constant 0 : i32
    %dma_start3A_270 = arith.constant 0 : i32
    %dma_start3A_271 = tpu.memref_slice %arg12[%dma_start3A_268, %dma_start3A_269, %dma_start3A_270] : memref<8x16x768xf32, #tpu.memory_space<vmem>> -> memref<1x16x768xf32, #tpu.memory_space<vmem>>
    %dma_start3A_272 = tpu.memref_squeeze %dma_start3A_271 : memref<1x16x768xf32, #tpu.memory_space<vmem>> -> memref<16x768xf32, #tpu.memory_space<vmem>>
    %dma_start3A_273 = arith.constant 0 : i32
    %dma_start3A_274 = tpu.memref_slice %arg2[%add3A_267, %dma_start3A_273] : memref<8192x768xf32, #tpu.memory_space<hbm>> -> memref<16x768xf32, #tpu.memory_space<hbm>>
    %dma_start3A_275 = arith.constant 0 : i32
    %dma_start3A_276 = arith.constant 0 : i32
    %dma_start3A_277 = tpu.memref_slice %arg12[%dma_start3A_268, %dma_start3A_275, %dma_start3A_276] : memref<8x16x768xf32, #tpu.memory_space<vmem>> -> memref<1x16x768xf32, #tpu.memory_space<vmem>>
    %dma_start3A_278 = tpu.memref_squeeze %dma_start3A_277 : memref<1x16x768xf32, #tpu.memory_space<vmem>> -> memref<16x768xf32, #tpu.memory_space<vmem>>
    %dma_start3A_279 = arith.constant 0 : i32
    %dma_start3A_280 = tpu.memref_slice %arg2[%add3A_267, %dma_start3A_279] : memref<8192x768xf32, #tpu.memory_space<hbm>> -> memref<16x768xf32, #tpu.memory_space<hbm>>
    tpu.enqueue_dma source(%dma_start3A_280 : memref<16x768xf32, #tpu.memory_space<hbm>>) target(%dma_start3A_278 : memref<16x768xf32, #tpu.memory_space<vmem>>) target_semaphore(%arg13 : memref<!tpu.dma_semaphore, #tpu.memory_space<semaphore_mem>>)
    %dma_wait3A = arith.constant 0 : i32
    %dma_wait3A_281 = arith.constant 0 : i32
    %dma_wait3A_282 = arith.constant 0 : i32
    %dma_wait3A_283 = tpu.memref_slice %arg12[%dma_wait3A, %dma_wait3A_281, %dma_wait3A_282] : memref<8x16x768xf32, #tpu.memory_space<vmem>> -> memref<1x16x768xf32, #tpu.memory_space<vmem>>
    %dma_wait3A_284 = tpu.memref_squeeze %dma_wait3A_283 : memref<1x16x768xf32, #tpu.memory_space<vmem>> -> memref<16x768xf32, #tpu.memory_space<vmem>>
    %dma_wait3A_285 = arith.constant 0 : i32
    %dma_wait3A_286 = tpu.memref_slice %arg2[%add3A_4, %dma_wait3A_285] : memref<8192x768xf32, #tpu.memory_space<hbm>> -> memref<16x768xf32, #tpu.memory_space<hbm>>
    %dma_wait3A_287 = arith.constant 0 : i32
    %dma_wait3A_288 = arith.constant 0 : i32
    %dma_wait3A_289 = tpu.memref_slice %arg12[%dma_wait3A, %dma_wait3A_287, %dma_wait3A_288] : memref<8x16x768xf32, #tpu.memory_space<vmem>> -> memref<1x16x768xf32, #tpu.memory_space<vmem>>
    %dma_wait3A_290 = tpu.memref_squeeze %dma_wait3A_289 : memref<1x16x768xf32, #tpu.memory_space<vmem>> -> memref<16x768xf32, #tpu.memory_space<vmem>>
    %dma_wait3A_291 = arith.constant 0 : i32
    %dma_wait3A_292 = tpu.memref_slice %arg2[%add3A_4, %dma_wait3A_291] : memref<8192x768xf32, #tpu.memory_space<hbm>> -> memref<16x768xf32, #tpu.memory_space<hbm>>
    tpu.wait_dma2 semaphore(%arg13 : memref<!tpu.dma_semaphore, #tpu.memory_space<semaphore_mem>>) src(%dma_wait3A_292 : memref<16x768xf32, #tpu.memory_space<hbm>>) dst(%dma_wait3A_290 : memref<16x768xf32, #tpu.memory_space<vmem>>)
    %dma_start3A_293 = arith.constant 0 : i32
    %dma_start3A_294 = arith.constant 0 : i32
    %dma_start3A_295 = arith.constant 0 : i32
    %dma_start3A_296 = arith.constant 0 : i32
    %dma_start3A_297 = tpu.memref_slice %arg12[%dma_start3A_293, %dma_start3A_295, %dma_start3A_296] : memref<8x16x768xf32, #tpu.memory_space<vmem>> -> memref<1x16x768xf32, #tpu.memory_space<vmem>>
    %dma_start3A_298 = tpu.memref_squeeze %dma_start3A_297 : memref<1x16x768xf32, #tpu.memory_space<vmem>> -> memref<16x768xf32, #tpu.memory_space<vmem>>
    %dma_start3A_299 = arith.constant 0 : i32
    %dma_start3A_300 = tpu.memref_slice %arg11[%dma_start3A_294, %dma_start3A_299] : memref<16x16xi32, #tpu.memory_space<vmem>> -> memref<1x16xi32, #tpu.memory_space<vmem>>
    %dma_start3A_301 = tpu.memref_squeeze %dma_start3A_300 : memref<1x16xi32, #tpu.memory_space<vmem>> -> memref<16xi32, #tpu.memory_space<vmem>>
    %dma_start3A_302 = arith.constant 0 : i32
    %dma_start3A_303 = arith.constant 0 : i32
    %dma_start3A_304 = tpu.memref_slice %arg6[%dma_start3A_302, %dma_start3A_303] : memref<12288x768xf32, #tpu.memory_space<hbm>> -> memref<12288x768xf32, #tpu.memory_space<hbm>>
    tpu.enqueue_indirect_dma source(%dma_start3A_298 : memref<16x768xf32, #tpu.memory_space<vmem>>) target(%dma_start3A_304 : memref<12288x768xf32, #tpu.memory_space<hbm>>) offsets(%dma_start3A_301 : memref<16xi32, #tpu.memory_space<vmem>>) semaphore(%arg14 : memref<!tpu.dma_semaphore, #tpu.memory_space<semaphore_mem>>)
    %dma_wait3A_305 = arith.constant 0 : i32
    %dma_wait3A_306 = arith.constant 0 : i32
    %dma_wait3A_307 = arith.constant 0 : i32
    %dma_wait3A_308 = arith.constant 0 : i32
    %dma_wait3A_309 = tpu.memref_slice %arg12[%dma_wait3A_305, %dma_wait3A_307, %dma_wait3A_308] : memref<8x16x768xf32, #tpu.memory_space<vmem>> -> memref<1x16x768xf32, #tpu.memory_space<vmem>>
    %dma_wait3A_310 = tpu.memref_squeeze %dma_wait3A_309 : memref<1x16x768xf32, #tpu.memory_space<vmem>> -> memref<16x768xf32, #tpu.memory_space<vmem>>
    %dma_wait3A_311 = arith.constant 0 : i32
    %dma_wait3A_312 = tpu.memref_slice %arg11[%dma_wait3A_306, %dma_wait3A_311] : memref<16x16xi32, #tpu.memory_space<vmem>> -> memref<1x16xi32, #tpu.memory_space<vmem>>
    %dma_wait3A_313 = tpu.memref_squeeze %dma_wait3A_312 : memref<1x16xi32, #tpu.memory_space<vmem>> -> memref<16xi32, #tpu.memory_space<vmem>>
    %dma_wait3A_314 = arith.constant 0 : i32
    %dma_wait3A_315 = arith.constant 0 : i32
    %dma_wait3A_316 = tpu.memref_slice %arg6[%dma_wait3A_314, %dma_wait3A_315] : memref<12288x768xf32, #tpu.memory_space<hbm>> -> memref<12288x768xf32, #tpu.memory_space<hbm>>
    tpu.wait_indirect_dma semaphore(%arg14 : memref<!tpu.dma_semaphore, #tpu.memory_space<semaphore_mem>>) src(%dma_wait3A_310 : memref<16x768xf32, #tpu.memory_space<vmem>>) dst(%dma_wait3A_316 : memref<12288x768xf32, #tpu.memory_space<hbm>>)
    %add3A_317 = arith.constant 128 : i32
    %add3A_318 = arith.addi %mul3A_2, %add3A_317 : i32
    %dma_start3A_319 = arith.constant 0 : i32
    %dma_start3A_320 = arith.constant 0 : i32
    %dma_start3A_321 = arith.constant 0 : i32
    %dma_start3A_322 = tpu.memref_slice %arg12[%dma_start3A_319, %dma_start3A_320, %dma_start3A_321] : memref<8x16x768xf32, #tpu.memory_space<vmem>> -> memref<1x16x768xf32, #tpu.memory_space<vmem>>
    %dma_start3A_323 = tpu.memref_squeeze %dma_start3A_322 : memref<1x16x768xf32, #tpu.memory_space<vmem>> -> memref<16x768xf32, #tpu.memory_space<vmem>>
    %dma_start3A_324 = arith.constant 0 : i32
    %dma_start3A_325 = tpu.memref_slice %arg2[%add3A_318, %dma_start3A_324] : memref<8192x768xf32, #tpu.memory_space<hbm>> -> memref<16x768xf32, #tpu.memory_space<hbm>>
    %dma_start3A_326 = arith.constant 0 : i32
    %dma_start3A_327 = arith.constant 0 : i32
    %dma_start3A_328 = tpu.memref_slice %arg12[%dma_start3A_319, %dma_start3A_326, %dma_start3A_327] : memref<8x16x768xf32, #tpu.memory_space<vmem>> -> memref<1x16x768xf32, #tpu.memory_space<vmem>>
    %dma_start3A_329 = tpu.memref_squeeze %dma_start3A_328 : memref<1x16x768xf32, #tpu.memory_space<vmem>> -> memref<16x768xf32, #tpu.memory_space<vmem>>
    %dma_start3A_330 = arith.constant 0 : i32
    %dma_start3A_331 = tpu.memref_slice %arg2[%add3A_318, %dma_start3A_330] : memref<8192x768xf32, #tpu.memory_space<hbm>> -> memref<16x768xf32, #tpu.memory_space<hbm>>
    tpu.enqueue_dma source(%dma_start3A_331 : memref<16x768xf32, #tpu.memory_space<hbm>>) target(%dma_start3A_329 : memref<16x768xf32, #tpu.memory_space<vmem>>) target_semaphore(%arg13 : memref<!tpu.dma_semaphore, #tpu.memory_space<semaphore_mem>>)
    %dma_wait3A_332 = arith.constant 1 : i32
    %dma_wait3A_333 = arith.constant 0 : i32
    %dma_wait3A_334 = arith.constant 0 : i32
    %dma_wait3A_335 = tpu.memref_slice %arg12[%dma_wait3A_332, %dma_wait3A_333, %dma_wait3A_334] : memref<8x16x768xf32, #tpu.memory_space<vmem>> -> memref<1x16x768xf32, #tpu.memory_space<vmem>>
    %dma_wait3A_336 = tpu.memref_squeeze %dma_wait3A_335 : memref<1x16x768xf32, #tpu.memory_space<vmem>> -> memref<16x768xf32, #tpu.memory_space<vmem>>
    %dma_wait3A_337 = arith.constant 0 : i32
    %dma_wait3A_338 = tpu.memref_slice %arg2[%add3A_18, %dma_wait3A_337] : memref<8192x768xf32, #tpu.memory_space<hbm>> -> memref<16x768xf32, #tpu.memory_space<hbm>>
    %dma_wait3A_339 = arith.constant 0 : i32
    %dma_wait3A_340 = arith.constant 0 : i32
    %dma_wait3A_341 = tpu.memref_slice %arg12[%dma_wait3A_332, %dma_wait3A_339, %dma_wait3A_340] : memref<8x16x768xf32, #tpu.memory_space<vmem>> -> memref<1x16x768xf32, #tpu.memory_space<vmem>>
    %dma_wait3A_342 = tpu.memref_squeeze %dma_wait3A_341 : memref<1x16x768xf32, #tpu.memory_space<vmem>> -> memref<16x768xf32, #tpu.memory_space<vmem>>
    %dma_wait3A_343 = arith.constant 0 : i32
    %dma_wait3A_344 = tpu.memref_slice %arg2[%add3A_18, %dma_wait3A_343] : memref<8192x768xf32, #tpu.memory_space<hbm>> -> memref<16x768xf32, #tpu.memory_space<hbm>>
    tpu.wait_dma2 semaphore(%arg13 : memref<!tpu.dma_semaphore, #tpu.memory_space<semaphore_mem>>) src(%dma_wait3A_344 : memref<16x768xf32, #tpu.memory_space<hbm>>) dst(%dma_wait3A_342 : memref<16x768xf32, #tpu.memory_space<vmem>>)
    %dma_start3A_345 = arith.constant 1 : i32
    %dma_start3A_346 = arith.constant 1 : i32
    %dma_start3A_347 = arith.constant 0 : i32
    %dma_start3A_348 = arith.constant 0 : i32
    %dma_start3A_349 = tpu.memref_slice %arg12[%dma_start3A_345, %dma_start3A_347, %dma_start3A_348] : memref<8x16x768xf32, #tpu.memory_space<vmem>> -> memref<1x16x768xf32, #tpu.memory_space<vmem>>
    %dma_start3A_350 = tpu.memref_squeeze %dma_start3A_349 : memref<1x16x768xf32, #tpu.memory_space<vmem>> -> memref<16x768xf32, #tpu.memory_space<vmem>>
    %dma_start3A_351 = arith.constant 0 : i32
    %dma_start3A_352 = tpu.memref_slice %arg11[%dma_start3A_346, %dma_start3A_351] : memref<16x16xi32, #tpu.memory_space<vmem>> -> memref<1x16xi32, #tpu.memory_space<vmem>>
    %dma_start3A_353 = tpu.memref_squeeze %dma_start3A_352 : memref<1x16xi32, #tpu.memory_space<vmem>> -> memref<16xi32, #tpu.memory_space<vmem>>
    %dma_start3A_354 = arith.constant 0 : i32
    %dma_start3A_355 = arith.constant 0 : i32
    %dma_start3A_356 = tpu.memref_slice %arg6[%dma_start3A_354, %dma_start3A_355] : memref<12288x768xf32, #tpu.memory_space<hbm>> -> memref<12288x768xf32, #tpu.memory_space<hbm>>
    tpu.enqueue_indirect_dma source(%dma_start3A_350 : memref<16x768xf32, #tpu.memory_space<vmem>>) target(%dma_start3A_356 : memref<12288x768xf32, #tpu.memory_space<hbm>>) offsets(%dma_start3A_353 : memref<16xi32, #tpu.memory_space<vmem>>) semaphore(%arg14 : memref<!tpu.dma_semaphore, #tpu.memory_space<semaphore_mem>>)
    %dma_wait3A_357 = arith.constant 1 : i32
    %dma_wait3A_358 = arith.constant 1 : i32
    %dma_wait3A_359 = arith.constant 0 : i32
    %dma_wait3A_360 = arith.constant 0 : i32
    %dma_wait3A_361 = tpu.memref_slice %arg12[%dma_wait3A_357, %dma_wait3A_359, %dma_wait3A_360] : memref<8x16x768xf32, #tpu.memory_space<vmem>> -> memref<1x16x768xf32, #tpu.memory_space<vmem>>
    %dma_wait3A_362 = tpu.memref_squeeze %dma_wait3A_361 : memref<1x16x768xf32, #tpu.memory_space<vmem>> -> memref<16x768xf32, #tpu.memory_space<vmem>>
    %dma_wait3A_363 = arith.constant 0 : i32
    %dma_wait3A_364 = tpu.memref_slice %arg11[%dma_wait3A_358, %dma_wait3A_363] : memref<16x16xi32, #tpu.memory_space<vmem>> -> memref<1x16xi32, #tpu.memory_space<vmem>>
    %dma_wait3A_365 = tpu.memref_squeeze %dma_wait3A_364 : memref<1x16xi32, #tpu.memory_space<vmem>> -> memref<16xi32, #tpu.memory_space<vmem>>
    %dma_wait3A_366 = arith.constant 0 : i32
    %dma_wait3A_367 = arith.constant 0 : i32
    %dma_wait3A_368 = tpu.memref_slice %arg6[%dma_wait3A_366, %dma_wait3A_367] : memref<12288x768xf32, #tpu.memory_space<hbm>> -> memref<12288x768xf32, #tpu.memory_space<hbm>>
    tpu.wait_indirect_dma semaphore(%arg14 : memref<!tpu.dma_semaphore, #tpu.memory_space<semaphore_mem>>) src(%dma_wait3A_362 : memref<16x768xf32, #tpu.memory_space<vmem>>) dst(%dma_wait3A_368 : memref<12288x768xf32, #tpu.memory_space<hbm>>)
    %add3A_369 = arith.constant 144 : i32
    %add3A_370 = arith.addi %mul3A_2, %add3A_369 : i32
    %dma_start3A_371 = arith.constant 1 : i32
    %dma_start3A_372 = arith.constant 0 : i32
    %dma_start3A_373 = arith.constant 0 : i32
    %dma_start3A_374 = tpu.memref_slice %arg12[%dma_start3A_371, %dma_start3A_372, %dma_start3A_373] : memref<8x16x768xf32, #tpu.memory_space<vmem>> -> memref<1x16x768xf32, #tpu.memory_space<vmem>>
    %dma_start3A_375 = tpu.memref_squeeze %dma_start3A_374 : memref<1x16x768xf32, #tpu.memory_space<vmem>> -> memref<16x768xf32, #tpu.memory_space<vmem>>
    %dma_start3A_376 = arith.constant 0 : i32
    %dma_start3A_377 = tpu.memref_slice %arg2[%add3A_370, %dma_start3A_376] : memref<8192x768xf32, #tpu.memory_space<hbm>> -> memref<16x768xf32, #tpu.memory_space<hbm>>
    %dma_start3A_378 = arith.constant 0 : i32
    %dma_start3A_379 = arith.constant 0 : i32
    %dma_start3A_380 = tpu.memref_slice %arg12[%dma_start3A_371, %dma_start3A_378, %dma_start3A_379] : memref<8x16x768xf32, #tpu.memory_space<vmem>> -> memref<1x16x768xf32, #tpu.memory_space<vmem>>
    %dma_start3A_381 = tpu.memref_squeeze %dma_start3A_380 : memref<1x16x768xf32, #tpu.memory_space<vmem>> -> memref<16x768xf32, #tpu.memory_space<vmem>>
    %dma_start3A_382 = arith.constant 0 : i32
    %dma_start3A_383 = tpu.memref_slice %arg2[%add3A_370, %dma_start3A_382] : memref<8192x768xf32, #tpu.memory_space<hbm>> -> memref<16x768xf32, #tpu.memory_space<hbm>>
    tpu.enqueue_dma source(%dma_start3A_383 : memref<16x768xf32, #tpu.memory_space<hbm>>) target(%dma_start3A_381 : memref<16x768xf32, #tpu.memory_space<vmem>>) target_semaphore(%arg13 : memref<!tpu.dma_semaphore, #tpu.memory_space<semaphore_mem>>)
    %dma_wait3A_384 = arith.constant 2 : i32
    %dma_wait3A_385 = arith.constant 0 : i32
    %dma_wait3A_386 = arith.constant 0 : i32
    %dma_wait3A_387 = tpu.memref_slice %arg12[%dma_wait3A_384, %dma_wait3A_385, %dma_wait3A_386] : memref<8x16x768xf32, #tpu.memory_space<vmem>> -> memref<1x16x768xf32, #tpu.memory_space<vmem>>
    %dma_wait3A_388 = tpu.memref_squeeze %dma_wait3A_387 : memref<1x16x768xf32, #tpu.memory_space<vmem>> -> memref<16x768xf32, #tpu.memory_space<vmem>>
    %dma_wait3A_389 = arith.constant 0 : i32
    %dma_wait3A_390 = tpu.memref_slice %arg2[%add3A_33, %dma_wait3A_389] : memref<8192x768xf32, #tpu.memory_space<hbm>> -> memref<16x768xf32, #tpu.memory_space<hbm>>
    %dma_wait3A_391 = arith.constant 0 : i32
    %dma_wait3A_392 = arith.constant 0 : i32
    %dma_wait3A_393 = tpu.memref_slice %arg12[%dma_wait3A_384, %dma_wait3A_391, %dma_wait3A_392] : memref<8x16x768xf32, #tpu.memory_space<vmem>> -> memref<1x16x768xf32, #tpu.memory_space<vmem>>
    %dma_wait3A_394 = tpu.memref_squeeze %dma_wait3A_393 : memref<1x16x768xf32, #tpu.memory_space<vmem>> -> memref<16x768xf32, #tpu.memory_space<vmem>>
    %dma_wait3A_395 = arith.constant 0 : i32
    %dma_wait3A_396 = tpu.memref_slice %arg2[%add3A_33, %dma_wait3A_395] : memref<8192x768xf32, #tpu.memory_space<hbm>> -> memref<16x768xf32, #tpu.memory_space<hbm>>
    tpu.wait_dma2 semaphore(%arg13 : memref<!tpu.dma_semaphore, #tpu.memory_space<semaphore_mem>>) src(%dma_wait3A_396 : memref<16x768xf32, #tpu.memory_space<hbm>>) dst(%dma_wait3A_394 : memref<16x768xf32, #tpu.memory_space<vmem>>)
    %dma_start3A_397 = arith.constant 2 : i32
    %dma_start3A_398 = arith.constant 2 : i32
    %dma_start3A_399 = arith.constant 0 : i32
    %dma_start3A_400 = arith.constant 0 : i32
    %dma_start3A_401 = tpu.memref_slice %arg12[%dma_start3A_397, %dma_start3A_399, %dma_start3A_400] : memref<8x16x768xf32, #tpu.memory_space<vmem>> -> memref<1x16x768xf32, #tpu.memory_space<vmem>>
    %dma_start3A_402 = tpu.memref_squeeze %dma_start3A_401 : memref<1x16x768xf32, #tpu.memory_space<vmem>> -> memref<16x768xf32, #tpu.memory_space<vmem>>
    %dma_start3A_403 = arith.constant 0 : i32
    %dma_start3A_404 = tpu.memref_slice %arg11[%dma_start3A_398, %dma_start3A_403] : memref<16x16xi32, #tpu.memory_space<vmem>> -> memref<1x16xi32, #tpu.memory_space<vmem>>
    %dma_start3A_405 = tpu.memref_squeeze %dma_start3A_404 : memref<1x16xi32, #tpu.memory_space<vmem>> -> memref<16xi32, #tpu.memory_space<vmem>>
    %dma_start3A_406 = arith.constant 0 : i32
    %dma_start3A_407 = arith.constant 0 : i32
    %dma_start3A_408 = tpu.memref_slice %arg6[%dma_start3A_406, %dma_start3A_407] : memref<12288x768xf32, #tpu.memory_space<hbm>> -> memref<12288x768xf32, #tpu.memory_space<hbm>>
    tpu.enqueue_indirect_dma source(%dma_start3A_402 : memref<16x768xf32, #tpu.memory_space<vmem>>) target(%dma_start3A_408 : memref<12288x768xf32, #tpu.memory_space<hbm>>) offsets(%dma_start3A_405 : memref<16xi32, #tpu.memory_space<vmem>>) semaphore(%arg14 : memref<!tpu.dma_semaphore, #tpu.memory_space<semaphore_mem>>)
    %dma_wait3A_409 = arith.constant 2 : i32
    %dma_wait3A_410 = arith.constant 2 : i32
    %dma_wait3A_411 = arith.constant 0 : i32
    %dma_wait3A_412 = arith.constant 0 : i32
    %dma_wait3A_413 = tpu.memref_slice %arg12[%dma_wait3A_409, %dma_wait3A_411, %dma_wait3A_412] : memref<8x16x768xf32, #tpu.memory_space<vmem>> -> memref<1x16x768xf32, #tpu.memory_space<vmem>>
    %dma_wait3A_414 = tpu.memref_squeeze %dma_wait3A_413 : memref<1x16x768xf32, #tpu.memory_space<vmem>> -> memref<16x768xf32, #tpu.memory_space<vmem>>
    %dma_wait3A_415 = arith.constant 0 : i32
    %dma_wait3A_416 = tpu.memref_slice %arg11[%dma_wait3A_410, %dma_wait3A_415] : memref<16x16xi32, #tpu.memory_space<vmem>> -> memref<1x16xi32, #tpu.memory_space<vmem>>
    %dma_wait3A_417 = tpu.memref_squeeze %dma_wait3A_416 : memref<1x16xi32, #tpu.memory_space<vmem>> -> memref<16xi32, #tpu.memory_space<vmem>>
    %dma_wait3A_418 = arith.constant 0 : i32
    %dma_wait3A_419 = arith.constant 0 : i32
    %dma_wait3A_420 = tpu.memref_slice %arg6[%dma_wait3A_418, %dma_wait3A_419] : memref<12288x768xf32, #tpu.memory_space<hbm>> -> memref<12288x768xf32, #tpu.memory_space<hbm>>
    tpu.wait_indirect_dma semaphore(%arg14 : memref<!tpu.dma_semaphore, #tpu.memory_space<semaphore_mem>>) src(%dma_wait3A_414 : memref<16x768xf32, #tpu.memory_space<vmem>>) dst(%dma_wait3A_420 : memref<12288x768xf32, #tpu.memory_space<hbm>>)
    %add3A_421 = arith.constant 160 : i32
    %add3A_422 = arith.addi %mul3A_2, %add3A_421 : i32
    %dma_start3A_423 = arith.constant 2 : i32
    %dma_start3A_424 = arith.constant 0 : i32
    %dma_start3A_425 = arith.constant 0 : i32
    %dma_start3A_426 = tpu.memref_slice %arg12[%dma_start3A_423, %dma_start3A_424, %dma_start3A_425] : memref<8x16x768xf32, #tpu.memory_space<vmem>> -> memref<1x16x768xf32, #tpu.memory_space<vmem>>
    %dma_start3A_427 = tpu.memref_squeeze %dma_start3A_426 : memref<1x16x768xf32, #tpu.memory_space<vmem>> -> memref<16x768xf32, #tpu.memory_space<vmem>>
    %dma_start3A_428 = arith.constant 0 : i32
    %dma_start3A_429 = tpu.memref_slice %arg2[%add3A_422, %dma_start3A_428] : memref<8192x768xf32, #tpu.memory_space<hbm>> -> memref<16x768xf32, #tpu.memory_space<hbm>>
    %dma_start3A_430 = arith.constant 0 : i32
    %dma_start3A_431 = arith.constant 0 : i32
    %dma_start3A_432 = tpu.memref_slice %arg12[%dma_start3A_423, %dma_start3A_430, %dma_start3A_431] : memref<8x16x768xf32, #tpu.memory_space<vmem>> -> memref<1x16x768xf32, #tpu.memory_space<vmem>>
    %dma_start3A_433 = tpu.memref_squeeze %dma_start3A_432 : memref<1x16x768xf32, #tpu.memory_space<vmem>> -> memref<16x768xf32, #tpu.memory_space<vmem>>
    %dma_start3A_434 = arith.constant 0 : i32
    %dma_start3A_435 = tpu.memref_slice %arg2[%add3A_422, %dma_start3A_434] : memref<8192x768xf32, #tpu.memory_space<hbm>> -> memref<16x768xf32, #tpu.memory_space<hbm>>
    tpu.enqueue_dma source(%dma_start3A_435 : memref<16x768xf32, #tpu.memory_space<hbm>>) target(%dma_start3A_433 : memref<16x768xf32, #tpu.memory_space<vmem>>) target_semaphore(%arg13 : memref<!tpu.dma_semaphore, #tpu.memory_space<semaphore_mem>>)
    %dma_wait3A_436 = arith.constant 3 : i32
    %dma_wait3A_437 = arith.constant 0 : i32
    %dma_wait3A_438 = arith.constant 0 : i32
    %dma_wait3A_439 = tpu.memref_slice %arg12[%dma_wait3A_436, %dma_wait3A_437, %dma_wait3A_438] : memref<8x16x768xf32, #tpu.memory_space<vmem>> -> memref<1x16x768xf32, #tpu.memory_space<vmem>>
    %dma_wait3A_440 = tpu.memref_squeeze %dma_wait3A_439 : memref<1x16x768xf32, #tpu.memory_space<vmem>> -> memref<16x768xf32, #tpu.memory_space<vmem>>
    %dma_wait3A_441 = arith.constant 0 : i32
    %dma_wait3A_442 = tpu.memref_slice %arg2[%add3A_48, %dma_wait3A_441] : memref<8192x768xf32, #tpu.memory_space<hbm>> -> memref<16x768xf32, #tpu.memory_space<hbm>>
    %dma_wait3A_443 = arith.constant 0 : i32
    %dma_wait3A_444 = arith.constant 0 : i32
    %dma_wait3A_445 = tpu.memref_slice %arg12[%dma_wait3A_436, %dma_wait3A_443, %dma_wait3A_444] : memref<8x16x768xf32, #tpu.memory_space<vmem>> -> memref<1x16x768xf32, #tpu.memory_space<vmem>>
    %dma_wait3A_446 = tpu.memref_squeeze %dma_wait3A_445 : memref<1x16x768xf32, #tpu.memory_space<vmem>> -> memref<16x768xf32, #tpu.memory_space<vmem>>
    %dma_wait3A_447 = arith.constant 0 : i32
    %dma_wait3A_448 = tpu.memref_slice %arg2[%add3A_48, %dma_wait3A_447] : memref<8192x768xf32, #tpu.memory_space<hbm>> -> memref<16x768xf32, #tpu.memory_space<hbm>>
    tpu.wait_dma2 semaphore(%arg13 : memref<!tpu.dma_semaphore, #tpu.memory_space<semaphore_mem>>) src(%dma_wait3A_448 : memref<16x768xf32, #tpu.memory_space<hbm>>) dst(%dma_wait3A_446 : memref<16x768xf32, #tpu.memory_space<vmem>>)
    %dma_start3A_449 = arith.constant 3 : i32
    %dma_start3A_450 = arith.constant 3 : i32
    %dma_start3A_451 = arith.constant 0 : i32
    %dma_start3A_452 = arith.constant 0 : i32
    %dma_start3A_453 = tpu.memref_slice %arg12[%dma_start3A_449, %dma_start3A_451, %dma_start3A_452] : memref<8x16x768xf32, #tpu.memory_space<vmem>> -> memref<1x16x768xf32, #tpu.memory_space<vmem>>
    %dma_start3A_454 = tpu.memref_squeeze %dma_start3A_453 : memref<1x16x768xf32, #tpu.memory_space<vmem>> -> memref<16x768xf32, #tpu.memory_space<vmem>>
    %dma_start3A_455 = arith.constant 0 : i32
    %dma_start3A_456 = tpu.memref_slice %arg11[%dma_start3A_450, %dma_start3A_455] : memref<16x16xi32, #tpu.memory_space<vmem>> -> memref<1x16xi32, #tpu.memory_space<vmem>>
    %dma_start3A_457 = tpu.memref_squeeze %dma_start3A_456 : memref<1x16xi32, #tpu.memory_space<vmem>> -> memref<16xi32, #tpu.memory_space<vmem>>
    %dma_start3A_458 = arith.constant 0 : i32
    %dma_start3A_459 = arith.constant 0 : i32
    %dma_start3A_460 = tpu.memref_slice %arg6[%dma_start3A_458, %dma_start3A_459] : memref<12288x768xf32, #tpu.memory_space<hbm>> -> memref<12288x768xf32, #tpu.memory_space<hbm>>
    tpu.enqueue_indirect_dma source(%dma_start3A_454 : memref<16x768xf32, #tpu.memory_space<vmem>>) target(%dma_start3A_460 : memref<12288x768xf32, #tpu.memory_space<hbm>>) offsets(%dma_start3A_457 : memref<16xi32, #tpu.memory_space<vmem>>) semaphore(%arg14 : memref<!tpu.dma_semaphore, #tpu.memory_space<semaphore_mem>>)
    %dma_wait3A_461 = arith.constant 3 : i32
    %dma_wait3A_462 = arith.constant 3 : i32
    %dma_wait3A_463 = arith.constant 0 : i32
    %dma_wait3A_464 = arith.constant 0 : i32
    %dma_wait3A_465 = tpu.memref_slice %arg12[%dma_wait3A_461, %dma_wait3A_463, %dma_wait3A_464] : memref<8x16x768xf32, #tpu.memory_space<vmem>> -> memref<1x16x768xf32, #tpu.memory_space<vmem>>
    %dma_wait3A_466 = tpu.memref_squeeze %dma_wait3A_465 : memref<1x16x768xf32, #tpu.memory_space<vmem>> -> memref<16x768xf32, #tpu.memory_space<vmem>>
    %dma_wait3A_467 = arith.constant 0 : i32
    %dma_wait3A_468 = tpu.memref_slice %arg11[%dma_wait3A_462, %dma_wait3A_467] : memref<16x16xi32, #tpu.memory_space<vmem>> -> memref<1x16xi32, #tpu.memory_space<vmem>>
    %dma_wait3A_469 = tpu.memref_squeeze %dma_wait3A_468 : memref<1x16xi32, #tpu.memory_space<vmem>> -> memref<16xi32, #tpu.memory_space<vmem>>
    %dma_wait3A_470 = arith.constant 0 : i32
    %dma_wait3A_471 = arith.constant 0 : i32
    %dma_wait3A_472 = tpu.memref_slice %arg6[%dma_wait3A_470, %dma_wait3A_471] : memref<12288x768xf32, #tpu.memory_space<hbm>> -> memref<12288x768xf32, #tpu.memory_space<hbm>>
    tpu.wait_indirect_dma semaphore(%arg14 : memref<!tpu.dma_semaphore, #tpu.memory_space<semaphore_mem>>) src(%dma_wait3A_466 : memref<16x768xf32, #tpu.memory_space<vmem>>) dst(%dma_wait3A_472 : memref<12288x768xf32, #tpu.memory_space<hbm>>)
    %add3A_473 = arith.constant 176 : i32
    %add3A_474 = arith.addi %mul3A_2, %add3A_473 : i32
    %dma_start3A_475 = arith.constant 3 : i32
    %dma_start3A_476 = arith.constant 0 : i32
    %dma_start3A_477 = arith.constant 0 : i32
    %dma_start3A_478 = tpu.memref_slice %arg12[%dma_start3A_475, %dma_start3A_476, %dma_start3A_477] : memref<8x16x768xf32, #tpu.memory_space<vmem>> -> memref<1x16x768xf32, #tpu.memory_space<vmem>>
    %dma_start3A_479 = tpu.memref_squeeze %dma_start3A_478 : memref<1x16x768xf32, #tpu.memory_space<vmem>> -> memref<16x768xf32, #tpu.memory_space<vmem>>
    %dma_start3A_480 = arith.constant 0 : i32
    %dma_start3A_481 = tpu.memref_slice %arg2[%add3A_474, %dma_start3A_480] : memref<8192x768xf32, #tpu.memory_space<hbm>> -> memref<16x768xf32, #tpu.memory_space<hbm>>
    %dma_start3A_482 = arith.constant 0 : i32
    %dma_start3A_483 = arith.constant 0 : i32
    %dma_start3A_484 = tpu.memref_slice %arg12[%dma_start3A_475, %dma_start3A_482, %dma_start3A_483] : memref<8x16x768xf32, #tpu.memory_space<vmem>> -> memref<1x16x768xf32, #tpu.memory_space<vmem>>
    %dma_start3A_485 = tpu.memref_squeeze %dma_start3A_484 : memref<1x16x768xf32, #tpu.memory_space<vmem>> -> memref<16x768xf32, #tpu.memory_space<vmem>>
    %dma_start3A_486 = arith.constant 0 : i32
    %dma_start3A_487 = tpu.memref_slice %arg2[%add3A_474, %dma_start3A_486] : memref<8192x768xf32, #tpu.memory_space<hbm>> -> memref<16x768xf32, #tpu.memory_space<hbm>>
    tpu.enqueue_dma source(%dma_start3A_487 : memref<16x768xf32, #tpu.memory_space<hbm>>) target(%dma_start3A_485 : memref<16x768xf32, #tpu.memory_space<vmem>>) target_semaphore(%arg13 : memref<!tpu.dma_semaphore, #tpu.memory_space<semaphore_mem>>)
    %dma_wait3A_488 = arith.constant 4 : i32
    %dma_wait3A_489 = arith.constant 0 : i32
    %dma_wait3A_490 = arith.constant 0 : i32
    %dma_wait3A_491 = tpu.memref_slice %arg12[%dma_wait3A_488, %dma_wait3A_489, %dma_wait3A_490] : memref<8x16x768xf32, #tpu.memory_space<vmem>> -> memref<1x16x768xf32, #tpu.memory_space<vmem>>
    %dma_wait3A_492 = tpu.memref_squeeze %dma_wait3A_491 : memref<1x16x768xf32, #tpu.memory_space<vmem>> -> memref<16x768xf32, #tpu.memory_space<vmem>>
    %dma_wait3A_493 = arith.constant 0 : i32
    %dma_wait3A_494 = tpu.memref_slice %arg2[%add3A_63, %dma_wait3A_493] : memref<8192x768xf32, #tpu.memory_space<hbm>> -> memref<16x768xf32, #tpu.memory_space<hbm>>
    %dma_wait3A_495 = arith.constant 0 : i32
    %dma_wait3A_496 = arith.constant 0 : i32
    %dma_wait3A_497 = tpu.memref_slice %arg12[%dma_wait3A_488, %dma_wait3A_495, %dma_wait3A_496] : memref<8x16x768xf32, #tpu.memory_space<vmem>> -> memref<1x16x768xf32, #tpu.memory_space<vmem>>
    %dma_wait3A_498 = tpu.memref_squeeze %dma_wait3A_497 : memref<1x16x768xf32, #tpu.memory_space<vmem>> -> memref<16x768xf32, #tpu.memory_space<vmem>>
    %dma_wait3A_499 = arith.constant 0 : i32
    %dma_wait3A_500 = tpu.memref_slice %arg2[%add3A_63, %dma_wait3A_499] : memref<8192x768xf32, #tpu.memory_space<hbm>> -> memref<16x768xf32, #tpu.memory_space<hbm>>
    tpu.wait_dma2 semaphore(%arg13 : memref<!tpu.dma_semaphore, #tpu.memory_space<semaphore_mem>>) src(%dma_wait3A_500 : memref<16x768xf32, #tpu.memory_space<hbm>>) dst(%dma_wait3A_498 : memref<16x768xf32, #tpu.memory_space<vmem>>)
    %dma_start3A_501 = arith.constant 4 : i32
    %dma_start3A_502 = arith.constant 4 : i32
    %dma_start3A_503 = arith.constant 0 : i32
    %dma_start3A_504 = arith.constant 0 : i32
    %dma_start3A_505 = tpu.memref_slice %arg12[%dma_start3A_501, %dma_start3A_503, %dma_start3A_504] : memref<8x16x768xf32, #tpu.memory_space<vmem>> -> memref<1x16x768xf32, #tpu.memory_space<vmem>>
    %dma_start3A_506 = tpu.memref_squeeze %dma_start3A_505 : memref<1x16x768xf32, #tpu.memory_space<vmem>> -> memref<16x768xf32, #tpu.memory_space<vmem>>
    %dma_start3A_507 = arith.constant 0 : i32
    %dma_start3A_508 = tpu.memref_slice %arg11[%dma_start3A_502, %dma_start3A_507] : memref<16x16xi32, #tpu.memory_space<vmem>> -> memref<1x16xi32, #tpu.memory_space<vmem>>
    %dma_start3A_509 = tpu.memref_squeeze %dma_start3A_508 : memref<1x16xi32, #tpu.memory_space<vmem>> -> memref<16xi32, #tpu.memory_space<vmem>>
    %dma_start3A_510 = arith.constant 0 : i32
    %dma_start3A_511 = arith.constant 0 : i32
    %dma_start3A_512 = tpu.memref_slice %arg6[%dma_start3A_510, %dma_start3A_511] : memref<12288x768xf32, #tpu.memory_space<hbm>> -> memref<12288x768xf32, #tpu.memory_space<hbm>>
    tpu.enqueue_indirect_dma source(%dma_start3A_506 : memref<16x768xf32, #tpu.memory_space<vmem>>) target(%dma_start3A_512 : memref<12288x768xf32, #tpu.memory_space<hbm>>) offsets(%dma_start3A_509 : memref<16xi32, #tpu.memory_space<vmem>>) semaphore(%arg14 : memref<!tpu.dma_semaphore, #tpu.memory_space<semaphore_mem>>)
    %dma_wait3A_513 = arith.constant 4 : i32
    %dma_wait3A_514 = arith.constant 4 : i32
    %dma_wait3A_515 = arith.constant 0 : i32
    %dma_wait3A_516 = arith.constant 0 : i32
    %dma_wait3A_517 = tpu.memref_slice %arg12[%dma_wait3A_513, %dma_wait3A_515, %dma_wait3A_516] : memref<8x16x768xf32, #tpu.memory_space<vmem>> -> memref<1x16x768xf32, #tpu.memory_space<vmem>>
    %dma_wait3A_518 = tpu.memref_squeeze %dma_wait3A_517 : memref<1x16x768xf32, #tpu.memory_space<vmem>> -> memref<16x768xf32, #tpu.memory_space<vmem>>
    %dma_wait3A_519 = arith.constant 0 : i32
    %dma_wait3A_520 = tpu.memref_slice %arg11[%dma_wait3A_514, %dma_wait3A_519] : memref<16x16xi32, #tpu.memory_space<vmem>> -> memref<1x16xi32, #tpu.memory_space<vmem>>
    %dma_wait3A_521 = tpu.memref_squeeze %dma_wait3A_520 : memref<1x16xi32, #tpu.memory_space<vmem>> -> memref<16xi32, #tpu.memory_space<vmem>>
    %dma_wait3A_522 = arith.constant 0 : i32
    %dma_wait3A_523 = arith.constant 0 : i32
    %dma_wait3A_524 = tpu.memref_slice %arg6[%dma_wait3A_522, %dma_wait3A_523] : memref<12288x768xf32, #tpu.memory_space<hbm>> -> memref<12288x768xf32, #tpu.memory_space<hbm>>
    tpu.wait_indirect_dma semaphore(%arg14 : memref<!tpu.dma_semaphore, #tpu.memory_space<semaphore_mem>>) src(%dma_wait3A_518 : memref<16x768xf32, #tpu.memory_space<vmem>>) dst(%dma_wait3A_524 : memref<12288x768xf32, #tpu.memory_space<hbm>>)
    %add3A_525 = arith.constant 192 : i32
    %add3A_526 = arith.addi %mul3A_2, %add3A_525 : i32
    %dma_start3A_527 = arith.constant 4 : i32
    %dma_start3A_528 = arith.constant 0 : i32
    %dma_start3A_529 = arith.constant 0 : i32
    %dma_start3A_530 = tpu.memref_slice %arg12[%dma_start3A_527, %dma_start3A_528, %dma_start3A_529] : memref<8x16x768xf32, #tpu.memory_space<vmem>> -> memref<1x16x768xf32, #tpu.memory_space<vmem>>
    %dma_start3A_531 = tpu.memref_squeeze %dma_start3A_530 : memref<1x16x768xf32, #tpu.memory_space<vmem>> -> memref<16x768xf32, #tpu.memory_space<vmem>>
    %dma_start3A_532 = arith.constant 0 : i32
    %dma_start3A_533 = tpu.memref_slice %arg2[%add3A_526, %dma_start3A_532] : memref<8192x768xf32, #tpu.memory_space<hbm>> -> memref<16x768xf32, #tpu.memory_space<hbm>>
    %dma_start3A_534 = arith.constant 0 : i32
    %dma_start3A_535 = arith.constant 0 : i32
    %dma_start3A_536 = tpu.memref_slice %arg12[%dma_start3A_527, %dma_start3A_534, %dma_start3A_535] : memref<8x16x768xf32, #tpu.memory_space<vmem>> -> memref<1x16x768xf32, #tpu.memory_space<vmem>>
    %dma_start3A_537 = tpu.memref_squeeze %dma_start3A_536 : memref<1x16x768xf32, #tpu.memory_space<vmem>> -> memref<16x768xf32, #tpu.memory_space<vmem>>
    %dma_start3A_538 = arith.constant 0 : i32
    %dma_start3A_539 = tpu.memref_slice %arg2[%add3A_526, %dma_start3A_538] : memref<8192x768xf32, #tpu.memory_space<hbm>> -> memref<16x768xf32, #tpu.memory_space<hbm>>
    tpu.enqueue_dma source(%dma_start3A_539 : memref<16x768xf32, #tpu.memory_space<hbm>>) target(%dma_start3A_537 : memref<16x768xf32, #tpu.memory_space<vmem>>) target_semaphore(%arg13 : memref<!tpu.dma_semaphore, #tpu.memory_space<semaphore_mem>>)
    %dma_wait3A_540 = arith.constant 5 : i32
    %dma_wait3A_541 = arith.constant 0 : i32
    %dma_wait3A_542 = arith.constant 0 : i32
    %dma_wait3A_543 = tpu.memref_slice %arg12[%dma_wait3A_540, %dma_wait3A_541, %dma_wait3A_542] : memref<8x16x768xf32, #tpu.memory_space<vmem>> -> memref<1x16x768xf32, #tpu.memory_space<vmem>>
    %dma_wait3A_544 = tpu.memref_squeeze %dma_wait3A_543 : memref<1x16x768xf32, #tpu.memory_space<vmem>> -> memref<16x768xf32, #tpu.memory_space<vmem>>
    %dma_wait3A_545 = arith.constant 0 : i32
    %dma_wait3A_546 = tpu.memref_slice %arg2[%add3A_78, %dma_wait3A_545] : memref<8192x768xf32, #tpu.memory_space<hbm>> -> memref<16x768xf32, #tpu.memory_space<hbm>>
    %dma_wait3A_547 = arith.constant 0 : i32
    %dma_wait3A_548 = arith.constant 0 : i32
    %dma_wait3A_549 = tpu.memref_slice %arg12[%dma_wait3A_540, %dma_wait3A_547, %dma_wait3A_548] : memref<8x16x768xf32, #tpu.memory_space<vmem>> -> memref<1x16x768xf32, #tpu.memory_space<vmem>>
    %dma_wait3A_550 = tpu.memref_squeeze %dma_wait3A_549 : memref<1x16x768xf32, #tpu.memory_space<vmem>> -> memref<16x768xf32, #tpu.memory_space<vmem>>
    %dma_wait3A_551 = arith.constant 0 : i32
    %dma_wait3A_552 = tpu.memref_slice %arg2[%add3A_78, %dma_wait3A_551] : memref<8192x768xf32, #tpu.memory_space<hbm>> -> memref<16x768xf32, #tpu.memory_space<hbm>>
    tpu.wait_dma2 semaphore(%arg13 : memref<!tpu.dma_semaphore, #tpu.memory_space<semaphore_mem>>) src(%dma_wait3A_552 : memref<16x768xf32, #tpu.memory_space<hbm>>) dst(%dma_wait3A_550 : memref<16x768xf32, #tpu.memory_space<vmem>>)
    %dma_start3A_553 = arith.constant 5 : i32
    %dma_start3A_554 = arith.constant 5 : i32
    %dma_start3A_555 = arith.constant 0 : i32
    %dma_start3A_556 = arith.constant 0 : i32
    %dma_start3A_557 = tpu.memref_slice %arg12[%dma_start3A_553, %dma_start3A_555, %dma_start3A_556] : memref<8x16x768xf32, #tpu.memory_space<vmem>> -> memref<1x16x768xf32, #tpu.memory_space<vmem>>
    %dma_start3A_558 = tpu.memref_squeeze %dma_start3A_557 : memref<1x16x768xf32, #tpu.memory_space<vmem>> -> memref<16x768xf32, #tpu.memory_space<vmem>>
    %dma_start3A_559 = arith.constant 0 : i32
    %dma_start3A_560 = tpu.memref_slice %arg11[%dma_start3A_554, %dma_start3A_559] : memref<16x16xi32, #tpu.memory_space<vmem>> -> memref<1x16xi32, #tpu.memory_space<vmem>>
    %dma_start3A_561 = tpu.memref_squeeze %dma_start3A_560 : memref<1x16xi32, #tpu.memory_space<vmem>> -> memref<16xi32, #tpu.memory_space<vmem>>
    %dma_start3A_562 = arith.constant 0 : i32
    %dma_start3A_563 = arith.constant 0 : i32
    %dma_start3A_564 = tpu.memref_slice %arg6[%dma_start3A_562, %dma_start3A_563] : memref<12288x768xf32, #tpu.memory_space<hbm>> -> memref<12288x768xf32, #tpu.memory_space<hbm>>
    tpu.enqueue_indirect_dma source(%dma_start3A_558 : memref<16x768xf32, #tpu.memory_space<vmem>>) target(%dma_start3A_564 : memref<12288x768xf32, #tpu.memory_space<hbm>>) offsets(%dma_start3A_561 : memref<16xi32, #tpu.memory_space<vmem>>) semaphore(%arg14 : memref<!tpu.dma_semaphore, #tpu.memory_space<semaphore_mem>>)
    %dma_wait3A_565 = arith.constant 5 : i32
    %dma_wait3A_566 = arith.constant 5 : i32
    %dma_wait3A_567 = arith.constant 0 : i32
    %dma_wait3A_568 = arith.constant 0 : i32
    %dma_wait3A_569 = tpu.memref_slice %arg12[%dma_wait3A_565, %dma_wait3A_567, %dma_wait3A_568] : memref<8x16x768xf32, #tpu.memory_space<vmem>> -> memref<1x16x768xf32, #tpu.memory_space<vmem>>
    %dma_wait3A_570 = tpu.memref_squeeze %dma_wait3A_569 : memref<1x16x768xf32, #tpu.memory_space<vmem>> -> memref<16x768xf32, #tpu.memory_space<vmem>>
    %dma_wait3A_571 = arith.constant 0 : i32
    %dma_wait3A_572 = tpu.memref_slice %arg11[%dma_wait3A_566, %dma_wait3A_571] : memref<16x16xi32, #tpu.memory_space<vmem>> -> memref<1x16xi32, #tpu.memory_space<vmem>>
    %dma_wait3A_573 = tpu.memref_squeeze %dma_wait3A_572 : memref<1x16xi32, #tpu.memory_space<vmem>> -> memref<16xi32, #tpu.memory_space<vmem>>
    %dma_wait3A_574 = arith.constant 0 : i32
    %dma_wait3A_575 = arith.constant 0 : i32
    %dma_wait3A_576 = tpu.memref_slice %arg6[%dma_wait3A_574, %dma_wait3A_575] : memref<12288x768xf32, #tpu.memory_space<hbm>> -> memref<12288x768xf32, #tpu.memory_space<hbm>>
    tpu.wait_indirect_dma semaphore(%arg14 : memref<!tpu.dma_semaphore, #tpu.memory_space<semaphore_mem>>) src(%dma_wait3A_570 : memref<16x768xf32, #tpu.memory_space<vmem>>) dst(%dma_wait3A_576 : memref<12288x768xf32, #tpu.memory_space<hbm>>)
    %add3A_577 = arith.constant 208 : i32
    %add3A_578 = arith.addi %mul3A_2, %add3A_577 : i32
    %dma_start3A_579 = arith.constant 5 : i32
    %dma_start3A_580 = arith.constant 0 : i32
    %dma_start3A_581 = arith.constant 0 : i32
    %dma_start3A_582 = tpu.memref_slice %arg12[%dma_start3A_579, %dma_start3A_580, %dma_start3A_581] : memref<8x16x768xf32, #tpu.memory_space<vmem>> -> memref<1x16x768xf32, #tpu.memory_space<vmem>>
    %dma_start3A_583 = tpu.memref_squeeze %dma_start3A_582 : memref<1x16x768xf32, #tpu.memory_space<vmem>> -> memref<16x768xf32, #tpu.memory_space<vmem>>
    %dma_start3A_584 = arith.constant 0 : i32
    %dma_start3A_585 = tpu.memref_slice %arg2[%add3A_578, %dma_start3A_584] : memref<8192x768xf32, #tpu.memory_space<hbm>> -> memref<16x768xf32, #tpu.memory_space<hbm>>
    %dma_start3A_586 = arith.constant 0 : i32
    %dma_start3A_587 = arith.constant 0 : i32
    %dma_start3A_588 = tpu.memref_slice %arg12[%dma_start3A_579, %dma_start3A_586, %dma_start3A_587] : memref<8x16x768xf32, #tpu.memory_space<vmem>> -> memref<1x16x768xf32, #tpu.memory_space<vmem>>
    %dma_start3A_589 = tpu.memref_squeeze %dma_start3A_588 : memref<1x16x768xf32, #tpu.memory_space<vmem>> -> memref<16x768xf32, #tpu.memory_space<vmem>>
    %dma_start3A_590 = arith.constant 0 : i32
    %dma_start3A_591 = tpu.memref_slice %arg2[%add3A_578, %dma_start3A_590] : memref<8192x768xf32, #tpu.memory_space<hbm>> -> memref<16x768xf32, #tpu.memory_space<hbm>>
    tpu.enqueue_dma source(%dma_start3A_591 : memref<16x768xf32, #tpu.memory_space<hbm>>) target(%dma_start3A_589 : memref<16x768xf32, #tpu.memory_space<vmem>>) target_semaphore(%arg13 : memref<!tpu.dma_semaphore, #tpu.memory_space<semaphore_mem>>)
    %dma_wait3A_592 = arith.constant 6 : i32
    %dma_wait3A_593 = arith.constant 0 : i32
    %dma_wait3A_594 = arith.constant 0 : i32
    %dma_wait3A_595 = tpu.memref_slice %arg12[%dma_wait3A_592, %dma_wait3A_593, %dma_wait3A_594] : memref<8x16x768xf32, #tpu.memory_space<vmem>> -> memref<1x16x768xf32, #tpu.memory_space<vmem>>
    %dma_wait3A_596 = tpu.memref_squeeze %dma_wait3A_595 : memref<1x16x768xf32, #tpu.memory_space<vmem>> -> memref<16x768xf32, #tpu.memory_space<vmem>>
    %dma_wait3A_597 = arith.constant 0 : i32
    %dma_wait3A_598 = tpu.memref_slice %arg2[%add3A_93, %dma_wait3A_597] : memref<8192x768xf32, #tpu.memory_space<hbm>> -> memref<16x768xf32, #tpu.memory_space<hbm>>
    %dma_wait3A_599 = arith.constant 0 : i32
    %dma_wait3A_600 = arith.constant 0 : i32
    %dma_wait3A_601 = tpu.memref_slice %arg12[%dma_wait3A_592, %dma_wait3A_599, %dma_wait3A_600] : memref<8x16x768xf32, #tpu.memory_space<vmem>> -> memref<1x16x768xf32, #tpu.memory_space<vmem>>
    %dma_wait3A_602 = tpu.memref_squeeze %dma_wait3A_601 : memref<1x16x768xf32, #tpu.memory_space<vmem>> -> memref<16x768xf32, #tpu.memory_space<vmem>>
    %dma_wait3A_603 = arith.constant 0 : i32
    %dma_wait3A_604 = tpu.memref_slice %arg2[%add3A_93, %dma_wait3A_603] : memref<8192x768xf32, #tpu.memory_space<hbm>> -> memref<16x768xf32, #tpu.memory_space<hbm>>
    tpu.wait_dma2 semaphore(%arg13 : memref<!tpu.dma_semaphore, #tpu.memory_space<semaphore_mem>>) src(%dma_wait3A_604 : memref<16x768xf32, #tpu.memory_space<hbm>>) dst(%dma_wait3A_602 : memref<16x768xf32, #tpu.memory_space<vmem>>)
    %dma_start3A_605 = arith.constant 6 : i32
    %dma_start3A_606 = arith.constant 6 : i32
    %dma_start3A_607 = arith.constant 0 : i32
    %dma_start3A_608 = arith.constant 0 : i32
    %dma_start3A_609 = tpu.memref_slice %arg12[%dma_start3A_605, %dma_start3A_607, %dma_start3A_608] : memref<8x16x768xf32, #tpu.memory_space<vmem>> -> memref<1x16x768xf32, #tpu.memory_space<vmem>>
    %dma_start3A_610 = tpu.memref_squeeze %dma_start3A_609 : memref<1x16x768xf32, #tpu.memory_space<vmem>> -> memref<16x768xf32, #tpu.memory_space<vmem>>
    %dma_start3A_611 = arith.constant 0 : i32
    %dma_start3A_612 = tpu.memref_slice %arg11[%dma_start3A_606, %dma_start3A_611] : memref<16x16xi32, #tpu.memory_space<vmem>> -> memref<1x16xi32, #tpu.memory_space<vmem>>
    %dma_start3A_613 = tpu.memref_squeeze %dma_start3A_612 : memref<1x16xi32, #tpu.memory_space<vmem>> -> memref<16xi32, #tpu.memory_space<vmem>>
    %dma_start3A_614 = arith.constant 0 : i32
    %dma_start3A_615 = arith.constant 0 : i32
    %dma_start3A_616 = tpu.memref_slice %arg6[%dma_start3A_614, %dma_start3A_615] : memref<12288x768xf32, #tpu.memory_space<hbm>> -> memref<12288x768xf32, #tpu.memory_space<hbm>>
    tpu.enqueue_indirect_dma source(%dma_start3A_610 : memref<16x768xf32, #tpu.memory_space<vmem>>) target(%dma_start3A_616 : memref<12288x768xf32, #tpu.memory_space<hbm>>) offsets(%dma_start3A_613 : memref<16xi32, #tpu.memory_space<vmem>>) semaphore(%arg14 : memref<!tpu.dma_semaphore, #tpu.memory_space<semaphore_mem>>)
    %dma_wait3A_617 = arith.constant 6 : i32
    %dma_wait3A_618 = arith.constant 6 : i32
    %dma_wait3A_619 = arith.constant 0 : i32
    %dma_wait3A_620 = arith.constant 0 : i32
    %dma_wait3A_621 = tpu.memref_slice %arg12[%dma_wait3A_617, %dma_wait3A_619, %dma_wait3A_620] : memref<8x16x768xf32, #tpu.memory_space<vmem>> -> memref<1x16x768xf32, #tpu.memory_space<vmem>>
    %dma_wait3A_622 = tpu.memref_squeeze %dma_wait3A_621 : memref<1x16x768xf32, #tpu.memory_space<vmem>> -> memref<16x768xf32, #tpu.memory_space<vmem>>
    %dma_wait3A_623 = arith.constant 0 : i32
    %dma_wait3A_624 = tpu.memref_slice %arg11[%dma_wait3A_618, %dma_wait3A_623] : memref<16x16xi32, #tpu.memory_space<vmem>> -> memref<1x16xi32, #tpu.memory_space<vmem>>
    %dma_wait3A_625 = tpu.memref_squeeze %dma_wait3A_624 : memref<1x16xi32, #tpu.memory_space<vmem>> -> memref<16xi32, #tpu.memory_space<vmem>>
    %dma_wait3A_626 = arith.constant 0 : i32
    %dma_wait3A_627 = arith.constant 0 : i32
    %dma_wait3A_628 = tpu.memref_slice %arg6[%dma_wait3A_626, %dma_wait3A_627] : memref<12288x768xf32, #tpu.memory_space<hbm>> -> memref<12288x768xf32, #tpu.memory_space<hbm>>
    tpu.wait_indirect_dma semaphore(%arg14 : memref<!tpu.dma_semaphore, #tpu.memory_space<semaphore_mem>>) src(%dma_wait3A_622 : memref<16x768xf32, #tpu.memory_space<vmem>>) dst(%dma_wait3A_628 : memref<12288x768xf32, #tpu.memory_space<hbm>>)
    %add3A_629 = arith.constant 224 : i32
    %add3A_630 = arith.addi %mul3A_2, %add3A_629 : i32
    %dma_start3A_631 = arith.constant 6 : i32
    %dma_start3A_632 = arith.constant 0 : i32
    %dma_start3A_633 = arith.constant 0 : i32
    %dma_start3A_634 = tpu.memref_slice %arg12[%dma_start3A_631, %dma_start3A_632, %dma_start3A_633] : memref<8x16x768xf32, #tpu.memory_space<vmem>> -> memref<1x16x768xf32, #tpu.memory_space<vmem>>
    %dma_start3A_635 = tpu.memref_squeeze %dma_start3A_634 : memref<1x16x768xf32, #tpu.memory_space<vmem>> -> memref<16x768xf32, #tpu.memory_space<vmem>>
    %dma_start3A_636 = arith.constant 0 : i32
    %dma_start3A_637 = tpu.memref_slice %arg2[%add3A_630, %dma_start3A_636] : memref<8192x768xf32, #tpu.memory_space<hbm>> -> memref<16x768xf32, #tpu.memory_space<hbm>>
    %dma_start3A_638 = arith.constant 0 : i32
    %dma_start3A_639 = arith.constant 0 : i32
    %dma_start3A_640 = tpu.memref_slice %arg12[%dma_start3A_631, %dma_start3A_638, %dma_start3A_639] : memref<8x16x768xf32, #tpu.memory_space<vmem>> -> memref<1x16x768xf32, #tpu.memory_space<vmem>>
    %dma_start3A_641 = tpu.memref_squeeze %dma_start3A_640 : memref<1x16x768xf32, #tpu.memory_space<vmem>> -> memref<16x768xf32, #tpu.memory_space<vmem>>
    %dma_start3A_642 = arith.constant 0 : i32
    %dma_start3A_643 = tpu.memref_slice %arg2[%add3A_630, %dma_start3A_642] : memref<8192x768xf32, #tpu.memory_space<hbm>> -> memref<16x768xf32, #tpu.memory_space<hbm>>
    tpu.enqueue_dma source(%dma_start3A_643 : memref<16x768xf32, #tpu.memory_space<hbm>>) target(%dma_start3A_641 : memref<16x768xf32, #tpu.memory_space<vmem>>) target_semaphore(%arg13 : memref<!tpu.dma_semaphore, #tpu.memory_space<semaphore_mem>>)
    %dma_wait3A_644 = arith.constant 7 : i32
    %dma_wait3A_645 = arith.constant 0 : i32
    %dma_wait3A_646 = arith.constant 0 : i32
    %dma_wait3A_647 = tpu.memref_slice %arg12[%dma_wait3A_644, %dma_wait3A_645, %dma_wait3A_646] : memref<8x16x768xf32, #tpu.memory_space<vmem>> -> memref<1x16x768xf32, #tpu.memory_space<vmem>>
    %dma_wait3A_648 = tpu.memref_squeeze %dma_wait3A_647 : memref<1x16x768xf32, #tpu.memory_space<vmem>> -> memref<16x768xf32, #tpu.memory_space<vmem>>
    %dma_wait3A_649 = arith.constant 0 : i32
    %dma_wait3A_650 = tpu.memref_slice %arg2[%add3A_267, %dma_wait3A_649] : memref<8192x768xf32, #tpu.memory_space<hbm>> -> memref<16x768xf32, #tpu.memory_space<hbm>>
    %dma_wait3A_651 = arith.constant 0 : i32
    %dma_wait3A_652 = arith.constant 0 : i32
    %dma_wait3A_653 = tpu.memref_slice %arg12[%dma_wait3A_644, %dma_wait3A_651, %dma_wait3A_652] : memref<8x16x768xf32, #tpu.memory_space<vmem>> -> memref<1x16x768xf32, #tpu.memory_space<vmem>>
    %dma_wait3A_654 = tpu.memref_squeeze %dma_wait3A_653 : memref<1x16x768xf32, #tpu.memory_space<vmem>> -> memref<16x768xf32, #tpu.memory_space<vmem>>
    %dma_wait3A_655 = arith.constant 0 : i32
    %dma_wait3A_656 = tpu.memref_slice %arg2[%add3A_267, %dma_wait3A_655] : memref<8192x768xf32, #tpu.memory_space<hbm>> -> memref<16x768xf32, #tpu.memory_space<hbm>>
    tpu.wait_dma2 semaphore(%arg13 : memref<!tpu.dma_semaphore, #tpu.memory_space<semaphore_mem>>) src(%dma_wait3A_656 : memref<16x768xf32, #tpu.memory_space<hbm>>) dst(%dma_wait3A_654 : memref<16x768xf32, #tpu.memory_space<vmem>>)
    %dma_start3A_657 = arith.constant 7 : i32
    %dma_start3A_658 = arith.constant 7 : i32
    %dma_start3A_659 = arith.constant 0 : i32
    %dma_start3A_660 = arith.constant 0 : i32
    %dma_start3A_661 = tpu.memref_slice %arg12[%dma_start3A_657, %dma_start3A_659, %dma_start3A_660] : memref<8x16x768xf32, #tpu.memory_space<vmem>> -> memref<1x16x768xf32, #tpu.memory_space<vmem>>
    %dma_start3A_662 = tpu.memref_squeeze %dma_start3A_661 : memref<1x16x768xf32, #tpu.memory_space<vmem>> -> memref<16x768xf32, #tpu.memory_space<vmem>>
    %dma_start3A_663 = arith.constant 0 : i32
    %dma_start3A_664 = tpu.memref_slice %arg11[%dma_start3A_658, %dma_start3A_663] : memref<16x16xi32, #tpu.memory_space<vmem>> -> memref<1x16xi32, #tpu.memory_space<vmem>>
    %dma_start3A_665 = tpu.memref_squeeze %dma_start3A_664 : memref<1x16xi32, #tpu.memory_space<vmem>> -> memref<16xi32, #tpu.memory_space<vmem>>
    %dma_start3A_666 = arith.constant 0 : i32
    %dma_start3A_667 = arith.constant 0 : i32
    %dma_start3A_668 = tpu.memref_slice %arg6[%dma_start3A_666, %dma_start3A_667] : memref<12288x768xf32, #tpu.memory_space<hbm>> -> memref<12288x768xf32, #tpu.memory_space<hbm>>
    tpu.enqueue_indirect_dma source(%dma_start3A_662 : memref<16x768xf32, #tpu.memory_space<vmem>>) target(%dma_start3A_668 : memref<12288x768xf32, #tpu.memory_space<hbm>>) offsets(%dma_start3A_665 : memref<16xi32, #tpu.memory_space<vmem>>) semaphore(%arg14 : memref<!tpu.dma_semaphore, #tpu.memory_space<semaphore_mem>>)
    %dma_wait3A_669 = arith.constant 7 : i32
    %dma_wait3A_670 = arith.constant 7 : i32
    %dma_wait3A_671 = arith.constant 0 : i32
    %dma_wait3A_672 = arith.constant 0 : i32
    %dma_wait3A_673 = tpu.memref_slice %arg12[%dma_wait3A_669, %dma_wait3A_671, %dma_wait3A_672] : memref<8x16x768xf32, #tpu.memory_space<vmem>> -> memref<1x16x768xf32, #tpu.memory_space<vmem>>
    %dma_wait3A_674 = tpu.memref_squeeze %dma_wait3A_673 : memref<1x16x768xf32, #tpu.memory_space<vmem>> -> memref<16x768xf32, #tpu.memory_space<vmem>>
    %dma_wait3A_675 = arith.constant 0 : i32
    %dma_wait3A_676 = tpu.memref_slice %arg11[%dma_wait3A_670, %dma_wait3A_675] : memref<16x16xi32, #tpu.memory_space<vmem>> -> memref<1x16xi32, #tpu.memory_space<vmem>>
    %dma_wait3A_677 = tpu.memref_squeeze %dma_wait3A_676 : memref<1x16xi32, #tpu.memory_space<vmem>> -> memref<16xi32, #tpu.memory_space<vmem>>
    %dma_wait3A_678 = arith.constant 0 : i32
    %dma_wait3A_679 = arith.constant 0 : i32
    %dma_wait3A_680 = tpu.memref_slice %arg6[%dma_wait3A_678, %dma_wait3A_679] : memref<12288x768xf32, #tpu.memory_space<hbm>> -> memref<12288x768xf32, #tpu.memory_space<hbm>>
    tpu.wait_indirect_dma semaphore(%arg14 : memref<!tpu.dma_semaphore, #tpu.memory_space<semaphore_mem>>) src(%dma_wait3A_674 : memref<16x768xf32, #tpu.memory_space<vmem>>) dst(%dma_wait3A_680 : memref<12288x768xf32, #tpu.memory_space<hbm>>)
    %add3A_681 = arith.constant 240 : i32
    %add3A_682 = arith.addi %mul3A_2, %add3A_681 : i32
    %dma_start3A_683 = arith.constant 7 : i32
    %dma_start3A_684 = arith.constant 0 : i32
    %dma_start3A_685 = arith.constant 0 : i32
    %dma_start3A_686 = tpu.memref_slice %arg12[%dma_start3A_683, %dma_start3A_684, %dma_start3A_685] : memref<8x16x768xf32, #tpu.memory_space<vmem>> -> memref<1x16x768xf32, #tpu.memory_space<vmem>>
    %dma_start3A_687 = tpu.memref_squeeze %dma_start3A_686 : memref<1x16x768xf32, #tpu.memory_space<vmem>> -> memref<16x768xf32, #tpu.memory_space<vmem>>
    %dma_start3A_688 = arith.constant 0 : i32
    %dma_start3A_689 = tpu.memref_slice %arg2[%add3A_682, %dma_start3A_688] : memref<8192x768xf32, #tpu.memory_space<hbm>> -> memref<16x768xf32, #tpu.memory_space<hbm>>
    %dma_start3A_690 = arith.constant 0 : i32
    %dma_start3A_691 = arith.constant 0 : i32
    %dma_start3A_692 = tpu.memref_slice %arg12[%dma_start3A_683, %dma_start3A_690, %dma_start3A_691] : memref<8x16x768xf32, #tpu.memory_space<vmem>> -> memref<1x16x768xf32, #tpu.memory_space<vmem>>
    %dma_start3A_693 = tpu.memref_squeeze %dma_start3A_692 : memref<1x16x768xf32, #tpu.memory_space<vmem>> -> memref<16x768xf32, #tpu.memory_space<vmem>>
    %dma_start3A_694 = arith.constant 0 : i32
    %dma_start3A_695 = tpu.memref_slice %arg2[%add3A_682, %dma_start3A_694] : memref<8192x768xf32, #tpu.memory_space<hbm>> -> memref<16x768xf32, #tpu.memory_space<hbm>>
    tpu.enqueue_dma source(%dma_start3A_695 : memref<16x768xf32, #tpu.memory_space<hbm>>) target(%dma_start3A_693 : memref<16x768xf32, #tpu.memory_space<vmem>>) target_semaphore(%arg13 : memref<!tpu.dma_semaphore, #tpu.memory_space<semaphore_mem>>)
    %dma_wait3A_696 = arith.constant 0 : i32
    %dma_wait3A_697 = arith.constant 0 : i32
    %dma_wait3A_698 = arith.constant 0 : i32
    %dma_wait3A_699 = tpu.memref_slice %arg12[%dma_wait3A_696, %dma_wait3A_697, %dma_wait3A_698] : memref<8x16x768xf32, #tpu.memory_space<vmem>> -> memref<1x16x768xf32, #tpu.memory_space<vmem>>
    %dma_wait3A_700 = tpu.memref_squeeze %dma_wait3A_699 : memref<1x16x768xf32, #tpu.memory_space<vmem>> -> memref<16x768xf32, #tpu.memory_space<vmem>>
    %dma_wait3A_701 = arith.constant 0 : i32
    %dma_wait3A_702 = tpu.memref_slice %arg2[%add3A_318, %dma_wait3A_701] : memref<8192x768xf32, #tpu.memory_space<hbm>> -> memref<16x768xf32, #tpu.memory_space<hbm>>
    %dma_wait3A_703 = arith.constant 0 : i32
    %dma_wait3A_704 = arith.constant 0 : i32
    %dma_wait3A_705 = tpu.memref_slice %arg12[%dma_wait3A_696, %dma_wait3A_703, %dma_wait3A_704] : memref<8x16x768xf32, #tpu.memory_space<vmem>> -> memref<1x16x768xf32, #tpu.memory_space<vmem>>
    %dma_wait3A_706 = tpu.memref_squeeze %dma_wait3A_705 : memref<1x16x768xf32, #tpu.memory_space<vmem>> -> memref<16x768xf32, #tpu.memory_space<vmem>>
    %dma_wait3A_707 = arith.constant 0 : i32
    %dma_wait3A_708 = tpu.memref_slice %arg2[%add3A_318, %dma_wait3A_707] : memref<8192x768xf32, #tpu.memory_space<hbm>> -> memref<16x768xf32, #tpu.memory_space<hbm>>
    tpu.wait_dma2 semaphore(%arg13 : memref<!tpu.dma_semaphore, #tpu.memory_space<semaphore_mem>>) src(%dma_wait3A_708 : memref<16x768xf32, #tpu.memory_space<hbm>>) dst(%dma_wait3A_706 : memref<16x768xf32, #tpu.memory_space<vmem>>)
    %dma_start3A_709 = arith.constant 0 : i32
    %dma_start3A_710 = arith.constant 8 : i32
    %dma_start3A_711 = arith.constant 0 : i32
    %dma_start3A_712 = arith.constant 0 : i32
    %dma_start3A_713 = tpu.memref_slice %arg12[%dma_start3A_709, %dma_start3A_711, %dma_start3A_712] : memref<8x16x768xf32, #tpu.memory_space<vmem>> -> memref<1x16x768xf32, #tpu.memory_space<vmem>>
    %dma_start3A_714 = tpu.memref_squeeze %dma_start3A_713 : memref<1x16x768xf32, #tpu.memory_space<vmem>> -> memref<16x768xf32, #tpu.memory_space<vmem>>
    %dma_start3A_715 = arith.constant 0 : i32
    %dma_start3A_716 = tpu.memref_slice %arg11[%dma_start3A_710, %dma_start3A_715] : memref<16x16xi32, #tpu.memory_space<vmem>> -> memref<1x16xi32, #tpu.memory_space<vmem>>
    %dma_start3A_717 = tpu.memref_squeeze %dma_start3A_716 : memref<1x16xi32, #tpu.memory_space<vmem>> -> memref<16xi32, #tpu.memory_space<vmem>>
    %dma_start3A_718 = arith.constant 0 : i32
    %dma_start3A_719 = arith.constant 0 : i32
    %dma_start3A_720 = tpu.memref_slice %arg6[%dma_start3A_718, %dma_start3A_719] : memref<12288x768xf32, #tpu.memory_space<hbm>> -> memref<12288x768xf32, #tpu.memory_space<hbm>>
    tpu.enqueue_indirect_dma source(%dma_start3A_714 : memref<16x768xf32, #tpu.memory_space<vmem>>) target(%dma_start3A_720 : memref<12288x768xf32, #tpu.memory_space<hbm>>) offsets(%dma_start3A_717 : memref<16xi32, #tpu.memory_space<vmem>>) semaphore(%arg14 : memref<!tpu.dma_semaphore, #tpu.memory_space<semaphore_mem>>)
    %dma_wait3A_721 = arith.constant 1 : i32
    %dma_wait3A_722 = arith.constant 0 : i32
    %dma_wait3A_723 = arith.constant 0 : i32
    %dma_wait3A_724 = tpu.memref_slice %arg12[%dma_wait3A_721, %dma_wait3A_722, %dma_wait3A_723] : memref<8x16x768xf32, #tpu.memory_space<vmem>> -> memref<1x16x768xf32, #tpu.memory_space<vmem>>
    %dma_wait3A_725 = tpu.memref_squeeze %dma_wait3A_724 : memref<1x16x768xf32, #tpu.memory_space<vmem>> -> memref<16x768xf32, #tpu.memory_space<vmem>>
    %dma_wait3A_726 = arith.constant 0 : i32
    %dma_wait3A_727 = tpu.memref_slice %arg2[%add3A_370, %dma_wait3A_726] : memref<8192x768xf32, #tpu.memory_space<hbm>> -> memref<16x768xf32, #tpu.memory_space<hbm>>
    %dma_wait3A_728 = arith.constant 0 : i32
    %dma_wait3A_729 = arith.constant 0 : i32
    %dma_wait3A_730 = tpu.memref_slice %arg12[%dma_wait3A_721, %dma_wait3A_728, %dma_wait3A_729] : memref<8x16x768xf32, #tpu.memory_space<vmem>> -> memref<1x16x768xf32, #tpu.memory_space<vmem>>
    %dma_wait3A_731 = tpu.memref_squeeze %dma_wait3A_730 : memref<1x16x768xf32, #tpu.memory_space<vmem>> -> memref<16x768xf32, #tpu.memory_space<vmem>>
    %dma_wait3A_732 = arith.constant 0 : i32
    %dma_wait3A_733 = tpu.memref_slice %arg2[%add3A_370, %dma_wait3A_732] : memref<8192x768xf32, #tpu.memory_space<hbm>> -> memref<16x768xf32, #tpu.memory_space<hbm>>
    tpu.wait_dma2 semaphore(%arg13 : memref<!tpu.dma_semaphore, #tpu.memory_space<semaphore_mem>>) src(%dma_wait3A_733 : memref<16x768xf32, #tpu.memory_space<hbm>>) dst(%dma_wait3A_731 : memref<16x768xf32, #tpu.memory_space<vmem>>)
    %dma_start3A_734 = arith.constant 1 : i32
    %dma_start3A_735 = arith.constant 9 : i32
    %dma_start3A_736 = arith.constant 0 : i32
    %dma_start3A_737 = arith.constant 0 : i32
    %dma_start3A_738 = tpu.memref_slice %arg12[%dma_start3A_734, %dma_start3A_736, %dma_start3A_737] : memref<8x16x768xf32, #tpu.memory_space<vmem>> -> memref<1x16x768xf32, #tpu.memory_space<vmem>>
    %dma_start3A_739 = tpu.memref_squeeze %dma_start3A_738 : memref<1x16x768xf32, #tpu.memory_space<vmem>> -> memref<16x768xf32, #tpu.memory_space<vmem>>
    %dma_start3A_740 = arith.constant 0 : i32
    %dma_start3A_741 = tpu.memref_slice %arg11[%dma_start3A_735, %dma_start3A_740] : memref<16x16xi32, #tpu.memory_space<vmem>> -> memref<1x16xi32, #tpu.memory_space<vmem>>
    %dma_start3A_742 = tpu.memref_squeeze %dma_start3A_741 : memref<1x16xi32, #tpu.memory_space<vmem>> -> memref<16xi32, #tpu.memory_space<vmem>>
    %dma_start3A_743 = arith.constant 0 : i32
    %dma_start3A_744 = arith.constant 0 : i32
    %dma_start3A_745 = tpu.memref_slice %arg6[%dma_start3A_743, %dma_start3A_744] : memref<12288x768xf32, #tpu.memory_space<hbm>> -> memref<12288x768xf32, #tpu.memory_space<hbm>>
    tpu.enqueue_indirect_dma source(%dma_start3A_739 : memref<16x768xf32, #tpu.memory_space<vmem>>) target(%dma_start3A_745 : memref<12288x768xf32, #tpu.memory_space<hbm>>) offsets(%dma_start3A_742 : memref<16xi32, #tpu.memory_space<vmem>>) semaphore(%arg14 : memref<!tpu.dma_semaphore, #tpu.memory_space<semaphore_mem>>)
    %dma_wait3A_746 = arith.constant 2 : i32
    %dma_wait3A_747 = arith.constant 0 : i32
    %dma_wait3A_748 = arith.constant 0 : i32
    %dma_wait3A_749 = tpu.memref_slice %arg12[%dma_wait3A_746, %dma_wait3A_747, %dma_wait3A_748] : memref<8x16x768xf32, #tpu.memory_space<vmem>> -> memref<1x16x768xf32, #tpu.memory_space<vmem>>
    %dma_wait3A_750 = tpu.memref_squeeze %dma_wait3A_749 : memref<1x16x768xf32, #tpu.memory_space<vmem>> -> memref<16x768xf32, #tpu.memory_space<vmem>>
    %dma_wait3A_751 = arith.constant 0 : i32
    %dma_wait3A_752 = tpu.memref_slice %arg2[%add3A_422, %dma_wait3A_751] : memref<8192x768xf32, #tpu.memory_space<hbm>> -> memref<16x768xf32, #tpu.memory_space<hbm>>
    %dma_wait3A_753 = arith.constant 0 : i32
    %dma_wait3A_754 = arith.constant 0 : i32
    %dma_wait3A_755 = tpu.memref_slice %arg12[%dma_wait3A_746, %dma_wait3A_753, %dma_wait3A_754] : memref<8x16x768xf32, #tpu.memory_space<vmem>> -> memref<1x16x768xf32, #tpu.memory_space<vmem>>
    %dma_wait3A_756 = tpu.memref_squeeze %dma_wait3A_755 : memref<1x16x768xf32, #tpu.memory_space<vmem>> -> memref<16x768xf32, #tpu.memory_space<vmem>>
    %dma_wait3A_757 = arith.constant 0 : i32
    %dma_wait3A_758 = tpu.memref_slice %arg2[%add3A_422, %dma_wait3A_757] : memref<8192x768xf32, #tpu.memory_space<hbm>> -> memref<16x768xf32, #tpu.memory_space<hbm>>
    tpu.wait_dma2 semaphore(%arg13 : memref<!tpu.dma_semaphore, #tpu.memory_space<semaphore_mem>>) src(%dma_wait3A_758 : memref<16x768xf32, #tpu.memory_space<hbm>>) dst(%dma_wait3A_756 : memref<16x768xf32, #tpu.memory_space<vmem>>)
    %dma_start3A_759 = arith.constant 2 : i32
    %dma_start3A_760 = arith.constant 10 : i32
    %dma_start3A_761 = arith.constant 0 : i32
    %dma_start3A_762 = arith.constant 0 : i32
    %dma_start3A_763 = tpu.memref_slice %arg12[%dma_start3A_759, %dma_start3A_761, %dma_start3A_762] : memref<8x16x768xf32, #tpu.memory_space<vmem>> -> memref<1x16x768xf32, #tpu.memory_space<vmem>>
    %dma_start3A_764 = tpu.memref_squeeze %dma_start3A_763 : memref<1x16x768xf32, #tpu.memory_space<vmem>> -> memref<16x768xf32, #tpu.memory_space<vmem>>
    %dma_start3A_765 = arith.constant 0 : i32
    %dma_start3A_766 = tpu.memref_slice %arg11[%dma_start3A_760, %dma_start3A_765] : memref<16x16xi32, #tpu.memory_space<vmem>> -> memref<1x16xi32, #tpu.memory_space<vmem>>
    %dma_start3A_767 = tpu.memref_squeeze %dma_start3A_766 : memref<1x16xi32, #tpu.memory_space<vmem>> -> memref<16xi32, #tpu.memory_space<vmem>>
    %dma_start3A_768 = arith.constant 0 : i32
    %dma_start3A_769 = arith.constant 0 : i32
    %dma_start3A_770 = tpu.memref_slice %arg6[%dma_start3A_768, %dma_start3A_769] : memref<12288x768xf32, #tpu.memory_space<hbm>> -> memref<12288x768xf32, #tpu.memory_space<hbm>>
    tpu.enqueue_indirect_dma source(%dma_start3A_764 : memref<16x768xf32, #tpu.memory_space<vmem>>) target(%dma_start3A_770 : memref<12288x768xf32, #tpu.memory_space<hbm>>) offsets(%dma_start3A_767 : memref<16xi32, #tpu.memory_space<vmem>>) semaphore(%arg14 : memref<!tpu.dma_semaphore, #tpu.memory_space<semaphore_mem>>)
    %dma_wait3A_771 = arith.constant 3 : i32
    %dma_wait3A_772 = arith.constant 0 : i32
    %dma_wait3A_773 = arith.constant 0 : i32
    %dma_wait3A_774 = tpu.memref_slice %arg12[%dma_wait3A_771, %dma_wait3A_772, %dma_wait3A_773] : memref<8x16x768xf32, #tpu.memory_space<vmem>> -> memref<1x16x768xf32, #tpu.memory_space<vmem>>
    %dma_wait3A_775 = tpu.memref_squeeze %dma_wait3A_774 : memref<1x16x768xf32, #tpu.memory_space<vmem>> -> memref<16x768xf32, #tpu.memory_space<vmem>>
    %dma_wait3A_776 = arith.constant 0 : i32
    %dma_wait3A_777 = tpu.memref_slice %arg2[%add3A_474, %dma_wait3A_776] : memref<8192x768xf32, #tpu.memory_space<hbm>> -> memref<16x768xf32, #tpu.memory_space<hbm>>
    %dma_wait3A_778 = arith.constant 0 : i32
    %dma_wait3A_779 = arith.constant 0 : i32
    %dma_wait3A_780 = tpu.memref_slice %arg12[%dma_wait3A_771, %dma_wait3A_778, %dma_wait3A_779] : memref<8x16x768xf32, #tpu.memory_space<vmem>> -> memref<1x16x768xf32, #tpu.memory_space<vmem>>
    %dma_wait3A_781 = tpu.memref_squeeze %dma_wait3A_780 : memref<1x16x768xf32, #tpu.memory_space<vmem>> -> memref<16x768xf32, #tpu.memory_space<vmem>>
    %dma_wait3A_782 = arith.constant 0 : i32
    %dma_wait3A_783 = tpu.memref_slice %arg2[%add3A_474, %dma_wait3A_782] : memref<8192x768xf32, #tpu.memory_space<hbm>> -> memref<16x768xf32, #tpu.memory_space<hbm>>
    tpu.wait_dma2 semaphore(%arg13 : memref<!tpu.dma_semaphore, #tpu.memory_space<semaphore_mem>>) src(%dma_wait3A_783 : memref<16x768xf32, #tpu.memory_space<hbm>>) dst(%dma_wait3A_781 : memref<16x768xf32, #tpu.memory_space<vmem>>)
    %dma_start3A_784 = arith.constant 3 : i32
    %dma_start3A_785 = arith.constant 11 : i32
    %dma_start3A_786 = arith.constant 0 : i32
    %dma_start3A_787 = arith.constant 0 : i32
    %dma_start3A_788 = tpu.memref_slice %arg12[%dma_start3A_784, %dma_start3A_786, %dma_start3A_787] : memref<8x16x768xf32, #tpu.memory_space<vmem>> -> memref<1x16x768xf32, #tpu.memory_space<vmem>>
    %dma_start3A_789 = tpu.memref_squeeze %dma_start3A_788 : memref<1x16x768xf32, #tpu.memory_space<vmem>> -> memref<16x768xf32, #tpu.memory_space<vmem>>
    %dma_start3A_790 = arith.constant 0 : i32
    %dma_start3A_791 = tpu.memref_slice %arg11[%dma_start3A_785, %dma_start3A_790] : memref<16x16xi32, #tpu.memory_space<vmem>> -> memref<1x16xi32, #tpu.memory_space<vmem>>
    %dma_start3A_792 = tpu.memref_squeeze %dma_start3A_791 : memref<1x16xi32, #tpu.memory_space<vmem>> -> memref<16xi32, #tpu.memory_space<vmem>>
    %dma_start3A_793 = arith.constant 0 : i32
    %dma_start3A_794 = arith.constant 0 : i32
    %dma_start3A_795 = tpu.memref_slice %arg6[%dma_start3A_793, %dma_start3A_794] : memref<12288x768xf32, #tpu.memory_space<hbm>> -> memref<12288x768xf32, #tpu.memory_space<hbm>>
    tpu.enqueue_indirect_dma source(%dma_start3A_789 : memref<16x768xf32, #tpu.memory_space<vmem>>) target(%dma_start3A_795 : memref<12288x768xf32, #tpu.memory_space<hbm>>) offsets(%dma_start3A_792 : memref<16xi32, #tpu.memory_space<vmem>>) semaphore(%arg14 : memref<!tpu.dma_semaphore, #tpu.memory_space<semaphore_mem>>)
    %dma_wait3A_796 = arith.constant 4 : i32
    %dma_wait3A_797 = arith.constant 0 : i32
    %dma_wait3A_798 = arith.constant 0 : i32
    %dma_wait3A_799 = tpu.memref_slice %arg12[%dma_wait3A_796, %dma_wait3A_797, %dma_wait3A_798] : memref<8x16x768xf32, #tpu.memory_space<vmem>> -> memref<1x16x768xf32, #tpu.memory_space<vmem>>
    %dma_wait3A_800 = tpu.memref_squeeze %dma_wait3A_799 : memref<1x16x768xf32, #tpu.memory_space<vmem>> -> memref<16x768xf32, #tpu.memory_space<vmem>>
    %dma_wait3A_801 = arith.constant 0 : i32
    %dma_wait3A_802 = tpu.memref_slice %arg2[%add3A_526, %dma_wait3A_801] : memref<8192x768xf32, #tpu.memory_space<hbm>> -> memref<16x768xf32, #tpu.memory_space<hbm>>
    %dma_wait3A_803 = arith.constant 0 : i32
    %dma_wait3A_804 = arith.constant 0 : i32
    %dma_wait3A_805 = tpu.memref_slice %arg12[%dma_wait3A_796, %dma_wait3A_803, %dma_wait3A_804] : memref<8x16x768xf32, #tpu.memory_space<vmem>> -> memref<1x16x768xf32, #tpu.memory_space<vmem>>
    %dma_wait3A_806 = tpu.memref_squeeze %dma_wait3A_805 : memref<1x16x768xf32, #tpu.memory_space<vmem>> -> memref<16x768xf32, #tpu.memory_space<vmem>>
    %dma_wait3A_807 = arith.constant 0 : i32
    %dma_wait3A_808 = tpu.memref_slice %arg2[%add3A_526, %dma_wait3A_807] : memref<8192x768xf32, #tpu.memory_space<hbm>> -> memref<16x768xf32, #tpu.memory_space<hbm>>
    tpu.wait_dma2 semaphore(%arg13 : memref<!tpu.dma_semaphore, #tpu.memory_space<semaphore_mem>>) src(%dma_wait3A_808 : memref<16x768xf32, #tpu.memory_space<hbm>>) dst(%dma_wait3A_806 : memref<16x768xf32, #tpu.memory_space<vmem>>)
    %dma_start3A_809 = arith.constant 4 : i32
    %dma_start3A_810 = arith.constant 12 : i32
    %dma_start3A_811 = arith.constant 0 : i32
    %dma_start3A_812 = arith.constant 0 : i32
    %dma_start3A_813 = tpu.memref_slice %arg12[%dma_start3A_809, %dma_start3A_811, %dma_start3A_812] : memref<8x16x768xf32, #tpu.memory_space<vmem>> -> memref<1x16x768xf32, #tpu.memory_space<vmem>>
    %dma_start3A_814 = tpu.memref_squeeze %dma_start3A_813 : memref<1x16x768xf32, #tpu.memory_space<vmem>> -> memref<16x768xf32, #tpu.memory_space<vmem>>
    %dma_start3A_815 = arith.constant 0 : i32
    %dma_start3A_816 = tpu.memref_slice %arg11[%dma_start3A_810, %dma_start3A_815] : memref<16x16xi32, #tpu.memory_space<vmem>> -> memref<1x16xi32, #tpu.memory_space<vmem>>
    %dma_start3A_817 = tpu.memref_squeeze %dma_start3A_816 : memref<1x16xi32, #tpu.memory_space<vmem>> -> memref<16xi32, #tpu.memory_space<vmem>>
    %dma_start3A_818 = arith.constant 0 : i32
    %dma_start3A_819 = arith.constant 0 : i32
    %dma_start3A_820 = tpu.memref_slice %arg6[%dma_start3A_818, %dma_start3A_819] : memref<12288x768xf32, #tpu.memory_space<hbm>> -> memref<12288x768xf32, #tpu.memory_space<hbm>>
    tpu.enqueue_indirect_dma source(%dma_start3A_814 : memref<16x768xf32, #tpu.memory_space<vmem>>) target(%dma_start3A_820 : memref<12288x768xf32, #tpu.memory_space<hbm>>) offsets(%dma_start3A_817 : memref<16xi32, #tpu.memory_space<vmem>>) semaphore(%arg14 : memref<!tpu.dma_semaphore, #tpu.memory_space<semaphore_mem>>)
    %dma_wait3A_821 = arith.constant 5 : i32
    %dma_wait3A_822 = arith.constant 0 : i32
    %dma_wait3A_823 = arith.constant 0 : i32
    %dma_wait3A_824 = tpu.memref_slice %arg12[%dma_wait3A_821, %dma_wait3A_822, %dma_wait3A_823] : memref<8x16x768xf32, #tpu.memory_space<vmem>> -> memref<1x16x768xf32, #tpu.memory_space<vmem>>
    %dma_wait3A_825 = tpu.memref_squeeze %dma_wait3A_824 : memref<1x16x768xf32, #tpu.memory_space<vmem>> -> memref<16x768xf32, #tpu.memory_space<vmem>>
    %dma_wait3A_826 = arith.constant 0 : i32
    %dma_wait3A_827 = tpu.memref_slice %arg2[%add3A_578, %dma_wait3A_826] : memref<8192x768xf32, #tpu.memory_space<hbm>> -> memref<16x768xf32, #tpu.memory_space<hbm>>
    %dma_wait3A_828 = arith.constant 0 : i32
    %dma_wait3A_829 = arith.constant 0 : i32
    %dma_wait3A_830 = tpu.memref_slice %arg12[%dma_wait3A_821, %dma_wait3A_828, %dma_wait3A_829] : memref<8x16x768xf32, #tpu.memory_space<vmem>> -> memref<1x16x768xf32, #tpu.memory_space<vmem>>
    %dma_wait3A_831 = tpu.memref_squeeze %dma_wait3A_830 : memref<1x16x768xf32, #tpu.memory_space<vmem>> -> memref<16x768xf32, #tpu.memory_space<vmem>>
    %dma_wait3A_832 = arith.constant 0 : i32
    %dma_wait3A_833 = tpu.memref_slice %arg2[%add3A_578, %dma_wait3A_832] : memref<8192x768xf32, #tpu.memory_space<hbm>> -> memref<16x768xf32, #tpu.memory_space<hbm>>
    tpu.wait_dma2 semaphore(%arg13 : memref<!tpu.dma_semaphore, #tpu.memory_space<semaphore_mem>>) src(%dma_wait3A_833 : memref<16x768xf32, #tpu.memory_space<hbm>>) dst(%dma_wait3A_831 : memref<16x768xf32, #tpu.memory_space<vmem>>)
    %dma_start3A_834 = arith.constant 5 : i32
    %dma_start3A_835 = arith.constant 13 : i32
    %dma_start3A_836 = arith.constant 0 : i32
    %dma_start3A_837 = arith.constant 0 : i32
    %dma_start3A_838 = tpu.memref_slice %arg12[%dma_start3A_834, %dma_start3A_836, %dma_start3A_837] : memref<8x16x768xf32, #tpu.memory_space<vmem>> -> memref<1x16x768xf32, #tpu.memory_space<vmem>>
    %dma_start3A_839 = tpu.memref_squeeze %dma_start3A_838 : memref<1x16x768xf32, #tpu.memory_space<vmem>> -> memref<16x768xf32, #tpu.memory_space<vmem>>
    %dma_start3A_840 = arith.constant 0 : i32
    %dma_start3A_841 = tpu.memref_slice %arg11[%dma_start3A_835, %dma_start3A_840] : memref<16x16xi32, #tpu.memory_space<vmem>> -> memref<1x16xi32, #tpu.memory_space<vmem>>
    %dma_start3A_842 = tpu.memref_squeeze %dma_start3A_841 : memref<1x16xi32, #tpu.memory_space<vmem>> -> memref<16xi32, #tpu.memory_space<vmem>>
    %dma_start3A_843 = arith.constant 0 : i32
    %dma_start3A_844 = arith.constant 0 : i32
    %dma_start3A_845 = tpu.memref_slice %arg6[%dma_start3A_843, %dma_start3A_844] : memref<12288x768xf32, #tpu.memory_space<hbm>> -> memref<12288x768xf32, #tpu.memory_space<hbm>>
    tpu.enqueue_indirect_dma source(%dma_start3A_839 : memref<16x768xf32, #tpu.memory_space<vmem>>) target(%dma_start3A_845 : memref<12288x768xf32, #tpu.memory_space<hbm>>) offsets(%dma_start3A_842 : memref<16xi32, #tpu.memory_space<vmem>>) semaphore(%arg14 : memref<!tpu.dma_semaphore, #tpu.memory_space<semaphore_mem>>)
    %dma_wait3A_846 = arith.constant 6 : i32
    %dma_wait3A_847 = arith.constant 0 : i32
    %dma_wait3A_848 = arith.constant 0 : i32
    %dma_wait3A_849 = tpu.memref_slice %arg12[%dma_wait3A_846, %dma_wait3A_847, %dma_wait3A_848] : memref<8x16x768xf32, #tpu.memory_space<vmem>> -> memref<1x16x768xf32, #tpu.memory_space<vmem>>
    %dma_wait3A_850 = tpu.memref_squeeze %dma_wait3A_849 : memref<1x16x768xf32, #tpu.memory_space<vmem>> -> memref<16x768xf32, #tpu.memory_space<vmem>>
    %dma_wait3A_851 = arith.constant 0 : i32
    %dma_wait3A_852 = tpu.memref_slice %arg2[%add3A_630, %dma_wait3A_851] : memref<8192x768xf32, #tpu.memory_space<hbm>> -> memref<16x768xf32, #tpu.memory_space<hbm>>
    %dma_wait3A_853 = arith.constant 0 : i32
    %dma_wait3A_854 = arith.constant 0 : i32
    %dma_wait3A_855 = tpu.memref_slice %arg12[%dma_wait3A_846, %dma_wait3A_853, %dma_wait3A_854] : memref<8x16x768xf32, #tpu.memory_space<vmem>> -> memref<1x16x768xf32, #tpu.memory_space<vmem>>
    %dma_wait3A_856 = tpu.memref_squeeze %dma_wait3A_855 : memref<1x16x768xf32, #tpu.memory_space<vmem>> -> memref<16x768xf32, #tpu.memory_space<vmem>>
    %dma_wait3A_857 = arith.constant 0 : i32
    %dma_wait3A_858 = tpu.memref_slice %arg2[%add3A_630, %dma_wait3A_857] : memref<8192x768xf32, #tpu.memory_space<hbm>> -> memref<16x768xf32, #tpu.memory_space<hbm>>
    tpu.wait_dma2 semaphore(%arg13 : memref<!tpu.dma_semaphore, #tpu.memory_space<semaphore_mem>>) src(%dma_wait3A_858 : memref<16x768xf32, #tpu.memory_space<hbm>>) dst(%dma_wait3A_856 : memref<16x768xf32, #tpu.memory_space<vmem>>)
    %dma_start3A_859 = arith.constant 6 : i32
    %dma_start3A_860 = arith.constant 14 : i32
    %dma_start3A_861 = arith.constant 0 : i32
    %dma_start3A_862 = arith.constant 0 : i32
    %dma_start3A_863 = tpu.memref_slice %arg12[%dma_start3A_859, %dma_start3A_861, %dma_start3A_862] : memref<8x16x768xf32, #tpu.memory_space<vmem>> -> memref<1x16x768xf32, #tpu.memory_space<vmem>>
    %dma_start3A_864 = tpu.memref_squeeze %dma_start3A_863 : memref<1x16x768xf32, #tpu.memory_space<vmem>> -> memref<16x768xf32, #tpu.memory_space<vmem>>
    %dma_start3A_865 = arith.constant 0 : i32
    %dma_start3A_866 = tpu.memref_slice %arg11[%dma_start3A_860, %dma_start3A_865] : memref<16x16xi32, #tpu.memory_space<vmem>> -> memref<1x16xi32, #tpu.memory_space<vmem>>
    %dma_start3A_867 = tpu.memref_squeeze %dma_start3A_866 : memref<1x16xi32, #tpu.memory_space<vmem>> -> memref<16xi32, #tpu.memory_space<vmem>>
    %dma_start3A_868 = arith.constant 0 : i32
    %dma_start3A_869 = arith.constant 0 : i32
    %dma_start3A_870 = tpu.memref_slice %arg6[%dma_start3A_868, %dma_start3A_869] : memref<12288x768xf32, #tpu.memory_space<hbm>> -> memref<12288x768xf32, #tpu.memory_space<hbm>>
    tpu.enqueue_indirect_dma source(%dma_start3A_864 : memref<16x768xf32, #tpu.memory_space<vmem>>) target(%dma_start3A_870 : memref<12288x768xf32, #tpu.memory_space<hbm>>) offsets(%dma_start3A_867 : memref<16xi32, #tpu.memory_space<vmem>>) semaphore(%arg14 : memref<!tpu.dma_semaphore, #tpu.memory_space<semaphore_mem>>)
    %dma_wait3A_871 = arith.constant 7 : i32
    %dma_wait3A_872 = arith.constant 0 : i32
    %dma_wait3A_873 = arith.constant 0 : i32
    %dma_wait3A_874 = tpu.memref_slice %arg12[%dma_wait3A_871, %dma_wait3A_872, %dma_wait3A_873] : memref<8x16x768xf32, #tpu.memory_space<vmem>> -> memref<1x16x768xf32, #tpu.memory_space<vmem>>
    %dma_wait3A_875 = tpu.memref_squeeze %dma_wait3A_874 : memref<1x16x768xf32, #tpu.memory_space<vmem>> -> memref<16x768xf32, #tpu.memory_space<vmem>>
    %dma_wait3A_876 = arith.constant 0 : i32
    %dma_wait3A_877 = tpu.memref_slice %arg2[%add3A_682, %dma_wait3A_876] : memref<8192x768xf32, #tpu.memory_space<hbm>> -> memref<16x768xf32, #tpu.memory_space<hbm>>
    %dma_wait3A_878 = arith.constant 0 : i32
    %dma_wait3A_879 = arith.constant 0 : i32
    %dma_wait3A_880 = tpu.memref_slice %arg12[%dma_wait3A_871, %dma_wait3A_878, %dma_wait3A_879] : memref<8x16x768xf32, #tpu.memory_space<vmem>> -> memref<1x16x768xf32, #tpu.memory_space<vmem>>
    %dma_wait3A_881 = tpu.memref_squeeze %dma_wait3A_880 : memref<1x16x768xf32, #tpu.memory_space<vmem>> -> memref<16x768xf32, #tpu.memory_space<vmem>>
    %dma_wait3A_882 = arith.constant 0 : i32
    %dma_wait3A_883 = tpu.memref_slice %arg2[%add3A_682, %dma_wait3A_882] : memref<8192x768xf32, #tpu.memory_space<hbm>> -> memref<16x768xf32, #tpu.memory_space<hbm>>
    tpu.wait_dma2 semaphore(%arg13 : memref<!tpu.dma_semaphore, #tpu.memory_space<semaphore_mem>>) src(%dma_wait3A_883 : memref<16x768xf32, #tpu.memory_space<hbm>>) dst(%dma_wait3A_881 : memref<16x768xf32, #tpu.memory_space<vmem>>)
    %dma_start3A_884 = arith.constant 7 : i32
    %dma_start3A_885 = arith.constant 15 : i32
    %dma_start3A_886 = arith.constant 0 : i32
    %dma_start3A_887 = arith.constant 0 : i32
    %dma_start3A_888 = tpu.memref_slice %arg12[%dma_start3A_884, %dma_start3A_886, %dma_start3A_887] : memref<8x16x768xf32, #tpu.memory_space<vmem>> -> memref<1x16x768xf32, #tpu.memory_space<vmem>>
    %dma_start3A_889 = tpu.memref_squeeze %dma_start3A_888 : memref<1x16x768xf32, #tpu.memory_space<vmem>> -> memref<16x768xf32, #tpu.memory_space<vmem>>
    %dma_start3A_890 = arith.constant 0 : i32
    %dma_start3A_891 = tpu.memref_slice %arg11[%dma_start3A_885, %dma_start3A_890] : memref<16x16xi32, #tpu.memory_space<vmem>> -> memref<1x16xi32, #tpu.memory_space<vmem>>
    %dma_start3A_892 = tpu.memref_squeeze %dma_start3A_891 : memref<1x16xi32, #tpu.memory_space<vmem>> -> memref<16xi32, #tpu.memory_space<vmem>>
    %dma_start3A_893 = arith.constant 0 : i32
    %dma_start3A_894 = arith.constant 0 : i32
    %dma_start3A_895 = tpu.memref_slice %arg6[%dma_start3A_893, %dma_start3A_894] : memref<12288x768xf32, #tpu.memory_space<hbm>> -> memref<12288x768xf32, #tpu.memory_space<hbm>>
    tpu.enqueue_indirect_dma source(%dma_start3A_889 : memref<16x768xf32, #tpu.memory_space<vmem>>) target(%dma_start3A_895 : memref<12288x768xf32, #tpu.memory_space<hbm>>) offsets(%dma_start3A_892 : memref<16xi32, #tpu.memory_space<vmem>>) semaphore(%arg14 : memref<!tpu.dma_semaphore, #tpu.memory_space<semaphore_mem>>)
    %dma_wait3A_896 = arith.constant 0 : i32
    %dma_wait3A_897 = arith.constant 8 : i32
    %dma_wait3A_898 = arith.constant 0 : i32
    %dma_wait3A_899 = arith.constant 0 : i32
    %dma_wait3A_900 = tpu.memref_slice %arg12[%dma_wait3A_896, %dma_wait3A_898, %dma_wait3A_899] : memref<8x16x768xf32, #tpu.memory_space<vmem>> -> memref<1x16x768xf32, #tpu.memory_space<vmem>>
    %dma_wait3A_901 = tpu.memref_squeeze %dma_wait3A_900 : memref<1x16x768xf32, #tpu.memory_space<vmem>> -> memref<16x768xf32, #tpu.memory_space<vmem>>
    %dma_wait3A_902 = arith.constant 0 : i32
    %dma_wait3A_903 = tpu.memref_slice %arg11[%dma_wait3A_897, %dma_wait3A_902] : memref<16x16xi32, #tpu.memory_space<vmem>> -> memref<1x16xi32, #tpu.memory_space<vmem>>
    %dma_wait3A_904 = tpu.memref_squeeze %dma_wait3A_903 : memref<1x16xi32, #tpu.memory_space<vmem>> -> memref<16xi32, #tpu.memory_space<vmem>>
    %dma_wait3A_905 = arith.constant 0 : i32
    %dma_wait3A_906 = arith.constant 0 : i32
    %dma_wait3A_907 = tpu.memref_slice %arg6[%dma_wait3A_905, %dma_wait3A_906] : memref<12288x768xf32, #tpu.memory_space<hbm>> -> memref<12288x768xf32, #tpu.memory_space<hbm>>
    tpu.wait_indirect_dma semaphore(%arg14 : memref<!tpu.dma_semaphore, #tpu.memory_space<semaphore_mem>>) src(%dma_wait3A_901 : memref<16x768xf32, #tpu.memory_space<vmem>>) dst(%dma_wait3A_907 : memref<12288x768xf32, #tpu.memory_space<hbm>>)
    %dma_wait3A_908 = arith.constant 1 : i32
    %dma_wait3A_909 = arith.constant 9 : i32
    %dma_wait3A_910 = arith.constant 0 : i32
    %dma_wait3A_911 = arith.constant 0 : i32
    %dma_wait3A_912 = tpu.memref_slice %arg12[%dma_wait3A_908, %dma_wait3A_910, %dma_wait3A_911] : memref<8x16x768xf32, #tpu.memory_space<vmem>> -> memref<1x16x768xf32, #tpu.memory_space<vmem>>
    %dma_wait3A_913 = tpu.memref_squeeze %dma_wait3A_912 : memref<1x16x768xf32, #tpu.memory_space<vmem>> -> memref<16x768xf32, #tpu.memory_space<vmem>>
    %dma_wait3A_914 = arith.constant 0 : i32
    %dma_wait3A_915 = tpu.memref_slice %arg11[%dma_wait3A_909, %dma_wait3A_914] : memref<16x16xi32, #tpu.memory_space<vmem>> -> memref<1x16xi32, #tpu.memory_space<vmem>>
    %dma_wait3A_916 = tpu.memref_squeeze %dma_wait3A_915 : memref<1x16xi32, #tpu.memory_space<vmem>> -> memref<16xi32, #tpu.memory_space<vmem>>
    %dma_wait3A_917 = arith.constant 0 : i32
    %dma_wait3A_918 = arith.constant 0 : i32
    %dma_wait3A_919 = tpu.memref_slice %arg6[%dma_wait3A_917, %dma_wait3A_918] : memref<12288x768xf32, #tpu.memory_space<hbm>> -> memref<12288x768xf32, #tpu.memory_space<hbm>>
    tpu.wait_indirect_dma semaphore(%arg14 : memref<!tpu.dma_semaphore, #tpu.memory_space<semaphore_mem>>) src(%dma_wait3A_913 : memref<16x768xf32, #tpu.memory_space<vmem>>) dst(%dma_wait3A_919 : memref<12288x768xf32, #tpu.memory_space<hbm>>)
    %dma_wait3A_920 = arith.constant 2 : i32
    %dma_wait3A_921 = arith.constant 10 : i32
    %dma_wait3A_922 = arith.constant 0 : i32
    %dma_wait3A_923 = arith.constant 0 : i32
    %dma_wait3A_924 = tpu.memref_slice %arg12[%dma_wait3A_920, %dma_wait3A_922, %dma_wait3A_923] : memref<8x16x768xf32, #tpu.memory_space<vmem>> -> memref<1x16x768xf32, #tpu.memory_space<vmem>>
    %dma_wait3A_925 = tpu.memref_squeeze %dma_wait3A_924 : memref<1x16x768xf32, #tpu.memory_space<vmem>> -> memref<16x768xf32, #tpu.memory_space<vmem>>
    %dma_wait3A_926 = arith.constant 0 : i32
    %dma_wait3A_927 = tpu.memref_slice %arg11[%dma_wait3A_921, %dma_wait3A_926] : memref<16x16xi32, #tpu.memory_space<vmem>> -> memref<1x16xi32, #tpu.memory_space<vmem>>
    %dma_wait3A_928 = tpu.memref_squeeze %dma_wait3A_927 : memref<1x16xi32, #tpu.memory_space<vmem>> -> memref<16xi32, #tpu.memory_space<vmem>>
    %dma_wait3A_929 = arith.constant 0 : i32
    %dma_wait3A_930 = arith.constant 0 : i32
    %dma_wait3A_931 = tpu.memref_slice %arg6[%dma_wait3A_929, %dma_wait3A_930] : memref<12288x768xf32, #tpu.memory_space<hbm>> -> memref<12288x768xf32, #tpu.memory_space<hbm>>
    tpu.wait_indirect_dma semaphore(%arg14 : memref<!tpu.dma_semaphore, #tpu.memory_space<semaphore_mem>>) src(%dma_wait3A_925 : memref<16x768xf32, #tpu.memory_space<vmem>>) dst(%dma_wait3A_931 : memref<12288x768xf32, #tpu.memory_space<hbm>>)
    %dma_wait3A_932 = arith.constant 3 : i32
    %dma_wait3A_933 = arith.constant 11 : i32
    %dma_wait3A_934 = arith.constant 0 : i32
    %dma_wait3A_935 = arith.constant 0 : i32
    %dma_wait3A_936 = tpu.memref_slice %arg12[%dma_wait3A_932, %dma_wait3A_934, %dma_wait3A_935] : memref<8x16x768xf32, #tpu.memory_space<vmem>> -> memref<1x16x768xf32, #tpu.memory_space<vmem>>
    %dma_wait3A_937 = tpu.memref_squeeze %dma_wait3A_936 : memref<1x16x768xf32, #tpu.memory_space<vmem>> -> memref<16x768xf32, #tpu.memory_space<vmem>>
    %dma_wait3A_938 = arith.constant 0 : i32
    %dma_wait3A_939 = tpu.memref_slice %arg11[%dma_wait3A_933, %dma_wait3A_938] : memref<16x16xi32, #tpu.memory_space<vmem>> -> memref<1x16xi32, #tpu.memory_space<vmem>>
    %dma_wait3A_940 = tpu.memref_squeeze %dma_wait3A_939 : memref<1x16xi32, #tpu.memory_space<vmem>> -> memref<16xi32, #tpu.memory_space<vmem>>
    %dma_wait3A_941 = arith.constant 0 : i32
    %dma_wait3A_942 = arith.constant 0 : i32
    %dma_wait3A_943 = tpu.memref_slice %arg6[%dma_wait3A_941, %dma_wait3A_942] : memref<12288x768xf32, #tpu.memory_space<hbm>> -> memref<12288x768xf32, #tpu.memory_space<hbm>>
    tpu.wait_indirect_dma semaphore(%arg14 : memref<!tpu.dma_semaphore, #tpu.memory_space<semaphore_mem>>) src(%dma_wait3A_937 : memref<16x768xf32, #tpu.memory_space<vmem>>) dst(%dma_wait3A_943 : memref<12288x768xf32, #tpu.memory_space<hbm>>)
    %dma_wait3A_944 = arith.constant 4 : i32
    %dma_wait3A_945 = arith.constant 12 : i32
    %dma_wait3A_946 = arith.constant 0 : i32
    %dma_wait3A_947 = arith.constant 0 : i32
    %dma_wait3A_948 = tpu.memref_slice %arg12[%dma_wait3A_944, %dma_wait3A_946, %dma_wait3A_947] : memref<8x16x768xf32, #tpu.memory_space<vmem>> -> memref<1x16x768xf32, #tpu.memory_space<vmem>>
    %dma_wait3A_949 = tpu.memref_squeeze %dma_wait3A_948 : memref<1x16x768xf32, #tpu.memory_space<vmem>> -> memref<16x768xf32, #tpu.memory_space<vmem>>
    %dma_wait3A_950 = arith.constant 0 : i32
    %dma_wait3A_951 = tpu.memref_slice %arg11[%dma_wait3A_945, %dma_wait3A_950] : memref<16x16xi32, #tpu.memory_space<vmem>> -> memref<1x16xi32, #tpu.memory_space<vmem>>
    %dma_wait3A_952 = tpu.memref_squeeze %dma_wait3A_951 : memref<1x16xi32, #tpu.memory_space<vmem>> -> memref<16xi32, #tpu.memory_space<vmem>>
    %dma_wait3A_953 = arith.constant 0 : i32
    %dma_wait3A_954 = arith.constant 0 : i32
    %dma_wait3A_955 = tpu.memref_slice %arg6[%dma_wait3A_953, %dma_wait3A_954] : memref<12288x768xf32, #tpu.memory_space<hbm>> -> memref<12288x768xf32, #tpu.memory_space<hbm>>
    tpu.wait_indirect_dma semaphore(%arg14 : memref<!tpu.dma_semaphore, #tpu.memory_space<semaphore_mem>>) src(%dma_wait3A_949 : memref<16x768xf32, #tpu.memory_space<vmem>>) dst(%dma_wait3A_955 : memref<12288x768xf32, #tpu.memory_space<hbm>>)
    %dma_wait3A_956 = arith.constant 5 : i32
    %dma_wait3A_957 = arith.constant 13 : i32
    %dma_wait3A_958 = arith.constant 0 : i32
    %dma_wait3A_959 = arith.constant 0 : i32
    %dma_wait3A_960 = tpu.memref_slice %arg12[%dma_wait3A_956, %dma_wait3A_958, %dma_wait3A_959] : memref<8x16x768xf32, #tpu.memory_space<vmem>> -> memref<1x16x768xf32, #tpu.memory_space<vmem>>
    %dma_wait3A_961 = tpu.memref_squeeze %dma_wait3A_960 : memref<1x16x768xf32, #tpu.memory_space<vmem>> -> memref<16x768xf32, #tpu.memory_space<vmem>>
    %dma_wait3A_962 = arith.constant 0 : i32
    %dma_wait3A_963 = tpu.memref_slice %arg11[%dma_wait3A_957, %dma_wait3A_962] : memref<16x16xi32, #tpu.memory_space<vmem>> -> memref<1x16xi32, #tpu.memory_space<vmem>>
    %dma_wait3A_964 = tpu.memref_squeeze %dma_wait3A_963 : memref<1x16xi32, #tpu.memory_space<vmem>> -> memref<16xi32, #tpu.memory_space<vmem>>
    %dma_wait3A_965 = arith.constant 0 : i32
    %dma_wait3A_966 = arith.constant 0 : i32
    %dma_wait3A_967 = tpu.memref_slice %arg6[%dma_wait3A_965, %dma_wait3A_966] : memref<12288x768xf32, #tpu.memory_space<hbm>> -> memref<12288x768xf32, #tpu.memory_space<hbm>>
    tpu.wait_indirect_dma semaphore(%arg14 : memref<!tpu.dma_semaphore, #tpu.memory_space<semaphore_mem>>) src(%dma_wait3A_961 : memref<16x768xf32, #tpu.memory_space<vmem>>) dst(%dma_wait3A_967 : memref<12288x768xf32, #tpu.memory_space<hbm>>)
    %dma_wait3A_968 = arith.constant 6 : i32
    %dma_wait3A_969 = arith.constant 14 : i32
    %dma_wait3A_970 = arith.constant 0 : i32
    %dma_wait3A_971 = arith.constant 0 : i32
    %dma_wait3A_972 = tpu.memref_slice %arg12[%dma_wait3A_968, %dma_wait3A_970, %dma_wait3A_971] : memref<8x16x768xf32, #tpu.memory_space<vmem>> -> memref<1x16x768xf32, #tpu.memory_space<vmem>>
    %dma_wait3A_973 = tpu.memref_squeeze %dma_wait3A_972 : memref<1x16x768xf32, #tpu.memory_space<vmem>> -> memref<16x768xf32, #tpu.memory_space<vmem>>
    %dma_wait3A_974 = arith.constant 0 : i32
    %dma_wait3A_975 = tpu.memref_slice %arg11[%dma_wait3A_969, %dma_wait3A_974] : memref<16x16xi32, #tpu.memory_space<vmem>> -> memref<1x16xi32, #tpu.memory_space<vmem>>
    %dma_wait3A_976 = tpu.memref_squeeze %dma_wait3A_975 : memref<1x16xi32, #tpu.memory_space<vmem>> -> memref<16xi32, #tpu.memory_space<vmem>>
    %dma_wait3A_977 = arith.constant 0 : i32
    %dma_wait3A_978 = arith.constant 0 : i32
    %dma_wait3A_979 = tpu.memref_slice %arg6[%dma_wait3A_977, %dma_wait3A_978] : memref<12288x768xf32, #tpu.memory_space<hbm>> -> memref<12288x768xf32, #tpu.memory_space<hbm>>
    tpu.wait_indirect_dma semaphore(%arg14 : memref<!tpu.dma_semaphore, #tpu.memory_space<semaphore_mem>>) src(%dma_wait3A_973 : memref<16x768xf32, #tpu.memory_space<vmem>>) dst(%dma_wait3A_979 : memref<12288x768xf32, #tpu.memory_space<hbm>>)
    %dma_wait3A_980 = arith.constant 7 : i32
    %dma_wait3A_981 = arith.constant 15 : i32
    %dma_wait3A_982 = arith.constant 0 : i32
    %dma_wait3A_983 = arith.constant 0 : i32
    %dma_wait3A_984 = tpu.memref_slice %arg12[%dma_wait3A_980, %dma_wait3A_982, %dma_wait3A_983] : memref<8x16x768xf32, #tpu.memory_space<vmem>> -> memref<1x16x768xf32, #tpu.memory_space<vmem>>
    %dma_wait3A_985 = tpu.memref_squeeze %dma_wait3A_984 : memref<1x16x768xf32, #tpu.memory_space<vmem>> -> memref<16x768xf32, #tpu.memory_space<vmem>>
    %dma_wait3A_986 = arith.constant 0 : i32
    %dma_wait3A_987 = tpu.memref_slice %arg11[%dma_wait3A_981, %dma_wait3A_986] : memref<16x16xi32, #tpu.memory_space<vmem>> -> memref<1x16xi32, #tpu.memory_space<vmem>>
    %dma_wait3A_988 = tpu.memref_squeeze %dma_wait3A_987 : memref<1x16xi32, #tpu.memory_space<vmem>> -> memref<16xi32, #tpu.memory_space<vmem>>
    %dma_wait3A_989 = arith.constant 0 : i32
    %dma_wait3A_990 = arith.constant 0 : i32
    %dma_wait3A_991 = tpu.memref_slice %arg6[%dma_wait3A_989, %dma_wait3A_990] : memref<12288x768xf32, #tpu.memory_space<hbm>> -> memref<12288x768xf32, #tpu.memory_space<hbm>>
    tpu.wait_indirect_dma semaphore(%arg14 : memref<!tpu.dma_semaphore, #tpu.memory_space<semaphore_mem>>) src(%dma_wait3A_985 : memref<16x768xf32, #tpu.memory_space<vmem>>) dst(%dma_wait3A_991 : memref<12288x768xf32, #tpu.memory_space<hbm>>)
    return
  }
}

#map = affine_map<(d0, d1) -> (0, 0)>
module attributes {stable_mosaic.version = 14 : i64} {
  func.func @_combine_call(%arg0: i32, %arg1: i32, %arg2: memref<12288x768xf32, #tpu.memory_space<hbm>>, %arg3: memref<512x16xi32, #tpu.memory_space<hbm>>, %arg4: memref<8192x768xf32, #tpu.memory_space<hbm>>, %arg5: memref<16x16xi32, #tpu.memory_space<vmem>>, %arg6: memref<8x16x768xf32, #tpu.memory_space<vmem>>, %arg7: memref<!tpu.dma_semaphore, #tpu.memory_space<semaphore_mem>>, %arg8: memref<!tpu.dma_semaphore, #tpu.memory_space<semaphore_mem>>) attributes {dimension_semantics = [#tpu.dimension_semantics<core_parallel>, #tpu.dimension_semantics<subcore_parallel>], iteration_bounds = array<i64: 2, 16>, scalar_prefetch = 0 : i64, scratch_operands = 4 : i64, tpu.core_type = #tpu.core_type<sc_vector_subcore>, window_params = [{transform_indices = #map}, {transform_indices = #map}, {transform_indices = #map}]} {
    %mul3A = arith.constant 2 : i32
    %mul3A_0 = arith.muli %arg1, %mul3A : i32
    %add3A = arith.addi %mul3A_0, %arg0 : i32
    %mul3A_1 = arith.constant 256 : i32
    %mul3A_2 = arith.muli %add3A, %mul3A_1 : i32
    %mul3A_3 = arith.constant 16 : i32
    %mul3A_4 = arith.muli %add3A, %mul3A_3 : i32
    "tpu.region"() ({
      %run_scoped3A = tpu.sem_alloc : memref<!tpu.dma_semaphore, #tpu.memory_space<semaphore_mem>>
      %dma_start3A_835 = arith.constant 0 : i32
      %dma_start3A_836 = tpu.memref_slice %arg3[%mul3A_4, %dma_start3A_835] : memref<512x16xi32, #tpu.memory_space<hbm>> -> memref<16x16xi32, #tpu.memory_space<hbm>>
      %dma_start3A_837 = arith.constant 0 : i32
      %dma_start3A_838 = tpu.memref_slice %arg3[%mul3A_4, %dma_start3A_837] : memref<512x16xi32, #tpu.memory_space<hbm>> -> memref<16x16xi32, #tpu.memory_space<hbm>>
      tpu.enqueue_dma source(%dma_start3A_838 : memref<16x16xi32, #tpu.memory_space<hbm>>) target(%arg5 : memref<16x16xi32, #tpu.memory_space<vmem>>) target_semaphore(%run_scoped3A : memref<!tpu.dma_semaphore, #tpu.memory_space<semaphore_mem>>)
      %dma_wait3A_839 = arith.constant 0 : i32
      %dma_wait3A_840 = tpu.memref_slice %arg3[%mul3A_4, %dma_wait3A_839] : memref<512x16xi32, #tpu.memory_space<hbm>> -> memref<16x16xi32, #tpu.memory_space<hbm>>
      %dma_wait3A_841 = arith.constant 0 : i32
      %dma_wait3A_842 = tpu.memref_slice %arg3[%mul3A_4, %dma_wait3A_841] : memref<512x16xi32, #tpu.memory_space<hbm>> -> memref<16x16xi32, #tpu.memory_space<hbm>>
      tpu.wait_dma2 semaphore(%run_scoped3A : memref<!tpu.dma_semaphore, #tpu.memory_space<semaphore_mem>>) src(%dma_wait3A_842 : memref<16x16xi32, #tpu.memory_space<hbm>>) dst(%arg5 : memref<16x16xi32, #tpu.memory_space<vmem>>)
      tpu.yield
    }) : () -> ()
    %dma_start3A = arith.constant 0 : i32
    %dma_start3A_5 = arith.constant 0 : i32
    %dma_start3A_6 = arith.constant 0 : i32
    %dma_start3A_7 = arith.constant 0 : i32
    %dma_start3A_8 = tpu.memref_slice %arg6[%dma_start3A_5, %dma_start3A_6, %dma_start3A_7] : memref<8x16x768xf32, #tpu.memory_space<vmem>> -> memref<1x16x768xf32, #tpu.memory_space<vmem>>
    %dma_start3A_9 = tpu.memref_squeeze %dma_start3A_8 : memref<1x16x768xf32, #tpu.memory_space<vmem>> -> memref<16x768xf32, #tpu.memory_space<vmem>>
    %dma_start3A_10 = arith.constant 0 : i32
    %dma_start3A_11 = tpu.memref_slice %arg5[%dma_start3A, %dma_start3A_10] : memref<16x16xi32, #tpu.memory_space<vmem>> -> memref<1x16xi32, #tpu.memory_space<vmem>>
    %dma_start3A_12 = tpu.memref_squeeze %dma_start3A_11 : memref<1x16xi32, #tpu.memory_space<vmem>> -> memref<16xi32, #tpu.memory_space<vmem>>
    %dma_start3A_13 = arith.constant 0 : i32
    %dma_start3A_14 = arith.constant 0 : i32
    %dma_start3A_15 = tpu.memref_slice %arg2[%dma_start3A_13, %dma_start3A_14] : memref<12288x768xf32, #tpu.memory_space<hbm>> -> memref<12288x768xf32, #tpu.memory_space<hbm>>
    tpu.enqueue_indirect_dma source(%dma_start3A_15 : memref<12288x768xf32, #tpu.memory_space<hbm>>) target(%dma_start3A_9 : memref<16x768xf32, #tpu.memory_space<vmem>>) offsets(%dma_start3A_12 : memref<16xi32, #tpu.memory_space<vmem>>) semaphore(%arg7 : memref<!tpu.dma_semaphore, #tpu.memory_space<semaphore_mem>>)
    %dma_start3A_16 = arith.constant 1 : i32
    %dma_start3A_17 = arith.constant 1 : i32
    %dma_start3A_18 = arith.constant 0 : i32
    %dma_start3A_19 = arith.constant 0 : i32
    %dma_start3A_20 = tpu.memref_slice %arg6[%dma_start3A_17, %dma_start3A_18, %dma_start3A_19] : memref<8x16x768xf32, #tpu.memory_space<vmem>> -> memref<1x16x768xf32, #tpu.memory_space<vmem>>
    %dma_start3A_21 = tpu.memref_squeeze %dma_start3A_20 : memref<1x16x768xf32, #tpu.memory_space<vmem>> -> memref<16x768xf32, #tpu.memory_space<vmem>>
    %dma_start3A_22 = arith.constant 0 : i32
    %dma_start3A_23 = tpu.memref_slice %arg5[%dma_start3A_16, %dma_start3A_22] : memref<16x16xi32, #tpu.memory_space<vmem>> -> memref<1x16xi32, #tpu.memory_space<vmem>>
    %dma_start3A_24 = tpu.memref_squeeze %dma_start3A_23 : memref<1x16xi32, #tpu.memory_space<vmem>> -> memref<16xi32, #tpu.memory_space<vmem>>
    %dma_start3A_25 = arith.constant 0 : i32
    %dma_start3A_26 = arith.constant 0 : i32
    %dma_start3A_27 = tpu.memref_slice %arg2[%dma_start3A_25, %dma_start3A_26] : memref<12288x768xf32, #tpu.memory_space<hbm>> -> memref<12288x768xf32, #tpu.memory_space<hbm>>
    tpu.enqueue_indirect_dma source(%dma_start3A_27 : memref<12288x768xf32, #tpu.memory_space<hbm>>) target(%dma_start3A_21 : memref<16x768xf32, #tpu.memory_space<vmem>>) offsets(%dma_start3A_24 : memref<16xi32, #tpu.memory_space<vmem>>) semaphore(%arg7 : memref<!tpu.dma_semaphore, #tpu.memory_space<semaphore_mem>>)
    %dma_start3A_28 = arith.constant 2 : i32
    %dma_start3A_29 = arith.constant 2 : i32
    %dma_start3A_30 = arith.constant 0 : i32
    %dma_start3A_31 = arith.constant 0 : i32
    %dma_start3A_32 = tpu.memref_slice %arg6[%dma_start3A_29, %dma_start3A_30, %dma_start3A_31] : memref<8x16x768xf32, #tpu.memory_space<vmem>> -> memref<1x16x768xf32, #tpu.memory_space<vmem>>
    %dma_start3A_33 = tpu.memref_squeeze %dma_start3A_32 : memref<1x16x768xf32, #tpu.memory_space<vmem>> -> memref<16x768xf32, #tpu.memory_space<vmem>>
    %dma_start3A_34 = arith.constant 0 : i32
    %dma_start3A_35 = tpu.memref_slice %arg5[%dma_start3A_28, %dma_start3A_34] : memref<16x16xi32, #tpu.memory_space<vmem>> -> memref<1x16xi32, #tpu.memory_space<vmem>>
    %dma_start3A_36 = tpu.memref_squeeze %dma_start3A_35 : memref<1x16xi32, #tpu.memory_space<vmem>> -> memref<16xi32, #tpu.memory_space<vmem>>
    %dma_start3A_37 = arith.constant 0 : i32
    %dma_start3A_38 = arith.constant 0 : i32
    %dma_start3A_39 = tpu.memref_slice %arg2[%dma_start3A_37, %dma_start3A_38] : memref<12288x768xf32, #tpu.memory_space<hbm>> -> memref<12288x768xf32, #tpu.memory_space<hbm>>
    tpu.enqueue_indirect_dma source(%dma_start3A_39 : memref<12288x768xf32, #tpu.memory_space<hbm>>) target(%dma_start3A_33 : memref<16x768xf32, #tpu.memory_space<vmem>>) offsets(%dma_start3A_36 : memref<16xi32, #tpu.memory_space<vmem>>) semaphore(%arg7 : memref<!tpu.dma_semaphore, #tpu.memory_space<semaphore_mem>>)
    %dma_start3A_40 = arith.constant 3 : i32
    %dma_start3A_41 = arith.constant 3 : i32
    %dma_start3A_42 = arith.constant 0 : i32
    %dma_start3A_43 = arith.constant 0 : i32
    %dma_start3A_44 = tpu.memref_slice %arg6[%dma_start3A_41, %dma_start3A_42, %dma_start3A_43] : memref<8x16x768xf32, #tpu.memory_space<vmem>> -> memref<1x16x768xf32, #tpu.memory_space<vmem>>
    %dma_start3A_45 = tpu.memref_squeeze %dma_start3A_44 : memref<1x16x768xf32, #tpu.memory_space<vmem>> -> memref<16x768xf32, #tpu.memory_space<vmem>>
    %dma_start3A_46 = arith.constant 0 : i32
    %dma_start3A_47 = tpu.memref_slice %arg5[%dma_start3A_40, %dma_start3A_46] : memref<16x16xi32, #tpu.memory_space<vmem>> -> memref<1x16xi32, #tpu.memory_space<vmem>>
    %dma_start3A_48 = tpu.memref_squeeze %dma_start3A_47 : memref<1x16xi32, #tpu.memory_space<vmem>> -> memref<16xi32, #tpu.memory_space<vmem>>
    %dma_start3A_49 = arith.constant 0 : i32
    %dma_start3A_50 = arith.constant 0 : i32
    %dma_start3A_51 = tpu.memref_slice %arg2[%dma_start3A_49, %dma_start3A_50] : memref<12288x768xf32, #tpu.memory_space<hbm>> -> memref<12288x768xf32, #tpu.memory_space<hbm>>
    tpu.enqueue_indirect_dma source(%dma_start3A_51 : memref<12288x768xf32, #tpu.memory_space<hbm>>) target(%dma_start3A_45 : memref<16x768xf32, #tpu.memory_space<vmem>>) offsets(%dma_start3A_48 : memref<16xi32, #tpu.memory_space<vmem>>) semaphore(%arg7 : memref<!tpu.dma_semaphore, #tpu.memory_space<semaphore_mem>>)
    %dma_start3A_52 = arith.constant 4 : i32
    %dma_start3A_53 = arith.constant 4 : i32
    %dma_start3A_54 = arith.constant 0 : i32
    %dma_start3A_55 = arith.constant 0 : i32
    %dma_start3A_56 = tpu.memref_slice %arg6[%dma_start3A_53, %dma_start3A_54, %dma_start3A_55] : memref<8x16x768xf32, #tpu.memory_space<vmem>> -> memref<1x16x768xf32, #tpu.memory_space<vmem>>
    %dma_start3A_57 = tpu.memref_squeeze %dma_start3A_56 : memref<1x16x768xf32, #tpu.memory_space<vmem>> -> memref<16x768xf32, #tpu.memory_space<vmem>>
    %dma_start3A_58 = arith.constant 0 : i32
    %dma_start3A_59 = tpu.memref_slice %arg5[%dma_start3A_52, %dma_start3A_58] : memref<16x16xi32, #tpu.memory_space<vmem>> -> memref<1x16xi32, #tpu.memory_space<vmem>>
    %dma_start3A_60 = tpu.memref_squeeze %dma_start3A_59 : memref<1x16xi32, #tpu.memory_space<vmem>> -> memref<16xi32, #tpu.memory_space<vmem>>
    %dma_start3A_61 = arith.constant 0 : i32
    %dma_start3A_62 = arith.constant 0 : i32
    %dma_start3A_63 = tpu.memref_slice %arg2[%dma_start3A_61, %dma_start3A_62] : memref<12288x768xf32, #tpu.memory_space<hbm>> -> memref<12288x768xf32, #tpu.memory_space<hbm>>
    tpu.enqueue_indirect_dma source(%dma_start3A_63 : memref<12288x768xf32, #tpu.memory_space<hbm>>) target(%dma_start3A_57 : memref<16x768xf32, #tpu.memory_space<vmem>>) offsets(%dma_start3A_60 : memref<16xi32, #tpu.memory_space<vmem>>) semaphore(%arg7 : memref<!tpu.dma_semaphore, #tpu.memory_space<semaphore_mem>>)
    %dma_start3A_64 = arith.constant 5 : i32
    %dma_start3A_65 = arith.constant 5 : i32
    %dma_start3A_66 = arith.constant 0 : i32
    %dma_start3A_67 = arith.constant 0 : i32
    %dma_start3A_68 = tpu.memref_slice %arg6[%dma_start3A_65, %dma_start3A_66, %dma_start3A_67] : memref<8x16x768xf32, #tpu.memory_space<vmem>> -> memref<1x16x768xf32, #tpu.memory_space<vmem>>
    %dma_start3A_69 = tpu.memref_squeeze %dma_start3A_68 : memref<1x16x768xf32, #tpu.memory_space<vmem>> -> memref<16x768xf32, #tpu.memory_space<vmem>>
    %dma_start3A_70 = arith.constant 0 : i32
    %dma_start3A_71 = tpu.memref_slice %arg5[%dma_start3A_64, %dma_start3A_70] : memref<16x16xi32, #tpu.memory_space<vmem>> -> memref<1x16xi32, #tpu.memory_space<vmem>>
    %dma_start3A_72 = tpu.memref_squeeze %dma_start3A_71 : memref<1x16xi32, #tpu.memory_space<vmem>> -> memref<16xi32, #tpu.memory_space<vmem>>
    %dma_start3A_73 = arith.constant 0 : i32
    %dma_start3A_74 = arith.constant 0 : i32
    %dma_start3A_75 = tpu.memref_slice %arg2[%dma_start3A_73, %dma_start3A_74] : memref<12288x768xf32, #tpu.memory_space<hbm>> -> memref<12288x768xf32, #tpu.memory_space<hbm>>
    tpu.enqueue_indirect_dma source(%dma_start3A_75 : memref<12288x768xf32, #tpu.memory_space<hbm>>) target(%dma_start3A_69 : memref<16x768xf32, #tpu.memory_space<vmem>>) offsets(%dma_start3A_72 : memref<16xi32, #tpu.memory_space<vmem>>) semaphore(%arg7 : memref<!tpu.dma_semaphore, #tpu.memory_space<semaphore_mem>>)
    %dma_start3A_76 = arith.constant 6 : i32
    %dma_start3A_77 = arith.constant 6 : i32
    %dma_start3A_78 = arith.constant 0 : i32
    %dma_start3A_79 = arith.constant 0 : i32
    %dma_start3A_80 = tpu.memref_slice %arg6[%dma_start3A_77, %dma_start3A_78, %dma_start3A_79] : memref<8x16x768xf32, #tpu.memory_space<vmem>> -> memref<1x16x768xf32, #tpu.memory_space<vmem>>
    %dma_start3A_81 = tpu.memref_squeeze %dma_start3A_80 : memref<1x16x768xf32, #tpu.memory_space<vmem>> -> memref<16x768xf32, #tpu.memory_space<vmem>>
    %dma_start3A_82 = arith.constant 0 : i32
    %dma_start3A_83 = tpu.memref_slice %arg5[%dma_start3A_76, %dma_start3A_82] : memref<16x16xi32, #tpu.memory_space<vmem>> -> memref<1x16xi32, #tpu.memory_space<vmem>>
    %dma_start3A_84 = tpu.memref_squeeze %dma_start3A_83 : memref<1x16xi32, #tpu.memory_space<vmem>> -> memref<16xi32, #tpu.memory_space<vmem>>
    %dma_start3A_85 = arith.constant 0 : i32
    %dma_start3A_86 = arith.constant 0 : i32
    %dma_start3A_87 = tpu.memref_slice %arg2[%dma_start3A_85, %dma_start3A_86] : memref<12288x768xf32, #tpu.memory_space<hbm>> -> memref<12288x768xf32, #tpu.memory_space<hbm>>
    tpu.enqueue_indirect_dma source(%dma_start3A_87 : memref<12288x768xf32, #tpu.memory_space<hbm>>) target(%dma_start3A_81 : memref<16x768xf32, #tpu.memory_space<vmem>>) offsets(%dma_start3A_84 : memref<16xi32, #tpu.memory_space<vmem>>) semaphore(%arg7 : memref<!tpu.dma_semaphore, #tpu.memory_space<semaphore_mem>>)
    %dma_start3A_88 = arith.constant 7 : i32
    %dma_start3A_89 = arith.constant 7 : i32
    %dma_start3A_90 = arith.constant 0 : i32
    %dma_start3A_91 = arith.constant 0 : i32
    %dma_start3A_92 = tpu.memref_slice %arg6[%dma_start3A_89, %dma_start3A_90, %dma_start3A_91] : memref<8x16x768xf32, #tpu.memory_space<vmem>> -> memref<1x16x768xf32, #tpu.memory_space<vmem>>
    %dma_start3A_93 = tpu.memref_squeeze %dma_start3A_92 : memref<1x16x768xf32, #tpu.memory_space<vmem>> -> memref<16x768xf32, #tpu.memory_space<vmem>>
    %dma_start3A_94 = arith.constant 0 : i32
    %dma_start3A_95 = tpu.memref_slice %arg5[%dma_start3A_88, %dma_start3A_94] : memref<16x16xi32, #tpu.memory_space<vmem>> -> memref<1x16xi32, #tpu.memory_space<vmem>>
    %dma_start3A_96 = tpu.memref_squeeze %dma_start3A_95 : memref<1x16xi32, #tpu.memory_space<vmem>> -> memref<16xi32, #tpu.memory_space<vmem>>
    %dma_start3A_97 = arith.constant 0 : i32
    %dma_start3A_98 = arith.constant 0 : i32
    %dma_start3A_99 = tpu.memref_slice %arg2[%dma_start3A_97, %dma_start3A_98] : memref<12288x768xf32, #tpu.memory_space<hbm>> -> memref<12288x768xf32, #tpu.memory_space<hbm>>
    tpu.enqueue_indirect_dma source(%dma_start3A_99 : memref<12288x768xf32, #tpu.memory_space<hbm>>) target(%dma_start3A_93 : memref<16x768xf32, #tpu.memory_space<vmem>>) offsets(%dma_start3A_96 : memref<16xi32, #tpu.memory_space<vmem>>) semaphore(%arg7 : memref<!tpu.dma_semaphore, #tpu.memory_space<semaphore_mem>>)
    %dma_wait3A = arith.constant 0 : i32
    %dma_wait3A_100 = arith.constant 0 : i32
    %dma_wait3A_101 = arith.constant 0 : i32
    %dma_wait3A_102 = arith.constant 0 : i32
    %dma_wait3A_103 = tpu.memref_slice %arg6[%dma_wait3A_100, %dma_wait3A_101, %dma_wait3A_102] : memref<8x16x768xf32, #tpu.memory_space<vmem>> -> memref<1x16x768xf32, #tpu.memory_space<vmem>>
    %dma_wait3A_104 = tpu.memref_squeeze %dma_wait3A_103 : memref<1x16x768xf32, #tpu.memory_space<vmem>> -> memref<16x768xf32, #tpu.memory_space<vmem>>
    %dma_wait3A_105 = arith.constant 0 : i32
    %dma_wait3A_106 = tpu.memref_slice %arg5[%dma_wait3A, %dma_wait3A_105] : memref<16x16xi32, #tpu.memory_space<vmem>> -> memref<1x16xi32, #tpu.memory_space<vmem>>
    %dma_wait3A_107 = tpu.memref_squeeze %dma_wait3A_106 : memref<1x16xi32, #tpu.memory_space<vmem>> -> memref<16xi32, #tpu.memory_space<vmem>>
    %dma_wait3A_108 = arith.constant 0 : i32
    %dma_wait3A_109 = arith.constant 0 : i32
    %dma_wait3A_110 = tpu.memref_slice %arg2[%dma_wait3A_108, %dma_wait3A_109] : memref<12288x768xf32, #tpu.memory_space<hbm>> -> memref<12288x768xf32, #tpu.memory_space<hbm>>
    tpu.wait_indirect_dma semaphore(%arg7 : memref<!tpu.dma_semaphore, #tpu.memory_space<semaphore_mem>>) src(%dma_wait3A_110 : memref<12288x768xf32, #tpu.memory_space<hbm>>) dst(%dma_wait3A_104 : memref<16x768xf32, #tpu.memory_space<vmem>>)
    %add3A_111 = arith.constant 0 : i32
    %add3A_112 = arith.addi %mul3A_2, %add3A_111 : i32
    %dma_start3A_113 = arith.constant 0 : i32
    %dma_start3A_114 = arith.constant 0 : i32
    %dma_start3A_115 = arith.constant 0 : i32
    %dma_start3A_116 = tpu.memref_slice %arg6[%dma_start3A_113, %dma_start3A_114, %dma_start3A_115] : memref<8x16x768xf32, #tpu.memory_space<vmem>> -> memref<1x16x768xf32, #tpu.memory_space<vmem>>
    %dma_start3A_117 = tpu.memref_squeeze %dma_start3A_116 : memref<1x16x768xf32, #tpu.memory_space<vmem>> -> memref<16x768xf32, #tpu.memory_space<vmem>>
    %dma_start3A_118 = arith.constant 0 : i32
    %dma_start3A_119 = tpu.memref_slice %arg4[%add3A_112, %dma_start3A_118] : memref<8192x768xf32, #tpu.memory_space<hbm>> -> memref<16x768xf32, #tpu.memory_space<hbm>>
    %dma_start3A_120 = arith.constant 0 : i32
    %dma_start3A_121 = tpu.memref_slice %arg4[%add3A_112, %dma_start3A_120] : memref<8192x768xf32, #tpu.memory_space<hbm>> -> memref<16x768xf32, #tpu.memory_space<hbm>>
    %dma_start3A_122 = arith.constant 0 : i32
    %dma_start3A_123 = arith.constant 0 : i32
    %dma_start3A_124 = tpu.memref_slice %arg6[%dma_start3A_113, %dma_start3A_122, %dma_start3A_123] : memref<8x16x768xf32, #tpu.memory_space<vmem>> -> memref<1x16x768xf32, #tpu.memory_space<vmem>>
    %dma_start3A_125 = tpu.memref_squeeze %dma_start3A_124 : memref<1x16x768xf32, #tpu.memory_space<vmem>> -> memref<16x768xf32, #tpu.memory_space<vmem>>
    tpu.enqueue_dma source(%dma_start3A_125 : memref<16x768xf32, #tpu.memory_space<vmem>>) target(%dma_start3A_121 : memref<16x768xf32, #tpu.memory_space<hbm>>) target_semaphore(%arg8 : memref<!tpu.dma_semaphore, #tpu.memory_space<semaphore_mem>>)
    %dma_wait3A_126 = arith.constant 0 : i32
    %dma_wait3A_127 = arith.constant 0 : i32
    %dma_wait3A_128 = arith.constant 0 : i32
    %dma_wait3A_129 = tpu.memref_slice %arg6[%dma_wait3A_126, %dma_wait3A_127, %dma_wait3A_128] : memref<8x16x768xf32, #tpu.memory_space<vmem>> -> memref<1x16x768xf32, #tpu.memory_space<vmem>>
    %dma_wait3A_130 = tpu.memref_squeeze %dma_wait3A_129 : memref<1x16x768xf32, #tpu.memory_space<vmem>> -> memref<16x768xf32, #tpu.memory_space<vmem>>
    %dma_wait3A_131 = arith.constant 0 : i32
    %dma_wait3A_132 = tpu.memref_slice %arg4[%add3A_112, %dma_wait3A_131] : memref<8192x768xf32, #tpu.memory_space<hbm>> -> memref<16x768xf32, #tpu.memory_space<hbm>>
    %dma_wait3A_133 = arith.constant 0 : i32
    %dma_wait3A_134 = tpu.memref_slice %arg4[%add3A_112, %dma_wait3A_133] : memref<8192x768xf32, #tpu.memory_space<hbm>> -> memref<16x768xf32, #tpu.memory_space<hbm>>
    %dma_wait3A_135 = arith.constant 0 : i32
    %dma_wait3A_136 = arith.constant 0 : i32
    %dma_wait3A_137 = tpu.memref_slice %arg6[%dma_wait3A_126, %dma_wait3A_135, %dma_wait3A_136] : memref<8x16x768xf32, #tpu.memory_space<vmem>> -> memref<1x16x768xf32, #tpu.memory_space<vmem>>
    %dma_wait3A_138 = tpu.memref_squeeze %dma_wait3A_137 : memref<1x16x768xf32, #tpu.memory_space<vmem>> -> memref<16x768xf32, #tpu.memory_space<vmem>>
    tpu.wait_dma2 semaphore(%arg8 : memref<!tpu.dma_semaphore, #tpu.memory_space<semaphore_mem>>) src(%dma_wait3A_138 : memref<16x768xf32, #tpu.memory_space<vmem>>) dst(%dma_wait3A_134 : memref<16x768xf32, #tpu.memory_space<hbm>>)
    %dma_start3A_139 = arith.constant 8 : i32
    %dma_start3A_140 = arith.constant 0 : i32
    %dma_start3A_141 = arith.constant 0 : i32
    %dma_start3A_142 = arith.constant 0 : i32
    %dma_start3A_143 = tpu.memref_slice %arg6[%dma_start3A_140, %dma_start3A_141, %dma_start3A_142] : memref<8x16x768xf32, #tpu.memory_space<vmem>> -> memref<1x16x768xf32, #tpu.memory_space<vmem>>
    %dma_start3A_144 = tpu.memref_squeeze %dma_start3A_143 : memref<1x16x768xf32, #tpu.memory_space<vmem>> -> memref<16x768xf32, #tpu.memory_space<vmem>>
    %dma_start3A_145 = arith.constant 0 : i32
    %dma_start3A_146 = tpu.memref_slice %arg5[%dma_start3A_139, %dma_start3A_145] : memref<16x16xi32, #tpu.memory_space<vmem>> -> memref<1x16xi32, #tpu.memory_space<vmem>>
    %dma_start3A_147 = tpu.memref_squeeze %dma_start3A_146 : memref<1x16xi32, #tpu.memory_space<vmem>> -> memref<16xi32, #tpu.memory_space<vmem>>
    %dma_start3A_148 = arith.constant 0 : i32
    %dma_start3A_149 = arith.constant 0 : i32
    %dma_start3A_150 = tpu.memref_slice %arg2[%dma_start3A_148, %dma_start3A_149] : memref<12288x768xf32, #tpu.memory_space<hbm>> -> memref<12288x768xf32, #tpu.memory_space<hbm>>
    tpu.enqueue_indirect_dma source(%dma_start3A_150 : memref<12288x768xf32, #tpu.memory_space<hbm>>) target(%dma_start3A_144 : memref<16x768xf32, #tpu.memory_space<vmem>>) offsets(%dma_start3A_147 : memref<16xi32, #tpu.memory_space<vmem>>) semaphore(%arg7 : memref<!tpu.dma_semaphore, #tpu.memory_space<semaphore_mem>>)
    %dma_wait3A_151 = arith.constant 1 : i32
    %dma_wait3A_152 = arith.constant 1 : i32
    %dma_wait3A_153 = arith.constant 0 : i32
    %dma_wait3A_154 = arith.constant 0 : i32
    %dma_wait3A_155 = tpu.memref_slice %arg6[%dma_wait3A_152, %dma_wait3A_153, %dma_wait3A_154] : memref<8x16x768xf32, #tpu.memory_space<vmem>> -> memref<1x16x768xf32, #tpu.memory_space<vmem>>
    %dma_wait3A_156 = tpu.memref_squeeze %dma_wait3A_155 : memref<1x16x768xf32, #tpu.memory_space<vmem>> -> memref<16x768xf32, #tpu.memory_space<vmem>>
    %dma_wait3A_157 = arith.constant 0 : i32
    %dma_wait3A_158 = tpu.memref_slice %arg5[%dma_wait3A_151, %dma_wait3A_157] : memref<16x16xi32, #tpu.memory_space<vmem>> -> memref<1x16xi32, #tpu.memory_space<vmem>>
    %dma_wait3A_159 = tpu.memref_squeeze %dma_wait3A_158 : memref<1x16xi32, #tpu.memory_space<vmem>> -> memref<16xi32, #tpu.memory_space<vmem>>
    %dma_wait3A_160 = arith.constant 0 : i32
    %dma_wait3A_161 = arith.constant 0 : i32
    %dma_wait3A_162 = tpu.memref_slice %arg2[%dma_wait3A_160, %dma_wait3A_161] : memref<12288x768xf32, #tpu.memory_space<hbm>> -> memref<12288x768xf32, #tpu.memory_space<hbm>>
    tpu.wait_indirect_dma semaphore(%arg7 : memref<!tpu.dma_semaphore, #tpu.memory_space<semaphore_mem>>) src(%dma_wait3A_162 : memref<12288x768xf32, #tpu.memory_space<hbm>>) dst(%dma_wait3A_156 : memref<16x768xf32, #tpu.memory_space<vmem>>)
    %add3A_163 = arith.constant 16 : i32
    %add3A_164 = arith.addi %mul3A_2, %add3A_163 : i32
    %dma_start3A_165 = arith.constant 1 : i32
    %dma_start3A_166 = arith.constant 0 : i32
    %dma_start3A_167 = arith.constant 0 : i32
    %dma_start3A_168 = tpu.memref_slice %arg6[%dma_start3A_165, %dma_start3A_166, %dma_start3A_167] : memref<8x16x768xf32, #tpu.memory_space<vmem>> -> memref<1x16x768xf32, #tpu.memory_space<vmem>>
    %dma_start3A_169 = tpu.memref_squeeze %dma_start3A_168 : memref<1x16x768xf32, #tpu.memory_space<vmem>> -> memref<16x768xf32, #tpu.memory_space<vmem>>
    %dma_start3A_170 = arith.constant 0 : i32
    %dma_start3A_171 = tpu.memref_slice %arg4[%add3A_164, %dma_start3A_170] : memref<8192x768xf32, #tpu.memory_space<hbm>> -> memref<16x768xf32, #tpu.memory_space<hbm>>
    %dma_start3A_172 = arith.constant 0 : i32
    %dma_start3A_173 = tpu.memref_slice %arg4[%add3A_164, %dma_start3A_172] : memref<8192x768xf32, #tpu.memory_space<hbm>> -> memref<16x768xf32, #tpu.memory_space<hbm>>
    %dma_start3A_174 = arith.constant 0 : i32
    %dma_start3A_175 = arith.constant 0 : i32
    %dma_start3A_176 = tpu.memref_slice %arg6[%dma_start3A_165, %dma_start3A_174, %dma_start3A_175] : memref<8x16x768xf32, #tpu.memory_space<vmem>> -> memref<1x16x768xf32, #tpu.memory_space<vmem>>
    %dma_start3A_177 = tpu.memref_squeeze %dma_start3A_176 : memref<1x16x768xf32, #tpu.memory_space<vmem>> -> memref<16x768xf32, #tpu.memory_space<vmem>>
    tpu.enqueue_dma source(%dma_start3A_177 : memref<16x768xf32, #tpu.memory_space<vmem>>) target(%dma_start3A_173 : memref<16x768xf32, #tpu.memory_space<hbm>>) target_semaphore(%arg8 : memref<!tpu.dma_semaphore, #tpu.memory_space<semaphore_mem>>)
    %dma_wait3A_178 = arith.constant 1 : i32
    %dma_wait3A_179 = arith.constant 0 : i32
    %dma_wait3A_180 = arith.constant 0 : i32
    %dma_wait3A_181 = tpu.memref_slice %arg6[%dma_wait3A_178, %dma_wait3A_179, %dma_wait3A_180] : memref<8x16x768xf32, #tpu.memory_space<vmem>> -> memref<1x16x768xf32, #tpu.memory_space<vmem>>
    %dma_wait3A_182 = tpu.memref_squeeze %dma_wait3A_181 : memref<1x16x768xf32, #tpu.memory_space<vmem>> -> memref<16x768xf32, #tpu.memory_space<vmem>>
    %dma_wait3A_183 = arith.constant 0 : i32
    %dma_wait3A_184 = tpu.memref_slice %arg4[%add3A_164, %dma_wait3A_183] : memref<8192x768xf32, #tpu.memory_space<hbm>> -> memref<16x768xf32, #tpu.memory_space<hbm>>
    %dma_wait3A_185 = arith.constant 0 : i32
    %dma_wait3A_186 = tpu.memref_slice %arg4[%add3A_164, %dma_wait3A_185] : memref<8192x768xf32, #tpu.memory_space<hbm>> -> memref<16x768xf32, #tpu.memory_space<hbm>>
    %dma_wait3A_187 = arith.constant 0 : i32
    %dma_wait3A_188 = arith.constant 0 : i32
    %dma_wait3A_189 = tpu.memref_slice %arg6[%dma_wait3A_178, %dma_wait3A_187, %dma_wait3A_188] : memref<8x16x768xf32, #tpu.memory_space<vmem>> -> memref<1x16x768xf32, #tpu.memory_space<vmem>>
    %dma_wait3A_190 = tpu.memref_squeeze %dma_wait3A_189 : memref<1x16x768xf32, #tpu.memory_space<vmem>> -> memref<16x768xf32, #tpu.memory_space<vmem>>
    tpu.wait_dma2 semaphore(%arg8 : memref<!tpu.dma_semaphore, #tpu.memory_space<semaphore_mem>>) src(%dma_wait3A_190 : memref<16x768xf32, #tpu.memory_space<vmem>>) dst(%dma_wait3A_186 : memref<16x768xf32, #tpu.memory_space<hbm>>)
    %dma_start3A_191 = arith.constant 9 : i32
    %dma_start3A_192 = arith.constant 1 : i32
    %dma_start3A_193 = arith.constant 0 : i32
    %dma_start3A_194 = arith.constant 0 : i32
    %dma_start3A_195 = tpu.memref_slice %arg6[%dma_start3A_192, %dma_start3A_193, %dma_start3A_194] : memref<8x16x768xf32, #tpu.memory_space<vmem>> -> memref<1x16x768xf32, #tpu.memory_space<vmem>>
    %dma_start3A_196 = tpu.memref_squeeze %dma_start3A_195 : memref<1x16x768xf32, #tpu.memory_space<vmem>> -> memref<16x768xf32, #tpu.memory_space<vmem>>
    %dma_start3A_197 = arith.constant 0 : i32
    %dma_start3A_198 = tpu.memref_slice %arg5[%dma_start3A_191, %dma_start3A_197] : memref<16x16xi32, #tpu.memory_space<vmem>> -> memref<1x16xi32, #tpu.memory_space<vmem>>
    %dma_start3A_199 = tpu.memref_squeeze %dma_start3A_198 : memref<1x16xi32, #tpu.memory_space<vmem>> -> memref<16xi32, #tpu.memory_space<vmem>>
    %dma_start3A_200 = arith.constant 0 : i32
    %dma_start3A_201 = arith.constant 0 : i32
    %dma_start3A_202 = tpu.memref_slice %arg2[%dma_start3A_200, %dma_start3A_201] : memref<12288x768xf32, #tpu.memory_space<hbm>> -> memref<12288x768xf32, #tpu.memory_space<hbm>>
    tpu.enqueue_indirect_dma source(%dma_start3A_202 : memref<12288x768xf32, #tpu.memory_space<hbm>>) target(%dma_start3A_196 : memref<16x768xf32, #tpu.memory_space<vmem>>) offsets(%dma_start3A_199 : memref<16xi32, #tpu.memory_space<vmem>>) semaphore(%arg7 : memref<!tpu.dma_semaphore, #tpu.memory_space<semaphore_mem>>)
    %dma_wait3A_203 = arith.constant 2 : i32
    %dma_wait3A_204 = arith.constant 2 : i32
    %dma_wait3A_205 = arith.constant 0 : i32
    %dma_wait3A_206 = arith.constant 0 : i32
    %dma_wait3A_207 = tpu.memref_slice %arg6[%dma_wait3A_204, %dma_wait3A_205, %dma_wait3A_206] : memref<8x16x768xf32, #tpu.memory_space<vmem>> -> memref<1x16x768xf32, #tpu.memory_space<vmem>>
    %dma_wait3A_208 = tpu.memref_squeeze %dma_wait3A_207 : memref<1x16x768xf32, #tpu.memory_space<vmem>> -> memref<16x768xf32, #tpu.memory_space<vmem>>
    %dma_wait3A_209 = arith.constant 0 : i32
    %dma_wait3A_210 = tpu.memref_slice %arg5[%dma_wait3A_203, %dma_wait3A_209] : memref<16x16xi32, #tpu.memory_space<vmem>> -> memref<1x16xi32, #tpu.memory_space<vmem>>
    %dma_wait3A_211 = tpu.memref_squeeze %dma_wait3A_210 : memref<1x16xi32, #tpu.memory_space<vmem>> -> memref<16xi32, #tpu.memory_space<vmem>>
    %dma_wait3A_212 = arith.constant 0 : i32
    %dma_wait3A_213 = arith.constant 0 : i32
    %dma_wait3A_214 = tpu.memref_slice %arg2[%dma_wait3A_212, %dma_wait3A_213] : memref<12288x768xf32, #tpu.memory_space<hbm>> -> memref<12288x768xf32, #tpu.memory_space<hbm>>
    tpu.wait_indirect_dma semaphore(%arg7 : memref<!tpu.dma_semaphore, #tpu.memory_space<semaphore_mem>>) src(%dma_wait3A_214 : memref<12288x768xf32, #tpu.memory_space<hbm>>) dst(%dma_wait3A_208 : memref<16x768xf32, #tpu.memory_space<vmem>>)
    %add3A_215 = arith.constant 32 : i32
    %add3A_216 = arith.addi %mul3A_2, %add3A_215 : i32
    %dma_start3A_217 = arith.constant 2 : i32
    %dma_start3A_218 = arith.constant 0 : i32
    %dma_start3A_219 = arith.constant 0 : i32
    %dma_start3A_220 = tpu.memref_slice %arg6[%dma_start3A_217, %dma_start3A_218, %dma_start3A_219] : memref<8x16x768xf32, #tpu.memory_space<vmem>> -> memref<1x16x768xf32, #tpu.memory_space<vmem>>
    %dma_start3A_221 = tpu.memref_squeeze %dma_start3A_220 : memref<1x16x768xf32, #tpu.memory_space<vmem>> -> memref<16x768xf32, #tpu.memory_space<vmem>>
    %dma_start3A_222 = arith.constant 0 : i32
    %dma_start3A_223 = tpu.memref_slice %arg4[%add3A_216, %dma_start3A_222] : memref<8192x768xf32, #tpu.memory_space<hbm>> -> memref<16x768xf32, #tpu.memory_space<hbm>>
    %dma_start3A_224 = arith.constant 0 : i32
    %dma_start3A_225 = tpu.memref_slice %arg4[%add3A_216, %dma_start3A_224] : memref<8192x768xf32, #tpu.memory_space<hbm>> -> memref<16x768xf32, #tpu.memory_space<hbm>>
    %dma_start3A_226 = arith.constant 0 : i32
    %dma_start3A_227 = arith.constant 0 : i32
    %dma_start3A_228 = tpu.memref_slice %arg6[%dma_start3A_217, %dma_start3A_226, %dma_start3A_227] : memref<8x16x768xf32, #tpu.memory_space<vmem>> -> memref<1x16x768xf32, #tpu.memory_space<vmem>>
    %dma_start3A_229 = tpu.memref_squeeze %dma_start3A_228 : memref<1x16x768xf32, #tpu.memory_space<vmem>> -> memref<16x768xf32, #tpu.memory_space<vmem>>
    tpu.enqueue_dma source(%dma_start3A_229 : memref<16x768xf32, #tpu.memory_space<vmem>>) target(%dma_start3A_225 : memref<16x768xf32, #tpu.memory_space<hbm>>) target_semaphore(%arg8 : memref<!tpu.dma_semaphore, #tpu.memory_space<semaphore_mem>>)
    %dma_wait3A_230 = arith.constant 2 : i32
    %dma_wait3A_231 = arith.constant 0 : i32
    %dma_wait3A_232 = arith.constant 0 : i32
    %dma_wait3A_233 = tpu.memref_slice %arg6[%dma_wait3A_230, %dma_wait3A_231, %dma_wait3A_232] : memref<8x16x768xf32, #tpu.memory_space<vmem>> -> memref<1x16x768xf32, #tpu.memory_space<vmem>>
    %dma_wait3A_234 = tpu.memref_squeeze %dma_wait3A_233 : memref<1x16x768xf32, #tpu.memory_space<vmem>> -> memref<16x768xf32, #tpu.memory_space<vmem>>
    %dma_wait3A_235 = arith.constant 0 : i32
    %dma_wait3A_236 = tpu.memref_slice %arg4[%add3A_216, %dma_wait3A_235] : memref<8192x768xf32, #tpu.memory_space<hbm>> -> memref<16x768xf32, #tpu.memory_space<hbm>>
    %dma_wait3A_237 = arith.constant 0 : i32
    %dma_wait3A_238 = tpu.memref_slice %arg4[%add3A_216, %dma_wait3A_237] : memref<8192x768xf32, #tpu.memory_space<hbm>> -> memref<16x768xf32, #tpu.memory_space<hbm>>
    %dma_wait3A_239 = arith.constant 0 : i32
    %dma_wait3A_240 = arith.constant 0 : i32
    %dma_wait3A_241 = tpu.memref_slice %arg6[%dma_wait3A_230, %dma_wait3A_239, %dma_wait3A_240] : memref<8x16x768xf32, #tpu.memory_space<vmem>> -> memref<1x16x768xf32, #tpu.memory_space<vmem>>
    %dma_wait3A_242 = tpu.memref_squeeze %dma_wait3A_241 : memref<1x16x768xf32, #tpu.memory_space<vmem>> -> memref<16x768xf32, #tpu.memory_space<vmem>>
    tpu.wait_dma2 semaphore(%arg8 : memref<!tpu.dma_semaphore, #tpu.memory_space<semaphore_mem>>) src(%dma_wait3A_242 : memref<16x768xf32, #tpu.memory_space<vmem>>) dst(%dma_wait3A_238 : memref<16x768xf32, #tpu.memory_space<hbm>>)
    %dma_start3A_243 = arith.constant 10 : i32
    %dma_start3A_244 = arith.constant 2 : i32
    %dma_start3A_245 = arith.constant 0 : i32
    %dma_start3A_246 = arith.constant 0 : i32
    %dma_start3A_247 = tpu.memref_slice %arg6[%dma_start3A_244, %dma_start3A_245, %dma_start3A_246] : memref<8x16x768xf32, #tpu.memory_space<vmem>> -> memref<1x16x768xf32, #tpu.memory_space<vmem>>
    %dma_start3A_248 = tpu.memref_squeeze %dma_start3A_247 : memref<1x16x768xf32, #tpu.memory_space<vmem>> -> memref<16x768xf32, #tpu.memory_space<vmem>>
    %dma_start3A_249 = arith.constant 0 : i32
    %dma_start3A_250 = tpu.memref_slice %arg5[%dma_start3A_243, %dma_start3A_249] : memref<16x16xi32, #tpu.memory_space<vmem>> -> memref<1x16xi32, #tpu.memory_space<vmem>>
    %dma_start3A_251 = tpu.memref_squeeze %dma_start3A_250 : memref<1x16xi32, #tpu.memory_space<vmem>> -> memref<16xi32, #tpu.memory_space<vmem>>
    %dma_start3A_252 = arith.constant 0 : i32
    %dma_start3A_253 = arith.constant 0 : i32
    %dma_start3A_254 = tpu.memref_slice %arg2[%dma_start3A_252, %dma_start3A_253] : memref<12288x768xf32, #tpu.memory_space<hbm>> -> memref<12288x768xf32, #tpu.memory_space<hbm>>
    tpu.enqueue_indirect_dma source(%dma_start3A_254 : memref<12288x768xf32, #tpu.memory_space<hbm>>) target(%dma_start3A_248 : memref<16x768xf32, #tpu.memory_space<vmem>>) offsets(%dma_start3A_251 : memref<16xi32, #tpu.memory_space<vmem>>) semaphore(%arg7 : memref<!tpu.dma_semaphore, #tpu.memory_space<semaphore_mem>>)
    %dma_wait3A_255 = arith.constant 3 : i32
    %dma_wait3A_256 = arith.constant 3 : i32
    %dma_wait3A_257 = arith.constant 0 : i32
    %dma_wait3A_258 = arith.constant 0 : i32
    %dma_wait3A_259 = tpu.memref_slice %arg6[%dma_wait3A_256, %dma_wait3A_257, %dma_wait3A_258] : memref<8x16x768xf32, #tpu.memory_space<vmem>> -> memref<1x16x768xf32, #tpu.memory_space<vmem>>
    %dma_wait3A_260 = tpu.memref_squeeze %dma_wait3A_259 : memref<1x16x768xf32, #tpu.memory_space<vmem>> -> memref<16x768xf32, #tpu.memory_space<vmem>>
    %dma_wait3A_261 = arith.constant 0 : i32
    %dma_wait3A_262 = tpu.memref_slice %arg5[%dma_wait3A_255, %dma_wait3A_261] : memref<16x16xi32, #tpu.memory_space<vmem>> -> memref<1x16xi32, #tpu.memory_space<vmem>>
    %dma_wait3A_263 = tpu.memref_squeeze %dma_wait3A_262 : memref<1x16xi32, #tpu.memory_space<vmem>> -> memref<16xi32, #tpu.memory_space<vmem>>
    %dma_wait3A_264 = arith.constant 0 : i32
    %dma_wait3A_265 = arith.constant 0 : i32
    %dma_wait3A_266 = tpu.memref_slice %arg2[%dma_wait3A_264, %dma_wait3A_265] : memref<12288x768xf32, #tpu.memory_space<hbm>> -> memref<12288x768xf32, #tpu.memory_space<hbm>>
    tpu.wait_indirect_dma semaphore(%arg7 : memref<!tpu.dma_semaphore, #tpu.memory_space<semaphore_mem>>) src(%dma_wait3A_266 : memref<12288x768xf32, #tpu.memory_space<hbm>>) dst(%dma_wait3A_260 : memref<16x768xf32, #tpu.memory_space<vmem>>)
    %add3A_267 = arith.constant 48 : i32
    %add3A_268 = arith.addi %mul3A_2, %add3A_267 : i32
    %dma_start3A_269 = arith.constant 3 : i32
    %dma_start3A_270 = arith.constant 0 : i32
    %dma_start3A_271 = arith.constant 0 : i32
    %dma_start3A_272 = tpu.memref_slice %arg6[%dma_start3A_269, %dma_start3A_270, %dma_start3A_271] : memref<8x16x768xf32, #tpu.memory_space<vmem>> -> memref<1x16x768xf32, #tpu.memory_space<vmem>>
    %dma_start3A_273 = tpu.memref_squeeze %dma_start3A_272 : memref<1x16x768xf32, #tpu.memory_space<vmem>> -> memref<16x768xf32, #tpu.memory_space<vmem>>
    %dma_start3A_274 = arith.constant 0 : i32
    %dma_start3A_275 = tpu.memref_slice %arg4[%add3A_268, %dma_start3A_274] : memref<8192x768xf32, #tpu.memory_space<hbm>> -> memref<16x768xf32, #tpu.memory_space<hbm>>
    %dma_start3A_276 = arith.constant 0 : i32
    %dma_start3A_277 = tpu.memref_slice %arg4[%add3A_268, %dma_start3A_276] : memref<8192x768xf32, #tpu.memory_space<hbm>> -> memref<16x768xf32, #tpu.memory_space<hbm>>
    %dma_start3A_278 = arith.constant 0 : i32
    %dma_start3A_279 = arith.constant 0 : i32
    %dma_start3A_280 = tpu.memref_slice %arg6[%dma_start3A_269, %dma_start3A_278, %dma_start3A_279] : memref<8x16x768xf32, #tpu.memory_space<vmem>> -> memref<1x16x768xf32, #tpu.memory_space<vmem>>
    %dma_start3A_281 = tpu.memref_squeeze %dma_start3A_280 : memref<1x16x768xf32, #tpu.memory_space<vmem>> -> memref<16x768xf32, #tpu.memory_space<vmem>>
    tpu.enqueue_dma source(%dma_start3A_281 : memref<16x768xf32, #tpu.memory_space<vmem>>) target(%dma_start3A_277 : memref<16x768xf32, #tpu.memory_space<hbm>>) target_semaphore(%arg8 : memref<!tpu.dma_semaphore, #tpu.memory_space<semaphore_mem>>)
    %dma_wait3A_282 = arith.constant 3 : i32
    %dma_wait3A_283 = arith.constant 0 : i32
    %dma_wait3A_284 = arith.constant 0 : i32
    %dma_wait3A_285 = tpu.memref_slice %arg6[%dma_wait3A_282, %dma_wait3A_283, %dma_wait3A_284] : memref<8x16x768xf32, #tpu.memory_space<vmem>> -> memref<1x16x768xf32, #tpu.memory_space<vmem>>
    %dma_wait3A_286 = tpu.memref_squeeze %dma_wait3A_285 : memref<1x16x768xf32, #tpu.memory_space<vmem>> -> memref<16x768xf32, #tpu.memory_space<vmem>>
    %dma_wait3A_287 = arith.constant 0 : i32
    %dma_wait3A_288 = tpu.memref_slice %arg4[%add3A_268, %dma_wait3A_287] : memref<8192x768xf32, #tpu.memory_space<hbm>> -> memref<16x768xf32, #tpu.memory_space<hbm>>
    %dma_wait3A_289 = arith.constant 0 : i32
    %dma_wait3A_290 = tpu.memref_slice %arg4[%add3A_268, %dma_wait3A_289] : memref<8192x768xf32, #tpu.memory_space<hbm>> -> memref<16x768xf32, #tpu.memory_space<hbm>>
    %dma_wait3A_291 = arith.constant 0 : i32
    %dma_wait3A_292 = arith.constant 0 : i32
    %dma_wait3A_293 = tpu.memref_slice %arg6[%dma_wait3A_282, %dma_wait3A_291, %dma_wait3A_292] : memref<8x16x768xf32, #tpu.memory_space<vmem>> -> memref<1x16x768xf32, #tpu.memory_space<vmem>>
    %dma_wait3A_294 = tpu.memref_squeeze %dma_wait3A_293 : memref<1x16x768xf32, #tpu.memory_space<vmem>> -> memref<16x768xf32, #tpu.memory_space<vmem>>
    tpu.wait_dma2 semaphore(%arg8 : memref<!tpu.dma_semaphore, #tpu.memory_space<semaphore_mem>>) src(%dma_wait3A_294 : memref<16x768xf32, #tpu.memory_space<vmem>>) dst(%dma_wait3A_290 : memref<16x768xf32, #tpu.memory_space<hbm>>)
    %dma_start3A_295 = arith.constant 11 : i32
    %dma_start3A_296 = arith.constant 3 : i32
    %dma_start3A_297 = arith.constant 0 : i32
    %dma_start3A_298 = arith.constant 0 : i32
    %dma_start3A_299 = tpu.memref_slice %arg6[%dma_start3A_296, %dma_start3A_297, %dma_start3A_298] : memref<8x16x768xf32, #tpu.memory_space<vmem>> -> memref<1x16x768xf32, #tpu.memory_space<vmem>>
    %dma_start3A_300 = tpu.memref_squeeze %dma_start3A_299 : memref<1x16x768xf32, #tpu.memory_space<vmem>> -> memref<16x768xf32, #tpu.memory_space<vmem>>
    %dma_start3A_301 = arith.constant 0 : i32
    %dma_start3A_302 = tpu.memref_slice %arg5[%dma_start3A_295, %dma_start3A_301] : memref<16x16xi32, #tpu.memory_space<vmem>> -> memref<1x16xi32, #tpu.memory_space<vmem>>
    %dma_start3A_303 = tpu.memref_squeeze %dma_start3A_302 : memref<1x16xi32, #tpu.memory_space<vmem>> -> memref<16xi32, #tpu.memory_space<vmem>>
    %dma_start3A_304 = arith.constant 0 : i32
    %dma_start3A_305 = arith.constant 0 : i32
    %dma_start3A_306 = tpu.memref_slice %arg2[%dma_start3A_304, %dma_start3A_305] : memref<12288x768xf32, #tpu.memory_space<hbm>> -> memref<12288x768xf32, #tpu.memory_space<hbm>>
    tpu.enqueue_indirect_dma source(%dma_start3A_306 : memref<12288x768xf32, #tpu.memory_space<hbm>>) target(%dma_start3A_300 : memref<16x768xf32, #tpu.memory_space<vmem>>) offsets(%dma_start3A_303 : memref<16xi32, #tpu.memory_space<vmem>>) semaphore(%arg7 : memref<!tpu.dma_semaphore, #tpu.memory_space<semaphore_mem>>)
    %dma_wait3A_307 = arith.constant 4 : i32
    %dma_wait3A_308 = arith.constant 4 : i32
    %dma_wait3A_309 = arith.constant 0 : i32
    %dma_wait3A_310 = arith.constant 0 : i32
    %dma_wait3A_311 = tpu.memref_slice %arg6[%dma_wait3A_308, %dma_wait3A_309, %dma_wait3A_310] : memref<8x16x768xf32, #tpu.memory_space<vmem>> -> memref<1x16x768xf32, #tpu.memory_space<vmem>>
    %dma_wait3A_312 = tpu.memref_squeeze %dma_wait3A_311 : memref<1x16x768xf32, #tpu.memory_space<vmem>> -> memref<16x768xf32, #tpu.memory_space<vmem>>
    %dma_wait3A_313 = arith.constant 0 : i32
    %dma_wait3A_314 = tpu.memref_slice %arg5[%dma_wait3A_307, %dma_wait3A_313] : memref<16x16xi32, #tpu.memory_space<vmem>> -> memref<1x16xi32, #tpu.memory_space<vmem>>
    %dma_wait3A_315 = tpu.memref_squeeze %dma_wait3A_314 : memref<1x16xi32, #tpu.memory_space<vmem>> -> memref<16xi32, #tpu.memory_space<vmem>>
    %dma_wait3A_316 = arith.constant 0 : i32
    %dma_wait3A_317 = arith.constant 0 : i32
    %dma_wait3A_318 = tpu.memref_slice %arg2[%dma_wait3A_316, %dma_wait3A_317] : memref<12288x768xf32, #tpu.memory_space<hbm>> -> memref<12288x768xf32, #tpu.memory_space<hbm>>
    tpu.wait_indirect_dma semaphore(%arg7 : memref<!tpu.dma_semaphore, #tpu.memory_space<semaphore_mem>>) src(%dma_wait3A_318 : memref<12288x768xf32, #tpu.memory_space<hbm>>) dst(%dma_wait3A_312 : memref<16x768xf32, #tpu.memory_space<vmem>>)
    %add3A_319 = arith.constant 64 : i32
    %add3A_320 = arith.addi %mul3A_2, %add3A_319 : i32
    %dma_start3A_321 = arith.constant 4 : i32
    %dma_start3A_322 = arith.constant 0 : i32
    %dma_start3A_323 = arith.constant 0 : i32
    %dma_start3A_324 = tpu.memref_slice %arg6[%dma_start3A_321, %dma_start3A_322, %dma_start3A_323] : memref<8x16x768xf32, #tpu.memory_space<vmem>> -> memref<1x16x768xf32, #tpu.memory_space<vmem>>
    %dma_start3A_325 = tpu.memref_squeeze %dma_start3A_324 : memref<1x16x768xf32, #tpu.memory_space<vmem>> -> memref<16x768xf32, #tpu.memory_space<vmem>>
    %dma_start3A_326 = arith.constant 0 : i32
    %dma_start3A_327 = tpu.memref_slice %arg4[%add3A_320, %dma_start3A_326] : memref<8192x768xf32, #tpu.memory_space<hbm>> -> memref<16x768xf32, #tpu.memory_space<hbm>>
    %dma_start3A_328 = arith.constant 0 : i32
    %dma_start3A_329 = tpu.memref_slice %arg4[%add3A_320, %dma_start3A_328] : memref<8192x768xf32, #tpu.memory_space<hbm>> -> memref<16x768xf32, #tpu.memory_space<hbm>>
    %dma_start3A_330 = arith.constant 0 : i32
    %dma_start3A_331 = arith.constant 0 : i32
    %dma_start3A_332 = tpu.memref_slice %arg6[%dma_start3A_321, %dma_start3A_330, %dma_start3A_331] : memref<8x16x768xf32, #tpu.memory_space<vmem>> -> memref<1x16x768xf32, #tpu.memory_space<vmem>>
    %dma_start3A_333 = tpu.memref_squeeze %dma_start3A_332 : memref<1x16x768xf32, #tpu.memory_space<vmem>> -> memref<16x768xf32, #tpu.memory_space<vmem>>
    tpu.enqueue_dma source(%dma_start3A_333 : memref<16x768xf32, #tpu.memory_space<vmem>>) target(%dma_start3A_329 : memref<16x768xf32, #tpu.memory_space<hbm>>) target_semaphore(%arg8 : memref<!tpu.dma_semaphore, #tpu.memory_space<semaphore_mem>>)
    %dma_wait3A_334 = arith.constant 4 : i32
    %dma_wait3A_335 = arith.constant 0 : i32
    %dma_wait3A_336 = arith.constant 0 : i32
    %dma_wait3A_337 = tpu.memref_slice %arg6[%dma_wait3A_334, %dma_wait3A_335, %dma_wait3A_336] : memref<8x16x768xf32, #tpu.memory_space<vmem>> -> memref<1x16x768xf32, #tpu.memory_space<vmem>>
    %dma_wait3A_338 = tpu.memref_squeeze %dma_wait3A_337 : memref<1x16x768xf32, #tpu.memory_space<vmem>> -> memref<16x768xf32, #tpu.memory_space<vmem>>
    %dma_wait3A_339 = arith.constant 0 : i32
    %dma_wait3A_340 = tpu.memref_slice %arg4[%add3A_320, %dma_wait3A_339] : memref<8192x768xf32, #tpu.memory_space<hbm>> -> memref<16x768xf32, #tpu.memory_space<hbm>>
    %dma_wait3A_341 = arith.constant 0 : i32
    %dma_wait3A_342 = tpu.memref_slice %arg4[%add3A_320, %dma_wait3A_341] : memref<8192x768xf32, #tpu.memory_space<hbm>> -> memref<16x768xf32, #tpu.memory_space<hbm>>
    %dma_wait3A_343 = arith.constant 0 : i32
    %dma_wait3A_344 = arith.constant 0 : i32
    %dma_wait3A_345 = tpu.memref_slice %arg6[%dma_wait3A_334, %dma_wait3A_343, %dma_wait3A_344] : memref<8x16x768xf32, #tpu.memory_space<vmem>> -> memref<1x16x768xf32, #tpu.memory_space<vmem>>
    %dma_wait3A_346 = tpu.memref_squeeze %dma_wait3A_345 : memref<1x16x768xf32, #tpu.memory_space<vmem>> -> memref<16x768xf32, #tpu.memory_space<vmem>>
    tpu.wait_dma2 semaphore(%arg8 : memref<!tpu.dma_semaphore, #tpu.memory_space<semaphore_mem>>) src(%dma_wait3A_346 : memref<16x768xf32, #tpu.memory_space<vmem>>) dst(%dma_wait3A_342 : memref<16x768xf32, #tpu.memory_space<hbm>>)
    %dma_start3A_347 = arith.constant 12 : i32
    %dma_start3A_348 = arith.constant 4 : i32
    %dma_start3A_349 = arith.constant 0 : i32
    %dma_start3A_350 = arith.constant 0 : i32
    %dma_start3A_351 = tpu.memref_slice %arg6[%dma_start3A_348, %dma_start3A_349, %dma_start3A_350] : memref<8x16x768xf32, #tpu.memory_space<vmem>> -> memref<1x16x768xf32, #tpu.memory_space<vmem>>
    %dma_start3A_352 = tpu.memref_squeeze %dma_start3A_351 : memref<1x16x768xf32, #tpu.memory_space<vmem>> -> memref<16x768xf32, #tpu.memory_space<vmem>>
    %dma_start3A_353 = arith.constant 0 : i32
    %dma_start3A_354 = tpu.memref_slice %arg5[%dma_start3A_347, %dma_start3A_353] : memref<16x16xi32, #tpu.memory_space<vmem>> -> memref<1x16xi32, #tpu.memory_space<vmem>>
    %dma_start3A_355 = tpu.memref_squeeze %dma_start3A_354 : memref<1x16xi32, #tpu.memory_space<vmem>> -> memref<16xi32, #tpu.memory_space<vmem>>
    %dma_start3A_356 = arith.constant 0 : i32
    %dma_start3A_357 = arith.constant 0 : i32
    %dma_start3A_358 = tpu.memref_slice %arg2[%dma_start3A_356, %dma_start3A_357] : memref<12288x768xf32, #tpu.memory_space<hbm>> -> memref<12288x768xf32, #tpu.memory_space<hbm>>
    tpu.enqueue_indirect_dma source(%dma_start3A_358 : memref<12288x768xf32, #tpu.memory_space<hbm>>) target(%dma_start3A_352 : memref<16x768xf32, #tpu.memory_space<vmem>>) offsets(%dma_start3A_355 : memref<16xi32, #tpu.memory_space<vmem>>) semaphore(%arg7 : memref<!tpu.dma_semaphore, #tpu.memory_space<semaphore_mem>>)
    %dma_wait3A_359 = arith.constant 5 : i32
    %dma_wait3A_360 = arith.constant 5 : i32
    %dma_wait3A_361 = arith.constant 0 : i32
    %dma_wait3A_362 = arith.constant 0 : i32
    %dma_wait3A_363 = tpu.memref_slice %arg6[%dma_wait3A_360, %dma_wait3A_361, %dma_wait3A_362] : memref<8x16x768xf32, #tpu.memory_space<vmem>> -> memref<1x16x768xf32, #tpu.memory_space<vmem>>
    %dma_wait3A_364 = tpu.memref_squeeze %dma_wait3A_363 : memref<1x16x768xf32, #tpu.memory_space<vmem>> -> memref<16x768xf32, #tpu.memory_space<vmem>>
    %dma_wait3A_365 = arith.constant 0 : i32
    %dma_wait3A_366 = tpu.memref_slice %arg5[%dma_wait3A_359, %dma_wait3A_365] : memref<16x16xi32, #tpu.memory_space<vmem>> -> memref<1x16xi32, #tpu.memory_space<vmem>>
    %dma_wait3A_367 = tpu.memref_squeeze %dma_wait3A_366 : memref<1x16xi32, #tpu.memory_space<vmem>> -> memref<16xi32, #tpu.memory_space<vmem>>
    %dma_wait3A_368 = arith.constant 0 : i32
    %dma_wait3A_369 = arith.constant 0 : i32
    %dma_wait3A_370 = tpu.memref_slice %arg2[%dma_wait3A_368, %dma_wait3A_369] : memref<12288x768xf32, #tpu.memory_space<hbm>> -> memref<12288x768xf32, #tpu.memory_space<hbm>>
    tpu.wait_indirect_dma semaphore(%arg7 : memref<!tpu.dma_semaphore, #tpu.memory_space<semaphore_mem>>) src(%dma_wait3A_370 : memref<12288x768xf32, #tpu.memory_space<hbm>>) dst(%dma_wait3A_364 : memref<16x768xf32, #tpu.memory_space<vmem>>)
    %add3A_371 = arith.constant 80 : i32
    %add3A_372 = arith.addi %mul3A_2, %add3A_371 : i32
    %dma_start3A_373 = arith.constant 5 : i32
    %dma_start3A_374 = arith.constant 0 : i32
    %dma_start3A_375 = arith.constant 0 : i32
    %dma_start3A_376 = tpu.memref_slice %arg6[%dma_start3A_373, %dma_start3A_374, %dma_start3A_375] : memref<8x16x768xf32, #tpu.memory_space<vmem>> -> memref<1x16x768xf32, #tpu.memory_space<vmem>>
    %dma_start3A_377 = tpu.memref_squeeze %dma_start3A_376 : memref<1x16x768xf32, #tpu.memory_space<vmem>> -> memref<16x768xf32, #tpu.memory_space<vmem>>
    %dma_start3A_378 = arith.constant 0 : i32
    %dma_start3A_379 = tpu.memref_slice %arg4[%add3A_372, %dma_start3A_378] : memref<8192x768xf32, #tpu.memory_space<hbm>> -> memref<16x768xf32, #tpu.memory_space<hbm>>
    %dma_start3A_380 = arith.constant 0 : i32
    %dma_start3A_381 = tpu.memref_slice %arg4[%add3A_372, %dma_start3A_380] : memref<8192x768xf32, #tpu.memory_space<hbm>> -> memref<16x768xf32, #tpu.memory_space<hbm>>
    %dma_start3A_382 = arith.constant 0 : i32
    %dma_start3A_383 = arith.constant 0 : i32
    %dma_start3A_384 = tpu.memref_slice %arg6[%dma_start3A_373, %dma_start3A_382, %dma_start3A_383] : memref<8x16x768xf32, #tpu.memory_space<vmem>> -> memref<1x16x768xf32, #tpu.memory_space<vmem>>
    %dma_start3A_385 = tpu.memref_squeeze %dma_start3A_384 : memref<1x16x768xf32, #tpu.memory_space<vmem>> -> memref<16x768xf32, #tpu.memory_space<vmem>>
    tpu.enqueue_dma source(%dma_start3A_385 : memref<16x768xf32, #tpu.memory_space<vmem>>) target(%dma_start3A_381 : memref<16x768xf32, #tpu.memory_space<hbm>>) target_semaphore(%arg8 : memref<!tpu.dma_semaphore, #tpu.memory_space<semaphore_mem>>)
    %dma_wait3A_386 = arith.constant 5 : i32
    %dma_wait3A_387 = arith.constant 0 : i32
    %dma_wait3A_388 = arith.constant 0 : i32
    %dma_wait3A_389 = tpu.memref_slice %arg6[%dma_wait3A_386, %dma_wait3A_387, %dma_wait3A_388] : memref<8x16x768xf32, #tpu.memory_space<vmem>> -> memref<1x16x768xf32, #tpu.memory_space<vmem>>
    %dma_wait3A_390 = tpu.memref_squeeze %dma_wait3A_389 : memref<1x16x768xf32, #tpu.memory_space<vmem>> -> memref<16x768xf32, #tpu.memory_space<vmem>>
    %dma_wait3A_391 = arith.constant 0 : i32
    %dma_wait3A_392 = tpu.memref_slice %arg4[%add3A_372, %dma_wait3A_391] : memref<8192x768xf32, #tpu.memory_space<hbm>> -> memref<16x768xf32, #tpu.memory_space<hbm>>
    %dma_wait3A_393 = arith.constant 0 : i32
    %dma_wait3A_394 = tpu.memref_slice %arg4[%add3A_372, %dma_wait3A_393] : memref<8192x768xf32, #tpu.memory_space<hbm>> -> memref<16x768xf32, #tpu.memory_space<hbm>>
    %dma_wait3A_395 = arith.constant 0 : i32
    %dma_wait3A_396 = arith.constant 0 : i32
    %dma_wait3A_397 = tpu.memref_slice %arg6[%dma_wait3A_386, %dma_wait3A_395, %dma_wait3A_396] : memref<8x16x768xf32, #tpu.memory_space<vmem>> -> memref<1x16x768xf32, #tpu.memory_space<vmem>>
    %dma_wait3A_398 = tpu.memref_squeeze %dma_wait3A_397 : memref<1x16x768xf32, #tpu.memory_space<vmem>> -> memref<16x768xf32, #tpu.memory_space<vmem>>
    tpu.wait_dma2 semaphore(%arg8 : memref<!tpu.dma_semaphore, #tpu.memory_space<semaphore_mem>>) src(%dma_wait3A_398 : memref<16x768xf32, #tpu.memory_space<vmem>>) dst(%dma_wait3A_394 : memref<16x768xf32, #tpu.memory_space<hbm>>)
    %dma_start3A_399 = arith.constant 13 : i32
    %dma_start3A_400 = arith.constant 5 : i32
    %dma_start3A_401 = arith.constant 0 : i32
    %dma_start3A_402 = arith.constant 0 : i32
    %dma_start3A_403 = tpu.memref_slice %arg6[%dma_start3A_400, %dma_start3A_401, %dma_start3A_402] : memref<8x16x768xf32, #tpu.memory_space<vmem>> -> memref<1x16x768xf32, #tpu.memory_space<vmem>>
    %dma_start3A_404 = tpu.memref_squeeze %dma_start3A_403 : memref<1x16x768xf32, #tpu.memory_space<vmem>> -> memref<16x768xf32, #tpu.memory_space<vmem>>
    %dma_start3A_405 = arith.constant 0 : i32
    %dma_start3A_406 = tpu.memref_slice %arg5[%dma_start3A_399, %dma_start3A_405] : memref<16x16xi32, #tpu.memory_space<vmem>> -> memref<1x16xi32, #tpu.memory_space<vmem>>
    %dma_start3A_407 = tpu.memref_squeeze %dma_start3A_406 : memref<1x16xi32, #tpu.memory_space<vmem>> -> memref<16xi32, #tpu.memory_space<vmem>>
    %dma_start3A_408 = arith.constant 0 : i32
    %dma_start3A_409 = arith.constant 0 : i32
    %dma_start3A_410 = tpu.memref_slice %arg2[%dma_start3A_408, %dma_start3A_409] : memref<12288x768xf32, #tpu.memory_space<hbm>> -> memref<12288x768xf32, #tpu.memory_space<hbm>>
    tpu.enqueue_indirect_dma source(%dma_start3A_410 : memref<12288x768xf32, #tpu.memory_space<hbm>>) target(%dma_start3A_404 : memref<16x768xf32, #tpu.memory_space<vmem>>) offsets(%dma_start3A_407 : memref<16xi32, #tpu.memory_space<vmem>>) semaphore(%arg7 : memref<!tpu.dma_semaphore, #tpu.memory_space<semaphore_mem>>)
    %dma_wait3A_411 = arith.constant 6 : i32
    %dma_wait3A_412 = arith.constant 6 : i32
    %dma_wait3A_413 = arith.constant 0 : i32
    %dma_wait3A_414 = arith.constant 0 : i32
    %dma_wait3A_415 = tpu.memref_slice %arg6[%dma_wait3A_412, %dma_wait3A_413, %dma_wait3A_414] : memref<8x16x768xf32, #tpu.memory_space<vmem>> -> memref<1x16x768xf32, #tpu.memory_space<vmem>>
    %dma_wait3A_416 = tpu.memref_squeeze %dma_wait3A_415 : memref<1x16x768xf32, #tpu.memory_space<vmem>> -> memref<16x768xf32, #tpu.memory_space<vmem>>
    %dma_wait3A_417 = arith.constant 0 : i32
    %dma_wait3A_418 = tpu.memref_slice %arg5[%dma_wait3A_411, %dma_wait3A_417] : memref<16x16xi32, #tpu.memory_space<vmem>> -> memref<1x16xi32, #tpu.memory_space<vmem>>
    %dma_wait3A_419 = tpu.memref_squeeze %dma_wait3A_418 : memref<1x16xi32, #tpu.memory_space<vmem>> -> memref<16xi32, #tpu.memory_space<vmem>>
    %dma_wait3A_420 = arith.constant 0 : i32
    %dma_wait3A_421 = arith.constant 0 : i32
    %dma_wait3A_422 = tpu.memref_slice %arg2[%dma_wait3A_420, %dma_wait3A_421] : memref<12288x768xf32, #tpu.memory_space<hbm>> -> memref<12288x768xf32, #tpu.memory_space<hbm>>
    tpu.wait_indirect_dma semaphore(%arg7 : memref<!tpu.dma_semaphore, #tpu.memory_space<semaphore_mem>>) src(%dma_wait3A_422 : memref<12288x768xf32, #tpu.memory_space<hbm>>) dst(%dma_wait3A_416 : memref<16x768xf32, #tpu.memory_space<vmem>>)
    %add3A_423 = arith.constant 96 : i32
    %add3A_424 = arith.addi %mul3A_2, %add3A_423 : i32
    %dma_start3A_425 = arith.constant 6 : i32
    %dma_start3A_426 = arith.constant 0 : i32
    %dma_start3A_427 = arith.constant 0 : i32
    %dma_start3A_428 = tpu.memref_slice %arg6[%dma_start3A_425, %dma_start3A_426, %dma_start3A_427] : memref<8x16x768xf32, #tpu.memory_space<vmem>> -> memref<1x16x768xf32, #tpu.memory_space<vmem>>
    %dma_start3A_429 = tpu.memref_squeeze %dma_start3A_428 : memref<1x16x768xf32, #tpu.memory_space<vmem>> -> memref<16x768xf32, #tpu.memory_space<vmem>>
    %dma_start3A_430 = arith.constant 0 : i32
    %dma_start3A_431 = tpu.memref_slice %arg4[%add3A_424, %dma_start3A_430] : memref<8192x768xf32, #tpu.memory_space<hbm>> -> memref<16x768xf32, #tpu.memory_space<hbm>>
    %dma_start3A_432 = arith.constant 0 : i32
    %dma_start3A_433 = tpu.memref_slice %arg4[%add3A_424, %dma_start3A_432] : memref<8192x768xf32, #tpu.memory_space<hbm>> -> memref<16x768xf32, #tpu.memory_space<hbm>>
    %dma_start3A_434 = arith.constant 0 : i32
    %dma_start3A_435 = arith.constant 0 : i32
    %dma_start3A_436 = tpu.memref_slice %arg6[%dma_start3A_425, %dma_start3A_434, %dma_start3A_435] : memref<8x16x768xf32, #tpu.memory_space<vmem>> -> memref<1x16x768xf32, #tpu.memory_space<vmem>>
    %dma_start3A_437 = tpu.memref_squeeze %dma_start3A_436 : memref<1x16x768xf32, #tpu.memory_space<vmem>> -> memref<16x768xf32, #tpu.memory_space<vmem>>
    tpu.enqueue_dma source(%dma_start3A_437 : memref<16x768xf32, #tpu.memory_space<vmem>>) target(%dma_start3A_433 : memref<16x768xf32, #tpu.memory_space<hbm>>) target_semaphore(%arg8 : memref<!tpu.dma_semaphore, #tpu.memory_space<semaphore_mem>>)
    %dma_wait3A_438 = arith.constant 6 : i32
    %dma_wait3A_439 = arith.constant 0 : i32
    %dma_wait3A_440 = arith.constant 0 : i32
    %dma_wait3A_441 = tpu.memref_slice %arg6[%dma_wait3A_438, %dma_wait3A_439, %dma_wait3A_440] : memref<8x16x768xf32, #tpu.memory_space<vmem>> -> memref<1x16x768xf32, #tpu.memory_space<vmem>>
    %dma_wait3A_442 = tpu.memref_squeeze %dma_wait3A_441 : memref<1x16x768xf32, #tpu.memory_space<vmem>> -> memref<16x768xf32, #tpu.memory_space<vmem>>
    %dma_wait3A_443 = arith.constant 0 : i32
    %dma_wait3A_444 = tpu.memref_slice %arg4[%add3A_424, %dma_wait3A_443] : memref<8192x768xf32, #tpu.memory_space<hbm>> -> memref<16x768xf32, #tpu.memory_space<hbm>>
    %dma_wait3A_445 = arith.constant 0 : i32
    %dma_wait3A_446 = tpu.memref_slice %arg4[%add3A_424, %dma_wait3A_445] : memref<8192x768xf32, #tpu.memory_space<hbm>> -> memref<16x768xf32, #tpu.memory_space<hbm>>
    %dma_wait3A_447 = arith.constant 0 : i32
    %dma_wait3A_448 = arith.constant 0 : i32
    %dma_wait3A_449 = tpu.memref_slice %arg6[%dma_wait3A_438, %dma_wait3A_447, %dma_wait3A_448] : memref<8x16x768xf32, #tpu.memory_space<vmem>> -> memref<1x16x768xf32, #tpu.memory_space<vmem>>
    %dma_wait3A_450 = tpu.memref_squeeze %dma_wait3A_449 : memref<1x16x768xf32, #tpu.memory_space<vmem>> -> memref<16x768xf32, #tpu.memory_space<vmem>>
    tpu.wait_dma2 semaphore(%arg8 : memref<!tpu.dma_semaphore, #tpu.memory_space<semaphore_mem>>) src(%dma_wait3A_450 : memref<16x768xf32, #tpu.memory_space<vmem>>) dst(%dma_wait3A_446 : memref<16x768xf32, #tpu.memory_space<hbm>>)
    %dma_start3A_451 = arith.constant 14 : i32
    %dma_start3A_452 = arith.constant 6 : i32
    %dma_start3A_453 = arith.constant 0 : i32
    %dma_start3A_454 = arith.constant 0 : i32
    %dma_start3A_455 = tpu.memref_slice %arg6[%dma_start3A_452, %dma_start3A_453, %dma_start3A_454] : memref<8x16x768xf32, #tpu.memory_space<vmem>> -> memref<1x16x768xf32, #tpu.memory_space<vmem>>
    %dma_start3A_456 = tpu.memref_squeeze %dma_start3A_455 : memref<1x16x768xf32, #tpu.memory_space<vmem>> -> memref<16x768xf32, #tpu.memory_space<vmem>>
    %dma_start3A_457 = arith.constant 0 : i32
    %dma_start3A_458 = tpu.memref_slice %arg5[%dma_start3A_451, %dma_start3A_457] : memref<16x16xi32, #tpu.memory_space<vmem>> -> memref<1x16xi32, #tpu.memory_space<vmem>>
    %dma_start3A_459 = tpu.memref_squeeze %dma_start3A_458 : memref<1x16xi32, #tpu.memory_space<vmem>> -> memref<16xi32, #tpu.memory_space<vmem>>
    %dma_start3A_460 = arith.constant 0 : i32
    %dma_start3A_461 = arith.constant 0 : i32
    %dma_start3A_462 = tpu.memref_slice %arg2[%dma_start3A_460, %dma_start3A_461] : memref<12288x768xf32, #tpu.memory_space<hbm>> -> memref<12288x768xf32, #tpu.memory_space<hbm>>
    tpu.enqueue_indirect_dma source(%dma_start3A_462 : memref<12288x768xf32, #tpu.memory_space<hbm>>) target(%dma_start3A_456 : memref<16x768xf32, #tpu.memory_space<vmem>>) offsets(%dma_start3A_459 : memref<16xi32, #tpu.memory_space<vmem>>) semaphore(%arg7 : memref<!tpu.dma_semaphore, #tpu.memory_space<semaphore_mem>>)
    %dma_wait3A_463 = arith.constant 7 : i32
    %dma_wait3A_464 = arith.constant 7 : i32
    %dma_wait3A_465 = arith.constant 0 : i32
    %dma_wait3A_466 = arith.constant 0 : i32
    %dma_wait3A_467 = tpu.memref_slice %arg6[%dma_wait3A_464, %dma_wait3A_465, %dma_wait3A_466] : memref<8x16x768xf32, #tpu.memory_space<vmem>> -> memref<1x16x768xf32, #tpu.memory_space<vmem>>
    %dma_wait3A_468 = tpu.memref_squeeze %dma_wait3A_467 : memref<1x16x768xf32, #tpu.memory_space<vmem>> -> memref<16x768xf32, #tpu.memory_space<vmem>>
    %dma_wait3A_469 = arith.constant 0 : i32
    %dma_wait3A_470 = tpu.memref_slice %arg5[%dma_wait3A_463, %dma_wait3A_469] : memref<16x16xi32, #tpu.memory_space<vmem>> -> memref<1x16xi32, #tpu.memory_space<vmem>>
    %dma_wait3A_471 = tpu.memref_squeeze %dma_wait3A_470 : memref<1x16xi32, #tpu.memory_space<vmem>> -> memref<16xi32, #tpu.memory_space<vmem>>
    %dma_wait3A_472 = arith.constant 0 : i32
    %dma_wait3A_473 = arith.constant 0 : i32
    %dma_wait3A_474 = tpu.memref_slice %arg2[%dma_wait3A_472, %dma_wait3A_473] : memref<12288x768xf32, #tpu.memory_space<hbm>> -> memref<12288x768xf32, #tpu.memory_space<hbm>>
    tpu.wait_indirect_dma semaphore(%arg7 : memref<!tpu.dma_semaphore, #tpu.memory_space<semaphore_mem>>) src(%dma_wait3A_474 : memref<12288x768xf32, #tpu.memory_space<hbm>>) dst(%dma_wait3A_468 : memref<16x768xf32, #tpu.memory_space<vmem>>)
    %add3A_475 = arith.constant 112 : i32
    %add3A_476 = arith.addi %mul3A_2, %add3A_475 : i32
    %dma_start3A_477 = arith.constant 7 : i32
    %dma_start3A_478 = arith.constant 0 : i32
    %dma_start3A_479 = arith.constant 0 : i32
    %dma_start3A_480 = tpu.memref_slice %arg6[%dma_start3A_477, %dma_start3A_478, %dma_start3A_479] : memref<8x16x768xf32, #tpu.memory_space<vmem>> -> memref<1x16x768xf32, #tpu.memory_space<vmem>>
    %dma_start3A_481 = tpu.memref_squeeze %dma_start3A_480 : memref<1x16x768xf32, #tpu.memory_space<vmem>> -> memref<16x768xf32, #tpu.memory_space<vmem>>
    %dma_start3A_482 = arith.constant 0 : i32
    %dma_start3A_483 = tpu.memref_slice %arg4[%add3A_476, %dma_start3A_482] : memref<8192x768xf32, #tpu.memory_space<hbm>> -> memref<16x768xf32, #tpu.memory_space<hbm>>
    %dma_start3A_484 = arith.constant 0 : i32
    %dma_start3A_485 = tpu.memref_slice %arg4[%add3A_476, %dma_start3A_484] : memref<8192x768xf32, #tpu.memory_space<hbm>> -> memref<16x768xf32, #tpu.memory_space<hbm>>
    %dma_start3A_486 = arith.constant 0 : i32
    %dma_start3A_487 = arith.constant 0 : i32
    %dma_start3A_488 = tpu.memref_slice %arg6[%dma_start3A_477, %dma_start3A_486, %dma_start3A_487] : memref<8x16x768xf32, #tpu.memory_space<vmem>> -> memref<1x16x768xf32, #tpu.memory_space<vmem>>
    %dma_start3A_489 = tpu.memref_squeeze %dma_start3A_488 : memref<1x16x768xf32, #tpu.memory_space<vmem>> -> memref<16x768xf32, #tpu.memory_space<vmem>>
    tpu.enqueue_dma source(%dma_start3A_489 : memref<16x768xf32, #tpu.memory_space<vmem>>) target(%dma_start3A_485 : memref<16x768xf32, #tpu.memory_space<hbm>>) target_semaphore(%arg8 : memref<!tpu.dma_semaphore, #tpu.memory_space<semaphore_mem>>)
    %dma_wait3A_490 = arith.constant 7 : i32
    %dma_wait3A_491 = arith.constant 0 : i32
    %dma_wait3A_492 = arith.constant 0 : i32
    %dma_wait3A_493 = tpu.memref_slice %arg6[%dma_wait3A_490, %dma_wait3A_491, %dma_wait3A_492] : memref<8x16x768xf32, #tpu.memory_space<vmem>> -> memref<1x16x768xf32, #tpu.memory_space<vmem>>
    %dma_wait3A_494 = tpu.memref_squeeze %dma_wait3A_493 : memref<1x16x768xf32, #tpu.memory_space<vmem>> -> memref<16x768xf32, #tpu.memory_space<vmem>>
    %dma_wait3A_495 = arith.constant 0 : i32
    %dma_wait3A_496 = tpu.memref_slice %arg4[%add3A_476, %dma_wait3A_495] : memref<8192x768xf32, #tpu.memory_space<hbm>> -> memref<16x768xf32, #tpu.memory_space<hbm>>
    %dma_wait3A_497 = arith.constant 0 : i32
    %dma_wait3A_498 = tpu.memref_slice %arg4[%add3A_476, %dma_wait3A_497] : memref<8192x768xf32, #tpu.memory_space<hbm>> -> memref<16x768xf32, #tpu.memory_space<hbm>>
    %dma_wait3A_499 = arith.constant 0 : i32
    %dma_wait3A_500 = arith.constant 0 : i32
    %dma_wait3A_501 = tpu.memref_slice %arg6[%dma_wait3A_490, %dma_wait3A_499, %dma_wait3A_500] : memref<8x16x768xf32, #tpu.memory_space<vmem>> -> memref<1x16x768xf32, #tpu.memory_space<vmem>>
    %dma_wait3A_502 = tpu.memref_squeeze %dma_wait3A_501 : memref<1x16x768xf32, #tpu.memory_space<vmem>> -> memref<16x768xf32, #tpu.memory_space<vmem>>
    tpu.wait_dma2 semaphore(%arg8 : memref<!tpu.dma_semaphore, #tpu.memory_space<semaphore_mem>>) src(%dma_wait3A_502 : memref<16x768xf32, #tpu.memory_space<vmem>>) dst(%dma_wait3A_498 : memref<16x768xf32, #tpu.memory_space<hbm>>)
    %dma_start3A_503 = arith.constant 15 : i32
    %dma_start3A_504 = arith.constant 7 : i32
    %dma_start3A_505 = arith.constant 0 : i32
    %dma_start3A_506 = arith.constant 0 : i32
    %dma_start3A_507 = tpu.memref_slice %arg6[%dma_start3A_504, %dma_start3A_505, %dma_start3A_506] : memref<8x16x768xf32, #tpu.memory_space<vmem>> -> memref<1x16x768xf32, #tpu.memory_space<vmem>>
    %dma_start3A_508 = tpu.memref_squeeze %dma_start3A_507 : memref<1x16x768xf32, #tpu.memory_space<vmem>> -> memref<16x768xf32, #tpu.memory_space<vmem>>
    %dma_start3A_509 = arith.constant 0 : i32
    %dma_start3A_510 = tpu.memref_slice %arg5[%dma_start3A_503, %dma_start3A_509] : memref<16x16xi32, #tpu.memory_space<vmem>> -> memref<1x16xi32, #tpu.memory_space<vmem>>
    %dma_start3A_511 = tpu.memref_squeeze %dma_start3A_510 : memref<1x16xi32, #tpu.memory_space<vmem>> -> memref<16xi32, #tpu.memory_space<vmem>>
    %dma_start3A_512 = arith.constant 0 : i32
    %dma_start3A_513 = arith.constant 0 : i32
    %dma_start3A_514 = tpu.memref_slice %arg2[%dma_start3A_512, %dma_start3A_513] : memref<12288x768xf32, #tpu.memory_space<hbm>> -> memref<12288x768xf32, #tpu.memory_space<hbm>>
    tpu.enqueue_indirect_dma source(%dma_start3A_514 : memref<12288x768xf32, #tpu.memory_space<hbm>>) target(%dma_start3A_508 : memref<16x768xf32, #tpu.memory_space<vmem>>) offsets(%dma_start3A_511 : memref<16xi32, #tpu.memory_space<vmem>>) semaphore(%arg7 : memref<!tpu.dma_semaphore, #tpu.memory_space<semaphore_mem>>)
    %dma_wait3A_515 = arith.constant 8 : i32
    %dma_wait3A_516 = arith.constant 0 : i32
    %dma_wait3A_517 = arith.constant 0 : i32
    %dma_wait3A_518 = arith.constant 0 : i32
    %dma_wait3A_519 = tpu.memref_slice %arg6[%dma_wait3A_516, %dma_wait3A_517, %dma_wait3A_518] : memref<8x16x768xf32, #tpu.memory_space<vmem>> -> memref<1x16x768xf32, #tpu.memory_space<vmem>>
    %dma_wait3A_520 = tpu.memref_squeeze %dma_wait3A_519 : memref<1x16x768xf32, #tpu.memory_space<vmem>> -> memref<16x768xf32, #tpu.memory_space<vmem>>
    %dma_wait3A_521 = arith.constant 0 : i32
    %dma_wait3A_522 = tpu.memref_slice %arg5[%dma_wait3A_515, %dma_wait3A_521] : memref<16x16xi32, #tpu.memory_space<vmem>> -> memref<1x16xi32, #tpu.memory_space<vmem>>
    %dma_wait3A_523 = tpu.memref_squeeze %dma_wait3A_522 : memref<1x16xi32, #tpu.memory_space<vmem>> -> memref<16xi32, #tpu.memory_space<vmem>>
    %dma_wait3A_524 = arith.constant 0 : i32
    %dma_wait3A_525 = arith.constant 0 : i32
    %dma_wait3A_526 = tpu.memref_slice %arg2[%dma_wait3A_524, %dma_wait3A_525] : memref<12288x768xf32, #tpu.memory_space<hbm>> -> memref<12288x768xf32, #tpu.memory_space<hbm>>
    tpu.wait_indirect_dma semaphore(%arg7 : memref<!tpu.dma_semaphore, #tpu.memory_space<semaphore_mem>>) src(%dma_wait3A_526 : memref<12288x768xf32, #tpu.memory_space<hbm>>) dst(%dma_wait3A_520 : memref<16x768xf32, #tpu.memory_space<vmem>>)
    %add3A_527 = arith.constant 128 : i32
    %add3A_528 = arith.addi %mul3A_2, %add3A_527 : i32
    %dma_start3A_529 = arith.constant 0 : i32
    %dma_start3A_530 = arith.constant 0 : i32
    %dma_start3A_531 = arith.constant 0 : i32
    %dma_start3A_532 = tpu.memref_slice %arg6[%dma_start3A_529, %dma_start3A_530, %dma_start3A_531] : memref<8x16x768xf32, #tpu.memory_space<vmem>> -> memref<1x16x768xf32, #tpu.memory_space<vmem>>
    %dma_start3A_533 = tpu.memref_squeeze %dma_start3A_532 : memref<1x16x768xf32, #tpu.memory_space<vmem>> -> memref<16x768xf32, #tpu.memory_space<vmem>>
    %dma_start3A_534 = arith.constant 0 : i32
    %dma_start3A_535 = tpu.memref_slice %arg4[%add3A_528, %dma_start3A_534] : memref<8192x768xf32, #tpu.memory_space<hbm>> -> memref<16x768xf32, #tpu.memory_space<hbm>>
    %dma_start3A_536 = arith.constant 0 : i32
    %dma_start3A_537 = tpu.memref_slice %arg4[%add3A_528, %dma_start3A_536] : memref<8192x768xf32, #tpu.memory_space<hbm>> -> memref<16x768xf32, #tpu.memory_space<hbm>>
    %dma_start3A_538 = arith.constant 0 : i32
    %dma_start3A_539 = arith.constant 0 : i32
    %dma_start3A_540 = tpu.memref_slice %arg6[%dma_start3A_529, %dma_start3A_538, %dma_start3A_539] : memref<8x16x768xf32, #tpu.memory_space<vmem>> -> memref<1x16x768xf32, #tpu.memory_space<vmem>>
    %dma_start3A_541 = tpu.memref_squeeze %dma_start3A_540 : memref<1x16x768xf32, #tpu.memory_space<vmem>> -> memref<16x768xf32, #tpu.memory_space<vmem>>
    tpu.enqueue_dma source(%dma_start3A_541 : memref<16x768xf32, #tpu.memory_space<vmem>>) target(%dma_start3A_537 : memref<16x768xf32, #tpu.memory_space<hbm>>) target_semaphore(%arg8 : memref<!tpu.dma_semaphore, #tpu.memory_space<semaphore_mem>>)
    %dma_wait3A_542 = arith.constant 9 : i32
    %dma_wait3A_543 = arith.constant 1 : i32
    %dma_wait3A_544 = arith.constant 0 : i32
    %dma_wait3A_545 = arith.constant 0 : i32
    %dma_wait3A_546 = tpu.memref_slice %arg6[%dma_wait3A_543, %dma_wait3A_544, %dma_wait3A_545] : memref<8x16x768xf32, #tpu.memory_space<vmem>> -> memref<1x16x768xf32, #tpu.memory_space<vmem>>
    %dma_wait3A_547 = tpu.memref_squeeze %dma_wait3A_546 : memref<1x16x768xf32, #tpu.memory_space<vmem>> -> memref<16x768xf32, #tpu.memory_space<vmem>>
    %dma_wait3A_548 = arith.constant 0 : i32
    %dma_wait3A_549 = tpu.memref_slice %arg5[%dma_wait3A_542, %dma_wait3A_548] : memref<16x16xi32, #tpu.memory_space<vmem>> -> memref<1x16xi32, #tpu.memory_space<vmem>>
    %dma_wait3A_550 = tpu.memref_squeeze %dma_wait3A_549 : memref<1x16xi32, #tpu.memory_space<vmem>> -> memref<16xi32, #tpu.memory_space<vmem>>
    %dma_wait3A_551 = arith.constant 0 : i32
    %dma_wait3A_552 = arith.constant 0 : i32
    %dma_wait3A_553 = tpu.memref_slice %arg2[%dma_wait3A_551, %dma_wait3A_552] : memref<12288x768xf32, #tpu.memory_space<hbm>> -> memref<12288x768xf32, #tpu.memory_space<hbm>>
    tpu.wait_indirect_dma semaphore(%arg7 : memref<!tpu.dma_semaphore, #tpu.memory_space<semaphore_mem>>) src(%dma_wait3A_553 : memref<12288x768xf32, #tpu.memory_space<hbm>>) dst(%dma_wait3A_547 : memref<16x768xf32, #tpu.memory_space<vmem>>)
    %add3A_554 = arith.constant 144 : i32
    %add3A_555 = arith.addi %mul3A_2, %add3A_554 : i32
    %dma_start3A_556 = arith.constant 1 : i32
    %dma_start3A_557 = arith.constant 0 : i32
    %dma_start3A_558 = arith.constant 0 : i32
    %dma_start3A_559 = tpu.memref_slice %arg6[%dma_start3A_556, %dma_start3A_557, %dma_start3A_558] : memref<8x16x768xf32, #tpu.memory_space<vmem>> -> memref<1x16x768xf32, #tpu.memory_space<vmem>>
    %dma_start3A_560 = tpu.memref_squeeze %dma_start3A_559 : memref<1x16x768xf32, #tpu.memory_space<vmem>> -> memref<16x768xf32, #tpu.memory_space<vmem>>
    %dma_start3A_561 = arith.constant 0 : i32
    %dma_start3A_562 = tpu.memref_slice %arg4[%add3A_555, %dma_start3A_561] : memref<8192x768xf32, #tpu.memory_space<hbm>> -> memref<16x768xf32, #tpu.memory_space<hbm>>
    %dma_start3A_563 = arith.constant 0 : i32
    %dma_start3A_564 = tpu.memref_slice %arg4[%add3A_555, %dma_start3A_563] : memref<8192x768xf32, #tpu.memory_space<hbm>> -> memref<16x768xf32, #tpu.memory_space<hbm>>
    %dma_start3A_565 = arith.constant 0 : i32
    %dma_start3A_566 = arith.constant 0 : i32
    %dma_start3A_567 = tpu.memref_slice %arg6[%dma_start3A_556, %dma_start3A_565, %dma_start3A_566] : memref<8x16x768xf32, #tpu.memory_space<vmem>> -> memref<1x16x768xf32, #tpu.memory_space<vmem>>
    %dma_start3A_568 = tpu.memref_squeeze %dma_start3A_567 : memref<1x16x768xf32, #tpu.memory_space<vmem>> -> memref<16x768xf32, #tpu.memory_space<vmem>>
    tpu.enqueue_dma source(%dma_start3A_568 : memref<16x768xf32, #tpu.memory_space<vmem>>) target(%dma_start3A_564 : memref<16x768xf32, #tpu.memory_space<hbm>>) target_semaphore(%arg8 : memref<!tpu.dma_semaphore, #tpu.memory_space<semaphore_mem>>)
    %dma_wait3A_569 = arith.constant 10 : i32
    %dma_wait3A_570 = arith.constant 2 : i32
    %dma_wait3A_571 = arith.constant 0 : i32
    %dma_wait3A_572 = arith.constant 0 : i32
    %dma_wait3A_573 = tpu.memref_slice %arg6[%dma_wait3A_570, %dma_wait3A_571, %dma_wait3A_572] : memref<8x16x768xf32, #tpu.memory_space<vmem>> -> memref<1x16x768xf32, #tpu.memory_space<vmem>>
    %dma_wait3A_574 = tpu.memref_squeeze %dma_wait3A_573 : memref<1x16x768xf32, #tpu.memory_space<vmem>> -> memref<16x768xf32, #tpu.memory_space<vmem>>
    %dma_wait3A_575 = arith.constant 0 : i32
    %dma_wait3A_576 = tpu.memref_slice %arg5[%dma_wait3A_569, %dma_wait3A_575] : memref<16x16xi32, #tpu.memory_space<vmem>> -> memref<1x16xi32, #tpu.memory_space<vmem>>
    %dma_wait3A_577 = tpu.memref_squeeze %dma_wait3A_576 : memref<1x16xi32, #tpu.memory_space<vmem>> -> memref<16xi32, #tpu.memory_space<vmem>>
    %dma_wait3A_578 = arith.constant 0 : i32
    %dma_wait3A_579 = arith.constant 0 : i32
    %dma_wait3A_580 = tpu.memref_slice %arg2[%dma_wait3A_578, %dma_wait3A_579] : memref<12288x768xf32, #tpu.memory_space<hbm>> -> memref<12288x768xf32, #tpu.memory_space<hbm>>
    tpu.wait_indirect_dma semaphore(%arg7 : memref<!tpu.dma_semaphore, #tpu.memory_space<semaphore_mem>>) src(%dma_wait3A_580 : memref<12288x768xf32, #tpu.memory_space<hbm>>) dst(%dma_wait3A_574 : memref<16x768xf32, #tpu.memory_space<vmem>>)
    %add3A_581 = arith.constant 160 : i32
    %add3A_582 = arith.addi %mul3A_2, %add3A_581 : i32
    %dma_start3A_583 = arith.constant 2 : i32
    %dma_start3A_584 = arith.constant 0 : i32
    %dma_start3A_585 = arith.constant 0 : i32
    %dma_start3A_586 = tpu.memref_slice %arg6[%dma_start3A_583, %dma_start3A_584, %dma_start3A_585] : memref<8x16x768xf32, #tpu.memory_space<vmem>> -> memref<1x16x768xf32, #tpu.memory_space<vmem>>
    %dma_start3A_587 = tpu.memref_squeeze %dma_start3A_586 : memref<1x16x768xf32, #tpu.memory_space<vmem>> -> memref<16x768xf32, #tpu.memory_space<vmem>>
    %dma_start3A_588 = arith.constant 0 : i32
    %dma_start3A_589 = tpu.memref_slice %arg4[%add3A_582, %dma_start3A_588] : memref<8192x768xf32, #tpu.memory_space<hbm>> -> memref<16x768xf32, #tpu.memory_space<hbm>>
    %dma_start3A_590 = arith.constant 0 : i32
    %dma_start3A_591 = tpu.memref_slice %arg4[%add3A_582, %dma_start3A_590] : memref<8192x768xf32, #tpu.memory_space<hbm>> -> memref<16x768xf32, #tpu.memory_space<hbm>>
    %dma_start3A_592 = arith.constant 0 : i32
    %dma_start3A_593 = arith.constant 0 : i32
    %dma_start3A_594 = tpu.memref_slice %arg6[%dma_start3A_583, %dma_start3A_592, %dma_start3A_593] : memref<8x16x768xf32, #tpu.memory_space<vmem>> -> memref<1x16x768xf32, #tpu.memory_space<vmem>>
    %dma_start3A_595 = tpu.memref_squeeze %dma_start3A_594 : memref<1x16x768xf32, #tpu.memory_space<vmem>> -> memref<16x768xf32, #tpu.memory_space<vmem>>
    tpu.enqueue_dma source(%dma_start3A_595 : memref<16x768xf32, #tpu.memory_space<vmem>>) target(%dma_start3A_591 : memref<16x768xf32, #tpu.memory_space<hbm>>) target_semaphore(%arg8 : memref<!tpu.dma_semaphore, #tpu.memory_space<semaphore_mem>>)
    %dma_wait3A_596 = arith.constant 11 : i32
    %dma_wait3A_597 = arith.constant 3 : i32
    %dma_wait3A_598 = arith.constant 0 : i32
    %dma_wait3A_599 = arith.constant 0 : i32
    %dma_wait3A_600 = tpu.memref_slice %arg6[%dma_wait3A_597, %dma_wait3A_598, %dma_wait3A_599] : memref<8x16x768xf32, #tpu.memory_space<vmem>> -> memref<1x16x768xf32, #tpu.memory_space<vmem>>
    %dma_wait3A_601 = tpu.memref_squeeze %dma_wait3A_600 : memref<1x16x768xf32, #tpu.memory_space<vmem>> -> memref<16x768xf32, #tpu.memory_space<vmem>>
    %dma_wait3A_602 = arith.constant 0 : i32
    %dma_wait3A_603 = tpu.memref_slice %arg5[%dma_wait3A_596, %dma_wait3A_602] : memref<16x16xi32, #tpu.memory_space<vmem>> -> memref<1x16xi32, #tpu.memory_space<vmem>>
    %dma_wait3A_604 = tpu.memref_squeeze %dma_wait3A_603 : memref<1x16xi32, #tpu.memory_space<vmem>> -> memref<16xi32, #tpu.memory_space<vmem>>
    %dma_wait3A_605 = arith.constant 0 : i32
    %dma_wait3A_606 = arith.constant 0 : i32
    %dma_wait3A_607 = tpu.memref_slice %arg2[%dma_wait3A_605, %dma_wait3A_606] : memref<12288x768xf32, #tpu.memory_space<hbm>> -> memref<12288x768xf32, #tpu.memory_space<hbm>>
    tpu.wait_indirect_dma semaphore(%arg7 : memref<!tpu.dma_semaphore, #tpu.memory_space<semaphore_mem>>) src(%dma_wait3A_607 : memref<12288x768xf32, #tpu.memory_space<hbm>>) dst(%dma_wait3A_601 : memref<16x768xf32, #tpu.memory_space<vmem>>)
    %add3A_608 = arith.constant 176 : i32
    %add3A_609 = arith.addi %mul3A_2, %add3A_608 : i32
    %dma_start3A_610 = arith.constant 3 : i32
    %dma_start3A_611 = arith.constant 0 : i32
    %dma_start3A_612 = arith.constant 0 : i32
    %dma_start3A_613 = tpu.memref_slice %arg6[%dma_start3A_610, %dma_start3A_611, %dma_start3A_612] : memref<8x16x768xf32, #tpu.memory_space<vmem>> -> memref<1x16x768xf32, #tpu.memory_space<vmem>>
    %dma_start3A_614 = tpu.memref_squeeze %dma_start3A_613 : memref<1x16x768xf32, #tpu.memory_space<vmem>> -> memref<16x768xf32, #tpu.memory_space<vmem>>
    %dma_start3A_615 = arith.constant 0 : i32
    %dma_start3A_616 = tpu.memref_slice %arg4[%add3A_609, %dma_start3A_615] : memref<8192x768xf32, #tpu.memory_space<hbm>> -> memref<16x768xf32, #tpu.memory_space<hbm>>
    %dma_start3A_617 = arith.constant 0 : i32
    %dma_start3A_618 = tpu.memref_slice %arg4[%add3A_609, %dma_start3A_617] : memref<8192x768xf32, #tpu.memory_space<hbm>> -> memref<16x768xf32, #tpu.memory_space<hbm>>
    %dma_start3A_619 = arith.constant 0 : i32
    %dma_start3A_620 = arith.constant 0 : i32
    %dma_start3A_621 = tpu.memref_slice %arg6[%dma_start3A_610, %dma_start3A_619, %dma_start3A_620] : memref<8x16x768xf32, #tpu.memory_space<vmem>> -> memref<1x16x768xf32, #tpu.memory_space<vmem>>
    %dma_start3A_622 = tpu.memref_squeeze %dma_start3A_621 : memref<1x16x768xf32, #tpu.memory_space<vmem>> -> memref<16x768xf32, #tpu.memory_space<vmem>>
    tpu.enqueue_dma source(%dma_start3A_622 : memref<16x768xf32, #tpu.memory_space<vmem>>) target(%dma_start3A_618 : memref<16x768xf32, #tpu.memory_space<hbm>>) target_semaphore(%arg8 : memref<!tpu.dma_semaphore, #tpu.memory_space<semaphore_mem>>)
    %dma_wait3A_623 = arith.constant 12 : i32
    %dma_wait3A_624 = arith.constant 4 : i32
    %dma_wait3A_625 = arith.constant 0 : i32
    %dma_wait3A_626 = arith.constant 0 : i32
    %dma_wait3A_627 = tpu.memref_slice %arg6[%dma_wait3A_624, %dma_wait3A_625, %dma_wait3A_626] : memref<8x16x768xf32, #tpu.memory_space<vmem>> -> memref<1x16x768xf32, #tpu.memory_space<vmem>>
    %dma_wait3A_628 = tpu.memref_squeeze %dma_wait3A_627 : memref<1x16x768xf32, #tpu.memory_space<vmem>> -> memref<16x768xf32, #tpu.memory_space<vmem>>
    %dma_wait3A_629 = arith.constant 0 : i32
    %dma_wait3A_630 = tpu.memref_slice %arg5[%dma_wait3A_623, %dma_wait3A_629] : memref<16x16xi32, #tpu.memory_space<vmem>> -> memref<1x16xi32, #tpu.memory_space<vmem>>
    %dma_wait3A_631 = tpu.memref_squeeze %dma_wait3A_630 : memref<1x16xi32, #tpu.memory_space<vmem>> -> memref<16xi32, #tpu.memory_space<vmem>>
    %dma_wait3A_632 = arith.constant 0 : i32
    %dma_wait3A_633 = arith.constant 0 : i32
    %dma_wait3A_634 = tpu.memref_slice %arg2[%dma_wait3A_632, %dma_wait3A_633] : memref<12288x768xf32, #tpu.memory_space<hbm>> -> memref<12288x768xf32, #tpu.memory_space<hbm>>
    tpu.wait_indirect_dma semaphore(%arg7 : memref<!tpu.dma_semaphore, #tpu.memory_space<semaphore_mem>>) src(%dma_wait3A_634 : memref<12288x768xf32, #tpu.memory_space<hbm>>) dst(%dma_wait3A_628 : memref<16x768xf32, #tpu.memory_space<vmem>>)
    %add3A_635 = arith.constant 192 : i32
    %add3A_636 = arith.addi %mul3A_2, %add3A_635 : i32
    %dma_start3A_637 = arith.constant 4 : i32
    %dma_start3A_638 = arith.constant 0 : i32
    %dma_start3A_639 = arith.constant 0 : i32
    %dma_start3A_640 = tpu.memref_slice %arg6[%dma_start3A_637, %dma_start3A_638, %dma_start3A_639] : memref<8x16x768xf32, #tpu.memory_space<vmem>> -> memref<1x16x768xf32, #tpu.memory_space<vmem>>
    %dma_start3A_641 = tpu.memref_squeeze %dma_start3A_640 : memref<1x16x768xf32, #tpu.memory_space<vmem>> -> memref<16x768xf32, #tpu.memory_space<vmem>>
    %dma_start3A_642 = arith.constant 0 : i32
    %dma_start3A_643 = tpu.memref_slice %arg4[%add3A_636, %dma_start3A_642] : memref<8192x768xf32, #tpu.memory_space<hbm>> -> memref<16x768xf32, #tpu.memory_space<hbm>>
    %dma_start3A_644 = arith.constant 0 : i32
    %dma_start3A_645 = tpu.memref_slice %arg4[%add3A_636, %dma_start3A_644] : memref<8192x768xf32, #tpu.memory_space<hbm>> -> memref<16x768xf32, #tpu.memory_space<hbm>>
    %dma_start3A_646 = arith.constant 0 : i32
    %dma_start3A_647 = arith.constant 0 : i32
    %dma_start3A_648 = tpu.memref_slice %arg6[%dma_start3A_637, %dma_start3A_646, %dma_start3A_647] : memref<8x16x768xf32, #tpu.memory_space<vmem>> -> memref<1x16x768xf32, #tpu.memory_space<vmem>>
    %dma_start3A_649 = tpu.memref_squeeze %dma_start3A_648 : memref<1x16x768xf32, #tpu.memory_space<vmem>> -> memref<16x768xf32, #tpu.memory_space<vmem>>
    tpu.enqueue_dma source(%dma_start3A_649 : memref<16x768xf32, #tpu.memory_space<vmem>>) target(%dma_start3A_645 : memref<16x768xf32, #tpu.memory_space<hbm>>) target_semaphore(%arg8 : memref<!tpu.dma_semaphore, #tpu.memory_space<semaphore_mem>>)
    %dma_wait3A_650 = arith.constant 13 : i32
    %dma_wait3A_651 = arith.constant 5 : i32
    %dma_wait3A_652 = arith.constant 0 : i32
    %dma_wait3A_653 = arith.constant 0 : i32
    %dma_wait3A_654 = tpu.memref_slice %arg6[%dma_wait3A_651, %dma_wait3A_652, %dma_wait3A_653] : memref<8x16x768xf32, #tpu.memory_space<vmem>> -> memref<1x16x768xf32, #tpu.memory_space<vmem>>
    %dma_wait3A_655 = tpu.memref_squeeze %dma_wait3A_654 : memref<1x16x768xf32, #tpu.memory_space<vmem>> -> memref<16x768xf32, #tpu.memory_space<vmem>>
    %dma_wait3A_656 = arith.constant 0 : i32
    %dma_wait3A_657 = tpu.memref_slice %arg5[%dma_wait3A_650, %dma_wait3A_656] : memref<16x16xi32, #tpu.memory_space<vmem>> -> memref<1x16xi32, #tpu.memory_space<vmem>>
    %dma_wait3A_658 = tpu.memref_squeeze %dma_wait3A_657 : memref<1x16xi32, #tpu.memory_space<vmem>> -> memref<16xi32, #tpu.memory_space<vmem>>
    %dma_wait3A_659 = arith.constant 0 : i32
    %dma_wait3A_660 = arith.constant 0 : i32
    %dma_wait3A_661 = tpu.memref_slice %arg2[%dma_wait3A_659, %dma_wait3A_660] : memref<12288x768xf32, #tpu.memory_space<hbm>> -> memref<12288x768xf32, #tpu.memory_space<hbm>>
    tpu.wait_indirect_dma semaphore(%arg7 : memref<!tpu.dma_semaphore, #tpu.memory_space<semaphore_mem>>) src(%dma_wait3A_661 : memref<12288x768xf32, #tpu.memory_space<hbm>>) dst(%dma_wait3A_655 : memref<16x768xf32, #tpu.memory_space<vmem>>)
    %add3A_662 = arith.constant 208 : i32
    %add3A_663 = arith.addi %mul3A_2, %add3A_662 : i32
    %dma_start3A_664 = arith.constant 5 : i32
    %dma_start3A_665 = arith.constant 0 : i32
    %dma_start3A_666 = arith.constant 0 : i32
    %dma_start3A_667 = tpu.memref_slice %arg6[%dma_start3A_664, %dma_start3A_665, %dma_start3A_666] : memref<8x16x768xf32, #tpu.memory_space<vmem>> -> memref<1x16x768xf32, #tpu.memory_space<vmem>>
    %dma_start3A_668 = tpu.memref_squeeze %dma_start3A_667 : memref<1x16x768xf32, #tpu.memory_space<vmem>> -> memref<16x768xf32, #tpu.memory_space<vmem>>
    %dma_start3A_669 = arith.constant 0 : i32
    %dma_start3A_670 = tpu.memref_slice %arg4[%add3A_663, %dma_start3A_669] : memref<8192x768xf32, #tpu.memory_space<hbm>> -> memref<16x768xf32, #tpu.memory_space<hbm>>
    %dma_start3A_671 = arith.constant 0 : i32
    %dma_start3A_672 = tpu.memref_slice %arg4[%add3A_663, %dma_start3A_671] : memref<8192x768xf32, #tpu.memory_space<hbm>> -> memref<16x768xf32, #tpu.memory_space<hbm>>
    %dma_start3A_673 = arith.constant 0 : i32
    %dma_start3A_674 = arith.constant 0 : i32
    %dma_start3A_675 = tpu.memref_slice %arg6[%dma_start3A_664, %dma_start3A_673, %dma_start3A_674] : memref<8x16x768xf32, #tpu.memory_space<vmem>> -> memref<1x16x768xf32, #tpu.memory_space<vmem>>
    %dma_start3A_676 = tpu.memref_squeeze %dma_start3A_675 : memref<1x16x768xf32, #tpu.memory_space<vmem>> -> memref<16x768xf32, #tpu.memory_space<vmem>>
    tpu.enqueue_dma source(%dma_start3A_676 : memref<16x768xf32, #tpu.memory_space<vmem>>) target(%dma_start3A_672 : memref<16x768xf32, #tpu.memory_space<hbm>>) target_semaphore(%arg8 : memref<!tpu.dma_semaphore, #tpu.memory_space<semaphore_mem>>)
    %dma_wait3A_677 = arith.constant 14 : i32
    %dma_wait3A_678 = arith.constant 6 : i32
    %dma_wait3A_679 = arith.constant 0 : i32
    %dma_wait3A_680 = arith.constant 0 : i32
    %dma_wait3A_681 = tpu.memref_slice %arg6[%dma_wait3A_678, %dma_wait3A_679, %dma_wait3A_680] : memref<8x16x768xf32, #tpu.memory_space<vmem>> -> memref<1x16x768xf32, #tpu.memory_space<vmem>>
    %dma_wait3A_682 = tpu.memref_squeeze %dma_wait3A_681 : memref<1x16x768xf32, #tpu.memory_space<vmem>> -> memref<16x768xf32, #tpu.memory_space<vmem>>
    %dma_wait3A_683 = arith.constant 0 : i32
    %dma_wait3A_684 = tpu.memref_slice %arg5[%dma_wait3A_677, %dma_wait3A_683] : memref<16x16xi32, #tpu.memory_space<vmem>> -> memref<1x16xi32, #tpu.memory_space<vmem>>
    %dma_wait3A_685 = tpu.memref_squeeze %dma_wait3A_684 : memref<1x16xi32, #tpu.memory_space<vmem>> -> memref<16xi32, #tpu.memory_space<vmem>>
    %dma_wait3A_686 = arith.constant 0 : i32
    %dma_wait3A_687 = arith.constant 0 : i32
    %dma_wait3A_688 = tpu.memref_slice %arg2[%dma_wait3A_686, %dma_wait3A_687] : memref<12288x768xf32, #tpu.memory_space<hbm>> -> memref<12288x768xf32, #tpu.memory_space<hbm>>
    tpu.wait_indirect_dma semaphore(%arg7 : memref<!tpu.dma_semaphore, #tpu.memory_space<semaphore_mem>>) src(%dma_wait3A_688 : memref<12288x768xf32, #tpu.memory_space<hbm>>) dst(%dma_wait3A_682 : memref<16x768xf32, #tpu.memory_space<vmem>>)
    %add3A_689 = arith.constant 224 : i32
    %add3A_690 = arith.addi %mul3A_2, %add3A_689 : i32
    %dma_start3A_691 = arith.constant 6 : i32
    %dma_start3A_692 = arith.constant 0 : i32
    %dma_start3A_693 = arith.constant 0 : i32
    %dma_start3A_694 = tpu.memref_slice %arg6[%dma_start3A_691, %dma_start3A_692, %dma_start3A_693] : memref<8x16x768xf32, #tpu.memory_space<vmem>> -> memref<1x16x768xf32, #tpu.memory_space<vmem>>
    %dma_start3A_695 = tpu.memref_squeeze %dma_start3A_694 : memref<1x16x768xf32, #tpu.memory_space<vmem>> -> memref<16x768xf32, #tpu.memory_space<vmem>>
    %dma_start3A_696 = arith.constant 0 : i32
    %dma_start3A_697 = tpu.memref_slice %arg4[%add3A_690, %dma_start3A_696] : memref<8192x768xf32, #tpu.memory_space<hbm>> -> memref<16x768xf32, #tpu.memory_space<hbm>>
    %dma_start3A_698 = arith.constant 0 : i32
    %dma_start3A_699 = tpu.memref_slice %arg4[%add3A_690, %dma_start3A_698] : memref<8192x768xf32, #tpu.memory_space<hbm>> -> memref<16x768xf32, #tpu.memory_space<hbm>>
    %dma_start3A_700 = arith.constant 0 : i32
    %dma_start3A_701 = arith.constant 0 : i32
    %dma_start3A_702 = tpu.memref_slice %arg6[%dma_start3A_691, %dma_start3A_700, %dma_start3A_701] : memref<8x16x768xf32, #tpu.memory_space<vmem>> -> memref<1x16x768xf32, #tpu.memory_space<vmem>>
    %dma_start3A_703 = tpu.memref_squeeze %dma_start3A_702 : memref<1x16x768xf32, #tpu.memory_space<vmem>> -> memref<16x768xf32, #tpu.memory_space<vmem>>
    tpu.enqueue_dma source(%dma_start3A_703 : memref<16x768xf32, #tpu.memory_space<vmem>>) target(%dma_start3A_699 : memref<16x768xf32, #tpu.memory_space<hbm>>) target_semaphore(%arg8 : memref<!tpu.dma_semaphore, #tpu.memory_space<semaphore_mem>>)
    %dma_wait3A_704 = arith.constant 15 : i32
    %dma_wait3A_705 = arith.constant 7 : i32
    %dma_wait3A_706 = arith.constant 0 : i32
    %dma_wait3A_707 = arith.constant 0 : i32
    %dma_wait3A_708 = tpu.memref_slice %arg6[%dma_wait3A_705, %dma_wait3A_706, %dma_wait3A_707] : memref<8x16x768xf32, #tpu.memory_space<vmem>> -> memref<1x16x768xf32, #tpu.memory_space<vmem>>
    %dma_wait3A_709 = tpu.memref_squeeze %dma_wait3A_708 : memref<1x16x768xf32, #tpu.memory_space<vmem>> -> memref<16x768xf32, #tpu.memory_space<vmem>>
    %dma_wait3A_710 = arith.constant 0 : i32
    %dma_wait3A_711 = tpu.memref_slice %arg5[%dma_wait3A_704, %dma_wait3A_710] : memref<16x16xi32, #tpu.memory_space<vmem>> -> memref<1x16xi32, #tpu.memory_space<vmem>>
    %dma_wait3A_712 = tpu.memref_squeeze %dma_wait3A_711 : memref<1x16xi32, #tpu.memory_space<vmem>> -> memref<16xi32, #tpu.memory_space<vmem>>
    %dma_wait3A_713 = arith.constant 0 : i32
    %dma_wait3A_714 = arith.constant 0 : i32
    %dma_wait3A_715 = tpu.memref_slice %arg2[%dma_wait3A_713, %dma_wait3A_714] : memref<12288x768xf32, #tpu.memory_space<hbm>> -> memref<12288x768xf32, #tpu.memory_space<hbm>>
    tpu.wait_indirect_dma semaphore(%arg7 : memref<!tpu.dma_semaphore, #tpu.memory_space<semaphore_mem>>) src(%dma_wait3A_715 : memref<12288x768xf32, #tpu.memory_space<hbm>>) dst(%dma_wait3A_709 : memref<16x768xf32, #tpu.memory_space<vmem>>)
    %add3A_716 = arith.constant 240 : i32
    %add3A_717 = arith.addi %mul3A_2, %add3A_716 : i32
    %dma_start3A_718 = arith.constant 7 : i32
    %dma_start3A_719 = arith.constant 0 : i32
    %dma_start3A_720 = arith.constant 0 : i32
    %dma_start3A_721 = tpu.memref_slice %arg6[%dma_start3A_718, %dma_start3A_719, %dma_start3A_720] : memref<8x16x768xf32, #tpu.memory_space<vmem>> -> memref<1x16x768xf32, #tpu.memory_space<vmem>>
    %dma_start3A_722 = tpu.memref_squeeze %dma_start3A_721 : memref<1x16x768xf32, #tpu.memory_space<vmem>> -> memref<16x768xf32, #tpu.memory_space<vmem>>
    %dma_start3A_723 = arith.constant 0 : i32
    %dma_start3A_724 = tpu.memref_slice %arg4[%add3A_717, %dma_start3A_723] : memref<8192x768xf32, #tpu.memory_space<hbm>> -> memref<16x768xf32, #tpu.memory_space<hbm>>
    %dma_start3A_725 = arith.constant 0 : i32
    %dma_start3A_726 = tpu.memref_slice %arg4[%add3A_717, %dma_start3A_725] : memref<8192x768xf32, #tpu.memory_space<hbm>> -> memref<16x768xf32, #tpu.memory_space<hbm>>
    %dma_start3A_727 = arith.constant 0 : i32
    %dma_start3A_728 = arith.constant 0 : i32
    %dma_start3A_729 = tpu.memref_slice %arg6[%dma_start3A_718, %dma_start3A_727, %dma_start3A_728] : memref<8x16x768xf32, #tpu.memory_space<vmem>> -> memref<1x16x768xf32, #tpu.memory_space<vmem>>
    %dma_start3A_730 = tpu.memref_squeeze %dma_start3A_729 : memref<1x16x768xf32, #tpu.memory_space<vmem>> -> memref<16x768xf32, #tpu.memory_space<vmem>>
    tpu.enqueue_dma source(%dma_start3A_730 : memref<16x768xf32, #tpu.memory_space<vmem>>) target(%dma_start3A_726 : memref<16x768xf32, #tpu.memory_space<hbm>>) target_semaphore(%arg8 : memref<!tpu.dma_semaphore, #tpu.memory_space<semaphore_mem>>)
    %dma_wait3A_731 = arith.constant 0 : i32
    %dma_wait3A_732 = arith.constant 0 : i32
    %dma_wait3A_733 = arith.constant 0 : i32
    %dma_wait3A_734 = tpu.memref_slice %arg6[%dma_wait3A_731, %dma_wait3A_732, %dma_wait3A_733] : memref<8x16x768xf32, #tpu.memory_space<vmem>> -> memref<1x16x768xf32, #tpu.memory_space<vmem>>
    %dma_wait3A_735 = tpu.memref_squeeze %dma_wait3A_734 : memref<1x16x768xf32, #tpu.memory_space<vmem>> -> memref<16x768xf32, #tpu.memory_space<vmem>>
    %dma_wait3A_736 = arith.constant 0 : i32
    %dma_wait3A_737 = tpu.memref_slice %arg4[%add3A_528, %dma_wait3A_736] : memref<8192x768xf32, #tpu.memory_space<hbm>> -> memref<16x768xf32, #tpu.memory_space<hbm>>
    %dma_wait3A_738 = arith.constant 0 : i32
    %dma_wait3A_739 = tpu.memref_slice %arg4[%add3A_528, %dma_wait3A_738] : memref<8192x768xf32, #tpu.memory_space<hbm>> -> memref<16x768xf32, #tpu.memory_space<hbm>>
    %dma_wait3A_740 = arith.constant 0 : i32
    %dma_wait3A_741 = arith.constant 0 : i32
    %dma_wait3A_742 = tpu.memref_slice %arg6[%dma_wait3A_731, %dma_wait3A_740, %dma_wait3A_741] : memref<8x16x768xf32, #tpu.memory_space<vmem>> -> memref<1x16x768xf32, #tpu.memory_space<vmem>>
    %dma_wait3A_743 = tpu.memref_squeeze %dma_wait3A_742 : memref<1x16x768xf32, #tpu.memory_space<vmem>> -> memref<16x768xf32, #tpu.memory_space<vmem>>
    tpu.wait_dma2 semaphore(%arg8 : memref<!tpu.dma_semaphore, #tpu.memory_space<semaphore_mem>>) src(%dma_wait3A_743 : memref<16x768xf32, #tpu.memory_space<vmem>>) dst(%dma_wait3A_739 : memref<16x768xf32, #tpu.memory_space<hbm>>)
    %dma_wait3A_744 = arith.constant 1 : i32
    %dma_wait3A_745 = arith.constant 0 : i32
    %dma_wait3A_746 = arith.constant 0 : i32
    %dma_wait3A_747 = tpu.memref_slice %arg6[%dma_wait3A_744, %dma_wait3A_745, %dma_wait3A_746] : memref<8x16x768xf32, #tpu.memory_space<vmem>> -> memref<1x16x768xf32, #tpu.memory_space<vmem>>
    %dma_wait3A_748 = tpu.memref_squeeze %dma_wait3A_747 : memref<1x16x768xf32, #tpu.memory_space<vmem>> -> memref<16x768xf32, #tpu.memory_space<vmem>>
    %dma_wait3A_749 = arith.constant 0 : i32
    %dma_wait3A_750 = tpu.memref_slice %arg4[%add3A_555, %dma_wait3A_749] : memref<8192x768xf32, #tpu.memory_space<hbm>> -> memref<16x768xf32, #tpu.memory_space<hbm>>
    %dma_wait3A_751 = arith.constant 0 : i32
    %dma_wait3A_752 = tpu.memref_slice %arg4[%add3A_555, %dma_wait3A_751] : memref<8192x768xf32, #tpu.memory_space<hbm>> -> memref<16x768xf32, #tpu.memory_space<hbm>>
    %dma_wait3A_753 = arith.constant 0 : i32
    %dma_wait3A_754 = arith.constant 0 : i32
    %dma_wait3A_755 = tpu.memref_slice %arg6[%dma_wait3A_744, %dma_wait3A_753, %dma_wait3A_754] : memref<8x16x768xf32, #tpu.memory_space<vmem>> -> memref<1x16x768xf32, #tpu.memory_space<vmem>>
    %dma_wait3A_756 = tpu.memref_squeeze %dma_wait3A_755 : memref<1x16x768xf32, #tpu.memory_space<vmem>> -> memref<16x768xf32, #tpu.memory_space<vmem>>
    tpu.wait_dma2 semaphore(%arg8 : memref<!tpu.dma_semaphore, #tpu.memory_space<semaphore_mem>>) src(%dma_wait3A_756 : memref<16x768xf32, #tpu.memory_space<vmem>>) dst(%dma_wait3A_752 : memref<16x768xf32, #tpu.memory_space<hbm>>)
    %dma_wait3A_757 = arith.constant 2 : i32
    %dma_wait3A_758 = arith.constant 0 : i32
    %dma_wait3A_759 = arith.constant 0 : i32
    %dma_wait3A_760 = tpu.memref_slice %arg6[%dma_wait3A_757, %dma_wait3A_758, %dma_wait3A_759] : memref<8x16x768xf32, #tpu.memory_space<vmem>> -> memref<1x16x768xf32, #tpu.memory_space<vmem>>
    %dma_wait3A_761 = tpu.memref_squeeze %dma_wait3A_760 : memref<1x16x768xf32, #tpu.memory_space<vmem>> -> memref<16x768xf32, #tpu.memory_space<vmem>>
    %dma_wait3A_762 = arith.constant 0 : i32
    %dma_wait3A_763 = tpu.memref_slice %arg4[%add3A_582, %dma_wait3A_762] : memref<8192x768xf32, #tpu.memory_space<hbm>> -> memref<16x768xf32, #tpu.memory_space<hbm>>
    %dma_wait3A_764 = arith.constant 0 : i32
    %dma_wait3A_765 = tpu.memref_slice %arg4[%add3A_582, %dma_wait3A_764] : memref<8192x768xf32, #tpu.memory_space<hbm>> -> memref<16x768xf32, #tpu.memory_space<hbm>>
    %dma_wait3A_766 = arith.constant 0 : i32
    %dma_wait3A_767 = arith.constant 0 : i32
    %dma_wait3A_768 = tpu.memref_slice %arg6[%dma_wait3A_757, %dma_wait3A_766, %dma_wait3A_767] : memref<8x16x768xf32, #tpu.memory_space<vmem>> -> memref<1x16x768xf32, #tpu.memory_space<vmem>>
    %dma_wait3A_769 = tpu.memref_squeeze %dma_wait3A_768 : memref<1x16x768xf32, #tpu.memory_space<vmem>> -> memref<16x768xf32, #tpu.memory_space<vmem>>
    tpu.wait_dma2 semaphore(%arg8 : memref<!tpu.dma_semaphore, #tpu.memory_space<semaphore_mem>>) src(%dma_wait3A_769 : memref<16x768xf32, #tpu.memory_space<vmem>>) dst(%dma_wait3A_765 : memref<16x768xf32, #tpu.memory_space<hbm>>)
    %dma_wait3A_770 = arith.constant 3 : i32
    %dma_wait3A_771 = arith.constant 0 : i32
    %dma_wait3A_772 = arith.constant 0 : i32
    %dma_wait3A_773 = tpu.memref_slice %arg6[%dma_wait3A_770, %dma_wait3A_771, %dma_wait3A_772] : memref<8x16x768xf32, #tpu.memory_space<vmem>> -> memref<1x16x768xf32, #tpu.memory_space<vmem>>
    %dma_wait3A_774 = tpu.memref_squeeze %dma_wait3A_773 : memref<1x16x768xf32, #tpu.memory_space<vmem>> -> memref<16x768xf32, #tpu.memory_space<vmem>>
    %dma_wait3A_775 = arith.constant 0 : i32
    %dma_wait3A_776 = tpu.memref_slice %arg4[%add3A_609, %dma_wait3A_775] : memref<8192x768xf32, #tpu.memory_space<hbm>> -> memref<16x768xf32, #tpu.memory_space<hbm>>
    %dma_wait3A_777 = arith.constant 0 : i32
    %dma_wait3A_778 = tpu.memref_slice %arg4[%add3A_609, %dma_wait3A_777] : memref<8192x768xf32, #tpu.memory_space<hbm>> -> memref<16x768xf32, #tpu.memory_space<hbm>>
    %dma_wait3A_779 = arith.constant 0 : i32
    %dma_wait3A_780 = arith.constant 0 : i32
    %dma_wait3A_781 = tpu.memref_slice %arg6[%dma_wait3A_770, %dma_wait3A_779, %dma_wait3A_780] : memref<8x16x768xf32, #tpu.memory_space<vmem>> -> memref<1x16x768xf32, #tpu.memory_space<vmem>>
    %dma_wait3A_782 = tpu.memref_squeeze %dma_wait3A_781 : memref<1x16x768xf32, #tpu.memory_space<vmem>> -> memref<16x768xf32, #tpu.memory_space<vmem>>
    tpu.wait_dma2 semaphore(%arg8 : memref<!tpu.dma_semaphore, #tpu.memory_space<semaphore_mem>>) src(%dma_wait3A_782 : memref<16x768xf32, #tpu.memory_space<vmem>>) dst(%dma_wait3A_778 : memref<16x768xf32, #tpu.memory_space<hbm>>)
    %dma_wait3A_783 = arith.constant 4 : i32
    %dma_wait3A_784 = arith.constant 0 : i32
    %dma_wait3A_785 = arith.constant 0 : i32
    %dma_wait3A_786 = tpu.memref_slice %arg6[%dma_wait3A_783, %dma_wait3A_784, %dma_wait3A_785] : memref<8x16x768xf32, #tpu.memory_space<vmem>> -> memref<1x16x768xf32, #tpu.memory_space<vmem>>
    %dma_wait3A_787 = tpu.memref_squeeze %dma_wait3A_786 : memref<1x16x768xf32, #tpu.memory_space<vmem>> -> memref<16x768xf32, #tpu.memory_space<vmem>>
    %dma_wait3A_788 = arith.constant 0 : i32
    %dma_wait3A_789 = tpu.memref_slice %arg4[%add3A_636, %dma_wait3A_788] : memref<8192x768xf32, #tpu.memory_space<hbm>> -> memref<16x768xf32, #tpu.memory_space<hbm>>
    %dma_wait3A_790 = arith.constant 0 : i32
    %dma_wait3A_791 = tpu.memref_slice %arg4[%add3A_636, %dma_wait3A_790] : memref<8192x768xf32, #tpu.memory_space<hbm>> -> memref<16x768xf32, #tpu.memory_space<hbm>>
    %dma_wait3A_792 = arith.constant 0 : i32
    %dma_wait3A_793 = arith.constant 0 : i32
    %dma_wait3A_794 = tpu.memref_slice %arg6[%dma_wait3A_783, %dma_wait3A_792, %dma_wait3A_793] : memref<8x16x768xf32, #tpu.memory_space<vmem>> -> memref<1x16x768xf32, #tpu.memory_space<vmem>>
    %dma_wait3A_795 = tpu.memref_squeeze %dma_wait3A_794 : memref<1x16x768xf32, #tpu.memory_space<vmem>> -> memref<16x768xf32, #tpu.memory_space<vmem>>
    tpu.wait_dma2 semaphore(%arg8 : memref<!tpu.dma_semaphore, #tpu.memory_space<semaphore_mem>>) src(%dma_wait3A_795 : memref<16x768xf32, #tpu.memory_space<vmem>>) dst(%dma_wait3A_791 : memref<16x768xf32, #tpu.memory_space<hbm>>)
    %dma_wait3A_796 = arith.constant 5 : i32
    %dma_wait3A_797 = arith.constant 0 : i32
    %dma_wait3A_798 = arith.constant 0 : i32
    %dma_wait3A_799 = tpu.memref_slice %arg6[%dma_wait3A_796, %dma_wait3A_797, %dma_wait3A_798] : memref<8x16x768xf32, #tpu.memory_space<vmem>> -> memref<1x16x768xf32, #tpu.memory_space<vmem>>
    %dma_wait3A_800 = tpu.memref_squeeze %dma_wait3A_799 : memref<1x16x768xf32, #tpu.memory_space<vmem>> -> memref<16x768xf32, #tpu.memory_space<vmem>>
    %dma_wait3A_801 = arith.constant 0 : i32
    %dma_wait3A_802 = tpu.memref_slice %arg4[%add3A_663, %dma_wait3A_801] : memref<8192x768xf32, #tpu.memory_space<hbm>> -> memref<16x768xf32, #tpu.memory_space<hbm>>
    %dma_wait3A_803 = arith.constant 0 : i32
    %dma_wait3A_804 = tpu.memref_slice %arg4[%add3A_663, %dma_wait3A_803] : memref<8192x768xf32, #tpu.memory_space<hbm>> -> memref<16x768xf32, #tpu.memory_space<hbm>>
    %dma_wait3A_805 = arith.constant 0 : i32
    %dma_wait3A_806 = arith.constant 0 : i32
    %dma_wait3A_807 = tpu.memref_slice %arg6[%dma_wait3A_796, %dma_wait3A_805, %dma_wait3A_806] : memref<8x16x768xf32, #tpu.memory_space<vmem>> -> memref<1x16x768xf32, #tpu.memory_space<vmem>>
    %dma_wait3A_808 = tpu.memref_squeeze %dma_wait3A_807 : memref<1x16x768xf32, #tpu.memory_space<vmem>> -> memref<16x768xf32, #tpu.memory_space<vmem>>
    tpu.wait_dma2 semaphore(%arg8 : memref<!tpu.dma_semaphore, #tpu.memory_space<semaphore_mem>>) src(%dma_wait3A_808 : memref<16x768xf32, #tpu.memory_space<vmem>>) dst(%dma_wait3A_804 : memref<16x768xf32, #tpu.memory_space<hbm>>)
    %dma_wait3A_809 = arith.constant 6 : i32
    %dma_wait3A_810 = arith.constant 0 : i32
    %dma_wait3A_811 = arith.constant 0 : i32
    %dma_wait3A_812 = tpu.memref_slice %arg6[%dma_wait3A_809, %dma_wait3A_810, %dma_wait3A_811] : memref<8x16x768xf32, #tpu.memory_space<vmem>> -> memref<1x16x768xf32, #tpu.memory_space<vmem>>
    %dma_wait3A_813 = tpu.memref_squeeze %dma_wait3A_812 : memref<1x16x768xf32, #tpu.memory_space<vmem>> -> memref<16x768xf32, #tpu.memory_space<vmem>>
    %dma_wait3A_814 = arith.constant 0 : i32
    %dma_wait3A_815 = tpu.memref_slice %arg4[%add3A_690, %dma_wait3A_814] : memref<8192x768xf32, #tpu.memory_space<hbm>> -> memref<16x768xf32, #tpu.memory_space<hbm>>
    %dma_wait3A_816 = arith.constant 0 : i32
    %dma_wait3A_817 = tpu.memref_slice %arg4[%add3A_690, %dma_wait3A_816] : memref<8192x768xf32, #tpu.memory_space<hbm>> -> memref<16x768xf32, #tpu.memory_space<hbm>>
    %dma_wait3A_818 = arith.constant 0 : i32
    %dma_wait3A_819 = arith.constant 0 : i32
    %dma_wait3A_820 = tpu.memref_slice %arg6[%dma_wait3A_809, %dma_wait3A_818, %dma_wait3A_819] : memref<8x16x768xf32, #tpu.memory_space<vmem>> -> memref<1x16x768xf32, #tpu.memory_space<vmem>>
    %dma_wait3A_821 = tpu.memref_squeeze %dma_wait3A_820 : memref<1x16x768xf32, #tpu.memory_space<vmem>> -> memref<16x768xf32, #tpu.memory_space<vmem>>
    tpu.wait_dma2 semaphore(%arg8 : memref<!tpu.dma_semaphore, #tpu.memory_space<semaphore_mem>>) src(%dma_wait3A_821 : memref<16x768xf32, #tpu.memory_space<vmem>>) dst(%dma_wait3A_817 : memref<16x768xf32, #tpu.memory_space<hbm>>)
    %dma_wait3A_822 = arith.constant 7 : i32
    %dma_wait3A_823 = arith.constant 0 : i32
    %dma_wait3A_824 = arith.constant 0 : i32
    %dma_wait3A_825 = tpu.memref_slice %arg6[%dma_wait3A_822, %dma_wait3A_823, %dma_wait3A_824] : memref<8x16x768xf32, #tpu.memory_space<vmem>> -> memref<1x16x768xf32, #tpu.memory_space<vmem>>
    %dma_wait3A_826 = tpu.memref_squeeze %dma_wait3A_825 : memref<1x16x768xf32, #tpu.memory_space<vmem>> -> memref<16x768xf32, #tpu.memory_space<vmem>>
    %dma_wait3A_827 = arith.constant 0 : i32
    %dma_wait3A_828 = tpu.memref_slice %arg4[%add3A_717, %dma_wait3A_827] : memref<8192x768xf32, #tpu.memory_space<hbm>> -> memref<16x768xf32, #tpu.memory_space<hbm>>
    %dma_wait3A_829 = arith.constant 0 : i32
    %dma_wait3A_830 = tpu.memref_slice %arg4[%add3A_717, %dma_wait3A_829] : memref<8192x768xf32, #tpu.memory_space<hbm>> -> memref<16x768xf32, #tpu.memory_space<hbm>>
    %dma_wait3A_831 = arith.constant 0 : i32
    %dma_wait3A_832 = arith.constant 0 : i32
    %dma_wait3A_833 = tpu.memref_slice %arg6[%dma_wait3A_822, %dma_wait3A_831, %dma_wait3A_832] : memref<8x16x768xf32, #tpu.memory_space<vmem>> -> memref<1x16x768xf32, #tpu.memory_space<vmem>>
    %dma_wait3A_834 = tpu.memref_squeeze %dma_wait3A_833 : memref<1x16x768xf32, #tpu.memory_space<vmem>> -> memref<16x768xf32, #tpu.memory_space<vmem>>
    tpu.wait_dma2 semaphore(%arg8 : memref<!tpu.dma_semaphore, #tpu.memory_space<semaphore_mem>>) src(%dma_wait3A_834 : memref<16x768xf32, #tpu.memory_space<vmem>>) dst(%dma_wait3A_830 : memref<16x768xf32, #tpu.memory_space<hbm>>)
    return
  }
}

module attributes {stable_mosaic.version = 14 : i64} {
  func.func @_gating_body(%arg0: i32, %arg1: memref<1024x768xf32, #tpu.memory_space<vmem>>, %arg2: memref<8x768xf32, #tpu.memory_space<vmem>>, %arg3: memref<8x128xf32, #tpu.memory_space<vmem>>, %arg4: memref<1x1x1024xi32, #tpu.memory_space<vmem>>, %arg5: memref<1x1x1024xi32, #tpu.memory_space<vmem>>, %arg6: memref<8x128xf32, #tpu.memory_space<vmem>>, %arg7: memref<8x128xf32, #tpu.memory_space<vmem>>, %arg8: memref<8x128xf32, #tpu.memory_space<vmem>>, %arg9: memref<8x128xf32, #tpu.memory_space<vmem>>, %arg10: memref<8x128xf32, #tpu.memory_space<vmem>>, %arg11: memref<1024x1024xf32, #tpu.memory_space<vmem>>) attributes {dimension_semantics = [#tpu.dimension_semantics<arbitrary>], iteration_bounds = array<i64: 8>, scalar_prefetch = 0 : i64, scratch_operands = 4 : i64, tpu.core_type = #tpu.core_type<tc>, window_params = [{transform_indices = @transform_0, window_bounds = array<i64: 1024, 768>}, {pipeline_mode = #tpu.pipeline_mode<synchronous>, transform_indices = @transform_1, window_bounds = array<i64: 8, 768>}, {pipeline_mode = #tpu.pipeline_mode<synchronous>, transform_indices = @transform_2, window_bounds = array<i64: 8, 128>}, {transform_indices = @transform_3, window_bounds = array<i64: 1, 1, 1024>}, {transform_indices = @transform_4, window_bounds = array<i64: 1, 1, 1024>}, {pipeline_mode = #tpu.pipeline_mode<synchronous>, transform_indices = @transform_5, window_bounds = array<i64: 8, 128>}, {pipeline_mode = #tpu.pipeline_mode<synchronous>, transform_indices = @transform_6, window_bounds = array<i64: 8, 128>}]} {
    %eq3A = arith.constant 0 : i32
    %eq3A_0 = arith.cmpi eq, %arg0, %eq3A : i32
    %convert_element_type3A = arith.extui %eq3A_0 : i1 to i32
    %cond3A = arith.constant 0 : i32
    %cond3A_1 = arith.cmpi ne, %convert_element_type3A, %cond3A : i32
    scf.if %cond3A_1 {
      %broadcast_in_dim3A_106 = arith.constant 0.000000e+00 : f32
      %broadcast_in_dim3A_107 = vector.broadcast %broadcast_in_dim3A_106 : f32 to vector<8x128xf32>
      %swap3A_108 = arith.constant 0 : index
      %swap3A_109 = arith.constant 0 : index
      %swap3A_110 = vector.load %arg8[%swap3A_108, %swap3A_109] : memref<8x128xf32, #tpu.memory_space<vmem>>, vector<8x128xf32>
      tpu.vector_store %arg8[%swap3A_108, %swap3A_109], %broadcast_in_dim3A_107 {strides = array<i32>} : memref<8x128xf32, #tpu.memory_space<vmem>>, vector<8x128xf32>,
      %broadcast_in_dim3A_111 = arith.constant 0.000000e+00 : f32
      %broadcast_in_dim3A_112 = vector.broadcast %broadcast_in_dim3A_111 : f32 to vector<8x128xf32>
      %swap3A_113 = arith.constant 0 : index
      %swap3A_114 = arith.constant 0 : index
      %swap3A_115 = vector.load %arg9[%swap3A_113, %swap3A_114] : memref<8x128xf32, #tpu.memory_space<vmem>>, vector<8x128xf32>
      tpu.vector_store %arg9[%swap3A_113, %swap3A_114], %broadcast_in_dim3A_112 {strides = array<i32>} : memref<8x128xf32, #tpu.memory_space<vmem>>, vector<8x128xf32>,
      %broadcast_in_dim3A_116 = arith.constant 0.000000e+00 : f32
      %broadcast_in_dim3A_117 = vector.broadcast %broadcast_in_dim3A_116 : f32 to vector<8x128xf32>
      %swap3A_118 = arith.constant 0 : index
      %swap3A_119 = arith.constant 0 : index
      %swap3A_120 = vector.load %arg10[%swap3A_118, %swap3A_119] : memref<8x128xf32, #tpu.memory_space<vmem>>, vector<8x128xf32>
      tpu.vector_store %arg10[%swap3A_118, %swap3A_119], %broadcast_in_dim3A_117 {strides = array<i32>} : memref<8x128xf32, #tpu.memory_space<vmem>>, vector<8x128xf32>,
      %iota3A_121 = tpu.iota {dimensions = array<i32: 0>} : vector<1024x1024xi32>
      %iota3A_122 = tpu.iota {dimensions = array<i32: 1>} : vector<1024x1024xi32>
      %le3A = arith.cmpi sle, %iota3A_121, %iota3A_122 : vector<1024x1024xi32>
      %convert_element_type3A_123 = arith.extui %le3A : vector<1024x1024xi1> to vector<1024x1024xi32>
      %convert_element_type3A_124 = arith.sitofp %convert_element_type3A_123 : vector<1024x1024xi32> to vector<1024x1024xf32>
      %swap3A_125 = arith.constant 0 : index
      %swap3A_126 = arith.constant 0 : index
      %swap3A_127 = vector.load %arg11[%swap3A_125, %swap3A_126] : memref<1024x1024xf32, #tpu.memory_space<vmem>>, vector<1024x1024xf32>
      tpu.vector_store %arg11[%swap3A_125, %swap3A_126], %convert_element_type3A_124 {strides = array<i32>} : memref<1024x1024xf32, #tpu.memory_space<vmem>>, vector<1024x1024xf32>,
    } else {
    }
    %get3A = arith.constant 0 : index
    %get3A_2 = arith.constant 0 : index
    %get3A_3 = vector.load %arg1[%get3A, %get3A_2] : memref<1024x768xf32, #tpu.memory_space<vmem>>, vector<1024x768xf32>
    %get3A_4 = arith.constant 0 : index
    %get3A_5 = arith.constant 0 : index
    %get3A_6 = vector.load %arg2[%get3A_4, %get3A_5] : memref<8x768xf32, #tpu.memory_space<vmem>>, vector<8x768xf32>
    %dot_general3A = arith.constant dense<0.000000e+00> : vector<8x1024xf32>
    %dot_general3A_7 = tpu.matmul %get3A_6, %get3A_3, %dot_general3A {dimension_numbers = #tpu.dot_dimension_numbers<[1], [1], [0], [0], [0, 0, 1, 0], [], []>, transpose_lhs_hint = false} : vector<8x768xf32>, vector<1024x768xf32>, vector<8x1024xf32> -> vector<8x1024xf32>
    %get3A_8 = arith.constant 0 : index
    %get3A_9 = arith.constant 0 : index
    %get3A_10 = vector.load %arg3[%get3A_8, %get3A_9] : memref<8x128xf32, #tpu.memory_space<vmem>>, vector<8x128xf32>
    %slice3A = vector.extract_strided_slice %get3A_10 {offsets = [0, 0], sizes = [8, 1], strides = [1, 1]} : vector<8x128xf32> to vector<8x1xf32>
    %add3A = vector.broadcast %slice3A : vector<8x1xf32> to vector<8x1024xf32>
    %add3A_11 = arith.addf %dot_general3A_7, %add3A : vector<8x1024xf32>
    %reduce_max3A = arith.constant dense<0xFF800000> : vector<1024xf32>
    %reduce_max3A_12 = vector.multi_reduction <maximumf>, %add3A_11, %reduce_max3A [0] : vector<8x1024xf32> to vector<1024xf32>
    %broadcast_in_dim3A = vector.shape_cast %reduce_max3A_12 : vector<1024xf32> to vector<1x1024xf32>
    %sub3A = vector.broadcast %broadcast_in_dim3A : vector<1x1024xf32> to vector<8x1024xf32>
    %sub3A_13 = arith.subf %add3A_11, %sub3A : vector<8x1024xf32>
    %exp3A = math.exp %sub3A_13 : vector<8x1024xf32>
    %reduce_sum3A = arith.constant dense<0.000000e+00> : vector<1024xf32>
    %reduce_sum3A_14 = vector.multi_reduction <add>, %exp3A, %reduce_sum3A [0] : vector<8x1024xf32> to vector<1024xf32>
    %broadcast_in_dim3A_15 = vector.shape_cast %reduce_sum3A_14 : vector<1024xf32> to vector<1x1024xf32>
    %div3A = vector.broadcast %broadcast_in_dim3A_15 : vector<1x1024xf32> to vector<8x1024xf32>
    %div3A_16 = arith.divf %exp3A, %div3A : vector<8x1024xf32>
    %reduce_max3A_17 = arith.constant dense<0xFF800000> : vector<1024xf32>
    %reduce_max3A_18 = vector.multi_reduction <maximumf>, %div3A_16, %reduce_max3A_17 [0] : vector<8x1024xf32> to vector<1024xf32>
    %broadcast_in_dim3A_19 = vector.shape_cast %reduce_max3A_18 : vector<1024xf32> to vector<1x1024xf32>
    %iota3A = tpu.iota {dimensions = array<i32: 0>} : vector<8x1024xi32>
    %ge3A = vector.broadcast %broadcast_in_dim3A_19 : vector<1x1024xf32> to vector<8x1024xf32>
    %ge3A_20 = arith.cmpf oge, %div3A_16, %ge3A : vector<8x1024xf32>
    %jit3A = arith.constant 8 : i32
    %broadcast_in_dim3A_21 = vector.broadcast %jit3A : i32 to vector<8x1024xi32>
    %select_n3A = arith.select %ge3A_20, %iota3A, %broadcast_in_dim3A_21 : vector<8x1024xi1>, vector<8x1024xi32>
    %reduce_min3A = arith.constant dense<2147483647> : vector<1024xi32>
    %reduce_min3A_22 = vector.multi_reduction <minsi>, %select_n3A, %reduce_min3A [0] : vector<8x1024xi32> to vector<1024xi32>
    %broadcast_in_dim3A_23 = vector.shape_cast %reduce_min3A_22 : vector<1024xi32> to vector<1x1024xi32>
    %eq3A_24 = vector.broadcast %broadcast_in_dim3A_23 : vector<1x1024xi32> to vector<8x1024xi32>
    %eq3A_25 = arith.cmpi eq, %iota3A, %eq3A_24 : vector<8x1024xi32>
    %convert_element_type3A_26 = arith.extui %eq3A_25 : vector<8x1024xi1> to vector<8x1024xi32>
    %convert_element_type3A_27 = arith.sitofp %convert_element_type3A_26 : vector<8x1024xi32> to vector<8x1024xf32>
    %get3A_28 = arith.constant 0 : index
    %get3A_29 = arith.constant 0 : index
    %get3A_30 = vector.load %arg11[%get3A_28, %get3A_29] : memref<1024x1024xf32, #tpu.memory_space<vmem>>, vector<1024x1024xf32>
    %dot_general3A_31 = arith.constant dense<0.000000e+00> : vector<8x1024xf32>
    %dot_general3A_32 = tpu.matmul %convert_element_type3A_27, %get3A_30, %dot_general3A_31 {dimension_numbers = #tpu.dot_dimension_numbers<[1], [0], [0], [1], [0, 0, 1, 1], [], []>, transpose_lhs_hint = false} : vector<8x1024xf32>, vector<1024x1024xf32>, vector<8x1024xf32> -> vector<8x1024xf32>
    %get3A_33 = arith.constant 0 : index
    %get3A_34 = arith.constant 0 : index
    %get3A_35 = vector.load %arg8[%get3A_33, %get3A_34] : memref<8x128xf32, #tpu.memory_space<vmem>>, vector<8x128xf32>
    %slice3A_36 = vector.extract_strided_slice %get3A_35 {offsets = [0, 0], sizes = [8, 1], strides = [1, 1]} : vector<8x128xf32> to vector<8x1xf32>
    %add3A_37 = vector.broadcast %slice3A_36 : vector<8x1xf32> to vector<8x1024xf32>
    %add3A_38 = arith.addf %add3A_37, %dot_general3A_32 : vector<8x1024xf32>
    %sub3A_39 = arith.constant 1.000000e+00 : f32
    %sub3A_40 = vector.broadcast %sub3A_39 : f32 to vector<8x1024xf32>
    %sub3A_41 = arith.subf %add3A_38, %sub3A_40 : vector<8x1024xf32>
    %mul3A = arith.mulf %convert_element_type3A_27, %sub3A_41 : vector<8x1024xf32>
    %reduce_sum3A_42 = arith.constant dense<0.000000e+00> : vector<1024xf32>
    %reduce_sum3A_43 = vector.multi_reduction <add>, %mul3A, %reduce_sum3A_42 [0] : vector<8x1024xf32> to vector<1024xf32>
    %broadcast_in_dim3A_44 = vector.shape_cast %reduce_sum3A_43 : vector<1024xf32> to vector<1x1024xf32>
    %reshape3A = vector.shape_cast %broadcast_in_dim3A_23 : vector<1x1024xi32> to vector<1x1x1024xi32>
    %swap3A = arith.constant 0 : index
    %swap3A_45 = arith.constant 0 : index
    %swap3A_46 = arith.constant 0 : index
    %swap3A_47 = vector.load %arg4[%swap3A, %swap3A_45, %swap3A_46] : memref<1x1x1024xi32, #tpu.memory_space<vmem>>, vector<1x1x1024xi32>
    tpu.vector_store %arg4[%swap3A, %swap3A_45, %swap3A_46], %reshape3A {strides = array<i32>} : memref<1x1x1024xi32, #tpu.memory_space<vmem>>, vector<1x1x1024xi32>,
    %convert_element_type3A_48 = arith.fptosi %broadcast_in_dim3A_44 : vector<1x1024xf32> to vector<1x1024xi32>
    %reshape3A_49 = vector.shape_cast %convert_element_type3A_48 : vector<1x1024xi32> to vector<1x1x1024xi32>
    %swap3A_50 = arith.constant 0 : index
    %swap3A_51 = arith.constant 0 : index
    %swap3A_52 = arith.constant 0 : index
    %swap3A_53 = vector.load %arg5[%swap3A_50, %swap3A_51, %swap3A_52] : memref<1x1x1024xi32, #tpu.memory_space<vmem>>, vector<1x1x1024xi32>
    tpu.vector_store %arg5[%swap3A_50, %swap3A_51, %swap3A_52], %reshape3A_49 {strides = array<i32>} : memref<1x1x1024xi32, #tpu.memory_space<vmem>>, vector<1x1x1024xi32>,
    %slice3A_54 = vector.extract_strided_slice %dot_general3A_32 {offsets = [0, 1023], sizes = [8, 1], strides = [1, 1]} : vector<8x1024xf32> to vector<8x1xf32>
    %add3A_55 = arith.addf %slice3A_36, %slice3A_54 : vector<8x1xf32>
    %broadcast_in_dim3A_56 = vector.shape_cast %add3A_55 : vector<8x1xf32> to vector<8x1xf32>
    %broadcast_in_dim3A_57 = vector.broadcast %broadcast_in_dim3A_56 : vector<8x1xf32> to vector<8x128xf32>
    %swap3A_58 = arith.constant 0 : index
    %swap3A_59 = arith.constant 0 : index
    %swap3A_60 = vector.load %arg8[%swap3A_58, %swap3A_59] : memref<8x128xf32, #tpu.memory_space<vmem>>, vector<8x128xf32>
    tpu.vector_store %arg8[%swap3A_58, %swap3A_59], %broadcast_in_dim3A_57 {strides = array<i32>} : memref<8x128xf32, #tpu.memory_space<vmem>>, vector<8x128xf32>,
    %get3A_61 = arith.constant 0 : index
    %get3A_62 = arith.constant 0 : index
    %get3A_63 = vector.load %arg9[%get3A_61, %get3A_62] : memref<8x128xf32, #tpu.memory_space<vmem>>, vector<8x128xf32>
    %slice3A_64 = vector.extract_strided_slice %get3A_63 {offsets = [0, 0], sizes = [8, 1], strides = [1, 1]} : vector<8x128xf32> to vector<8x1xf32>
    %reduce_sum3A_65 = arith.constant dense<0.000000e+00> : vector<8xf32>
    %reduce_sum3A_66 = vector.multi_reduction <add>, %div3A_16, %reduce_sum3A_65 [1] : vector<8x1024xf32> to vector<8xf32>
    %broadcast_in_dim3A_67 = vector.shape_cast %reduce_sum3A_66 : vector<8xf32> to vector<8x1xf32>
    %add3A_68 = arith.addf %slice3A_64, %broadcast_in_dim3A_67 : vector<8x1xf32>
    %get3A_69 = arith.constant 0 : index
    %get3A_70 = arith.constant 0 : index
    %get3A_71 = vector.load %arg10[%get3A_69, %get3A_70] : memref<8x128xf32, #tpu.memory_space<vmem>>, vector<8x128xf32>
    %slice3A_72 = vector.extract_strided_slice %get3A_71 {offsets = [0, 0], sizes = [8, 1], strides = [1, 1]} : vector<8x128xf32> to vector<8x1xf32>
    %mul3A_73 = arith.mulf %div3A_16, %div3A_16 : vector<8x1024xf32>
    %reduce_sum3A_74 = arith.constant dense<0.000000e+00> : vector<8xf32>
    %reduce_sum3A_75 = vector.multi_reduction <add>, %mul3A_73, %reduce_sum3A_74 [1] : vector<8x1024xf32> to vector<8xf32>
    %broadcast_in_dim3A_76 = vector.shape_cast %reduce_sum3A_75 : vector<8xf32> to vector<8x1xf32>
    %add3A_77 = arith.addf %slice3A_72, %broadcast_in_dim3A_76 : vector<8x1xf32>
    %broadcast_in_dim3A_78 = vector.shape_cast %add3A_68 : vector<8x1xf32> to vector<8x1xf32>
    %broadcast_in_dim3A_79 = vector.broadcast %broadcast_in_dim3A_78 : vector<8x1xf32> to vector<8x128xf32>
    %swap3A_80 = arith.constant 0 : index
    %swap3A_81 = arith.constant 0 : index
    %swap3A_82 = vector.load %arg9[%swap3A_80, %swap3A_81] : memref<8x128xf32, #tpu.memory_space<vmem>>, vector<8x128xf32>
    tpu.vector_store %arg9[%swap3A_80, %swap3A_81], %broadcast_in_dim3A_79 {strides = array<i32>} : memref<8x128xf32, #tpu.memory_space<vmem>>, vector<8x128xf32>,
    %broadcast_in_dim3A_83 = vector.shape_cast %add3A_77 : vector<8x1xf32> to vector<8x1xf32>
    %broadcast_in_dim3A_84 = vector.broadcast %broadcast_in_dim3A_83 : vector<8x1xf32> to vector<8x128xf32>
    %swap3A_85 = arith.constant 0 : index
    %swap3A_86 = arith.constant 0 : index
    %swap3A_87 = vector.load %arg10[%swap3A_85, %swap3A_86] : memref<8x128xf32, #tpu.memory_space<vmem>>, vector<8x128xf32>
    tpu.vector_store %arg10[%swap3A_85, %swap3A_86], %broadcast_in_dim3A_84 {strides = array<i32>} : memref<8x128xf32, #tpu.memory_space<vmem>>, vector<8x128xf32>,
    %mul3A_88 = arith.mulf %add3A_68, %add3A_68 : vector<8x1xf32>
    %div3A_89 = arith.constant 8.192000e+03 : f32
    %div3A_90 = vector.broadcast %div3A_89 : f32 to vector<8x1xf32>
    %div3A_91 = arith.divf %mul3A_88, %div3A_90 : vector<8x1xf32>
    %sub3A_92 = arith.subf %add3A_77, %div3A_91 : vector<8x1xf32>
    %div3A_93 = arith.constant 8.191000e+03 : f32
    %div3A_94 = vector.broadcast %div3A_93 : f32 to vector<8x1xf32>
    %div3A_95 = arith.divf %sub3A_92, %div3A_94 : vector<8x1xf32>
    %broadcast_in_dim3A_96 = vector.shape_cast %add3A_55 : vector<8x1xf32> to vector<8x1xf32>
    %broadcast_in_dim3A_97 = vector.broadcast %broadcast_in_dim3A_96 : vector<8x1xf32> to vector<8x128xf32>
    %swap3A_98 = arith.constant 0 : index
    %swap3A_99 = arith.constant 0 : index
    %swap3A_100 = vector.load %arg6[%swap3A_98, %swap3A_99] : memref<8x128xf32, #tpu.memory_space<vmem>>, vector<8x128xf32>
    tpu.vector_store %arg6[%swap3A_98, %swap3A_99], %broadcast_in_dim3A_97 {strides = array<i32>} : memref<8x128xf32, #tpu.memory_space<vmem>>, vector<8x128xf32>,
    %broadcast_in_dim3A_101 = vector.shape_cast %div3A_95 : vector<8x1xf32> to vector<8x1xf32>
    %broadcast_in_dim3A_102 = vector.broadcast %broadcast_in_dim3A_101 : vector<8x1xf32> to vector<8x128xf32>
    %swap3A_103 = arith.constant 0 : index
    %swap3A_104 = arith.constant 0 : index
    %swap3A_105 = vector.load %arg7[%swap3A_103, %swap3A_104] : memref<8x128xf32, #tpu.memory_space<vmem>>, vector<8x128xf32>
    tpu.vector_store %arg7[%swap3A_103, %swap3A_104], %broadcast_in_dim3A_102 {strides = array<i32>} : memref<8x128xf32, #tpu.memory_space<vmem>>, vector<8x128xf32>,
    return
  }
  func.func @transform_0(%arg0: i32) -> (i32, i32) {
    %c0_i32 = arith.constant 0 : i32
    %c0_i32_0 = arith.constant 0 : i32
    return %arg0, %c0_i32 : i32, i32
  }
  func.func @transform_1(%arg0: i32) -> (i32, i32) {
    %c0_i32 = arith.constant 0 : i32
    %c0_i32_0 = arith.constant 0 : i32
    %c0_i32_1 = arith.constant 0 : i32
    return %c0_i32, %c0_i32_0 : i32, i32
  }
  func.func @transform_2(%arg0: i32) -> (i32, i32) {
    %c0_i32 = arith.constant 0 : i32
    %c0_i32_0 = arith.constant 0 : i32
    %c0_i32_1 = arith.constant 0 : i32
    return %c0_i32, %c0_i32_0 : i32, i32
  }
  func.func @transform_3(%arg0: i32) -> (i32, i32, i32) {
    %c0_i32 = arith.constant 0 : i32
    %c0_i32_0 = arith.constant 0 : i32
    %c0_i32_1 = arith.constant 0 : i32
    return %arg0, %c0_i32, %c0_i32_0 : i32, i32, i32
  }
  func.func @transform_4(%arg0: i32) -> (i32, i32, i32) {
    %c0_i32 = arith.constant 0 : i32
    %c0_i32_0 = arith.constant 0 : i32
    %c0_i32_1 = arith.constant 0 : i32
    return %arg0, %c0_i32, %c0_i32_0 : i32, i32, i32
  }
  func.func @transform_5(%arg0: i32) -> (i32, i32) {
    %c0_i32 = arith.constant 0 : i32
    %c0_i32_0 = arith.constant 0 : i32
    %c0_i32_1 = arith.constant 0 : i32
    return %c0_i32, %c0_i32_0 : i32, i32
  }
  func.func @transform_6(%arg0: i32) -> (i32, i32) {
    %c0_i32 = arith.constant 0 : i32
    %c0_i32_0 = arith.constant 0 : i32
    %c0_i32_1 = arith.constant 0 : i32
    return %c0_i32, %c0_i32_0 : i32, i32
  }
}

module attributes {stable_mosaic.version = 14 : i64} {
  func.func @_matmul_body(%arg0: i32, %arg1: memref<24xi32, #tpu.memory_space<smem>>, %arg2: memref<24xi32, #tpu.memory_space<smem>>, %arg3: memref<24xi32, #tpu.memory_space<smem>>, %arg4: memref<24xi32, #tpu.memory_space<smem>>, %arg5: memref<24xi32, #tpu.memory_space<smem>>, %arg6: memref<512x768xf32, #tpu.memory_space<vmem>>, %arg7: memref<8x768x768xf32, #tpu.memory_space<any>>, %arg8: memref<1x1x768xf32, #tpu.memory_space<vmem>>, %arg9: memref<512x768xf32, #tpu.memory_space<vmem>>, %arg10: memref<2x768x768xf32, #tpu.memory_space<vmem>>, %arg11: memref<2x!tpu.dma_semaphore, #tpu.memory_space<semaphore_mem>>) attributes {dimension_semantics = [#tpu.dimension_semantics<arbitrary>], iteration_bounds = array<i64: 24>, scalar_prefetch = 5 : i64, scratch_operands = 2 : i64, tpu.core_type = #tpu.core_type<tc>, window_params = [{transform_indices = @transform_0, window_bounds = array<i64: 512, 768>}, {}, {transform_indices = @transform_2, window_bounds = array<i64: 1, 1, 768>}, {transform_indices = @transform_3, window_bounds = array<i64: 512, 768>}]} {
    %get3A = arith.index_cast %arg0 : i32 to index
    %get3A_0 = memref.load %arg2[%get3A] : memref<24xi32, #tpu.memory_space<smem>>
    %eq3A = arith.constant 0 : i32
    %eq3A_1 = arith.cmpi eq, %arg0, %eq3A : i32
    %convert_element_type3A = arith.extui %eq3A_1 : i1 to i32
    %cond3A = arith.constant 0 : i32
    %cond3A_2 = arith.cmpi ne, %convert_element_type3A, %cond3A : i32
    scf.if %cond3A_2 {
      %get3A_36 = arith.constant 0 : index
      %get3A_37 = memref.load %arg1[%get3A_36] : memref<24xi32, #tpu.memory_space<smem>>
      %dma_start3A = arith.constant 0 : i32
      %dma_start3A_38 = arith.constant 0 : i32
      %dma_start3A_39 = tpu.memref_slice %arg11[%dma_start3A_38] : memref<2x!tpu.dma_semaphore, #tpu.memory_space<semaphore_mem>> -> memref<1x!tpu.dma_semaphore, #tpu.memory_space<semaphore_mem>>
      %dma_start3A_40 = tpu.memref_squeeze %dma_start3A_39 : memref<1x!tpu.dma_semaphore, #tpu.memory_space<semaphore_mem>> -> memref<!tpu.dma_semaphore, #tpu.memory_space<semaphore_mem>>
      %dma_start3A_41 = arith.constant 0 : i32
      %dma_start3A_42 = arith.constant 0 : i32
      %dma_start3A_43 = tpu.memref_slice %arg10[%dma_start3A, %dma_start3A_41, %dma_start3A_42] : memref<2x768x768xf32, #tpu.memory_space<vmem>> -> memref<1x768x768xf32, #tpu.memory_space<vmem>>
      %dma_start3A_44 = tpu.memref_squeeze %dma_start3A_43 : memref<1x768x768xf32, #tpu.memory_space<vmem>> -> memref<768x768xf32, #tpu.memory_space<vmem>>
      %dma_start3A_45 = arith.constant 0 : i32
      %dma_start3A_46 = arith.constant 0 : i32
      %dma_start3A_47 = tpu.memref_slice %arg7[%get3A_37, %dma_start3A_45, %dma_start3A_46] : memref<8x768x768xf32, #tpu.memory_space<any>> -> memref<1x768x768xf32, #tpu.memory_space<any>>
      %dma_start3A_48 = tpu.memref_squeeze %dma_start3A_47 : memref<1x768x768xf32, #tpu.memory_space<any>> -> memref<768x768xf32, #tpu.memory_space<any>>
      tpu.enqueue_dma source(%dma_start3A_48 : memref<768x768xf32, #tpu.memory_space<any>>) target(%dma_start3A_44 : memref<768x768xf32, #tpu.memory_space<vmem>>) target_semaphore(%dma_start3A_40 : memref<!tpu.dma_semaphore, #tpu.memory_space<semaphore_mem>>)
    } else {
    }
    %get3A_3 = arith.index_cast %arg0 : i32 to index
    %get3A_4 = memref.load %arg4[%get3A_3] : memref<24xi32, #tpu.memory_space<smem>>
    %eq3A_5 = arith.constant 1 : i32
    %eq3A_6 = arith.cmpi eq, %get3A_4, %eq3A_5 : i32
    %convert_element_type3A_7 = arith.extui %eq3A_6 : i1 to i32
    %cond3A_8 = arith.constant 0 : i32
    %cond3A_9 = arith.cmpi ne, %convert_element_type3A_7, %cond3A_8 : i32
    scf.if %cond3A_9 {
      %add3A = arith.constant 1 : i32
      %add3A_36 = arith.addi %arg0, %add3A : i32
      %get3A_37 = arith.index_cast %add3A_36 : i32 to index
      %get3A_38 = memref.load %arg2[%get3A_37] : memref<24xi32, #tpu.memory_space<smem>>
      %add3A_39 = arith.constant 1 : i32
      %add3A_40 = arith.addi %arg0, %add3A_39 : i32
      %get3A_41 = arith.index_cast %add3A_40 : i32 to index
      %get3A_42 = memref.load %arg1[%get3A_41] : memref<24xi32, #tpu.memory_space<smem>>
      %dma_start3A = tpu.memref_slice %arg11[%get3A_38] : memref<2x!tpu.dma_semaphore, #tpu.memory_space<semaphore_mem>> -> memref<1x!tpu.dma_semaphore, #tpu.memory_space<semaphore_mem>>
      %dma_start3A_43 = tpu.memref_squeeze %dma_start3A : memref<1x!tpu.dma_semaphore, #tpu.memory_space<semaphore_mem>> -> memref<!tpu.dma_semaphore, #tpu.memory_space<semaphore_mem>>
      %dma_start3A_44 = arith.constant 0 : i32
      %dma_start3A_45 = arith.constant 0 : i32
      %dma_start3A_46 = tpu.memref_slice %arg10[%get3A_38, %dma_start3A_44, %dma_start3A_45] : memref<2x768x768xf32, #tpu.memory_space<vmem>> -> memref<1x768x768xf32, #tpu.memory_space<vmem>>
      %dma_start3A_47 = tpu.memref_squeeze %dma_start3A_46 : memref<1x768x768xf32, #tpu.memory_space<vmem>> -> memref<768x768xf32, #tpu.memory_space<vmem>>
      %dma_start3A_48 = arith.constant 0 : i32
      %dma_start3A_49 = arith.constant 0 : i32
      %dma_start3A_50 = tpu.memref_slice %arg7[%get3A_42, %dma_start3A_48, %dma_start3A_49] : memref<8x768x768xf32, #tpu.memory_space<any>> -> memref<1x768x768xf32, #tpu.memory_space<any>>
      %dma_start3A_51 = tpu.memref_squeeze %dma_start3A_50 : memref<1x768x768xf32, #tpu.memory_space<any>> -> memref<768x768xf32, #tpu.memory_space<any>>
      tpu.enqueue_dma source(%dma_start3A_51 : memref<768x768xf32, #tpu.memory_space<any>>) target(%dma_start3A_47 : memref<768x768xf32, #tpu.memory_space<vmem>>) target_semaphore(%dma_start3A_43 : memref<!tpu.dma_semaphore, #tpu.memory_space<semaphore_mem>>)
    } else {
    }
    %get3A_10 = arith.index_cast %arg0 : i32 to index
    %get3A_11 = memref.load %arg3[%get3A_10] : memref<24xi32, #tpu.memory_space<smem>>
    %eq3A_12 = arith.constant 1 : i32
    %eq3A_13 = arith.cmpi eq, %get3A_11, %eq3A_12 : i32
    %convert_element_type3A_14 = arith.extui %eq3A_13 : i1 to i32
    %cond3A_15 = arith.constant 0 : i32
    %cond3A_16 = arith.cmpi ne, %convert_element_type3A_14, %cond3A_15 : i32
    scf.if %cond3A_16 {
      %get3A_36 = arith.index_cast %arg0 : i32 to index
      %get3A_37 = memref.load %arg1[%get3A_36] : memref<24xi32, #tpu.memory_space<smem>>
      %dma_wait3A = tpu.memref_slice %arg11[%get3A_0] : memref<2x!tpu.dma_semaphore, #tpu.memory_space<semaphore_mem>> -> memref<1x!tpu.dma_semaphore, #tpu.memory_space<semaphore_mem>>
      %dma_wait3A_38 = tpu.memref_squeeze %dma_wait3A : memref<1x!tpu.dma_semaphore, #tpu.memory_space<semaphore_mem>> -> memref<!tpu.dma_semaphore, #tpu.memory_space<semaphore_mem>>
      %dma_wait3A_39 = arith.constant 0 : i32
      %dma_wait3A_40 = arith.constant 0 : i32
      %dma_wait3A_41 = tpu.memref_slice %arg10[%get3A_0, %dma_wait3A_39, %dma_wait3A_40] : memref<2x768x768xf32, #tpu.memory_space<vmem>> -> memref<1x768x768xf32, #tpu.memory_space<vmem>>
      %dma_wait3A_42 = tpu.memref_squeeze %dma_wait3A_41 : memref<1x768x768xf32, #tpu.memory_space<vmem>> -> memref<768x768xf32, #tpu.memory_space<vmem>>
      %dma_wait3A_43 = arith.constant 0 : i32
      %dma_wait3A_44 = arith.constant 0 : i32
      %dma_wait3A_45 = tpu.memref_slice %arg7[%get3A_37, %dma_wait3A_43, %dma_wait3A_44] : memref<8x768x768xf32, #tpu.memory_space<any>> -> memref<1x768x768xf32, #tpu.memory_space<any>>
      %dma_wait3A_46 = tpu.memref_squeeze %dma_wait3A_45 : memref<1x768x768xf32, #tpu.memory_space<any>> -> memref<768x768xf32, #tpu.memory_space<any>>
      tpu.wait_dma2 semaphore(%dma_wait3A_38 : memref<!tpu.dma_semaphore, #tpu.memory_space<semaphore_mem>>) src(%dma_wait3A_46 : memref<768x768xf32, #tpu.memory_space<any>>) dst(%dma_wait3A_42 : memref<768x768xf32, #tpu.memory_space<vmem>>)
    } else {
    }
    %get3A_17 = arith.index_cast %arg0 : i32 to index
    %get3A_18 = memref.load %arg5[%get3A_17] : memref<24xi32, #tpu.memory_space<smem>>
    %eq3A_19 = arith.constant 1 : i32
    %eq3A_20 = arith.cmpi eq, %get3A_18, %eq3A_19 : i32
    %eq3A_21 = arith.constant 0 : i32
    %eq3A_22 = arith.cmpi eq, %get3A_0, %eq3A_21 : i32
    %and3A = arith.andi %eq3A_20, %eq3A_22 : i1
    %convert_element_type3A_23 = arith.extui %and3A : i1 to i32
    %cond3A_24 = arith.constant 0 : i32
    %cond3A_25 = arith.cmpi ne, %convert_element_type3A_23, %cond3A_24 : i32
    scf.if %cond3A_25 {
      %get3A_36 = arith.constant 0 : index
      %get3A_37 = arith.constant 0 : index
      %get3A_38 = vector.load %arg6[%get3A_36, %get3A_37] : memref<512x768xf32, #tpu.memory_space<vmem>>, vector<512x768xf32>
      %get3A_39 = arith.constant 0 : index
      %get3A_40 = arith.constant 0 : index
      %get3A_41 = arith.constant 0 : index
      %get3A_42 = vector.load %arg10[%get3A_39, %get3A_40, %get3A_41] : memref<2x768x768xf32, #tpu.memory_space<vmem>>, vector<1x768x768xf32>
      %get3A_43 = vector.shape_cast %get3A_42 : vector<1x768x768xf32> to vector<768x768xf32>
      %dot_general3A = arith.constant dense<0.000000e+00> : vector<512x768xf32>
      %dot_general3A_44 = tpu.matmul %get3A_38, %get3A_43, %dot_general3A {dimension_numbers = #tpu.dot_dimension_numbers<[1], [1], [0], [0], [0, 0, 1, 0], [], []>, transpose_lhs_hint = false} : vector<512x768xf32>, vector<768x768xf32>, vector<512x768xf32> -> vector<512x768xf32>
      %get3A_45 = arith.constant 0 : index
      %get3A_46 = arith.constant 0 : index
      %get3A_47 = arith.constant 0 : index
      %get3A_48 = vector.load %arg8[%get3A_45, %get3A_46, %get3A_47] : memref<1x1x768xf32, #tpu.memory_space<vmem>>, vector<1x1x768xf32>
      %get3A_49 = vector.shape_cast %get3A_48 : vector<1x1x768xf32> to vector<1x768xf32>
      %add3A = vector.broadcast %get3A_49 : vector<1x768xf32> to vector<512x768xf32>
      %add3A_50 = arith.addf %dot_general3A_44, %add3A : vector<512x768xf32>
      %swap3A = arith.constant 0 : index
      %swap3A_51 = arith.constant 0 : index
      %swap3A_52 = vector.load %arg9[%swap3A, %swap3A_51] : memref<512x768xf32, #tpu.memory_space<vmem>>, vector<512x768xf32>
      tpu.vector_store %arg9[%swap3A, %swap3A_51], %add3A_50 {strides = array<i32>} : memref<512x768xf32, #tpu.memory_space<vmem>>, vector<512x768xf32>,
    } else {
    }
    %get3A_26 = arith.index_cast %arg0 : i32 to index
    %get3A_27 = memref.load %arg5[%get3A_26] : memref<24xi32, #tpu.memory_space<smem>>
    %eq3A_28 = arith.constant 1 : i32
    %eq3A_29 = arith.cmpi eq, %get3A_27, %eq3A_28 : i32
    %eq3A_30 = arith.constant 1 : i32
    %eq3A_31 = arith.cmpi eq, %get3A_0, %eq3A_30 : i32
    %and3A_32 = arith.andi %eq3A_29, %eq3A_31 : i1
    %convert_element_type3A_33 = arith.extui %and3A_32 : i1 to i32
    %cond3A_34 = arith.constant 0 : i32
    %cond3A_35 = arith.cmpi ne, %convert_element_type3A_33, %cond3A_34 : i32
    scf.if %cond3A_35 {
      %get3A_36 = arith.constant 0 : index
      %get3A_37 = arith.constant 0 : index
      %get3A_38 = vector.load %arg6[%get3A_36, %get3A_37] : memref<512x768xf32, #tpu.memory_space<vmem>>, vector<512x768xf32>
      %get3A_39 = arith.constant 1 : index
      %get3A_40 = arith.constant 0 : index
      %get3A_41 = arith.constant 0 : index
      %get3A_42 = vector.load %arg10[%get3A_39, %get3A_40, %get3A_41] : memref<2x768x768xf32, #tpu.memory_space<vmem>>, vector<1x768x768xf32>
      %get3A_43 = vector.shape_cast %get3A_42 : vector<1x768x768xf32> to vector<768x768xf32>
      %dot_general3A = arith.constant dense<0.000000e+00> : vector<512x768xf32>
      %dot_general3A_44 = tpu.matmul %get3A_38, %get3A_43, %dot_general3A {dimension_numbers = #tpu.dot_dimension_numbers<[1], [1], [0], [0], [0, 0, 1, 0], [], []>, transpose_lhs_hint = false} : vector<512x768xf32>, vector<768x768xf32>, vector<512x768xf32> -> vector<512x768xf32>
      %get3A_45 = arith.constant 0 : index
      %get3A_46 = arith.constant 0 : index
      %get3A_47 = arith.constant 0 : index
      %get3A_48 = vector.load %arg8[%get3A_45, %get3A_46, %get3A_47] : memref<1x1x768xf32, #tpu.memory_space<vmem>>, vector<1x1x768xf32>
      %get3A_49 = vector.shape_cast %get3A_48 : vector<1x1x768xf32> to vector<1x768xf32>
      %add3A = vector.broadcast %get3A_49 : vector<1x768xf32> to vector<512x768xf32>
      %add3A_50 = arith.addf %dot_general3A_44, %add3A : vector<512x768xf32>
      %swap3A = arith.constant 0 : index
      %swap3A_51 = arith.constant 0 : index
      %swap3A_52 = vector.load %arg9[%swap3A, %swap3A_51] : memref<512x768xf32, #tpu.memory_space<vmem>>, vector<512x768xf32>
      tpu.vector_store %arg9[%swap3A, %swap3A_51], %add3A_50 {strides = array<i32>} : memref<512x768xf32, #tpu.memory_space<vmem>>, vector<512x768xf32>,
    } else {
    }
    return
  }
  func.func @transform_0(%arg0: i32, %arg1: memref<24xi32, #tpu.memory_space<smem>>, %arg2: memref<24xi32, #tpu.memory_space<smem>>, %arg3: memref<24xi32, #tpu.memory_space<smem>>, %arg4: memref<24xi32, #tpu.memory_space<smem>>, %arg5: memref<24xi32, #tpu.memory_space<smem>>) -> (i32, i32) {
    %get3A = arith.index_cast %arg0 : i32 to index
    %get3A_0 = memref.load %arg5[%get3A] : memref<24xi32, #tpu.memory_space<smem>>
    %eq3A = arith.constant 1 : i32
    %eq3A_1 = arith.cmpi eq, %get3A_0, %eq3A : i32
    %jit3A = arith.constant 23 : i32
    %select_n3A = arith.select %eq3A_1, %arg0, %jit3A : i32
    %c0_i32 = arith.constant 0 : i32
    %c0_i32_2 = arith.constant 0 : i32
    return %select_n3A, %c0_i32 : i32, i32
  }
  func.func @transform_2(%arg0: i32, %arg1: memref<24xi32, #tpu.memory_space<smem>>, %arg2: memref<24xi32, #tpu.memory_space<smem>>, %arg3: memref<24xi32, #tpu.memory_space<smem>>, %arg4: memref<24xi32, #tpu.memory_space<smem>>, %arg5: memref<24xi32, #tpu.memory_space<smem>>) -> (i32, i32, i32) {
    %get3A = arith.index_cast %arg0 : i32 to index
    %get3A_0 = memref.load %arg1[%get3A] : memref<24xi32, #tpu.memory_space<smem>>
    %c0_i32 = arith.constant 0 : i32
    %c0_i32_1 = arith.constant 0 : i32
    %c0_i32_2 = arith.constant 0 : i32
    return %get3A_0, %c0_i32, %c0_i32_1 : i32, i32, i32
  }
  func.func @transform_3(%arg0: i32, %arg1: memref<24xi32, #tpu.memory_space<smem>>, %arg2: memref<24xi32, #tpu.memory_space<smem>>, %arg3: memref<24xi32, #tpu.memory_space<smem>>, %arg4: memref<24xi32, #tpu.memory_space<smem>>, %arg5: memref<24xi32, #tpu.memory_space<smem>>) -> (i32, i32) {
    %get3A = arith.index_cast %arg0 : i32 to index
    %get3A_0 = memref.load %arg5[%get3A] : memref<24xi32, #tpu.memory_space<smem>>
    %eq3A = arith.constant 1 : i32
    %eq3A_1 = arith.cmpi eq, %get3A_0, %eq3A : i32
    %jit3A = arith.constant 23 : i32
    %select_n3A = arith.select %eq3A_1, %arg0, %jit3A : i32
    %c0_i32 = arith.constant 0 : i32
    %c0_i32_2 = arith.constant 0 : i32
    return %select_n3A, %c0_i32 : i32, i32
  }
}

</mosaic_0001>

<sc_bundles>
// kernel: kernel.6.cloned.1.call-start
scs
__scs_entry_jumppad:
0x0: {  	(pc) =	sbr.rel $0x88, $3  }
0x1: {  	(tag) =	ssettag $0x0;
	lr =	simm.s32 $0x1  }
0x2: {  	[smem:$0x3F9C] =	sst lr;
	_ =	strace $0xD0000000  }
0x3: {  	_ = 	snop  }
0x4: {  	_ = 	snop  }
0x5: {  	_ = 	snop  }
0x6: {  	_ = 	snop  }
0x7: {  	_ = 	snop  }
__scs_overlays_trampoline_lowered:
0x8: {  	[smem:$0x3FAB] =	sst s0  }
0x9: {  	[smem:$0x3FAC] =	sst s1  }
0xa: {  	[smem:$0x3FAD] =	sst s2  }
0xb: {  	[smem:$0x3FAE] =	sst s3  }
0xc: {  	[smem:$0x3FAF] =	sst s4  }
0xd: {  	[smem:$0x3FB0] =	sst s5  }
0xe: {  	[smem:$0x3FB1] =	sst s6  }
0xf: {  	[smem:$0x3FB2] =	sst s7  }
0x10: {  	[smem:$0x3FB3] =	sst s8  }
0x11: {  	[smem:$0x3FB4] =	sst s9;
	s0 =	simm.s32 @!p0 $0x0  }
0x12: {  	s1 =	sld [smem:$0x3F9A];
	s0 =	simm.s32 @p0 $0x1  }
0x13: {  	[smem:$0x3FB5] =	sst s0;
	s0 =	simm.s32 @!p1 $0x0  }
0x14: {  	s2 =	sld [smem:$0x3F99];
	s0 =	simm.s32 @p1 $0x1  }
0x15: {  	[smem:$0x3FB6] =	sst s0;
	s0 =	simm.s32 @!p2 $0x0  }
0x16: {  	s3 =	sld [smem:$0x3FDB];
	s0 =	simm.s32 @p2 $0x1  }
0x17: {  	s4 =	simm.s32 $0x1BF5;
	[smem:$0x3FB8] =	sst s0  }
0x18: {  	s0 =	sld [smem:$0x3F9B];
	_ =	swait.ge [sflag:s4], $0x0  }
0x19: {  	s7 =	sld [smem:$0x3F9C]  }
0x1a: {  	s8 =	sadd.s32 $0xFFFFE003, lr  }
0x1b: {  	s9 =	sadd.s32 $0xFFFFFEF7, lr;
	s5 =	simm.s32 $0xFFFFFFFF;
	p2 =	slt.u32 s8, $0xFFFFF086  }
0x1c: {  	p1 =	slt.u32 s9, $0xF7A;
	s5 =	simm.s32 @!p2 $0x0  }
0x1d: {  	s5 =	simm.s32 @p1 $0x1;
	p0 =	seq.s32 s7, s2  }
0x1e: {  	s7 =	smul.u32 @!p0 $0xF7A, s2;
	p2 =	seq.s32 @!p0 s5, $0x0  }
0x1f: {  	s9 =	smul.u32 $0xF7A, s1;
	s8 =	simm.s32 @!p0 $0x1BF5;
	p2 =	por !p2, p0  }
0x20: {  	[sflag:s8] =	ssyncset.s32 @!p0 $0xFFFFF086;
	s6 =	sadd.s32 @!p0 s3, s7;
	s7 =	simm.s32 @!p0 $0x108  }
0x21: {  	s3 =	sadd.s32 s3, s9;
	s6 =	sadd.s32 @!p0 $0x88, s6;
	s7 =	simm.s32 @p2 $0x1082  }
0x22: {  	[simem:s7], [sflag:s8] =	dma.local @!p0 [hbm:s6], $0xF7A  }
0x23: {  	s9 =	sor.u32 $0xD0000000, s2;
	s6 =	simm.s32 $0x108;
	_ =	swait.ge @!p0 [sflag:s8], $0x0  }
0x24: {  	s3 =	sadd.s32 $0x88, s3;
	s6 =	simm.s32 @!p1 $0x1082;
	[sflag:s4] =	ssyncset.s32 $0xFFFFF086  }
0x25: {  	[simem:s6], [sflag:s4] =	dma.local [hbm:s3], $0xF7A  }
0x26: {  	[smem:$0x3F9C] =	sst s1;
	(tag) =	ssettag s2;
	_ =	strace s9  }
0x27: {  	s1 =	sld [smem:$0x3FAC]  }
0x28: {  	s2 =	sld [smem:$0x3FAD]  }
0x29: {  	s4 =	sld [smem:$0x3FAF]  }
0x2a: {  	p0 =	seq.s32 s5, $0x0;
	s5 =	sld [smem:$0x3FB0]  }
0x2b: {  	s6 =	sld [smem:$0x3FB1]  }
0x2c: {  	s7 =	sld [smem:$0x3FB2]  }
0x2d: {  	s3 =	simm.s32 $0x108;
	s8 =	sld [smem:$0x3FB3]  }
0x2e: {  	s3 =	simm.s32 @!p0 $0x1082;
	s9 =	sld [smem:$0x3FB4]  }
0x2f: {  	lr =	sadd.s32 s0, s3;
	s0 =	sld [smem:$0x3FAB]  }
0x30: {  	s3 =	sld [smem:$0x3FAE]  }
0x31: {  	[smem:$0x3FB7] =	sst s10  }
0x32: {  	s10 =	sld [smem:$0x3FB5];
	_ =	sdelay $0x3  }
0x33: {  	p0 =	seq.s32 s10, $0x1;
	s10 =	sld [smem:$0x3FB7];
	_ =	sdelay $0x3  }
0x34: {  	[smem:$0x3FB7] =	sst s10  }
0x35: {  	s10 =	sld [smem:$0x3FB6];
	_ =	sdelay $0x3  }
0x36: {  	p1 =	seq.s32 s10, $0x1;
	s10 =	sld [smem:$0x3FB7];
	_ =	sdelay $0x3  }
0x37: {  	[smem:$0x3FB7] =	sst s10  }
0x38: {  	s10 =	sld [smem:$0x3FB8]  }
0x39: {  	_ = 	snop;
	(pc) =	sbr.ind lr, $3  }
0x3a: {  	_ = 	snop  }
0x3b: {  	_ = 	snop  }
0x3c: {  	p2 =	seq.s32 s10, $0x1;
	s10 =	sld [smem:$0x3FB7]  }
0x3d: {  	_ =	shalt  }
0x3e: {  	_ =	shalt  }
0x3f: {  	_ =	shalt  }
0x40: {  	_ =	shalt  }
0x41: {  	_ =	shalt  }
0x42: {  	_ =	shalt  }
0x43: {  	_ =	shalt  }
0x44: {  	_ =	shalt  }
0x45: {  	_ =	shalt  }
0x46: {  	_ =	shalt  }
0x47: {  	_ =	shalt  }
0x48: {  	_ =	shalt  }
0x49: {  	_ =	shalt  }
0x4a: {  	_ =	shalt  }
0x4b: {  	_ =	shalt  }
0x4c: {  	_ =	shalt  }
0x4d: {  	_ =	shalt  }
0x4e: {  	_ =	shalt  }
0x4f: {  	_ =	shalt  }
0x50: {  	_ =	shalt  }
0x51: {  	_ =	shalt  }
0x52: {  	_ =	shalt  }
0x53: {  	_ =	shalt  }
0x54: {  	_ =	shalt  }
0x55: {  	_ =	shalt  }
0x56: {  	_ =	shalt  }
0x57: {  	_ =	shalt  }
0x58: {  	_ =	shalt  }
0x59: {  	_ =	shalt  }
0x5a: {  	_ =	shalt  }
0x5b: {  	_ =	shalt  }
0x5c: {  	_ =	shalt  }
0x5d: {  	_ =	shalt  }
0x5e: {  	_ =	shalt  }
0x5f: {  	_ =	shalt  }
0x60: {  	_ =	shalt  }
0x61: {  	_ =	shalt  }
0x62: {  	_ =	shalt  }
0x63: {  	_ =	shalt  }
0x64: {  	_ =	shalt  }
0x65: {  	_ =	shalt  }
0x66: {  	_ =	shalt  }
0x67: {  	_ =	shalt  }
0x68: {  	_ =	shalt  }
0x69: {  	_ =	shalt  }
0x6a: {  	_ =	shalt  }
0x6b: {  	_ =	shalt  }
0x6c: {  	_ =	shalt  }
0x6d: {  	_ =	shalt  }
0x6e: {  	_ =	shalt  }
0x6f: {  	_ =	shalt  }
0x70: {  	_ =	shalt  }
0x71: {  	_ =	shalt  }
0x72: {  	_ =	shalt  }
0x73: {  	_ =	shalt  }
0x74: {  	_ =	shalt  }
0x75: {  	_ =	shalt  }
0x76: {  	_ =	shalt  }
0x77: {  	_ =	shalt  }
0x78: {  	_ =	shalt  }
0x79: {  	_ =	shalt  }
0x7a: {  	_ =	shalt  }
0x7b: {  	_ =	shalt  }
0x7c: {  	_ =	shalt  }
0x7d: {  	_ =	shalt  }
0x7e: {  	_ =	shalt  }
0x7f: {  	_ =	shalt  }
0x80: {  	_ =	shalt  }
0x81: {  	_ =	shalt  }
0x82: {  	_ =	shalt  }
0x83: {  	_ =	shalt  }
0x84: {  	_ =	shalt  }
0x85: {  	_ =	shalt  }
0x86: {  	_ =	shalt  }
0x87: {  	_ =	shalt  }
.Lfunc_end0:
.L_simem_size_0:
called_computation_lowered:
.L_overlay_start_0:
0x88: {  	s2 =	sld [smem:$0x3FD9]  }
0x89: {  	s3 =	sld [smem:$0x3FFE];
	_ =	sdelay $0x1  }
0x8a: {  	s1 =	srdreg.scid  }
0x8b: {  	s0 =	sand.u32 $0x1, s1  }
0x8c: {  	s14 =	sshll.u32 s0, $0xA;
	s2 =	sadd.s32 s3, s2  }
0x8d: {  	s2 =	sadd.s32 s2, s14  }
0x8e: {  	[smem:$0x3FC3] =	sst s2  }
0x8f: {  	_ = 	snop  }
0x90: {  	s2 =	sld [smem:$0x3FD0];
	_ =	sdelay $0x2  }
0x91: {  	s4 =	simm.s32 $0xA;
	s5 =	simm.s32 $0x10;
	s15 =	sld [smem:$0x3FC9]  }
0x92: {  	[smem:s5], [sflag:s4] =	dma.local [hbm:s2], $0x1  }
0x93: {  	_ =	swait.eq [sflag:s4], $0x1  }
0x94: {  	[sflag:s4] =	ssyncset.done $0x0  }
0x95: {  	[sflag:s4] =	ssyncadd.s32 $0xFFFFFFFF  }
0x96: {  	s16 =	sld [smem:$0x10];
	(tm) =	ssettm $0x1  }
0x97: {  	s17 =	sld [smem:$0x3FFB];
	_ =	sdelay $0x3  }
0x98: {  	_ =	strace s17  }
0x99: {  	s4 =	sld [smem:$0x3FFC];
	_ =	sdelay $0x3  }
0x9a: {  	_ =	strace s4  }
0x9b: {  	s4 =	sld [smem:$0x3FFD];
	_ =	sdelay $0x3  }
0x9c: {  	_ =	strace s4  }
0x9d: {  	_ =	strace $0x8FFFFFFF  }
0x9e: {  	s18 =	sld [smem:$0x3FDB];
	_ =	sdelay $0x1  }
0x9f: {  	s19 =	simm.s32 $_scs_section_size  }
0xa0: {  	s6 =	simm.s32 $_size__tile_overlayer_lowered;
	s7 =	simm.s32 $_tile_overlayer_lowered  }
0xa1: {  	s22 =	simm.s32 $0x1BFF;
	s21 =	sshll.u32 s7, $0x1;
	s4 =	sadd.s32 s19, s18  }
0xa2: {  	s8 =	simm.s32 $0x0;
	s20 =	sshll.u32 s6, $0x1;
	s6 =	sadd.s32 s21, s4  }
0xa3: {  	[timem:s8], [sflag:s22] =	dma.local [hbm:s6], s20  }
0xa4: {  	_ =	swait.ge [sflag:s22], s20  }
0xa5: {  	s5 =	ssub.s32 $0x0, s20;
	[sflag:s22] =	ssyncset.done $0x0  }
0xa6: {  	[sflag:s22] =	ssyncadd.s32 s5;
	_ =	sdelay $0x1  }
0xa7: {  	s23 =	simm.s32 $0x1B8B  }
0xa8: {  	_ =	swait.ge [sflag:s23], $0x1  }
0xa9: {  	[sflag:s23] =	ssyncset.done $0x0  }
0xaa: {  	s25 =	simm.s32 $0x1B8E;
	s24 =	sld [smem:$0x3FFE];
	[sflag:s23] =	ssyncadd.s32 $0xFFFFFFFF  }
0xab: {  	s26 =	simm.s32 $execute0_lowered;
	[smem:$0x3FD2] =	sst s25  }
0xac: {  	s6 =	sshll.u32 s26, $0x1;
	_ =	strace $0x80000046;
	[dreg:$0x1] =	wrdreg $0xFFFFFFFF  }
0xad: {  	s28 =	simm.s32 $_size_execute0_lowered;
	s4 =	sadd.s32 s4, s6;
	[dreg:$0x0] =	wrdreg $0x0  }
0xae: {  	s6 =	sshll.u32 s28, $0x1;
	[dreg:$0x2] =	wrdreg s4  }
0xaf: {  	[dreg:$0x3] =	wrdreg s6  }
0xb0: {  	[dreg:$0x4] =	wrdreg $0xC0  }
0xb1: {  	_ =	task [dreg:s8], $0x5FFFF  }
0xb2: {  	[dreg:$0x1] =	wrdreg $0xFFFFFFFF  }
0xb3: {  	[dreg:$0x0] =	wrdreg $0x60  }
0xb4: {  	[dreg:$0x2] =	wrdreg s15  }
0xb5: {  	[dreg:$0x3] =	wrdreg s16  }
0xb6: {  	[dreg:$0x4] =	wrdreg s24  }
0xb7: {  	[dreg:$0x5] =	wrdreg $0x9  }
0xb8: {  	_ =	task.clear_ibuf [dreg:s8], $0x6FFFF;
	_ =	strace $0x90000046  }
0xb9: {  	s29 =	simm.s32 $0x9;
	_ =	strace $0x80000048  }
0xba: {  	_ =	swait.ge [sflag:s29], $0x1  }
0xbb: {  	[sflag:s29] =	ssyncadd.s32 $0xFFFFFFFF  }
0xbc: {  	_ =	strace $0x90000048  }
0xbd: {  	_ =	sfence  }
0xbe: {  	s30 =	sld [smem:$0x0];
	_ =	sdelay $0x2  }
0xbf: {  	s31 =	sshll.u32 s1, $0xD;
	s1 =	sshrl.u32 s1, $0x2  }
0xc0: {  	s3 =	sand.u32 $0x4000, s31;
	s1 =	sadd.s32 s1, s30  }
0xc1: {  	s0 =	sor.u32 s3, s0;
	s1 =	sshll.u32 s1, $0x11  }
0xc2: {  	s0 =	sor.u32 s1, s0  }
0xc3: {  	s0 =	sadd.s32 $0x8F2B, s0  }
0xc4: {  	[sflag:s0] =	ssyncadd.remote.s32 $0x1  }
0xc5: {  	_ =	sfence.sel $0xFFFF  }
0xc6: {  	[dreg:$0x0] =	wrdreg $0xFFFFFFFF;
	(pc) =	sbr.abs _section_cstart, $3  }
0xc7: {  	[dreg:$0x1] =	wrdreg $0xFFFFFFFF  }
0xc8: {  	_ =	task.clear_ibuf [dreg:s8], $0x2FFFF;
	_ =	strace $0x9FFFFFFF  }
0xc9: {  	(tm) =	ssettm $0x7FFFFFFF  }
tec
execute0_lowered:
.L_overlay_start_1:
0x0: {  	(tag) =	ssettag $0x1  }
0x1: {  	s0 =	rddreg [dreg:$0x0]  }
0x2: {  	s1 =	srdreg.scid;
	s3 =	rddreg [dreg:$0x1]  }
0x3: {  	s2 =	stileid.u32;
	s6 =	rddreg [dreg:$0x2]  }
0x4: {  	s31 =	simm.s32 $0xD280;
	s28 =	simm.s32 $0xE280;
	s29 =	simm.s32 $0xEA80  }
0x5: {  	s30 =	simm.s32 $0xF280;
	s1 =	sand.u32 $0x1, s1;
	s2 =	sshll.u32 s2, $0x1  }
0x6: {  	s7 =	sadd.s32 $0xA00, s6;
	s4 =	sor.u32 s1, s2;
	s2 =	simm.s32 $0x0  }
0x7: {  	s1 =	ssub.s32 $0x2, s1;
	s5 =	smul.u32 $0x6000, s4;
	[smem:$0x7FF] =	sst s2  }
0x8: {  	s25 =	smul.u32 $0x30000, s4;
	s8 =	sshll.u32 s4, $0x5;
	s4 =	sshll.u32 s4, $0x8  }
0x9: {  	_ =	strace $0x80000047;
	[dreg:$0x4] =	wrdreg s7;
	s3 =	sadd.s32 s3, s8  }
0xa: {  	s12 =	sadd.s32 s8, s6;
	s9 =	sadd.s32 s0, s5;
	[dreg:$0xb] =	wrdreg s3  }
0xb: {  	s4 =	sadd.s32 s4, s6;
	s14 =	sadd.s32 $0x600, s12;
	[dreg:$0x19] =	wrdreg s9  }
0xc: {  	s23 =	sshrl.u32 s1, $0x1;
	s15 =	sadd.s32 $0x120C00, s4;
	[dreg:$0xc] =	wrdreg s14  }
0xd: {  	s7 =	sshrl.u32 s25, $0x3;
	s25 =	simm.s32 $0x100;
	[dreg:$0xd] =	wrdreg s15  }
0xe: {  	s1 =	ssub.s32 s1, s23;
	s5 =	sadd.s32 $0x600, s9;
	[dreg:$0x17] =	wrdreg s25  }
0xf: {  	s23 =	simm.s32 $0x12280;
	s24 =	sadd.s32 $0xC00, s9;
	[dreg:$0x5] =	wrdreg s5  }
0x10: {  	s8 =	simm.s32 $0x17A80;
	s26 =	sadd.s32 $0x1200, s9;
	[dreg:$0x6] =	wrdreg s24  }
0x11: {  	s4 =	sadd.s32 $0xC00, s6;
	s10 =	sadd.s32 $0x1800, s9;
	[dreg:$0x7] =	wrdreg s26  }
0x12: {  	s11 =	sadd.s32 $0x1E00, s9;
	s0 =	sadd.s32 s0, s7;
	[dreg:$0x8] =	wrdreg s10  }
0x13: {  	s12 =	simm.s32 $0x14280;
	[dreg:$0x9] =	wrdreg s11;
	s13 =	sadd.s32 $0x2400, s0  }
0x14: {  	s3 =	simm.s32 $0x17280;
	s16 =	sadd.s32 $0x2A00, s0;
	[dreg:$0xa] =	wrdreg s13  }
0x15: {  	s7 =	smax.u32 s1, $0x1;
	s17 =	sadd.s32 $0x3000, s0;
	[dreg:$0xe] =	wrdreg s16  }
0x16: {  	s15 =	simm.s32 $0x3;
	s18 =	sadd.s32 $0x3600, s0;
	[dreg:$0xf] =	wrdreg s17  }
0x17: {  	s25 =	simm.s32 $0x10280;
	s19 =	sadd.s32 $0x3C00, s0;
	[dreg:$0x10] =	wrdreg s18  }
0x18: {  	s14 =	simm.s32 $0x15280;
	s20 =	sadd.s32 $0x4200, s0;
	[dreg:$0x11] =	wrdreg s19  }
0x19: {  	s9 =	simm.s32 $0x18280;
	s21 =	sadd.s32 $0x4800, s0;
	[dreg:$0x12] =	wrdreg s20  }
0x1a: {  	s22 =	sadd.s32 $0x4E00, s0;
	s24 =	sadd.s32 $0x5400, s0;
	[dreg:$0x13] =	wrdreg s21  }
0x1b: {  	s0 =	sadd.s32 $0x5A00, s0;
	s5 =	sadd.s32 $0xD00, s6;
	[dreg:$0x14] =	wrdreg s22  }
0x1c: {  	s6 =	sadd.s32 $0xE00, s6;
	s26 =	simm.s32 $0x280;
	[dreg:$0x15] =	wrdreg s24  }
0x1d: {  	s11 =	simm.s32 $0x13A80;
	s10 =	simm.s32 $0x16280;
	[dreg:$0x16] =	wrdreg s0  }
0x1e: {  	v2 =	vlaneseq.u32;
	s16 =	simm.s32 $0x200;
	[dreg:$0x18] =	wrdreg s26;
	s18 =	simm.s32 $0x1  }
0x1f: {  	vm0 =	vmmov $0xffff;
	v1 =	vshrl.u32 v2, $0x3;
	s24 =	simm.s32 $0x2;
	s26 =	simm.s32 $0xDA80;
	s21 =	simm.s32 $0x11280  }
0x20: {  	v0 =	vand.u32 $0x7, v2;
	v2 =	vor.u32 $0x8, v2;
	v1 =	vmul.u32 $0x8, v1;
	s22 =	simm.s32 $0x11A80;
	s17 =	simm.s32 $0x13280;
	s13 =	simm.s32 $0x14A80  }
.LBB2_1:
0x21: {  	s20 =	rddreg [dreg:$0x19];
	s0 =	simm.s32 $0xA80  }
0x22: {  	[tilespmem:s0], [sflag:$0x1] =	stream.linear.gather [hbm4b:s20+s2], $0x3000, $0x38;
	[tilespmem:$0x18A80] =	vst v63  }
0x23: {  	s19 =	rddreg [dreg:$0x5];
	s1 =	simm.s32 $0x3A80  }
0x24: {  	[tilespmem:s1], [sflag:$0x1] =	stream.linear.gather [hbm4b:s19+s2], $0x3000, $0x38;
	[tilespmem:$0x18A80] =	vst v63  }
0x25: {  	s20 =	rddreg [dreg:$0x6];
	s1 =	simm.s32 $0x6A80  }
0x26: {  	[tilespmem:s1], [sflag:$0x1] =	stream.linear.gather [hbm4b:s20+s2], $0x3000, $0x38;
	[tilespmem:$0x18A80] =	vst v63  }
0x27: {  	s19 =	rddreg [dreg:$0x7];
	s1 =	simm.s32 $0x9A80  }
0x28: {  	[tilespmem:s1], [sflag:$0x1] =	stream.linear.gather [hbm4b:s19+s2], $0x3000, $0x38;
	[tilespmem:$0x18A80] =	vst v63  }
0x29: {  	s20 =	rddreg [dreg:$0x8];
	s1 =	simm.s32 $0xCA80  }
0x2a: {  	[tilespmem:s1], [sflag:$0x1] =	stream.linear.gather [hbm4b:s20+s2], $0x3000, $0x38;
	[tilespmem:$0x18A80] =	vst v63  }
0x2b: {  	s19 =	rddreg [dreg:$0x9];
	s1 =	simm.s32 $0xFA80  }
0x2c: {  	[tilespmem:s1], [sflag:$0x1] =	stream.linear.gather [hbm4b:s19+s2], $0x3000, $0x38;
	[tilespmem:$0x18A80] =	vst v63  }
0x2d: {  	s20 =	rddreg [dreg:$0xa];
	s1 =	simm.s32 $0x12A80  }
0x2e: {  	[tilespmem:s1], [sflag:$0x1] =	stream.linear.gather [hbm4b:s20+s2], $0x3000, $0x38;
	[tilespmem:$0x18A80] =	vst v63  }
0x2f: {  	s19 =	rddreg [dreg:$0xb]  }
0x30: {  	[tilespmem:s2], [sflag:$0x3] =	stream.linear.gather [hbm4b:s19+s2], $0x100, $0x38;
	[tilespmem:$0x18A80] =	vst v63  }
0x31: {  	_ =	swait.ge [sflag:s15], $0x100  }
0x32: {  	s0 =	rddreg [dreg:$0xc];
	[sflag:s15] =	ssyncset.done $0x0  }
0x33: {  	s1 =	rddreg [dreg:$0x17];
	[sflag:s15] =	ssyncadd.s32 $0xFFFFFF00  }
0x34: {  	[tilespmem:s1], [sflag:$0x3] =	stream.linear.gather [hbm4b:s0+s2], $0x100, $0x38;
	[tilespmem:$0x18A80] =	vst v63  }
0x35: {  	_ =	swait.ge [sflag:s15], $0x100  }
0x36: {  	[sflag:s15] =	ssyncset.done $0x0  }
0x37: {  	s20 =	rddreg [dreg:$0x4];
	[sflag:s15] =	ssyncadd.s32 $0xFFFFFF00  }
0x38: {  	[tilespmem:s16], [sflag:$0x3] =	stream.linear.gather [hbm4b:s20+s2], $0x80, $0x38;
	[tilespmem:$0x18A80] =	vst v63  }
0x39: {  	_ =	swait.ge [sflag:s15], $0x80  }
0x3a: {  	[sflag:s15] =	ssyncset.done $0x0  }
0x3b: {  	[sflag:s15] =	ssyncadd.s32 $0xFFFFFF80  }
0x3c: {  	v3 =	vld [tilespmem:$0x0];
	_ =	sdelay $0x5  }
0x3d: {  	v4 =	vld [tilespmem:$0x10]  }
0x3e: {  	v5 =	vld [tilespmem:$0x100]  }
0x3f: {  	v3 =	vld.idx.msk [tilespmem:v3+s16+$0x0], $0xffff;
	_ =	sdelay $0x4  }
0x40: {  	v19 =	vld [tilespmem:$0x20];
	v3 =	vadd.s32 v3, v5  }
0x41: {  	v20 =	vld [tilespmem:$0x110];
	[tilespmem:$0x280] =	vst v3  }
0x42: {  	v3 =	vld.idx.msk [tilespmem:v4+s16+$0x0], $0xffff;
	_ =	sdelay $0x4  }
0x43: {  	v21 =	vld [tilespmem:$0x30];
	v3 =	vadd.s32 v3, v20  }
0x44: {  	v22 =	vld [tilespmem:$0x120];
	[tilespmem:$0x300] =	vst v3  }
0x45: {  	v3 =	vld.idx.msk [tilespmem:v19+s16+$0x0], $0xffff;
	_ =	sdelay $0x4  }
0x46: {  	v23 =	vld [tilespmem:$0x40];
	v3 =	vadd.s32 v3, v22  }
0x47: {  	v24 =	vld [tilespmem:$0x130];
	[tilespmem:$0x380] =	vst v3  }
0x48: {  	v3 =	vld.idx.msk [tilespmem:v21+s16+$0x0], $0xffff;
	_ =	sdelay $0x4  }
0x49: {  	v25 =	vld [tilespmem:$0x50];
	v3 =	vadd.s32 v3, v24  }
0x4a: {  	v26 =	vld [tilespmem:$0x140];
	[tilespmem:$0x400] =	vst v3  }
0x4b: {  	v3 =	vld.idx.msk [tilespmem:v23+s16+$0x0], $0xffff;
	_ =	sdelay $0x4  }
0x4c: {  	v27 =	vld [tilespmem:$0x60];
	v3 =	vadd.s32 v3, v26  }
0x4d: {  	v28 =	vld [tilespmem:$0x150];
	[tilespmem:$0x480] =	vst v3  }
0x4e: {  	v3 =	vld.idx.msk [tilespmem:v25+s16+$0x0], $0xffff;
	_ =	sdelay $0x4  }
0x4f: {  	v29 =	vld [tilespmem:$0x70];
	v3 =	vadd.s32 v3, v28  }
0x50: {  	v30 =	vld [tilespmem:$0x160];
	[tilespmem:$0x500] =	vst v3  }
0x51: {  	v3 =	vld.idx.msk [tilespmem:v27+s16+$0x0], $0xffff;
	_ =	sdelay $0x4  }
0x52: {  	v31 =	vld [tilespmem:$0x80];
	v3 =	vadd.s32 v3, v30  }
0x53: {  	v32 =	vld [tilespmem:$0x170];
	[tilespmem:$0x580] =	vst v3  }
0x54: {  	v3 =	vld.idx.msk [tilespmem:v29+s16+$0x0], $0xffff;
	_ =	sdelay $0x4  }
0x55: {  	v33 =	vld [tilespmem:$0x90];
	v3 =	vadd.s32 v3, v32  }
0x56: {  	v34 =	vld [tilespmem:$0x180];
	[tilespmem:$0x600] =	vst v3  }
0x57: {  	v3 =	vld.idx.msk [tilespmem:v31+s16+$0x0], $0xffff;
	_ =	sdelay $0x4  }
0x58: {  	v35 =	vld [tilespmem:$0xA0];
	v3 =	vadd.s32 v3, v34  }
0x59: {  	v36 =	vld [tilespmem:$0x190];
	[tilespmem:$0x680] =	vst v3  }
0x5a: {  	v3 =	vld.idx.msk [tilespmem:v33+s16+$0x0], $0xffff;
	_ =	sdelay $0x4  }
0x5b: {  	v37 =	vld [tilespmem:$0xB0];
	v3 =	vadd.s32 v3, v36  }
0x5c: {  	v38 =	vld [tilespmem:$0x1A0];
	[tilespmem:$0x700] =	vst v3  }
0x5d: {  	v3 =	vld.idx.msk [tilespmem:v35+s16+$0x0], $0xffff;
	_ =	sdelay $0x4  }
0x5e: {  	v39 =	vld [tilespmem:$0xC0];
	v3 =	vadd.s32 v3, v38  }
0x5f: {  	v40 =	vld [tilespmem:$0x1B0];
	[tilespmem:$0x780] =	vst v3  }
0x60: {  	v3 =	vld.idx.msk [tilespmem:v37+s16+$0x0], $0xffff;
	_ =	sdelay $0x4  }
0x61: {  	v41 =	vld [tilespmem:$0xD0];
	v3 =	vadd.s32 v3, v40  }
0x62: {  	v42 =	vld [tilespmem:$0x1C0];
	[tilespmem:$0x800] =	vst v3  }
0x63: {  	v3 =	vld.idx.msk [tilespmem:v39+s16+$0x0], $0xffff;
	_ =	sdelay $0x4  }
0x64: {  	v43 =	vld [tilespmem:$0xE0];
	v3 =	vadd.s32 v3, v42  }
0x65: {  	v44 =	vld [tilespmem:$0x1D0];
	[tilespmem:$0x880] =	vst v3  }
0x66: {  	v3 =	vld.idx.msk [tilespmem:v41+s16+$0x0], $0xffff;
	_ =	sdelay $0x4  }
0x67: {  	v45 =	vld [tilespmem:$0xF0];
	v3 =	vadd.s32 v3, v44  }
0x68: {  	v46 =	vld [tilespmem:$0x1E0];
	[tilespmem:$0x900] =	vst v3  }
0x69: {  	v3 =	vld.idx.msk [tilespmem:v43+s16+$0x0], $0xffff;
	_ =	sdelay $0x4  }
0x6a: {  	v3 =	vadd.s32 v3, v46  }
0x6b: {  	v47 =	vld [tilespmem:$0x1F0];
	[tilespmem:$0x980] =	vst v3  }
0x6c: {  	v3 =	vld.idx.msk [tilespmem:v45+s16+$0x0], $0xffff;
	_ =	sdelay $0x4  }
0x6d: {  	s0 =	rddreg [dreg:$0xd];
	v3 =	vadd.s32 v3, v47  }
0x6e: {  	s1 =	rddreg [dreg:$0x18];
	[tilespmem:$0xA00] =	vst v3  }
0x6f: {  	[hbm4b:s0+s2] =	stream.linear.scatter [tilespmem:s1], [sflag:$0x3], $0x800, $0x38;
	[tilespmem:$0x18A80] =	vst v63  }
0x70: {  	_ =	swait.ge [sflag:s15], $0x800  }
0x71: {  	[sflag:s15] =	ssyncset.done $0x0  }
0x72: {  	s1 =	simm.s32 $0x15A80;
	s0 =	rddreg [dreg:$0xe];
	[sflag:s15] =	ssyncadd.s32 $0xFFFFF800  }
0x73: {  	[tilespmem:s1], [sflag:$0x1] =	stream.linear.gather [hbm4b:s0+s2], $0x3000, $0x38;
	[tilespmem:$0x18A80] =	vst v63  }
0x74: {  	_ =	swait.ge [sflag:s18], $0x3000  }
0x75: {  	[sflag:s18] =	ssyncset.done $0x0  }
0x76: {  	[sflag:s18] =	ssyncadd.s32 $0xFFFFD000  }
0x77: {  	v3 =	vld [tilespmem:$0x280];
	_ =	sdelay $0x4  }
0x78: {  	v48 =	vshrl.u32 v3, $0x3  }
0x79: {  	v4 =	vmul.u32 $0x30, v48  }
0x7a: {  	v3 =	vand.u32 $0x7, v3  }
0x7b: {  	v3 =	vor.u32 v3, v4  }
0x7c: {  	v4 =	vperm.xlane v3, v0;
	_ =	sdelay $0x1  }
0x7d: {  	v4 =	vadd.s32 v1, v4;
	_ =	sdelay $0x3  }
0x7e: {  	s0 =	simm.s32 $0xA80;
	v3 =	vperm.xlane v3, v2  }
0x7f: {  	[hbm4b:s4+s2] =	stream.indirect_vreg.scatter [tilespmem:s0], [sflag:$0x2], $0x80, v4, vm0, $0xb8;
	[tilespmem:$0x18A80] =	vst v63  }
0x80: {  	s1 =	simm.s32 $0x1280;
	v3 =	vadd.s32 v1, v3  }
0x81: {  	[hbm4b:s5+s2] =	stream.indirect_vreg.scatter [tilespmem:s1], [sflag:$0x2], $0x80, v4, vm0, $0xb8;
	[tilespmem:$0x18A80] =	vst v63  }
0x82: {  	s19 =	simm.s32 $0x1A80  }
0x83: {  	[hbm4b:s6+s2] =	stream.indirect_vreg.scatter [tilespmem:s19], [sflag:$0x2], $0x80, v4, vm0, $0xb8;
	[tilespmem:$0x18A80] =	vst v63  }
0x84: {  	s20 =	simm.s32 $0x2280  }
0x85: {  	[hbm4b:s4+s2] =	stream.indirect_vreg.scatter [tilespmem:s20], [sflag:$0x2], $0x80, v3, vm0, $0xb8;
	[tilespmem:$0x18A80] =	vst v63  }
0x86: {  	s19 =	simm.s32 $0x2A80  }
0x87: {  	[hbm4b:s5+s2] =	stream.indirect_vreg.scatter [tilespmem:s19], [sflag:$0x2], $0x80, v3, vm0, $0xb8;
	[tilespmem:$0x18A80] =	vst v63  }
0x88: {  	s20 =	simm.s32 $0x3280  }
0x89: {  	[hbm4b:s6+s2] =	stream.indirect_vreg.scatter [tilespmem:s20], [sflag:$0x2], $0x80, v3, vm0, $0xb8;
	[tilespmem:$0x18A80] =	vst v63  }
0x8a: {  	_ =	swait.ge [sflag:s24], $0x3000  }
0x8b: {  	[sflag:s24] =	ssyncset.done $0x0  }
0x8c: {  	s1 =	rddreg [dreg:$0xf];
	[sflag:s24] =	ssyncadd.s32 $0xFFFFD000  }
0x8d: {  	[tilespmem:s0], [sflag:$0x1] =	stream.linear.gather [hbm4b:s1+s2], $0x3000, $0x38;
	[tilespmem:$0x18A80] =	vst v63  }
0x8e: {  	_ =	swait.ge [sflag:s18], $0x3000  }
0x8f: {  	[sflag:s18] =	ssyncset.done $0x0  }
0x90: {  	[sflag:s18] =	ssyncadd.s32 $0xFFFFD000  }
0x91: {  	v3 =	vld [tilespmem:$0x300];
	_ =	sdelay $0x4  }
0x92: {  	v49 =	vshrl.u32 v3, $0x3  }
0x93: {  	v4 =	vmul.u32 $0x30, v49  }
0x94: {  	v3 =	vand.u32 $0x7, v3  }
0x95: {  	v3 =	vor.u32 v3, v4  }
0x96: {  	v4 =	vperm.xlane v3, v0;
	_ =	sdelay $0x1  }
0x97: {  	v4 =	vadd.s32 v1, v4;
	_ =	sdelay $0x3  }
0x98: {  	s0 =	simm.s32 $0x3A80;
	v3 =	vperm.xlane v3, v2  }
0x99: {  	[hbm4b:s4+s2] =	stream.indirect_vreg.scatter [tilespmem:s0], [sflag:$0x2], $0x80, v4, vm0, $0xb8;
	[tilespmem:$0x18A80] =	vst v63  }
0x9a: {  	s20 =	simm.s32 $0x4280;
	v3 =	vadd.s32 v1, v3  }
0x9b: {  	[hbm4b:s5+s2] =	stream.indirect_vreg.scatter [tilespmem:s20], [sflag:$0x2], $0x80, v4, vm0, $0xb8;
	[tilespmem:$0x18A80] =	vst v63  }
0x9c: {  	s19 =	simm.s32 $0x4A80  }
0x9d: {  	[hbm4b:s6+s2] =	stream.indirect_vreg.scatter [tilespmem:s19], [sflag:$0x2], $0x80, v4, vm0, $0xb8;
	[tilespmem:$0x18A80] =	vst v63  }
0x9e: {  	s20 =	simm.s32 $0x5280  }
0x9f: {  	[hbm4b:s4+s2] =	stream.indirect_vreg.scatter [tilespmem:s20], [sflag:$0x2], $0x80, v3, vm0, $0xb8;
	[tilespmem:$0x18A80] =	vst v63  }
0xa0: {  	s19 =	simm.s32 $0x5A80  }
0xa1: {  	[hbm4b:s5+s2] =	stream.indirect_vreg.scatter [tilespmem:s19], [sflag:$0x2], $0x80, v3, vm0, $0xb8;
	[tilespmem:$0x18A80] =	vst v63  }
0xa2: {  	s20 =	simm.s32 $0x6280  }
0xa3: {  	[hbm4b:s6+s2] =	stream.indirect_vreg.scatter [tilespmem:s20], [sflag:$0x2], $0x80, v3, vm0, $0xb8;
	[tilespmem:$0x18A80] =	vst v63  }
0xa4: {  	_ =	swait.ge [sflag:s24], $0x3000  }
0xa5: {  	[sflag:s24] =	ssyncset.done $0x0  }
0xa6: {  	s1 =	rddreg [dreg:$0x10];
	[sflag:s24] =	ssyncadd.s32 $0xFFFFD000  }
0xa7: {  	[tilespmem:s0], [sflag:$0x1] =	stream.linear.gather [hbm4b:s1+s2], $0x3000, $0x38;
	[tilespmem:$0x18A80] =	vst v63  }
0xa8: {  	_ =	swait.ge [sflag:s18], $0x3000  }
0xa9: {  	[sflag:s18] =	ssyncset.done $0x0  }
0xaa: {  	[sflag:s18] =	ssyncadd.s32 $0xFFFFD000  }
0xab: {  	v3 =	vld [tilespmem:$0x380];
	_ =	sdelay $0x4  }
0xac: {  	v50 =	vshrl.u32 v3, $0x3  }
0xad: {  	v4 =	vmul.u32 $0x30, v50  }
0xae: {  	v3 =	vand.u32 $0x7, v3  }
0xaf: {  	v3 =	vor.u32 v3, v4  }
0xb0: {  	v4 =	vperm.xlane v3, v0;
	_ =	sdelay $0x1  }
0xb1: {  	v4 =	vadd.s32 v1, v4;
	_ =	sdelay $0x3  }
0xb2: {  	s0 =	simm.s32 $0x6A80;
	v3 =	vperm.xlane v3, v2  }
0xb3: {  	[hbm4b:s4+s2] =	stream.indirect_vreg.scatter [tilespmem:s0], [sflag:$0x2], $0x80, v4, vm0, $0xb8;
	[tilespmem:$0x18A80] =	vst v63  }
0xb4: {  	s20 =	simm.s32 $0x7280;
	v3 =	vadd.s32 v1, v3  }
0xb5: {  	[hbm4b:s5+s2] =	stream.indirect_vreg.scatter [tilespmem:s20], [sflag:$0x2], $0x80, v4, vm0, $0xb8;
	[tilespmem:$0x18A80] =	vst v63  }
0xb6: {  	s19 =	simm.s32 $0x7A80  }
0xb7: {  	[hbm4b:s6+s2] =	stream.indirect_vreg.scatter [tilespmem:s19], [sflag:$0x2], $0x80, v4, vm0, $0xb8;
	[tilespmem:$0x18A80] =	vst v63  }
0xb8: {  	s20 =	simm.s32 $0x8280  }
0xb9: {  	[hbm4b:s4+s2] =	stream.indirect_vreg.scatter [tilespmem:s20], [sflag:$0x2], $0x80, v3, vm0, $0xb8;
	[tilespmem:$0x18A80] =	vst v63  }
0xba: {  	s19 =	simm.s32 $0x8A80  }
0xbb: {  	[hbm4b:s5+s2] =	stream.indirect_vreg.scatter [tilespmem:s19], [sflag:$0x2], $0x80, v3, vm0, $0xb8;
	[tilespmem:$0x18A80] =	vst v63  }
0xbc: {  	s20 =	simm.s32 $0x9280  }
0xbd: {  	[hbm4b:s6+s2] =	stream.indirect_vreg.scatter [tilespmem:s20], [sflag:$0x2], $0x80, v3, vm0, $0xb8;
	[tilespmem:$0x18A80] =	vst v63  }
0xbe: {  	_ =	swait.ge [sflag:s24], $0x3000  }
0xbf: {  	[sflag:s24] =	ssyncset.done $0x0  }
0xc0: {  	s1 =	rddreg [dreg:$0x11];
	[sflag:s24] =	ssyncadd.s32 $0xFFFFD000  }
0xc1: {  	[tilespmem:s0], [sflag:$0x1] =	stream.linear.gather [hbm4b:s1+s2], $0x3000, $0x38;
	[tilespmem:$0x18A80] =	vst v63  }
0xc2: {  	_ =	swait.ge [sflag:s18], $0x3000  }
0xc3: {  	[sflag:s18] =	ssyncset.done $0x0  }
0xc4: {  	[sflag:s18] =	ssyncadd.s32 $0xFFFFD000  }
0xc5: {  	v3 =	vld [tilespmem:$0x400];
	_ =	sdelay $0x4  }
0xc6: {  	v51 =	vshrl.u32 v3, $0x3  }
0xc7: {  	v4 =	vmul.u32 $0x30, v51  }
0xc8: {  	v3 =	vand.u32 $0x7, v3  }
0xc9: {  	v3 =	vor.u32 v3, v4  }
0xca: {  	v4 =	vperm.xlane v3, v0;
	_ =	sdelay $0x1  }
0xcb: {  	v4 =	vadd.s32 v1, v4;
	_ =	sdelay $0x3  }
0xcc: {  	s0 =	simm.s32 $0x9A80;
	v3 =	vperm.xlane v3, v2  }
0xcd: {  	[hbm4b:s4+s2] =	stream.indirect_vreg.scatter [tilespmem:s0], [sflag:$0x2], $0x80, v4, vm0, $0xb8;
	[tilespmem:$0x18A80] =	vst v63  }
0xce: {  	s20 =	simm.s32 $0xA280;
	v3 =	vadd.s32 v1, v3  }
0xcf: {  	[hbm4b:s5+s2] =	stream.indirect_vreg.scatter [tilespmem:s20], [sflag:$0x2], $0x80, v4, vm0, $0xb8;
	[tilespmem:$0x18A80] =	vst v63  }
0xd0: {  	s19 =	simm.s32 $0xAA80  }
0xd1: {  	[hbm4b:s6+s2] =	stream.indirect_vreg.scatter [tilespmem:s19], [sflag:$0x2], $0x80, v4, vm0, $0xb8;
	[tilespmem:$0x18A80] =	vst v63  }
0xd2: {  	s20 =	simm.s32 $0xB280  }
0xd3: {  	[hbm4b:s4+s2] =	stream.indirect_vreg.scatter [tilespmem:s20], [sflag:$0x2], $0x80, v3, vm0, $0xb8;
	[tilespmem:$0x18A80] =	vst v63  }
0xd4: {  	s19 =	simm.s32 $0xBA80  }
0xd5: {  	[hbm4b:s5+s2] =	stream.indirect_vreg.scatter [tilespmem:s19], [sflag:$0x2], $0x80, v3, vm0, $0xb8;
	[tilespmem:$0x18A80] =	vst v63  }
0xd6: {  	s20 =	simm.s32 $0xC280  }
0xd7: {  	[hbm4b:s6+s2] =	stream.indirect_vreg.scatter [tilespmem:s20], [sflag:$0x2], $0x80, v3, vm0, $0xb8;
	[tilespmem:$0x18A80] =	vst v63  }
0xd8: {  	_ =	swait.ge [sflag:s24], $0x3000  }
0xd9: {  	[sflag:s24] =	ssyncset.done $0x0  }
0xda: {  	s1 =	rddreg [dreg:$0x12];
	[sflag:s24] =	ssyncadd.s32 $0xFFFFD000  }
0xdb: {  	[tilespmem:s0], [sflag:$0x1] =	stream.linear.gather [hbm4b:s1+s2], $0x3000, $0x38;
	[tilespmem:$0x18A80] =	vst v63  }
0xdc: {  	_ =	swait.ge [sflag:s18], $0x3000  }
0xdd: {  	[sflag:s18] =	ssyncset.done $0x0  }
0xde: {  	[sflag:s18] =	ssyncadd.s32 $0xFFFFD000  }
0xdf: {  	v3 =	vld [tilespmem:$0x480];
	_ =	sdelay $0x4  }
0xe0: {  	v52 =	vshrl.u32 v3, $0x3  }
0xe1: {  	v4 =	vmul.u32 $0x30, v52  }
0xe2: {  	v3 =	vand.u32 $0x7, v3  }
0xe3: {  	v3 =	vor.u32 v3, v4  }
0xe4: {  	v4 =	vperm.xlane v3, v0;
	_ =	sdelay $0x1  }
0xe5: {  	v4 =	vadd.s32 v1, v4;
	_ =	sdelay $0x3  }
0xe6: {  	s20 =	simm.s32 $0xCA80;
	v3 =	vperm.xlane v3, v2  }
0xe7: {  	[hbm4b:s4+s2] =	stream.indirect_vreg.scatter [tilespmem:s20], [sflag:$0x2], $0x80, v4, vm0, $0xb8;
	[tilespmem:$0x18A80] =	vst v63  }
0xe8: {  	v3 =	vadd.s32 v1, v3  }
0xe9: {  	[hbm4b:s5+s2] =	stream.indirect_vreg.scatter [tilespmem:s31], [sflag:$0x2], $0x80, v4, vm0, $0xb8;
	[tilespmem:$0x18A80] =	vst v63  }
0xea: {  	_ = 	snop  }
0xeb: {  	[hbm4b:s6+s2] =	stream.indirect_vreg.scatter [tilespmem:s26], [sflag:$0x2], $0x80, v4, vm0, $0xb8;
	[tilespmem:$0x18A80] =	vst v63  }
0xec: {  	_ = 	snop  }
0xed: {  	[hbm4b:s4+s2] =	stream.indirect_vreg.scatter [tilespmem:s28], [sflag:$0x2], $0x80, v3, vm0, $0xb8;
	[tilespmem:$0x18A80] =	vst v63  }
0xee: {  	_ = 	snop  }
0xef: {  	[hbm4b:s5+s2] =	stream.indirect_vreg.scatter [tilespmem:s29], [sflag:$0x2], $0x80, v3, vm0, $0xb8;
	[tilespmem:$0x18A80] =	vst v63  }
0xf0: {  	_ = 	snop  }
0xf1: {  	[hbm4b:s6+s2] =	stream.indirect_vreg.scatter [tilespmem:s30], [sflag:$0x2], $0x80, v3, vm0, $0xb8;
	[tilespmem:$0x18A80] =	vst v63  }
0xf2: {  	_ =	swait.ge [sflag:s24], $0x3000  }
0xf3: {  	[sflag:s24] =	ssyncset.done $0x0  }
0xf4: {  	s1 =	rddreg [dreg:$0x13];
	[sflag:s24] =	ssyncadd.s32 $0xFFFFD000  }
0xf5: {  	[tilespmem:s20], [sflag:$0x1] =	stream.linear.gather [hbm4b:s1+s2], $0x3000, $0x38;
	[tilespmem:$0x18A80] =	vst v63  }
0xf6: {  	_ =	swait.ge [sflag:s18], $0x3000  }
0xf7: {  	[sflag:s18] =	ssyncset.done $0x0  }
0xf8: {  	[sflag:s18] =	ssyncadd.s32 $0xFFFFD000  }
0xf9: {  	v3 =	vld [tilespmem:$0x500];
	_ =	sdelay $0x4  }
0xfa: {  	v53 =	vshrl.u32 v3, $0x3  }
0xfb: {  	v4 =	vmul.u32 $0x30, v53  }
0xfc: {  	v3 =	vand.u32 $0x7, v3  }
0xfd: {  	v3 =	vor.u32 v3, v4  }
0xfe: {  	v4 =	vperm.xlane v3, v0;
	_ =	sdelay $0x1  }
0xff: {  	v4 =	vadd.s32 v1, v4;
	_ =	sdelay $0x3  }
0x100: {  	s19 =	simm.s32 $0xFA80;
	v3 =	vperm.xlane v3, v2  }
0x101: {  	[hbm4b:s4+s2] =	stream.indirect_vreg.scatter [tilespmem:s19], [sflag:$0x2], $0x80, v4, vm0, $0xb8;
	[tilespmem:$0x18A80] =	vst v63  }
0x102: {  	v3 =	vadd.s32 v1, v3  }
0x103: {  	[hbm4b:s5+s2] =	stream.indirect_vreg.scatter [tilespmem:s25], [sflag:$0x2], $0x80, v4, vm0, $0xb8;
	[tilespmem:$0x18A80] =	vst v63  }
0x104: {  	s20 =	simm.s32 $0x10A80  }
0x105: {  	[hbm4b:s6+s2] =	stream.indirect_vreg.scatter [tilespmem:s20], [sflag:$0x2], $0x80, v4, vm0, $0xb8;
	[tilespmem:$0x18A80] =	vst v63  }
0x106: {  	_ = 	snop  }
0x107: {  	[hbm4b:s4+s2] =	stream.indirect_vreg.scatter [tilespmem:s21], [sflag:$0x2], $0x80, v3, vm0, $0xb8;
	[tilespmem:$0x18A80] =	vst v63  }
0x108: {  	_ = 	snop  }
0x109: {  	[hbm4b:s5+s2] =	stream.indirect_vreg.scatter [tilespmem:s22], [sflag:$0x2], $0x80, v3, vm0, $0xb8;
	[tilespmem:$0x18A80] =	vst v63  }
0x10a: {  	_ = 	snop  }
0x10b: {  	[hbm4b:s6+s2] =	stream.indirect_vreg.scatter [tilespmem:s23], [sflag:$0x2], $0x80, v3, vm0, $0xb8;
	[tilespmem:$0x18A80] =	vst v63  }
0x10c: {  	_ =	swait.ge [sflag:s24], $0x3000  }
0x10d: {  	[sflag:s24] =	ssyncset.done $0x0  }
0x10e: {  	s1 =	rddreg [dreg:$0x14];
	[sflag:s24] =	ssyncadd.s32 $0xFFFFD000  }
0x10f: {  	[tilespmem:s19], [sflag:$0x1] =	stream.linear.gather [hbm4b:s1+s2], $0x3000, $0x38;
	[tilespmem:$0x18A80] =	vst v63  }
0x110: {  	_ =	swait.ge [sflag:s18], $0x3000  }
0x111: {  	[sflag:s18] =	ssyncset.done $0x0  }
0x112: {  	[sflag:s18] =	ssyncadd.s32 $0xFFFFD000  }
0x113: {  	v3 =	vld [tilespmem:$0x580];
	_ =	sdelay $0x4  }
0x114: {  	v54 =	vshrl.u32 v3, $0x3  }
0x115: {  	v4 =	vmul.u32 $0x30, v54  }
0x116: {  	v3 =	vand.u32 $0x7, v3  }
0x117: {  	v3 =	vor.u32 v3, v4  }
0x118: {  	v4 =	vperm.xlane v3, v0;
	_ =	sdelay $0x1  }
0x119: {  	v4 =	vadd.s32 v1, v4;
	_ =	sdelay $0x3  }
0x11a: {  	s19 =	simm.s32 $0x12A80;
	v3 =	vperm.xlane v3, v2  }
0x11b: {  	[hbm4b:s4+s2] =	stream.indirect_vreg.scatter [tilespmem:s19], [sflag:$0x2], $0x80, v4, vm0, $0xb8;
	[tilespmem:$0x18A80] =	vst v63  }
0x11c: {  	v3 =	vadd.s32 v1, v3  }
0x11d: {  	[hbm4b:s5+s2] =	stream.indirect_vreg.scatter [tilespmem:s17], [sflag:$0x2], $0x80, v4, vm0, $0xb8;
	[tilespmem:$0x18A80] =	vst v63  }
0x11e: {  	_ = 	snop  }
0x11f: {  	[hbm4b:s6+s2] =	stream.indirect_vreg.scatter [tilespmem:s11], [sflag:$0x2], $0x80, v4, vm0, $0xb8;
	[tilespmem:$0x18A80] =	vst v63  }
0x120: {  	_ = 	snop  }
0x121: {  	[hbm4b:s4+s2] =	stream.indirect_vreg.scatter [tilespmem:s12], [sflag:$0x2], $0x80, v3, vm0, $0xb8;
	[tilespmem:$0x18A80] =	vst v63  }
0x122: {  	_ = 	snop  }
0x123: {  	[hbm4b:s5+s2] =	stream.indirect_vreg.scatter [tilespmem:s13], [sflag:$0x2], $0x80, v3, vm0, $0xb8;
	[tilespmem:$0x18A80] =	vst v63  }
0x124: {  	_ = 	snop  }
0x125: {  	[hbm4b:s6+s2] =	stream.indirect_vreg.scatter [tilespmem:s14], [sflag:$0x2], $0x80, v3, vm0, $0xb8;
	[tilespmem:$0x18A80] =	vst v63  }
0x126: {  	_ =	swait.ge [sflag:s24], $0x3000  }
0x127: {  	[sflag:s24] =	ssyncset.done $0x0  }
0x128: {  	s1 =	rddreg [dreg:$0x15];
	[sflag:s24] =	ssyncadd.s32 $0xFFFFD000  }
0x129: {  	[tilespmem:s19], [sflag:$0x1] =	stream.linear.gather [hbm4b:s1+s2], $0x3000, $0x38;
	[tilespmem:$0x18A80] =	vst v63  }
0x12a: {  	_ =	swait.ge [sflag:s18], $0x3000  }
0x12b: {  	[sflag:s18] =	ssyncset.done $0x0  }
0x12c: {  	[sflag:s18] =	ssyncadd.s32 $0xFFFFD000  }
0x12d: {  	v3 =	vld [tilespmem:$0x600];
	_ =	sdelay $0x4  }
0x12e: {  	v55 =	vshrl.u32 v3, $0x3  }
0x12f: {  	v4 =	vmul.u32 $0x30, v55  }
0x130: {  	v3 =	vand.u32 $0x7, v3  }
0x131: {  	v3 =	vor.u32 v3, v4  }
0x132: {  	v4 =	vperm.xlane v3, v0;
	_ =	sdelay $0x1  }
0x133: {  	v4 =	vadd.s32 v1, v4;
	_ =	sdelay $0x3  }
0x134: {  	s0 =	simm.s32 $0x15A80;
	v3 =	vperm.xlane v3, v2  }
0x135: {  	[hbm4b:s4+s2] =	stream.indirect_vreg.scatter [tilespmem:s0], [sflag:$0x2], $0x80, v4, vm0, $0xb8;
	[tilespmem:$0x18A80] =	vst v63  }
0x136: {  	v3 =	vadd.s32 v1, v3  }
0x137: {  	[hbm4b:s5+s2] =	stream.indirect_vreg.scatter [tilespmem:s10], [sflag:$0x2], $0x80, v4, vm0, $0xb8;
	[tilespmem:$0x18A80] =	vst v63  }
0x138: {  	s1 =	simm.s32 $0x16A80  }
0x139: {  	[hbm4b:s6+s2] =	stream.indirect_vreg.scatter [tilespmem:s1], [sflag:$0x2], $0x80, v4, vm0, $0xb8;
	[tilespmem:$0x18A80] =	vst v63  }
0x13a: {  	_ = 	snop  }
0x13b: {  	[hbm4b:s4+s2] =	stream.indirect_vreg.scatter [tilespmem:s3], [sflag:$0x2], $0x80, v3, vm0, $0xb8;
	[tilespmem:$0x18A80] =	vst v63  }
0x13c: {  	_ = 	snop  }
0x13d: {  	[hbm4b:s5+s2] =	stream.indirect_vreg.scatter [tilespmem:s8], [sflag:$0x2], $0x80, v3, vm0, $0xb8;
	[tilespmem:$0x18A80] =	vst v63  }
0x13e: {  	_ = 	snop  }
0x13f: {  	[hbm4b:s6+s2] =	stream.indirect_vreg.scatter [tilespmem:s9], [sflag:$0x2], $0x80, v3, vm0, $0xb8;
	[tilespmem:$0x18A80] =	vst v63  }
0x140: {  	_ =	swait.ge [sflag:s24], $0x3000  }
0x141: {  	[sflag:s24] =	ssyncset.done $0x0  }
0x142: {  	s19 =	rddreg [dreg:$0x16];
	[sflag:s24] =	ssyncadd.s32 $0xFFFFD000  }
0x143: {  	[tilespmem:s0], [sflag:$0x1] =	stream.linear.gather [hbm4b:s19+s2], $0x3000, $0x38;
	[tilespmem:$0x18A80] =	vst v63  }
0x144: {  	_ =	swait.ge [sflag:s18], $0x3000  }
0x145: {  	[sflag:s18] =	ssyncset.done $0x0  }
0x146: {  	[sflag:s18] =	ssyncadd.s32 $0xFFFFD000  }
0x147: {  	v3 =	vld [tilespmem:$0x680];
	_ =	sdelay $0x4  }
0x148: {  	v56 =	vshrl.u32 v3, $0x3  }
0x149: {  	v4 =	vmul.u32 $0x30, v56  }
0x14a: {  	v3 =	vand.u32 $0x7, v3  }
0x14b: {  	v3 =	vor.u32 v3, v4  }
0x14c: {  	v4 =	vperm.xlane v3, v0;
	_ =	sdelay $0x1  }
0x14d: {  	v4 =	vadd.s32 v1, v4;
	_ =	sdelay $0x3  }
0x14e: {  	s0 =	simm.s32 $0xA80;
	v3 =	vperm.xlane v3, v2  }
0x14f: {  	[hbm4b:s4+s2] =	stream.indirect_vreg.scatter [tilespmem:s0], [sflag:$0x2], $0x80, v4, vm0, $0xb8;
	[tilespmem:$0x18A80] =	vst v63  }
0x150: {  	v3 =	vadd.s32 v1, v3;
	s0 =	simm.s32 $0x1280  }
0x151: {  	[hbm4b:s5+s2] =	stream.indirect_vreg.scatter [tilespmem:s0], [sflag:$0x2], $0x80, v4, vm0, $0xb8;
	[tilespmem:$0x18A80] =	vst v63  }
0x152: {  	s0 =	simm.s32 $0x1A80  }
0x153: {  	[hbm4b:s6+s2] =	stream.indirect_vreg.scatter [tilespmem:s0], [sflag:$0x2], $0x80, v4, vm0, $0xb8;
	[tilespmem:$0x18A80] =	vst v63  }
0x154: {  	s0 =	simm.s32 $0x2280  }
0x155: {  	[hbm4b:s4+s2] =	stream.indirect_vreg.scatter [tilespmem:s0], [sflag:$0x2], $0x80, v3, vm0, $0xb8;
	[tilespmem:$0x18A80] =	vst v63  }
0x156: {  	s0 =	simm.s32 $0x2A80  }
0x157: {  	[hbm4b:s5+s2] =	stream.indirect_vreg.scatter [tilespmem:s0], [sflag:$0x2], $0x80, v3, vm0, $0xb8;
	[tilespmem:$0x18A80] =	vst v63  }
0x158: {  	s0 =	simm.s32 $0x3280  }
0x159: {  	[hbm4b:s6+s2] =	stream.indirect_vreg.scatter [tilespmem:s0], [sflag:$0x2], $0x80, v3, vm0, $0xb8;
	[tilespmem:$0x18A80] =	vst v63  }
0x15a: {  	_ =	swait.ge [sflag:s18], $0x3000  }
0x15b: {  	[sflag:s18] =	ssyncset.done $0x0  }
0x15c: {  	[sflag:s18] =	ssyncadd.s32 $0xFFFFD000  }
0x15d: {  	v3 =	vld [tilespmem:$0x700];
	_ =	sdelay $0x4  }
0x15e: {  	v57 =	vshrl.u32 v3, $0x3  }
0x15f: {  	v4 =	vmul.u32 $0x30, v57  }
0x160: {  	v3 =	vand.u32 $0x7, v3  }
0x161: {  	v3 =	vor.u32 v3, v4  }
0x162: {  	v4 =	vperm.xlane v3, v0;
	_ =	sdelay $0x1  }
0x163: {  	v4 =	vadd.s32 v1, v4;
	_ =	sdelay $0x3  }
0x164: {  	s0 =	simm.s32 $0x3A80;
	v3 =	vperm.xlane v3, v2  }
0x165: {  	[hbm4b:s4+s2] =	stream.indirect_vreg.scatter [tilespmem:s0], [sflag:$0x2], $0x80, v4, vm0, $0xb8;
	[tilespmem:$0x18A80] =	vst v63  }
0x166: {  	v3 =	vadd.s32 v1, v3;
	s0 =	simm.s32 $0x4280  }
0x167: {  	[hbm4b:s5+s2] =	stream.indirect_vreg.scatter [tilespmem:s0], [sflag:$0x2], $0x80, v4, vm0, $0xb8;
	[tilespmem:$0x18A80] =	vst v63  }
0x168: {  	s0 =	simm.s32 $0x4A80  }
0x169: {  	[hbm4b:s6+s2] =	stream.indirect_vreg.scatter [tilespmem:s0], [sflag:$0x2], $0x80, v4, vm0, $0xb8;
	[tilespmem:$0x18A80] =	vst v63  }
0x16a: {  	s0 =	simm.s32 $0x5280  }
0x16b: {  	[hbm4b:s4+s2] =	stream.indirect_vreg.scatter [tilespmem:s0], [sflag:$0x2], $0x80, v3, vm0, $0xb8;
	[tilespmem:$0x18A80] =	vst v63  }
0x16c: {  	s0 =	simm.s32 $0x5A80  }
0x16d: {  	[hbm4b:s5+s2] =	stream.indirect_vreg.scatter [tilespmem:s0], [sflag:$0x2], $0x80, v3, vm0, $0xb8;
	[tilespmem:$0x18A80] =	vst v63  }
0x16e: {  	s0 =	simm.s32 $0x6280  }
0x16f: {  	[hbm4b:s6+s2] =	stream.indirect_vreg.scatter [tilespmem:s0], [sflag:$0x2], $0x80, v3, vm0, $0xb8;
	[tilespmem:$0x18A80] =	vst v63  }
0x170: {  	_ =	swait.ge [sflag:s18], $0x3000  }
0x171: {  	[sflag:s18] =	ssyncset.done $0x0  }
0x172: {  	[sflag:s18] =	ssyncadd.s32 $0xFFFFD000  }
0x173: {  	v3 =	vld [tilespmem:$0x780];
	_ =	sdelay $0x4  }
0x174: {  	v58 =	vshrl.u32 v3, $0x3  }
0x175: {  	v4 =	vmul.u32 $0x30, v58  }
0x176: {  	v3 =	vand.u32 $0x7, v3  }
0x177: {  	v3 =	vor.u32 v3, v4  }
0x178: {  	v4 =	vperm.xlane v3, v0;
	_ =	sdelay $0x1  }
0x179: {  	v4 =	vadd.s32 v1, v4;
	_ =	sdelay $0x3  }
0x17a: {  	s0 =	simm.s32 $0x6A80;
	v3 =	vperm.xlane v3, v2  }
0x17b: {  	[hbm4b:s4+s2] =	stream.indirect_vreg.scatter [tilespmem:s0], [sflag:$0x2], $0x80, v4, vm0, $0xb8;
	[tilespmem:$0x18A80] =	vst v63  }
0x17c: {  	v3 =	vadd.s32 v1, v3;
	s0 =	simm.s32 $0x7280  }
0x17d: {  	[hbm4b:s5+s2] =	stream.indirect_vreg.scatter [tilespmem:s0], [sflag:$0x2], $0x80, v4, vm0, $0xb8;
	[tilespmem:$0x18A80] =	vst v63  }
0x17e: {  	s0 =	simm.s32 $0x7A80  }
0x17f: {  	[hbm4b:s6+s2] =	stream.indirect_vreg.scatter [tilespmem:s0], [sflag:$0x2], $0x80, v4, vm0, $0xb8;
	[tilespmem:$0x18A80] =	vst v63  }
0x180: {  	s0 =	simm.s32 $0x8280  }
0x181: {  	[hbm4b:s4+s2] =	stream.indirect_vreg.scatter [tilespmem:s0], [sflag:$0x2], $0x80, v3, vm0, $0xb8;
	[tilespmem:$0x18A80] =	vst v63  }
0x182: {  	s0 =	simm.s32 $0x8A80  }
0x183: {  	[hbm4b:s5+s2] =	stream.indirect_vreg.scatter [tilespmem:s0], [sflag:$0x2], $0x80, v3, vm0, $0xb8;
	[tilespmem:$0x18A80] =	vst v63  }
0x184: {  	s0 =	simm.s32 $0x9280  }
0x185: {  	[hbm4b:s6+s2] =	stream.indirect_vreg.scatter [tilespmem:s0], [sflag:$0x2], $0x80, v3, vm0, $0xb8;
	[tilespmem:$0x18A80] =	vst v63  }
0x186: {  	_ =	swait.ge [sflag:s18], $0x3000  }
0x187: {  	[sflag:s18] =	ssyncset.done $0x0  }
0x188: {  	[sflag:s18] =	ssyncadd.s32 $0xFFFFD000  }
0x189: {  	v3 =	vld [tilespmem:$0x800];
	_ =	sdelay $0x4  }
0x18a: {  	v59 =	vshrl.u32 v3, $0x3  }
0x18b: {  	v4 =	vmul.u32 $0x30, v59  }
0x18c: {  	v3 =	vand.u32 $0x7, v3  }
0x18d: {  	v3 =	vor.u32 v3, v4  }
0x18e: {  	v4 =	vperm.xlane v3, v0;
	_ =	sdelay $0x1  }
0x18f: {  	v4 =	vadd.s32 v1, v4;
	_ =	sdelay $0x3  }
0x190: {  	s0 =	simm.s32 $0x9A80;
	v3 =	vperm.xlane v3, v2  }
0x191: {  	[hbm4b:s4+s2] =	stream.indirect_vreg.scatter [tilespmem:s0], [sflag:$0x2], $0x80, v4, vm0, $0xb8;
	[tilespmem:$0x18A80] =	vst v63  }
0x192: {  	v3 =	vadd.s32 v1, v3;
	s0 =	simm.s32 $0xA280  }
0x193: {  	[hbm4b:s5+s2] =	stream.indirect_vreg.scatter [tilespmem:s0], [sflag:$0x2], $0x80, v4, vm0, $0xb8;
	[tilespmem:$0x18A80] =	vst v63  }
0x194: {  	s0 =	simm.s32 $0xAA80  }
0x195: {  	[hbm4b:s6+s2] =	stream.indirect_vreg.scatter [tilespmem:s0], [sflag:$0x2], $0x80, v4, vm0, $0xb8;
	[tilespmem:$0x18A80] =	vst v63  }
0x196: {  	s0 =	simm.s32 $0xB280  }
0x197: {  	[hbm4b:s4+s2] =	stream.indirect_vreg.scatter [tilespmem:s0], [sflag:$0x2], $0x80, v3, vm0, $0xb8;
	[tilespmem:$0x18A80] =	vst v63  }
0x198: {  	s0 =	simm.s32 $0xBA80  }
0x199: {  	[hbm4b:s5+s2] =	stream.indirect_vreg.scatter [tilespmem:s0], [sflag:$0x2], $0x80, v3, vm0, $0xb8;
	[tilespmem:$0x18A80] =	vst v63  }
0x19a: {  	s0 =	simm.s32 $0xC280  }
0x19b: {  	[hbm4b:s6+s2] =	stream.indirect_vreg.scatter [tilespmem:s0], [sflag:$0x2], $0x80, v3, vm0, $0xb8;
	[tilespmem:$0x18A80] =	vst v63  }
0x19c: {  	_ =	swait.ge [sflag:s18], $0x3000  }
0x19d: {  	[sflag:s18] =	ssyncset.done $0x0  }
0x19e: {  	[sflag:s18] =	ssyncadd.s32 $0xFFFFD000  }
0x19f: {  	v3 =	vld [tilespmem:$0x880];
	_ =	sdelay $0x4  }
0x1a0: {  	v60 =	vshrl.u32 v3, $0x3  }
0x1a1: {  	v4 =	vmul.u32 $0x30, v60  }
0x1a2: {  	v3 =	vand.u32 $0x7, v3  }
0x1a3: {  	v3 =	vor.u32 v3, v4  }
0x1a4: {  	v4 =	vperm.xlane v3, v0;
	_ =	sdelay $0x1  }
0x1a5: {  	v4 =	vadd.s32 v1, v4;
	_ =	sdelay $0x3  }
0x1a6: {  	s0 =	simm.s32 $0xCA80;
	v3 =	vperm.xlane v3, v2  }
0x1a7: {  	[hbm4b:s4+s2] =	stream.indirect_vreg.scatter [tilespmem:s0], [sflag:$0x2], $0x80, v4, vm0, $0xb8;
	[tilespmem:$0x18A80] =	vst v63  }
0x1a8: {  	v3 =	vadd.s32 v1, v3  }
0x1a9: {  	[hbm4b:s5+s2] =	stream.indirect_vreg.scatter [tilespmem:s31], [sflag:$0x2], $0x80, v4, vm0, $0xb8;
	[tilespmem:$0x18A80] =	vst v63  }
0x1aa: {  	_ = 	snop  }
0x1ab: {  	[hbm4b:s6+s2] =	stream.indirect_vreg.scatter [tilespmem:s26], [sflag:$0x2], $0x80, v4, vm0, $0xb8;
	[tilespmem:$0x18A80] =	vst v63  }
0x1ac: {  	_ = 	snop  }
0x1ad: {  	[hbm4b:s4+s2] =	stream.indirect_vreg.scatter [tilespmem:s28], [sflag:$0x2], $0x80, v3, vm0, $0xb8;
	[tilespmem:$0x18A80] =	vst v63  }
0x1ae: {  	_ = 	snop  }
0x1af: {  	[hbm4b:s5+s2] =	stream.indirect_vreg.scatter [tilespmem:s29], [sflag:$0x2], $0x80, v3, vm0, $0xb8;
	[tilespmem:$0x18A80] =	vst v63  }
0x1b0: {  	_ = 	snop  }
0x1b1: {  	[hbm4b:s6+s2] =	stream.indirect_vreg.scatter [tilespmem:s30], [sflag:$0x2], $0x80, v3, vm0, $0xb8;
	[tilespmem:$0x18A80] =	vst v63  }
0x1b2: {  	_ =	swait.ge [sflag:s18], $0x3000  }
0x1b3: {  	[sflag:s18] =	ssyncset.done $0x0  }
0x1b4: {  	[sflag:s18] =	ssyncadd.s32 $0xFFFFD000  }
0x1b5: {  	v3 =	vld [tilespmem:$0x900];
	_ =	sdelay $0x4  }
0x1b6: {  	v61 =	vshrl.u32 v3, $0x3  }
0x1b7: {  	v4 =	vmul.u32 $0x30, v61  }
0x1b8: {  	v3 =	vand.u32 $0x7, v3  }
0x1b9: {  	v3 =	vor.u32 v3, v4  }
0x1ba: {  	v4 =	vperm.xlane v3, v0;
	_ =	sdelay $0x1  }
0x1bb: {  	v4 =	vadd.s32 v1, v4;
	_ =	sdelay $0x3  }
0x1bc: {  	s0 =	simm.s32 $0xFA80;
	v3 =	vperm.xlane v3, v2  }
0x1bd: {  	[hbm4b:s4+s2] =	stream.indirect_vreg.scatter [tilespmem:s0], [sflag:$0x2], $0x80, v4, vm0, $0xb8;
	[tilespmem:$0x18A80] =	vst v63  }
0x1be: {  	v3 =	vadd.s32 v1, v3  }
0x1bf: {  	[hbm4b:s5+s2] =	stream.indirect_vreg.scatter [tilespmem:s25], [sflag:$0x2], $0x80, v4, vm0, $0xb8;
	[tilespmem:$0x18A80] =	vst v63  }
0x1c0: {  	_ = 	snop  }
0x1c1: {  	[hbm4b:s6+s2] =	stream.indirect_vreg.scatter [tilespmem:s20], [sflag:$0x2], $0x80, v4, vm0, $0xb8;
	[tilespmem:$0x18A80] =	vst v63  }
0x1c2: {  	_ = 	snop  }
0x1c3: {  	[hbm4b:s4+s2] =	stream.indirect_vreg.scatter [tilespmem:s21], [sflag:$0x2], $0x80, v3, vm0, $0xb8;
	[tilespmem:$0x18A80] =	vst v63  }
0x1c4: {  	_ = 	snop  }
0x1c5: {  	[hbm4b:s5+s2] =	stream.indirect_vreg.scatter [tilespmem:s22], [sflag:$0x2], $0x80, v3, vm0, $0xb8;
	[tilespmem:$0x18A80] =	vst v63  }
0x1c6: {  	_ = 	snop  }
0x1c7: {  	[hbm4b:s6+s2] =	stream.indirect_vreg.scatter [tilespmem:s23], [sflag:$0x2], $0x80, v3, vm0, $0xb8;
	[tilespmem:$0x18A80] =	vst v63  }
0x1c8: {  	_ =	swait.ge [sflag:s18], $0x3000  }
0x1c9: {  	[sflag:s18] =	ssyncset.done $0x0  }
0x1ca: {  	[sflag:s18] =	ssyncadd.s32 $0xFFFFD000  }
0x1cb: {  	v3 =	vld [tilespmem:$0x980];
	_ =	sdelay $0x4  }
0x1cc: {  	v62 =	vshrl.u32 v3, $0x3  }
0x1cd: {  	v4 =	vmul.u32 $0x30, v62  }
0x1ce: {  	v3 =	vand.u32 $0x7, v3  }
0x1cf: {  	v3 =	vor.u32 v3, v4  }
0x1d0: {  	v4 =	vperm.xlane v3, v0;
	_ =	sdelay $0x1  }
0x1d1: {  	v4 =	vadd.s32 v1, v4;
	_ =	sdelay $0x3  }
0x1d2: {  	s20 =	simm.s32 $0x12A80;
	v3 =	vperm.xlane v3, v2  }
0x1d3: {  	[hbm4b:s4+s2] =	stream.indirect_vreg.scatter [tilespmem:s20], [sflag:$0x2], $0x80, v4, vm0, $0xb8;
	[tilespmem:$0x18A80] =	vst v63  }
0x1d4: {  	v3 =	vadd.s32 v1, v3  }
0x1d5: {  	[hbm4b:s5+s2] =	stream.indirect_vreg.scatter [tilespmem:s17], [sflag:$0x2], $0x80, v4, vm0, $0xb8;
	[tilespmem:$0x18A80] =	vst v63  }
0x1d6: {  	_ = 	snop  }
0x1d7: {  	[hbm4b:s6+s2] =	stream.indirect_vreg.scatter [tilespmem:s11], [sflag:$0x2], $0x80, v4, vm0, $0xb8;
	[tilespmem:$0x18A80] =	vst v63  }
0x1d8: {  	_ = 	snop  }
0x1d9: {  	[hbm4b:s4+s2] =	stream.indirect_vreg.scatter [tilespmem:s12], [sflag:$0x2], $0x80, v3, vm0, $0xb8;
	[tilespmem:$0x18A80] =	vst v63  }
0x1da: {  	_ = 	snop  }
0x1db: {  	[hbm4b:s5+s2] =	stream.indirect_vreg.scatter [tilespmem:s13], [sflag:$0x2], $0x80, v3, vm0, $0xb8;
	[tilespmem:$0x18A80] =	vst v63  }
0x1dc: {  	_ = 	snop  }
0x1dd: {  	[hbm4b:s6+s2] =	stream.indirect_vreg.scatter [tilespmem:s14], [sflag:$0x2], $0x80, v3, vm0, $0xb8;
	[tilespmem:$0x18A80] =	vst v63  }
0x1de: {  	_ =	swait.ge [sflag:s18], $0x3000  }
0x1df: {  	[sflag:s18] =	ssyncset.done $0x0  }
0x1e0: {  	[sflag:s18] =	ssyncadd.s32 $0xFFFFD000  }
0x1e1: {  	v3 =	vld [tilespmem:$0xA00];
	_ =	sdelay $0x4  }
0x1e2: {  	v63 =	vshrl.u32 v3, $0x3  }
0x1e3: {  	v4 =	vmul.u32 $0x30, v63  }
0x1e4: {  	v3 =	vand.u32 $0x7, v3  }
0x1e5: {  	v3 =	vor.u32 v3, v4  }
0x1e6: {  	v4 =	vperm.xlane v3, v0;
	_ =	sdelay $0x1  }
0x1e7: {  	v4 =	vadd.s32 v1, v4;
	_ =	sdelay $0x3  }
0x1e8: {  	s19 =	simm.s32 $0x15A80;
	v3 =	vperm.xlane v3, v2  }
0x1e9: {  	[hbm4b:s4+s2] =	stream.indirect_vreg.scatter [tilespmem:s19], [sflag:$0x2], $0x80, v4, vm0, $0xb8;
	[tilespmem:$0x18A80] =	vst v63  }
0x1ea: {  	v3 =	vadd.s32 v1, v3  }
0x1eb: {  	[hbm4b:s5+s2] =	stream.indirect_vreg.scatter [tilespmem:s10], [sflag:$0x2], $0x80, v4, vm0, $0xb8;
	[tilespmem:$0x18A80] =	vst v63  }
0x1ec: {  	_ = 	snop  }
0x1ed: {  	[hbm4b:s6+s2] =	stream.indirect_vreg.scatter [tilespmem:s1], [sflag:$0x2], $0x80, v4, vm0, $0xb8;
	[tilespmem:$0x18A80] =	vst v63  }
0x1ee: {  	_ = 	snop  }
0x1ef: {  	[hbm4b:s4+s2] =	stream.indirect_vreg.scatter [tilespmem:s3], [sflag:$0x2], $0x80, v3, vm0, $0xb8;
	[tilespmem:$0x18A80] =	vst v63  }
0x1f0: {  	_ = 	snop  }
0x1f1: {  	[hbm4b:s5+s2] =	stream.indirect_vreg.scatter [tilespmem:s8], [sflag:$0x2], $0x80, v3, vm0, $0xb8;
	[tilespmem:$0x18A80] =	vst v63  }
0x1f2: {  	_ = 	snop  }
0x1f3: {  	[hbm4b:s6+s2] =	stream.indirect_vreg.scatter [tilespmem:s9], [sflag:$0x2], $0x80, v3, vm0, $0xb8;
	[tilespmem:$0x18A80] =	vst v63  }
0x1f4: {  	_ =	swait.ge [sflag:s24], $0x3000  }
0x1f5: {  	[sflag:s24] =	ssyncset.done $0x0  }
0x1f6: {  	[sflag:s24] =	ssyncadd.s32 $0xFFFFD000  }
0x1f7: {  	_ =	swait.ge [sflag:s24], $0x3000  }
0x1f8: {  	[sflag:s24] =	ssyncset.done $0x0  }
0x1f9: {  	[sflag:s24] =	ssyncadd.s32 $0xFFFFD000  }
0x1fa: {  	_ =	swait.ge [sflag:s24], $0x3000  }
0x1fb: {  	[sflag:s24] =	ssyncset.done $0x0  }
0x1fc: {  	[sflag:s24] =	ssyncadd.s32 $0xFFFFD000  }
0x1fd: {  	_ =	swait.ge [sflag:s24], $0x3000  }
0x1fe: {  	[sflag:s24] =	ssyncset.done $0x0  }
0x1ff: {  	[sflag:s24] =	ssyncadd.s32 $0xFFFFD000  }
0x200: {  	_ =	swait.ge [sflag:s24], $0x3000  }
0x201: {  	[sflag:s24] =	ssyncset.done $0x0  }
0x202: {  	[sflag:s24] =	ssyncadd.s32 $0xFFFFD000  }
0x203: {  	_ =	swait.ge [sflag:s24], $0x3000  }
0x204: {  	[sflag:s24] =	ssyncset.done $0x0  }
0x205: {  	[sflag:s24] =	ssyncadd.s32 $0xFFFFD000  }
0x206: {  	p0 =	sne.s32 s7, $0x1;
	_ =	swait.ge [sflag:s24], $0x3000  }
.Ltmp0:
0x207: {  	[sflag:s24] =	ssyncset.done $0x0;
	(pc) =	sbr.rel @p0 .LBB2_1-.Ltmp0, $4  }
0x208: {  	[sflag:s24] =	ssyncadd.s32 $0xFFFFD000  }
0x209: {  	_ =	swait.ge [sflag:s24], $0x3000  }
0x20a: {  	[sflag:s24] =	ssyncset.done $0x0  }
0x20b: {  	s7 =	sadd.s32 $0xFFFFFFFF, s7;
	[sflag:s24] =	ssyncadd.s32 $0xFFFFD000  }
0x20c: {  	_ =	sfence.sel $0x180000  }
0x20d: {  	[bflag:$0x0] =	sbarrier.arrive $0xFFFF  }
0x20e: {  	_ =	strace $0x90000047  }
0x20f: {  	s0 =	stileid.u32;
	[bflag:$0x2] =	sbarrier.arrive $0xFFFF  }
0x210: {  	p0 =	sne.s32 s0, $0x0;
	s0 =	rddreg [dreg:$0x3]  }
0x211: {  	s0 =	sadd.s32 @!p0 $0x100000, s0  }
0x212: {  	[sflag:s0] =	ssyncadd.tile.s32 @!p0 $0x1;
	_ =	shalt  }
.Lfunc_end2:
_tile_overlayer_lowered:
.L_overlay_start_2:
0x213: {  	(tag) =	ssettag $0x2  }
0x214: {  	s0 =	rddreg [dreg:$0x0];
	s2 =	stileid.u32  }
0x215: {  	s1 =	rddreg [dreg:$0x1];
	p0 =	sne.s32 s2, $0x0  }
0x216: {  	s3 =	rddreg [dreg:$0x2];
	[bflag:$0x3] =	sbarrier.arrive $0xFFFF;
	s2 =	simm.s32 @!p0 $0x1C03  }
0x217: {  	[timem:s3], [sflag:s2] =	dma.local @!p0 [hbm:s0], s1  }
0x218: {  	s0 =	simm.s32 @!p0 $0x3  }
0x219: {  	_ =	swait.ge @!p0 [sflag:s0], s1  }
0x21a: {  	s1 =	ssub.s32 @!p0 $0x0, s1;
	[sflag:s0] =	ssyncset.done @!p0 $0x0  }
0x21b: {  	[sflag:s0] =	ssyncadd.s32 @!p0 s1  }
0x21c: {  	[bflag:$0x3] =	sbarrier.arrive $0xFFFF  }
0x21d: {  	_ =	shalt  }

// kernel: kernel.9.cloned.1.call-start
scs
__scs_entry_jumppad:
0x0: {  	(pc) =	sbr.rel $0x88, $3  }
0x1: {  	(tag) =	ssettag $0x0;
	lr =	simm.s32 $0x1  }
0x2: {  	[smem:$0x3F9C] =	sst lr;
	_ =	strace $0xD0000000  }
0x3: {  	_ = 	snop  }
0x4: {  	_ = 	snop  }
0x5: {  	_ = 	snop  }
0x6: {  	_ = 	snop  }
0x7: {  	_ = 	snop  }
__scs_overlays_trampoline_lowered:
0x8: {  	[smem:$0x3FAB] =	sst s0  }
0x9: {  	[smem:$0x3FAC] =	sst s1  }
0xa: {  	[smem:$0x3FAD] =	sst s2  }
0xb: {  	[smem:$0x3FAE] =	sst s3  }
0xc: {  	[smem:$0x3FAF] =	sst s4  }
0xd: {  	[smem:$0x3FB0] =	sst s5  }
0xe: {  	[smem:$0x3FB1] =	sst s6  }
0xf: {  	[smem:$0x3FB2] =	sst s7  }
0x10: {  	[smem:$0x3FB3] =	sst s8  }
0x11: {  	[smem:$0x3FB4] =	sst s9;
	s0 =	simm.s32 @!p0 $0x0  }
0x12: {  	s1 =	sld [smem:$0x3F9A];
	s0 =	simm.s32 @p0 $0x1  }
0x13: {  	[smem:$0x3FB5] =	sst s0;
	s0 =	simm.s32 @!p1 $0x0  }
0x14: {  	s2 =	sld [smem:$0x3F99];
	s0 =	simm.s32 @p1 $0x1  }
0x15: {  	[smem:$0x3FB6] =	sst s0;
	s0 =	simm.s32 @!p2 $0x0  }
0x16: {  	s3 =	sld [smem:$0x3FDB];
	s0 =	simm.s32 @p2 $0x1  }
0x17: {  	s4 =	simm.s32 $0x1BF5;
	[smem:$0x3FB8] =	sst s0  }
0x18: {  	s0 =	sld [smem:$0x3F9B];
	_ =	swait.ge [sflag:s4], $0x0  }
0x19: {  	s7 =	sld [smem:$0x3F9C]  }
0x1a: {  	s8 =	sadd.s32 $0xFFFFE003, lr  }
0x1b: {  	s9 =	sadd.s32 $0xFFFFFEF7, lr;
	s5 =	simm.s32 $0xFFFFFFFF;
	p2 =	slt.u32 s8, $0xFFFFF086  }
0x1c: {  	p1 =	slt.u32 s9, $0xF7A;
	s5 =	simm.s32 @!p2 $0x0  }
0x1d: {  	s5 =	simm.s32 @p1 $0x1;
	p0 =	seq.s32 s7, s2  }
0x1e: {  	s7 =	smul.u32 @!p0 $0xF7A, s2;
	p2 =	seq.s32 @!p0 s5, $0x0  }
0x1f: {  	s9 =	smul.u32 $0xF7A, s1;
	s8 =	simm.s32 @!p0 $0x1BF5;
	p2 =	por !p2, p0  }
0x20: {  	[sflag:s8] =	ssyncset.s32 @!p0 $0xFFFFF086;
	s6 =	sadd.s32 @!p0 s3, s7;
	s7 =	simm.s32 @!p0 $0x108  }
0x21: {  	s3 =	sadd.s32 s3, s9;
	s6 =	sadd.s32 @!p0 $0x88, s6;
	s7 =	simm.s32 @p2 $0x1082  }
0x22: {  	[simem:s7], [sflag:s8] =	dma.local @!p0 [hbm:s6], $0xF7A  }
0x23: {  	s9 =	sor.u32 $0xD0000000, s2;
	s6 =	simm.s32 $0x108;
	_ =	swait.ge @!p0 [sflag:s8], $0x0  }
0x24: {  	s3 =	sadd.s32 $0x88, s3;
	s6 =	simm.s32 @!p1 $0x1082;
	[sflag:s4] =	ssyncset.s32 $0xFFFFF086  }
0x25: {  	[simem:s6], [sflag:s4] =	dma.local [hbm:s3], $0xF7A  }
0x26: {  	[smem:$0x3F9C] =	sst s1;
	(tag) =	ssettag s2;
	_ =	strace s9  }
0x27: {  	s1 =	sld [smem:$0x3FAC]  }
0x28: {  	s2 =	sld [smem:$0x3FAD]  }
0x29: {  	s4 =	sld [smem:$0x3FAF]  }
0x2a: {  	p0 =	seq.s32 s5, $0x0;
	s5 =	sld [smem:$0x3FB0]  }
0x2b: {  	s6 =	sld [smem:$0x3FB1]  }
0x2c: {  	s7 =	sld [smem:$0x3FB2]  }
0x2d: {  	s3 =	simm.s32 $0x108;
	s8 =	sld [smem:$0x3FB3]  }
0x2e: {  	s3 =	simm.s32 @!p0 $0x1082;
	s9 =	sld [smem:$0x3FB4]  }
0x2f: {  	lr =	sadd.s32 s0, s3;
	s0 =	sld [smem:$0x3FAB]  }
0x30: {  	s3 =	sld [smem:$0x3FAE]  }
0x31: {  	[smem:$0x3FB7] =	sst s10  }
0x32: {  	s10 =	sld [smem:$0x3FB5];
	_ =	sdelay $0x3  }
0x33: {  	p0 =	seq.s32 s10, $0x1;
	s10 =	sld [smem:$0x3FB7];
	_ =	sdelay $0x3  }
0x34: {  	[smem:$0x3FB7] =	sst s10  }
0x35: {  	s10 =	sld [smem:$0x3FB6];
	_ =	sdelay $0x3  }
0x36: {  	p1 =	seq.s32 s10, $0x1;
	s10 =	sld [smem:$0x3FB7];
	_ =	sdelay $0x3  }
0x37: {  	[smem:$0x3FB7] =	sst s10  }
0x38: {  	s10 =	sld [smem:$0x3FB8]  }
0x39: {  	_ = 	snop;
	(pc) =	sbr.ind lr, $3  }
0x3a: {  	_ = 	snop  }
0x3b: {  	_ = 	snop  }
0x3c: {  	p2 =	seq.s32 s10, $0x1;
	s10 =	sld [smem:$0x3FB7]  }
0x3d: {  	_ =	shalt  }
0x3e: {  	_ =	shalt  }
0x3f: {  	_ =	shalt  }
0x40: {  	_ =	shalt  }
0x41: {  	_ =	shalt  }
0x42: {  	_ =	shalt  }
0x43: {  	_ =	shalt  }
0x44: {  	_ =	shalt  }
0x45: {  	_ =	shalt  }
0x46: {  	_ =	shalt  }
0x47: {  	_ =	shalt  }
0x48: {  	_ =	shalt  }
0x49: {  	_ =	shalt  }
0x4a: {  	_ =	shalt  }
0x4b: {  	_ =	shalt  }
0x4c: {  	_ =	shalt  }
0x4d: {  	_ =	shalt  }
0x4e: {  	_ =	shalt  }
0x4f: {  	_ =	shalt  }
0x50: {  	_ =	shalt  }
0x51: {  	_ =	shalt  }
0x52: {  	_ =	shalt  }
0x53: {  	_ =	shalt  }
0x54: {  	_ =	shalt  }
0x55: {  	_ =	shalt  }
0x56: {  	_ =	shalt  }
0x57: {  	_ =	shalt  }
0x58: {  	_ =	shalt  }
0x59: {  	_ =	shalt  }
0x5a: {  	_ =	shalt  }
0x5b: {  	_ =	shalt  }
0x5c: {  	_ =	shalt  }
0x5d: {  	_ =	shalt  }
0x5e: {  	_ =	shalt  }
0x5f: {  	_ =	shalt  }
0x60: {  	_ =	shalt  }
0x61: {  	_ =	shalt  }
0x62: {  	_ =	shalt  }
0x63: {  	_ =	shalt  }
0x64: {  	_ =	shalt  }
0x65: {  	_ =	shalt  }
0x66: {  	_ =	shalt  }
0x67: {  	_ =	shalt  }
0x68: {  	_ =	shalt  }
0x69: {  	_ =	shalt  }
0x6a: {  	_ =	shalt  }
0x6b: {  	_ =	shalt  }
0x6c: {  	_ =	shalt  }
0x6d: {  	_ =	shalt  }
0x6e: {  	_ =	shalt  }
0x6f: {  	_ =	shalt  }
0x70: {  	_ =	shalt  }
0x71: {  	_ =	shalt  }
0x72: {  	_ =	shalt  }
0x73: {  	_ =	shalt  }
0x74: {  	_ =	shalt  }
0x75: {  	_ =	shalt  }
0x76: {  	_ =	shalt  }
0x77: {  	_ =	shalt  }
0x78: {  	_ =	shalt  }
0x79: {  	_ =	shalt  }
0x7a: {  	_ =	shalt  }
0x7b: {  	_ =	shalt  }
0x7c: {  	_ =	shalt  }
0x7d: {  	_ =	shalt  }
0x7e: {  	_ =	shalt  }
0x7f: {  	_ =	shalt  }
0x80: {  	_ =	shalt  }
0x81: {  	_ =	shalt  }
0x82: {  	_ =	shalt  }
0x83: {  	_ =	shalt  }
0x84: {  	_ =	shalt  }
0x85: {  	_ =	shalt  }
0x86: {  	_ =	shalt  }
0x87: {  	_ =	shalt  }
.Lfunc_end0:
.L_simem_size_0:
called_computation.1_lowered:
.L_overlay_start_0:
0x88: {  	s2 =	sld [smem:$0x3FD9]  }
0x89: {  	s3 =	sld [smem:$0x3FFE];
	_ =	sdelay $0x1  }
0x8a: {  	s1 =	srdreg.scid  }
0x8b: {  	s0 =	sand.u32 $0x1, s1  }
0x8c: {  	s14 =	sshll.u32 s0, $0xA;
	s2 =	sadd.s32 s3, s2  }
0x8d: {  	s2 =	sadd.s32 s2, s14  }
0x8e: {  	[smem:$0x3FC3] =	sst s2  }
0x8f: {  	_ = 	snop  }
0x90: {  	s2 =	sld [smem:$0x3FD0];
	_ =	sdelay $0x2  }
0x91: {  	s15 =	simm.s32 $0xA;
	s4 =	simm.s32 $0x10  }
0x92: {  	[smem:s4], [sflag:s15] =	dma.local [hbm:s2], $0x1  }
0x93: {  	_ =	swait.eq [sflag:s15], $0x1  }
0x94: {  	[sflag:s15] =	ssyncset.done $0x0  }
0x95: {  	[sflag:s15] =	ssyncadd.s32 $0xFFFFFFFF  }
0x96: {  	s16 =	sld [smem:$0x10];
	(tm) =	ssettm $0x1  }
0x97: {  	s17 =	sld [smem:$0x3FFB];
	_ =	sdelay $0x3  }
0x98: {  	_ =	strace s17  }
0x99: {  	s3 =	sld [smem:$0x3FFC];
	_ =	sdelay $0x3  }
0x9a: {  	_ =	strace s3  }
0x9b: {  	s3 =	sld [smem:$0x3FFD];
	_ =	sdelay $0x3  }
0x9c: {  	_ =	strace s3  }
0x9d: {  	_ =	strace $0x8FFFFFFF  }
0x9e: {  	s18 =	sld [smem:$0x3FDB];
	_ =	sdelay $0x1  }
0x9f: {  	s19 =	simm.s32 $_scs_section_size  }
0xa0: {  	s5 =	simm.s32 $_size__tile_overlayer_lowered;
	s6 =	simm.s32 $_tile_overlayer_lowered  }
0xa1: {  	s22 =	simm.s32 $0x1BFF;
	s21 =	sshll.u32 s6, $0x1;
	s3 =	sadd.s32 s19, s18  }
0xa2: {  	s7 =	simm.s32 $0x0;
	s20 =	sshll.u32 s5, $0x1;
	s5 =	sadd.s32 s21, s3  }
0xa3: {  	[timem:s7], [sflag:s22] =	dma.local [hbm:s5], s20  }
0xa4: {  	_ =	swait.ge [sflag:s22], s20  }
0xa5: {  	s4 =	ssub.s32 $0x0, s20;
	[sflag:s22] =	ssyncset.done $0x0  }
0xa6: {  	[sflag:s22] =	ssyncadd.s32 s4;
	_ =	sdelay $0x1  }
0xa7: {  	s23 =	simm.s32 $0x1B8B  }
0xa8: {  	_ =	swait.ge [sflag:s23], $0x1  }
0xa9: {  	[sflag:s23] =	ssyncset.done $0x0  }
0xaa: {  	s25 =	simm.s32 $0x1B8E;
	s24 =	sld [smem:$0x3FFE];
	[sflag:s23] =	ssyncadd.s32 $0xFFFFFFFF  }
0xab: {  	s26 =	simm.s32 $execute0_lowered;
	[smem:$0x3FD2] =	sst s25  }
0xac: {  	s5 =	sshll.u32 s26, $0x1;
	_ =	strace $0x80000049;
	[dreg:$0x1] =	wrdreg $0xFFFFFFFF  }
0xad: {  	s28 =	simm.s32 $_size_execute0_lowered;
	s3 =	sadd.s32 s3, s5;
	[dreg:$0x0] =	wrdreg $0x0  }
0xae: {  	s5 =	sshll.u32 s28, $0x1;
	[dreg:$0x2] =	wrdreg s3  }
0xaf: {  	[dreg:$0x3] =	wrdreg s5  }
0xb0: {  	[dreg:$0x4] =	wrdreg $0xC0  }
0xb1: {  	_ =	task [dreg:s7], $0x5FFFF  }
0xb2: {  	[dreg:$0x1] =	wrdreg $0xFFFFFFFF  }
0xb3: {  	[dreg:$0x0] =	wrdreg $0x60  }
0xb4: {  	[dreg:$0x2] =	wrdreg s24  }
0xb5: {  	[dreg:$0x3] =	wrdreg s16  }
0xb6: {  	[dreg:$0x4] =	wrdreg $0x9  }
0xb7: {  	_ =	task.clear_ibuf [dreg:s7], $0x5FFFF;
	_ =	strace $0x90000049  }
0xb8: {  	s29 =	simm.s32 $0x9;
	_ =	strace $0x8000004B  }
0xb9: {  	_ =	swait.ge [sflag:s29], $0x1  }
0xba: {  	[sflag:s29] =	ssyncadd.s32 $0xFFFFFFFF  }
0xbb: {  	_ =	strace $0x9000004B  }
0xbc: {  	_ =	sfence  }
0xbd: {  	s30 =	sld [smem:$0x0];
	_ =	sdelay $0x2  }
0xbe: {  	s31 =	sshll.u32 s1, $0xD;
	s1 =	sshrl.u32 s1, $0x2  }
0xbf: {  	s3 =	sand.u32 $0x4000, s31;
	s1 =	sadd.s32 s1, s30  }
0xc0: {  	s0 =	sor.u32 s3, s0;
	s1 =	sshll.u32 s1, $0x11  }
0xc1: {  	s0 =	sor.u32 s1, s0  }
0xc2: {  	s0 =	sadd.s32 $0x8F2B, s0  }
0xc3: {  	[sflag:s0] =	ssyncadd.remote.s32 $0x1  }
0xc4: {  	_ =	sfence.sel $0xFFFF  }
0xc5: {  	[dreg:$0x0] =	wrdreg $0xFFFFFFFF;
	(pc) =	sbr.abs _section_cstart, $3  }
0xc6: {  	[dreg:$0x1] =	wrdreg $0xFFFFFFFF  }
0xc7: {  	_ =	task.clear_ibuf [dreg:s7], $0x2FFFF;
	_ =	strace $0x9FFFFFFF  }
0xc8: {  	(tm) =	ssettm $0x7FFFFFFF  }
0xc9: {  	_ =	shalt  }
tec
execute0_lowered:
.L_overlay_start_1:
0x0: {  	(tag) =	ssettag $0x1  }
0x1: {  	s0 =	rddreg [dreg:$0x0]  }
0x2: {  	s1 =	srdreg.scid;
	s2 =	stileid.u32  }
0x3: {  	s3 =	rddreg [dreg:$0x1];
	s29 =	simm.s32 $0x4800;
	s30 =	simm.s32 $0x5000  }
0x4: {  	s31 =	simm.s32 $0x5800;
	s1 =	sand.u32 $0x1, s1;
	s2 =	sshll.u32 s2, $0x1  }
0x5: {  	s28 =	simm.s32 $0xC000;
	s10 =	simm.s32 $0xF800;
	s4 =	sor.u32 s1, s2  }
0x6: {  	s8 =	simm.s32 $0x12800;
	s2 =	simm.s32 $0x0;
	s5 =	sshll.u32 s4, $0x8  }
0x7: {  	s1 =	ssub.s32 $0x2, s1;
	s6 =	smul.u32 $0x6000, s4;
	s5 =	sadd.s32 s5, s0  }
0x8: {  	[smem:$0x7FF] =	sst s2;
	s4 =	smul.u32 $0x30000, s4;
	s5 =	sadd.s32 $0x120C00, s5  }
0x9: {  	_ =	strace $0x8000004A;
	s6 =	sadd.s32 s3, s6;
	[dreg:$0x3] =	wrdreg s5  }
0xa: {  	s24 =	sshrl.u32 s1, $0x1;
	s13 =	sadd.s32 $0x600, s6;
	[dreg:$0x13] =	wrdreg s6  }
0xb: {  	s1 =	ssub.s32 s1, s24;
	s14 =	sadd.s32 $0xC00, s6;
	[dreg:$0x4] =	wrdreg s13  }
0xc: {  	s24 =	simm.s32 $0xB000;
	s15 =	sadd.s32 $0x1200, s6;
	[dreg:$0x5] =	wrdreg s14  }
0xd: {  	s4 =	sshrl.u32 s4, $0x3;
	s16 =	sadd.s32 $0x1800, s6;
	[dreg:$0x6] =	wrdreg s15  }
0xe: {  	s17 =	sadd.s32 $0x1E00, s6;
	s3 =	sadd.s32 s3, s4;
	[dreg:$0x7] =	wrdreg s16  }
0xf: {  	s7 =	smax.u32 s1, $0x1;
	[dreg:$0x8] =	wrdreg s17;
	s4 =	sadd.s32 $0x2400, s3  }
0x10: {  	s1 =	simm.s32 $0x15800;
	s18 =	sadd.s32 $0x2A00, s3;
	[dreg:$0x9] =	wrdreg s4  }
0x11: {  	s5 =	sadd.s32 $0x122D00, s0;
	s19 =	sadd.s32 $0x3000, s3;
	[dreg:$0xa] =	wrdreg s18  }
0x12: {  	s6 =	sadd.s32 $0x122E00, s0;
	s20 =	sadd.s32 $0x3600, s3;
	[dreg:$0xb] =	wrdreg s19  }
0x13: {  	s21 =	sadd.s32 $0x3C00, s3;
	s22 =	sadd.s32 $0x4200, s3;
	[dreg:$0xc] =	wrdreg s20  }
0x14: {  	s23 =	sadd.s32 $0x4800, s3;
	s25 =	sadd.s32 $0x4E00, s3;
	[dreg:$0xd] =	wrdreg s21  }
0x15: {  	s26 =	sadd.s32 $0x5400, s3;
	s3 =	sadd.s32 $0x5A00, s3;
	[dreg:$0xe] =	wrdreg s22  }
0x16: {  	s16 =	simm.s32 $0x1;
	s13 =	simm.s32 $0x8000;
	[dreg:$0xf] =	wrdreg s23  }
0x17: {  	s14 =	simm.s32 $0x8800;
	s15 =	simm.s32 $0x9000;
	[dreg:$0x10] =	wrdreg s25  }
0x18: {  	s17 =	simm.s32 $0xC800;
	s4 =	sadd.s32 $0x122C00, s0;
	[dreg:$0x11] =	wrdreg s26  }
0x19: {  	v2 =	vlaneseq.u32;
	[dreg:$0x12] =	wrdreg s3;
	s3 =	simm.s32 $0x2;
	s19 =	simm.s32 $0x1000  }
0x1a: {  	vm0 =	vmmov $0xffff;
	v1 =	vshrl.u32 v2, $0x3;
	s20 =	simm.s32 $0x1800;
	s22 =	simm.s32 $0x2000;
	s23 =	simm.s32 $0x2800  }
0x1b: {  	v0 =	vand.u32 $0x7, v2;
	v2 =	vor.u32 $0x8, v2;
	v1 =	vmul.u32 $0x8, v1;
	s25 =	simm.s32 $0x3000;
	s26 =	simm.s32 $0x4000;
	s21 =	simm.s32 $0xA000  }
.LBB2_1:
0x1c: {  	s18 =	rddreg [dreg:$0x3];
	s0 =	simm.s32 $0x3  }
0x1d: {  	[tilespmem:s2], [sflag:$0x3] =	stream.linear.gather [hbm4b:s18+s2], $0x800, $0x38;
	[tilespmem:$0x18800] =	vst v63  }
0x1e: {  	_ =	swait.ge [sflag:s0], $0x800  }
0x1f: {  	[sflag:s0] =	ssyncset.done $0x0  }
0x20: {  	[sflag:s0] =	ssyncadd.s32 $0xFFFFF800  }
0x21: {  	v3 =	vld [tilespmem:$0x0];
	_ =	sdelay $0x4  }
0x22: {  	v4 =	vshrl.u32 v3, $0x3  }
0x23: {  	v4 =	vmul.u32 $0x30, v4  }
0x24: {  	v3 =	vand.u32 $0x7, v3  }
0x25: {  	v3 =	vor.u32 v3, v4  }
0x26: {  	v4 =	vperm.xlane v3, v0;
	_ =	sdelay $0x1  }
0x27: {  	v4 =	vadd.s32 v1, v4;
	_ =	sdelay $0x3  }
0x28: {  	s9 =	simm.s32 $0x800;
	v3 =	vperm.xlane v3, v2  }
0x29: {  	[tilespmem:s9], [sflag:$0x1] =	stream.indirect_vreg.gather [hbm4b:s4+s2], $0x80, v4, vm0, $0xb8;
	[tilespmem:$0x18800] =	vst v63  }
0x2a: {  	v3 =	vadd.s32 v1, v3  }
0x2b: {  	[tilespmem:s19], [sflag:$0x1] =	stream.indirect_vreg.gather [hbm4b:s5+s2], $0x80, v4, vm0, $0xb8;
	[tilespmem:$0x18800] =	vst v63  }
0x2c: {  	_ = 	snop  }
0x2d: {  	[tilespmem:s20], [sflag:$0x1] =	stream.indirect_vreg.gather [hbm4b:s6+s2], $0x80, v4, vm0, $0xb8;
	[tilespmem:$0x18800] =	vst v63  }
0x2e: {  	_ = 	snop  }
0x2f: {  	[tilespmem:s22], [sflag:$0x1] =	stream.indirect_vreg.gather [hbm4b:s4+s2], $0x80, v3, vm0, $0xb8;
	[tilespmem:$0x18800] =	vst v63  }
0x30: {  	_ = 	snop  }
0x31: {  	[tilespmem:s23], [sflag:$0x1] =	stream.indirect_vreg.gather [hbm4b:s5+s2], $0x80, v3, vm0, $0xb8;
	[tilespmem:$0x18800] =	vst v63  }
0x32: {  	_ = 	snop  }
0x33: {  	[tilespmem:s25], [sflag:$0x1] =	stream.indirect_vreg.gather [hbm4b:s6+s2], $0x80, v3, vm0, $0xb8;
	[tilespmem:$0x18800] =	vst v63  }
0x34: {  	v3 =	vld [tilespmem:$0x80];
	_ =	sdelay $0x4  }
0x35: {  	v49 =	vshrl.u32 v3, $0x3  }
0x36: {  	v4 =	vmul.u32 $0x30, v49  }
0x37: {  	v3 =	vand.u32 $0x7, v3  }
0x38: {  	v3 =	vor.u32 v3, v4  }
0x39: {  	v4 =	vperm.xlane v3, v0;
	_ =	sdelay $0x1  }
0x3a: {  	v4 =	vadd.s32 v1, v4;
	_ =	sdelay $0x3  }
0x3b: {  	s11 =	simm.s32 $0x3800;
	v3 =	vperm.xlane v3, v2  }
0x3c: {  	[tilespmem:s11], [sflag:$0x1] =	stream.indirect_vreg.gather [hbm4b:s4+s2], $0x80, v4, vm0, $0xb8;
	[tilespmem:$0x18800] =	vst v63  }
0x3d: {  	v3 =	vadd.s32 v1, v3  }
0x3e: {  	[tilespmem:s26], [sflag:$0x1] =	stream.indirect_vreg.gather [hbm4b:s5+s2], $0x80, v4, vm0, $0xb8;
	[tilespmem:$0x18800] =	vst v63  }
0x3f: {  	_ = 	snop  }
0x40: {  	[tilespmem:s29], [sflag:$0x1] =	stream.indirect_vreg.gather [hbm4b:s6+s2], $0x80, v4, vm0, $0xb8;
	[tilespmem:$0x18800] =	vst v63  }
0x41: {  	_ = 	snop  }
0x42: {  	[tilespmem:s30], [sflag:$0x1] =	stream.indirect_vreg.gather [hbm4b:s4+s2], $0x80, v3, vm0, $0xb8;
	[tilespmem:$0x18800] =	vst v63  }
0x43: {  	_ = 	snop  }
0x44: {  	[tilespmem:s31], [sflag:$0x1] =	stream.indirect_vreg.gather [hbm4b:s5+s2], $0x80, v3, vm0, $0xb8;
	[tilespmem:$0x18800] =	vst v63  }
0x45: {  	s9 =	simm.s32 $0x6000  }
0x46: {  	[tilespmem:s9], [sflag:$0x1] =	stream.indirect_vreg.gather [hbm4b:s6+s2], $0x80, v3, vm0, $0xb8;
	[tilespmem:$0x18800] =	vst v63  }
0x47: {  	v3 =	vld [tilespmem:$0x100];
	_ =	sdelay $0x4  }
0x48: {  	v50 =	vshrl.u32 v3, $0x3  }
0x49: {  	v4 =	vmul.u32 $0x30, v50  }
0x4a: {  	v3 =	vand.u32 $0x7, v3  }
0x4b: {  	v3 =	vor.u32 v3, v4  }
0x4c: {  	v4 =	vperm.xlane v3, v0;
	_ =	sdelay $0x1  }
0x4d: {  	v4 =	vadd.s32 v1, v4;
	_ =	sdelay $0x3  }
0x4e: {  	s12 =	simm.s32 $0x6800;
	v3 =	vperm.xlane v3, v2  }
0x4f: {  	[tilespmem:s12], [sflag:$0x1] =	stream.indirect_vreg.gather [hbm4b:s4+s2], $0x80, v4, vm0, $0xb8;
	[tilespmem:$0x18800] =	vst v63  }
0x50: {  	s11 =	simm.s32 $0x7000;
	v3 =	vadd.s32 v1, v3  }
0x51: {  	[tilespmem:s11], [sflag:$0x1] =	stream.indirect_vreg.gather [hbm4b:s5+s2], $0x80, v4, vm0, $0xb8;
	[tilespmem:$0x18800] =	vst v63  }
0x52: {  	s12 =	simm.s32 $0x7800  }
0x53: {  	[tilespmem:s12], [sflag:$0x1] =	stream.indirect_vreg.gather [hbm4b:s6+s2], $0x80, v4, vm0, $0xb8;
	[tilespmem:$0x18800] =	vst v63  }
0x54: {  	_ = 	snop  }
0x55: {  	[tilespmem:s13], [sflag:$0x1] =	stream.indirect_vreg.gather [hbm4b:s4+s2], $0x80, v3, vm0, $0xb8;
	[tilespmem:$0x18800] =	vst v63  }
0x56: {  	_ = 	snop  }
0x57: {  	[tilespmem:s14], [sflag:$0x1] =	stream.indirect_vreg.gather [hbm4b:s5+s2], $0x80, v3, vm0, $0xb8;
	[tilespmem:$0x18800] =	vst v63  }
0x58: {  	_ = 	snop  }
0x59: {  	[tilespmem:s15], [sflag:$0x1] =	stream.indirect_vreg.gather [hbm4b:s6+s2], $0x80, v3, vm0, $0xb8;
	[tilespmem:$0x18800] =	vst v63  }
0x5a: {  	v3 =	vld [tilespmem:$0x180];
	_ =	sdelay $0x4  }
0x5b: {  	v51 =	vshrl.u32 v3, $0x3  }
0x5c: {  	v4 =	vmul.u32 $0x30, v51  }
0x5d: {  	v3 =	vand.u32 $0x7, v3  }
0x5e: {  	v3 =	vor.u32 v3, v4  }
0x5f: {  	v4 =	vperm.xlane v3, v0;
	_ =	sdelay $0x1  }
0x60: {  	v4 =	vadd.s32 v1, v4;
	_ =	sdelay $0x3  }
0x61: {  	s18 =	simm.s32 $0x9800;
	v3 =	vperm.xlane v3, v2  }
0x62: {  	[tilespmem:s18], [sflag:$0x1] =	stream.indirect_vreg.gather [hbm4b:s4+s2], $0x80, v4, vm0, $0xb8;
	[tilespmem:$0x18800] =	vst v63  }
0x63: {  	v3 =	vadd.s32 v1, v3  }
0x64: {  	[tilespmem:s21], [sflag:$0x1] =	stream.indirect_vreg.gather [hbm4b:s5+s2], $0x80, v4, vm0, $0xb8;
	[tilespmem:$0x18800] =	vst v63  }
0x65: {  	s18 =	simm.s32 $0xA800  }
0x66: {  	[tilespmem:s18], [sflag:$0x1] =	stream.indirect_vreg.gather [hbm4b:s6+s2], $0x80, v4, vm0, $0xb8;
	[tilespmem:$0x18800] =	vst v63  }
0x67: {  	_ = 	snop  }
0x68: {  	[tilespmem:s24], [sflag:$0x1] =	stream.indirect_vreg.gather [hbm4b:s4+s2], $0x80, v3, vm0, $0xb8;
	[tilespmem:$0x18800] =	vst v63  }
0x69: {  	s18 =	simm.s32 $0xB800  }
0x6a: {  	[tilespmem:s18], [sflag:$0x1] =	stream.indirect_vreg.gather [hbm4b:s5+s2], $0x80, v3, vm0, $0xb8;
	[tilespmem:$0x18800] =	vst v63  }
0x6b: {  	_ = 	snop  }
0x6c: {  	[tilespmem:s28], [sflag:$0x1] =	stream.indirect_vreg.gather [hbm4b:s6+s2], $0x80, v3, vm0, $0xb8;
	[tilespmem:$0x18800] =	vst v63  }
0x6d: {  	v3 =	vld [tilespmem:$0x200];
	_ =	sdelay $0x4  }
0x6e: {  	v52 =	vshrl.u32 v3, $0x3  }
0x6f: {  	v4 =	vmul.u32 $0x30, v52  }
0x70: {  	v3 =	vand.u32 $0x7, v3  }
0x71: {  	v3 =	vor.u32 v3, v4  }
0x72: {  	v4 =	vperm.xlane v3, v0;
	_ =	sdelay $0x1  }
0x73: {  	v4 =	vadd.s32 v1, v4;
	_ =	sdelay $0x3  }
0x74: {  	v3 =	vperm.xlane v3, v2  }
0x75: {  	[tilespmem:s17], [sflag:$0x1] =	stream.indirect_vreg.gather [hbm4b:s4+s2], $0x80, v4, vm0, $0xb8;
	[tilespmem:$0x18800] =	vst v63  }
0x76: {  	s18 =	simm.s32 $0xD000;
	v3 =	vadd.s32 v1, v3  }
0x77: {  	[tilespmem:s18], [sflag:$0x1] =	stream.indirect_vreg.gather [hbm4b:s5+s2], $0x80, v4, vm0, $0xb8;
	[tilespmem:$0x18800] =	vst v63  }
0x78: {  	s18 =	simm.s32 $0xD800  }
0x79: {  	[tilespmem:s18], [sflag:$0x1] =	stream.indirect_vreg.gather [hbm4b:s6+s2], $0x80, v4, vm0, $0xb8;
	[tilespmem:$0x18800] =	vst v63  }
0x7a: {  	s18 =	simm.s32 $0xE000  }
0x7b: {  	[tilespmem:s18], [sflag:$0x1] =	stream.indirect_vreg.gather [hbm4b:s4+s2], $0x80, v3, vm0, $0xb8;
	[tilespmem:$0x18800] =	vst v63  }
0x7c: {  	s18 =	simm.s32 $0xE800  }
0x7d: {  	[tilespmem:s18], [sflag:$0x1] =	stream.indirect_vreg.gather [hbm4b:s5+s2], $0x80, v3, vm0, $0xb8;
	[tilespmem:$0x18800] =	vst v63  }
0x7e: {  	s18 =	simm.s32 $0xF000  }
0x7f: {  	[tilespmem:s18], [sflag:$0x1] =	stream.indirect_vreg.gather [hbm4b:s6+s2], $0x80, v3, vm0, $0xb8;
	[tilespmem:$0x18800] =	vst v63  }
0x80: {  	v3 =	vld [tilespmem:$0x280];
	_ =	sdelay $0x4  }
0x81: {  	v53 =	vshrl.u32 v3, $0x3  }
0x82: {  	v4 =	vmul.u32 $0x30, v53  }
0x83: {  	v3 =	vand.u32 $0x7, v3  }
0x84: {  	v3 =	vor.u32 v3, v4  }
0x85: {  	v4 =	vperm.xlane v3, v0;
	_ =	sdelay $0x1  }
0x86: {  	v4 =	vadd.s32 v1, v4;
	_ =	sdelay $0x3  }
0x87: {  	v3 =	vperm.xlane v3, v2  }
0x88: {  	[tilespmem:s10], [sflag:$0x1] =	stream.indirect_vreg.gather [hbm4b:s4+s2], $0x80, v4, vm0, $0xb8;
	[tilespmem:$0x18800] =	vst v63  }
0x89: {  	s18 =	simm.s32 $0x10000;
	v3 =	vadd.s32 v1, v3  }
0x8a: {  	[tilespmem:s18], [sflag:$0x1] =	stream.indirect_vreg.gather [hbm4b:s5+s2], $0x80, v4, vm0, $0xb8;
	[tilespmem:$0x18800] =	vst v63  }
0x8b: {  	s18 =	simm.s32 $0x10800  }
0x8c: {  	[tilespmem:s18], [sflag:$0x1] =	stream.indirect_vreg.gather [hbm4b:s6+s2], $0x80, v4, vm0, $0xb8;
	[tilespmem:$0x18800] =	vst v63  }
0x8d: {  	s18 =	simm.s32 $0x11000  }
0x8e: {  	[tilespmem:s18], [sflag:$0x1] =	stream.indirect_vreg.gather [hbm4b:s4+s2], $0x80, v3, vm0, $0xb8;
	[tilespmem:$0x18800] =	vst v63  }
0x8f: {  	s18 =	simm.s32 $0x11800  }
0x90: {  	[tilespmem:s18], [sflag:$0x1] =	stream.indirect_vreg.gather [hbm4b:s5+s2], $0x80, v3, vm0, $0xb8;
	[tilespmem:$0x18800] =	vst v63  }
0x91: {  	s18 =	simm.s32 $0x12000  }
0x92: {  	[tilespmem:s18], [sflag:$0x1] =	stream.indirect_vreg.gather [hbm4b:s6+s2], $0x80, v3, vm0, $0xb8;
	[tilespmem:$0x18800] =	vst v63  }
0x93: {  	v3 =	vld [tilespmem:$0x300];
	_ =	sdelay $0x4  }
0x94: {  	v54 =	vshrl.u32 v3, $0x3  }
0x95: {  	v4 =	vmul.u32 $0x30, v54  }
0x96: {  	v3 =	vand.u32 $0x7, v3  }
0x97: {  	v3 =	vor.u32 v3, v4  }
0x98: {  	v4 =	vperm.xlane v3, v0;
	_ =	sdelay $0x1  }
0x99: {  	v4 =	vadd.s32 v1, v4;
	_ =	sdelay $0x3  }
0x9a: {  	v3 =	vperm.xlane v3, v2  }
0x9b: {  	[tilespmem:s8], [sflag:$0x1] =	stream.indirect_vreg.gather [hbm4b:s4+s2], $0x80, v4, vm0, $0xb8;
	[tilespmem:$0x18800] =	vst v63  }
0x9c: {  	s18 =	simm.s32 $0x13000;
	v3 =	vadd.s32 v1, v3  }
0x9d: {  	[tilespmem:s18], [sflag:$0x1] =	stream.indirect_vreg.gather [hbm4b:s5+s2], $0x80, v4, vm0, $0xb8;
	[tilespmem:$0x18800] =	vst v63  }
0x9e: {  	s18 =	simm.s32 $0x13800  }
0x9f: {  	[tilespmem:s18], [sflag:$0x1] =	stream.indirect_vreg.gather [hbm4b:s6+s2], $0x80, v4, vm0, $0xb8;
	[tilespmem:$0x18800] =	vst v63  }
0xa0: {  	s18 =	simm.s32 $0x14000  }
0xa1: {  	[tilespmem:s18], [sflag:$0x1] =	stream.indirect_vreg.gather [hbm4b:s4+s2], $0x80, v3, vm0, $0xb8;
	[tilespmem:$0x18800] =	vst v63  }
0xa2: {  	s18 =	simm.s32 $0x14800  }
0xa3: {  	[tilespmem:s18], [sflag:$0x1] =	stream.indirect_vreg.gather [hbm4b:s5+s2], $0x80, v3, vm0, $0xb8;
	[tilespmem:$0x18800] =	vst v63  }
0xa4: {  	s18 =	simm.s32 $0x15000  }
0xa5: {  	[tilespmem:s18], [sflag:$0x1] =	stream.indirect_vreg.gather [hbm4b:s6+s2], $0x80, v3, vm0, $0xb8;
	[tilespmem:$0x18800] =	vst v63  }
0xa6: {  	v3 =	vld [tilespmem:$0x380];
	_ =	sdelay $0x4  }
0xa7: {  	v55 =	vshrl.u32 v3, $0x3  }
0xa8: {  	v4 =	vmul.u32 $0x30, v55  }
0xa9: {  	v3 =	vand.u32 $0x7, v3  }
0xaa: {  	v3 =	vor.u32 v3, v4  }
0xab: {  	v4 =	vperm.xlane v3, v0;
	_ =	sdelay $0x1  }
0xac: {  	v4 =	vadd.s32 v1, v4;
	_ =	sdelay $0x3  }
0xad: {  	v3 =	vperm.xlane v3, v2  }
0xae: {  	[tilespmem:s1], [sflag:$0x1] =	stream.indirect_vreg.gather [hbm4b:s4+s2], $0x80, v4, vm0, $0xb8;
	[tilespmem:$0x18800] =	vst v63  }
0xaf: {  	s18 =	simm.s32 $0x16000;
	v3 =	vadd.s32 v1, v3  }
0xb0: {  	[tilespmem:s18], [sflag:$0x1] =	stream.indirect_vreg.gather [hbm4b:s5+s2], $0x80, v4, vm0, $0xb8;
	[tilespmem:$0x18800] =	vst v63  }
0xb1: {  	s18 =	simm.s32 $0x16800  }
0xb2: {  	[tilespmem:s18], [sflag:$0x1] =	stream.indirect_vreg.gather [hbm4b:s6+s2], $0x80, v4, vm0, $0xb8;
	[tilespmem:$0x18800] =	vst v63  }
0xb3: {  	s18 =	simm.s32 $0x17000  }
0xb4: {  	[tilespmem:s18], [sflag:$0x1] =	stream.indirect_vreg.gather [hbm4b:s4+s2], $0x80, v3, vm0, $0xb8;
	[tilespmem:$0x18800] =	vst v63  }
0xb5: {  	s18 =	simm.s32 $0x17800  }
0xb6: {  	[tilespmem:s18], [sflag:$0x1] =	stream.indirect_vreg.gather [hbm4b:s5+s2], $0x80, v3, vm0, $0xb8;
	[tilespmem:$0x18800] =	vst v63  }
0xb7: {  	s18 =	simm.s32 $0x18000  }
0xb8: {  	[tilespmem:s18], [sflag:$0x1] =	stream.indirect_vreg.gather [hbm4b:s6+s2], $0x80, v3, vm0, $0xb8;
	[tilespmem:$0x18800] =	vst v63  }
0xb9: {  	_ =	swait.ge [sflag:s16], $0x3000  }
0xba: {  	[sflag:s16] =	ssyncset.done $0x0  }
0xbb: {  	s0 =	simm.s32 $0x800;
	s18 =	rddreg [dreg:$0x13];
	[sflag:s16] =	ssyncadd.s32 $0xFFFFD000  }
0xbc: {  	[hbm4b:s18+s2] =	stream.linear.scatter [tilespmem:s0], [sflag:$0x2], $0x3000, $0x38;
	[tilespmem:$0x18800] =	vst v63  }
0xbd: {  	_ =	swait.ge [sflag:s3], $0x3000  }
0xbe: {  	[sflag:s3] =	ssyncset.done $0x0  }
0xbf: {  	[sflag:s3] =	ssyncadd.s32 $0xFFFFD000  }
0xc0: {  	v3 =	vld [tilespmem:$0x400];
	_ =	sdelay $0x4  }
0xc1: {  	v56 =	vshrl.u32 v3, $0x3  }
0xc2: {  	v4 =	vmul.u32 $0x30, v56  }
0xc3: {  	v3 =	vand.u32 $0x7, v3  }
0xc4: {  	v3 =	vor.u32 v3, v4  }
0xc5: {  	v4 =	vperm.xlane v3, v0;
	_ =	sdelay $0x1  }
0xc6: {  	v4 =	vadd.s32 v1, v4;
	_ =	sdelay $0x3  }
0xc7: {  	v3 =	vperm.xlane v3, v2  }
0xc8: {  	[tilespmem:s0], [sflag:$0x1] =	stream.indirect_vreg.gather [hbm4b:s4+s2], $0x80, v4, vm0, $0xb8;
	[tilespmem:$0x18800] =	vst v63  }
0xc9: {  	v3 =	vadd.s32 v1, v3  }
0xca: {  	[tilespmem:s19], [sflag:$0x1] =	stream.indirect_vreg.gather [hbm4b:s5+s2], $0x80, v4, vm0, $0xb8;
	[tilespmem:$0x18800] =	vst v63  }
0xcb: {  	_ = 	snop  }
0xcc: {  	[tilespmem:s20], [sflag:$0x1] =	stream.indirect_vreg.gather [hbm4b:s6+s2], $0x80, v4, vm0, $0xb8;
	[tilespmem:$0x18800] =	vst v63  }
0xcd: {  	_ = 	snop  }
0xce: {  	[tilespmem:s22], [sflag:$0x1] =	stream.indirect_vreg.gather [hbm4b:s4+s2], $0x80, v3, vm0, $0xb8;
	[tilespmem:$0x18800] =	vst v63  }
0xcf: {  	_ = 	snop  }
0xd0: {  	[tilespmem:s23], [sflag:$0x1] =	stream.indirect_vreg.gather [hbm4b:s5+s2], $0x80, v3, vm0, $0xb8;
	[tilespmem:$0x18800] =	vst v63  }
0xd1: {  	_ = 	snop  }
0xd2: {  	[tilespmem:s25], [sflag:$0x1] =	stream.indirect_vreg.gather [hbm4b:s6+s2], $0x80, v3, vm0, $0xb8;
	[tilespmem:$0x18800] =	vst v63  }
0xd3: {  	_ =	swait.ge [sflag:s16], $0x3000  }
0xd4: {  	[sflag:s16] =	ssyncset.done $0x0  }
0xd5: {  	s0 =	simm.s32 $0x3800;
	s18 =	rddreg [dreg:$0x4];
	[sflag:s16] =	ssyncadd.s32 $0xFFFFD000  }
0xd6: {  	[hbm4b:s18+s2] =	stream.linear.scatter [tilespmem:s0], [sflag:$0x2], $0x3000, $0x38;
	[tilespmem:$0x18800] =	vst v63  }
0xd7: {  	_ =	swait.ge [sflag:s3], $0x3000  }
0xd8: {  	[sflag:s3] =	ssyncset.done $0x0  }
0xd9: {  	[sflag:s3] =	ssyncadd.s32 $0xFFFFD000  }
0xda: {  	v3 =	vld [tilespmem:$0x480];
	_ =	sdelay $0x4  }
0xdb: {  	v57 =	vshrl.u32 v3, $0x3  }
0xdc: {  	v4 =	vmul.u32 $0x30, v57  }
0xdd: {  	v3 =	vand.u32 $0x7, v3  }
0xde: {  	v3 =	vor.u32 v3, v4  }
0xdf: {  	v4 =	vperm.xlane v3, v0;
	_ =	sdelay $0x1  }
0xe0: {  	v4 =	vadd.s32 v1, v4;
	_ =	sdelay $0x3  }
0xe1: {  	v3 =	vperm.xlane v3, v2  }
0xe2: {  	[tilespmem:s0], [sflag:$0x1] =	stream.indirect_vreg.gather [hbm4b:s4+s2], $0x80, v4, vm0, $0xb8;
	[tilespmem:$0x18800] =	vst v63  }
0xe3: {  	v3 =	vadd.s32 v1, v3  }
0xe4: {  	[tilespmem:s26], [sflag:$0x1] =	stream.indirect_vreg.gather [hbm4b:s5+s2], $0x80, v4, vm0, $0xb8;
	[tilespmem:$0x18800] =	vst v63  }
0xe5: {  	_ = 	snop  }
0xe6: {  	[tilespmem:s29], [sflag:$0x1] =	stream.indirect_vreg.gather [hbm4b:s6+s2], $0x80, v4, vm0, $0xb8;
	[tilespmem:$0x18800] =	vst v63  }
0xe7: {  	_ = 	snop  }
0xe8: {  	[tilespmem:s30], [sflag:$0x1] =	stream.indirect_vreg.gather [hbm4b:s4+s2], $0x80, v3, vm0, $0xb8;
	[tilespmem:$0x18800] =	vst v63  }
0xe9: {  	_ = 	snop  }
0xea: {  	[tilespmem:s31], [sflag:$0x1] =	stream.indirect_vreg.gather [hbm4b:s5+s2], $0x80, v3, vm0, $0xb8;
	[tilespmem:$0x18800] =	vst v63  }
0xeb: {  	_ = 	snop  }
0xec: {  	[tilespmem:s9], [sflag:$0x1] =	stream.indirect_vreg.gather [hbm4b:s6+s2], $0x80, v3, vm0, $0xb8;
	[tilespmem:$0x18800] =	vst v63  }
0xed: {  	_ =	swait.ge [sflag:s16], $0x3000  }
0xee: {  	[sflag:s16] =	ssyncset.done $0x0  }
0xef: {  	s9 =	simm.s32 $0x6800;
	s18 =	rddreg [dreg:$0x5];
	[sflag:s16] =	ssyncadd.s32 $0xFFFFD000  }
0xf0: {  	[hbm4b:s18+s2] =	stream.linear.scatter [tilespmem:s9], [sflag:$0x2], $0x3000, $0x38;
	[tilespmem:$0x18800] =	vst v63  }
0xf1: {  	_ =	swait.ge [sflag:s3], $0x3000  }
0xf2: {  	[sflag:s3] =	ssyncset.done $0x0  }
0xf3: {  	[sflag:s3] =	ssyncadd.s32 $0xFFFFD000  }
0xf4: {  	v3 =	vld [tilespmem:$0x500];
	_ =	sdelay $0x4  }
0xf5: {  	v58 =	vshrl.u32 v3, $0x3  }
0xf6: {  	v4 =	vmul.u32 $0x30, v58  }
0xf7: {  	v3 =	vand.u32 $0x7, v3  }
0xf8: {  	v3 =	vor.u32 v3, v4  }
0xf9: {  	v4 =	vperm.xlane v3, v0;
	_ =	sdelay $0x1  }
0xfa: {  	v4 =	vadd.s32 v1, v4;
	_ =	sdelay $0x3  }
0xfb: {  	v3 =	vperm.xlane v3, v2  }
0xfc: {  	[tilespmem:s9], [sflag:$0x1] =	stream.indirect_vreg.gather [hbm4b:s4+s2], $0x80, v4, vm0, $0xb8;
	[tilespmem:$0x18800] =	vst v63  }
0xfd: {  	v3 =	vadd.s32 v1, v3  }
0xfe: {  	[tilespmem:s11], [sflag:$0x1] =	stream.indirect_vreg.gather [hbm4b:s5+s2], $0x80, v4, vm0, $0xb8;
	[tilespmem:$0x18800] =	vst v63  }
0xff: {  	_ = 	snop  }
0x100: {  	[tilespmem:s12], [sflag:$0x1] =	stream.indirect_vreg.gather [hbm4b:s6+s2], $0x80, v4, vm0, $0xb8;
	[tilespmem:$0x18800] =	vst v63  }
0x101: {  	_ = 	snop  }
0x102: {  	[tilespmem:s13], [sflag:$0x1] =	stream.indirect_vreg.gather [hbm4b:s4+s2], $0x80, v3, vm0, $0xb8;
	[tilespmem:$0x18800] =	vst v63  }
0x103: {  	_ = 	snop  }
0x104: {  	[tilespmem:s14], [sflag:$0x1] =	stream.indirect_vreg.gather [hbm4b:s5+s2], $0x80, v3, vm0, $0xb8;
	[tilespmem:$0x18800] =	vst v63  }
0x105: {  	_ = 	snop  }
0x106: {  	[tilespmem:s15], [sflag:$0x1] =	stream.indirect_vreg.gather [hbm4b:s6+s2], $0x80, v3, vm0, $0xb8;
	[tilespmem:$0x18800] =	vst v63  }
0x107: {  	_ =	swait.ge [sflag:s16], $0x3000  }
0x108: {  	[sflag:s16] =	ssyncset.done $0x0  }
0x109: {  	s12 =	simm.s32 $0x9800;
	s11 =	rddreg [dreg:$0x6];
	[sflag:s16] =	ssyncadd.s32 $0xFFFFD000  }
0x10a: {  	[hbm4b:s11+s2] =	stream.linear.scatter [tilespmem:s12], [sflag:$0x2], $0x3000, $0x38;
	[tilespmem:$0x18800] =	vst v63  }
0x10b: {  	_ =	swait.ge [sflag:s3], $0x3000  }
0x10c: {  	[sflag:s3] =	ssyncset.done $0x0  }
0x10d: {  	[sflag:s3] =	ssyncadd.s32 $0xFFFFD000  }
0x10e: {  	v3 =	vld [tilespmem:$0x580];
	_ =	sdelay $0x4  }
0x10f: {  	v59 =	vshrl.u32 v3, $0x3  }
0x110: {  	v4 =	vmul.u32 $0x30, v59  }
0x111: {  	v3 =	vand.u32 $0x7, v3  }
0x112: {  	v3 =	vor.u32 v3, v4  }
0x113: {  	v4 =	vperm.xlane v3, v0;
	_ =	sdelay $0x1  }
0x114: {  	v4 =	vadd.s32 v1, v4;
	_ =	sdelay $0x3  }
0x115: {  	v3 =	vperm.xlane v3, v2  }
0x116: {  	[tilespmem:s12], [sflag:$0x1] =	stream.indirect_vreg.gather [hbm4b:s4+s2], $0x80, v4, vm0, $0xb8;
	[tilespmem:$0x18800] =	vst v63  }
0x117: {  	v3 =	vadd.s32 v1, v3  }
0x118: {  	[tilespmem:s21], [sflag:$0x1] =	stream.indirect_vreg.gather [hbm4b:s5+s2], $0x80, v4, vm0, $0xb8;
	[tilespmem:$0x18800] =	vst v63  }
0x119: {  	s18 =	simm.s32 $0xA800  }
0x11a: {  	[tilespmem:s18], [sflag:$0x1] =	stream.indirect_vreg.gather [hbm4b:s6+s2], $0x80, v4, vm0, $0xb8;
	[tilespmem:$0x18800] =	vst v63  }
0x11b: {  	_ = 	snop  }
0x11c: {  	[tilespmem:s24], [sflag:$0x1] =	stream.indirect_vreg.gather [hbm4b:s4+s2], $0x80, v3, vm0, $0xb8;
	[tilespmem:$0x18800] =	vst v63  }
0x11d: {  	s18 =	simm.s32 $0xB800  }
0x11e: {  	[tilespmem:s18], [sflag:$0x1] =	stream.indirect_vreg.gather [hbm4b:s5+s2], $0x80, v3, vm0, $0xb8;
	[tilespmem:$0x18800] =	vst v63  }
0x11f: {  	_ = 	snop  }
0x120: {  	[tilespmem:s28], [sflag:$0x1] =	stream.indirect_vreg.gather [hbm4b:s6+s2], $0x80, v3, vm0, $0xb8;
	[tilespmem:$0x18800] =	vst v63  }
0x121: {  	_ =	swait.ge [sflag:s16], $0x3000  }
0x122: {  	[sflag:s16] =	ssyncset.done $0x0  }
0x123: {  	s12 =	rddreg [dreg:$0x7];
	[sflag:s16] =	ssyncadd.s32 $0xFFFFD000  }
0x124: {  	[hbm4b:s12+s2] =	stream.linear.scatter [tilespmem:s17], [sflag:$0x2], $0x3000, $0x38;
	[tilespmem:$0x18800] =	vst v63  }
0x125: {  	_ =	swait.ge [sflag:s3], $0x3000  }
0x126: {  	[sflag:s3] =	ssyncset.done $0x0  }
0x127: {  	[sflag:s3] =	ssyncadd.s32 $0xFFFFD000  }
0x128: {  	v3 =	vld [tilespmem:$0x600];
	_ =	sdelay $0x4  }
0x129: {  	v60 =	vshrl.u32 v3, $0x3  }
0x12a: {  	v4 =	vmul.u32 $0x30, v60  }
0x12b: {  	v3 =	vand.u32 $0x7, v3  }
0x12c: {  	v3 =	vor.u32 v3, v4  }
0x12d: {  	v4 =	vperm.xlane v3, v0;
	_ =	sdelay $0x1  }
0x12e: {  	v4 =	vadd.s32 v1, v4;
	_ =	sdelay $0x3  }
0x12f: {  	v3 =	vperm.xlane v3, v2  }
0x130: {  	[tilespmem:s17], [sflag:$0x1] =	stream.indirect_vreg.gather [hbm4b:s4+s2], $0x80, v4, vm0, $0xb8;
	[tilespmem:$0x18800] =	vst v63  }
0x131: {  	s18 =	simm.s32 $0xD000;
	v3 =	vadd.s32 v1, v3  }
0x132: {  	[tilespmem:s18], [sflag:$0x1] =	stream.indirect_vreg.gather [hbm4b:s5+s2], $0x80, v4, vm0, $0xb8;
	[tilespmem:$0x18800] =	vst v63  }
0x133: {  	s18 =	simm.s32 $0xD800  }
0x134: {  	[tilespmem:s18], [sflag:$0x1] =	stream.indirect_vreg.gather [hbm4b:s6+s2], $0x80, v4, vm0, $0xb8;
	[tilespmem:$0x18800] =	vst v63  }
0x135: {  	s18 =	simm.s32 $0xE000  }
0x136: {  	[tilespmem:s18], [sflag:$0x1] =	stream.indirect_vreg.gather [hbm4b:s4+s2], $0x80, v3, vm0, $0xb8;
	[tilespmem:$0x18800] =	vst v63  }
0x137: {  	s18 =	simm.s32 $0xE800  }
0x138: {  	[tilespmem:s18], [sflag:$0x1] =	stream.indirect_vreg.gather [hbm4b:s5+s2], $0x80, v3, vm0, $0xb8;
	[tilespmem:$0x18800] =	vst v63  }
0x139: {  	s18 =	simm.s32 $0xF000  }
0x13a: {  	[tilespmem:s18], [sflag:$0x1] =	stream.indirect_vreg.gather [hbm4b:s6+s2], $0x80, v3, vm0, $0xb8;
	[tilespmem:$0x18800] =	vst v63  }
0x13b: {  	_ =	swait.ge [sflag:s16], $0x3000  }
0x13c: {  	[sflag:s16] =	ssyncset.done $0x0  }
0x13d: {  	s12 =	rddreg [dreg:$0x8];
	[sflag:s16] =	ssyncadd.s32 $0xFFFFD000  }
0x13e: {  	[hbm4b:s12+s2] =	stream.linear.scatter [tilespmem:s10], [sflag:$0x2], $0x3000, $0x38;
	[tilespmem:$0x18800] =	vst v63  }
0x13f: {  	_ =	swait.ge [sflag:s3], $0x3000  }
0x140: {  	[sflag:s3] =	ssyncset.done $0x0  }
0x141: {  	[sflag:s3] =	ssyncadd.s32 $0xFFFFD000  }
0x142: {  	v3 =	vld [tilespmem:$0x680];
	_ =	sdelay $0x4  }
0x143: {  	v61 =	vshrl.u32 v3, $0x3  }
0x144: {  	v4 =	vmul.u32 $0x30, v61  }
0x145: {  	v3 =	vand.u32 $0x7, v3  }
0x146: {  	v3 =	vor.u32 v3, v4  }
0x147: {  	v4 =	vperm.xlane v3, v0;
	_ =	sdelay $0x1  }
0x148: {  	v4 =	vadd.s32 v1, v4;
	_ =	sdelay $0x3  }
0x149: {  	v3 =	vperm.xlane v3, v2  }
0x14a: {  	[tilespmem:s10], [sflag:$0x1] =	stream.indirect_vreg.gather [hbm4b:s4+s2], $0x80, v4, vm0, $0xb8;
	[tilespmem:$0x18800] =	vst v63  }
0x14b: {  	s18 =	simm.s32 $0x10000;
	v3 =	vadd.s32 v1, v3  }
0x14c: {  	[tilespmem:s18], [sflag:$0x1] =	stream.indirect_vreg.gather [hbm4b:s5+s2], $0x80, v4, vm0, $0xb8;
	[tilespmem:$0x18800] =	vst v63  }
0x14d: {  	s18 =	simm.s32 $0x10800  }
0x14e: {  	[tilespmem:s18], [sflag:$0x1] =	stream.indirect_vreg.gather [hbm4b:s6+s2], $0x80, v4, vm0, $0xb8;
	[tilespmem:$0x18800] =	vst v63  }
0x14f: {  	s18 =	simm.s32 $0x11000  }
0x150: {  	[tilespmem:s18], [sflag:$0x1] =	stream.indirect_vreg.gather [hbm4b:s4+s2], $0x80, v3, vm0, $0xb8;
	[tilespmem:$0x18800] =	vst v63  }
0x151: {  	s18 =	simm.s32 $0x11800  }
0x152: {  	[tilespmem:s18], [sflag:$0x1] =	stream.indirect_vreg.gather [hbm4b:s5+s2], $0x80, v3, vm0, $0xb8;
	[tilespmem:$0x18800] =	vst v63  }
0x153: {  	s18 =	simm.s32 $0x12000  }
0x154: {  	[tilespmem:s18], [sflag:$0x1] =	stream.indirect_vreg.gather [hbm4b:s6+s2], $0x80, v3, vm0, $0xb8;
	[tilespmem:$0x18800] =	vst v63  }
0x155: {  	_ =	swait.ge [sflag:s16], $0x3000  }
0x156: {  	[sflag:s16] =	ssyncset.done $0x0  }
0x157: {  	s12 =	rddreg [dreg:$0x9];
	[sflag:s16] =	ssyncadd.s32 $0xFFFFD000  }
0x158: {  	[hbm4b:s12+s2] =	stream.linear.scatter [tilespmem:s8], [sflag:$0x2], $0x3000, $0x38;
	[tilespmem:$0x18800] =	vst v63  }
0x159: {  	_ =	swait.ge [sflag:s3], $0x3000  }
0x15a: {  	[sflag:s3] =	ssyncset.done $0x0  }
0x15b: {  	[sflag:s3] =	ssyncadd.s32 $0xFFFFD000  }
0x15c: {  	v3 =	vld [tilespmem:$0x700];
	_ =	sdelay $0x4  }
0x15d: {  	v62 =	vshrl.u32 v3, $0x3  }
0x15e: {  	v4 =	vmul.u32 $0x30, v62  }
0x15f: {  	v3 =	vand.u32 $0x7, v3  }
0x160: {  	v3 =	vor.u32 v3, v4  }
0x161: {  	v4 =	vperm.xlane v3, v0;
	_ =	sdelay $0x1  }
0x162: {  	v4 =	vadd.s32 v1, v4;
	_ =	sdelay $0x3  }
0x163: {  	v3 =	vperm.xlane v3, v2  }
0x164: {  	[tilespmem:s8], [sflag:$0x1] =	stream.indirect_vreg.gather [hbm4b:s4+s2], $0x80, v4, vm0, $0xb8;
	[tilespmem:$0x18800] =	vst v63  }
0x165: {  	s18 =	simm.s32 $0x13000;
	v3 =	vadd.s32 v1, v3  }
0x166: {  	[tilespmem:s18], [sflag:$0x1] =	stream.indirect_vreg.gather [hbm4b:s5+s2], $0x80, v4, vm0, $0xb8;
	[tilespmem:$0x18800] =	vst v63  }
0x167: {  	s18 =	simm.s32 $0x13800  }
0x168: {  	[tilespmem:s18], [sflag:$0x1] =	stream.indirect_vreg.gather [hbm4b:s6+s2], $0x80, v4, vm0, $0xb8;
	[tilespmem:$0x18800] =	vst v63  }
0x169: {  	s18 =	simm.s32 $0x14000  }
0x16a: {  	[tilespmem:s18], [sflag:$0x1] =	stream.indirect_vreg.gather [hbm4b:s4+s2], $0x80, v3, vm0, $0xb8;
	[tilespmem:$0x18800] =	vst v63  }
0x16b: {  	s18 =	simm.s32 $0x14800  }
0x16c: {  	[tilespmem:s18], [sflag:$0x1] =	stream.indirect_vreg.gather [hbm4b:s5+s2], $0x80, v3, vm0, $0xb8;
	[tilespmem:$0x18800] =	vst v63  }
0x16d: {  	s18 =	simm.s32 $0x15000  }
0x16e: {  	[tilespmem:s18], [sflag:$0x1] =	stream.indirect_vreg.gather [hbm4b:s6+s2], $0x80, v3, vm0, $0xb8;
	[tilespmem:$0x18800] =	vst v63  }
0x16f: {  	_ =	swait.ge [sflag:s16], $0x3000  }
0x170: {  	[sflag:s16] =	ssyncset.done $0x0  }
0x171: {  	s12 =	rddreg [dreg:$0xa];
	[sflag:s16] =	ssyncadd.s32 $0xFFFFD000  }
0x172: {  	[hbm4b:s12+s2] =	stream.linear.scatter [tilespmem:s1], [sflag:$0x2], $0x3000, $0x38;
	[tilespmem:$0x18800] =	vst v63  }
0x173: {  	_ =	swait.ge [sflag:s3], $0x3000  }
0x174: {  	[sflag:s3] =	ssyncset.done $0x0  }
0x175: {  	[sflag:s3] =	ssyncadd.s32 $0xFFFFD000  }
0x176: {  	v3 =	vld [tilespmem:$0x780];
	_ =	sdelay $0x4  }
0x177: {  	v63 =	vshrl.u32 v3, $0x3  }
0x178: {  	v4 =	vmul.u32 $0x30, v63  }
0x179: {  	v3 =	vand.u32 $0x7, v3  }
0x17a: {  	v3 =	vor.u32 v3, v4  }
0x17b: {  	v4 =	vperm.xlane v3, v0;
	_ =	sdelay $0x1  }
0x17c: {  	v4 =	vadd.s32 v1, v4;
	_ =	sdelay $0x3  }
0x17d: {  	v3 =	vperm.xlane v3, v2  }
0x17e: {  	[tilespmem:s1], [sflag:$0x1] =	stream.indirect_vreg.gather [hbm4b:s4+s2], $0x80, v4, vm0, $0xb8;
	[tilespmem:$0x18800] =	vst v63  }
0x17f: {  	s18 =	simm.s32 $0x16000;
	v3 =	vadd.s32 v1, v3  }
0x180: {  	[tilespmem:s18], [sflag:$0x1] =	stream.indirect_vreg.gather [hbm4b:s5+s2], $0x80, v4, vm0, $0xb8;
	[tilespmem:$0x18800] =	vst v63  }
0x181: {  	s18 =	simm.s32 $0x16800  }
0x182: {  	[tilespmem:s18], [sflag:$0x1] =	stream.indirect_vreg.gather [hbm4b:s6+s2], $0x80, v4, vm0, $0xb8;
	[tilespmem:$0x18800] =	vst v63  }
0x183: {  	s18 =	simm.s32 $0x17000  }
0x184: {  	[tilespmem:s18], [sflag:$0x1] =	stream.indirect_vreg.gather [hbm4b:s4+s2], $0x80, v3, vm0, $0xb8;
	[tilespmem:$0x18800] =	vst v63  }
0x185: {  	s18 =	simm.s32 $0x17800  }
0x186: {  	[tilespmem:s18], [sflag:$0x1] =	stream.indirect_vreg.gather [hbm4b:s5+s2], $0x80, v3, vm0, $0xb8;
	[tilespmem:$0x18800] =	vst v63  }
0x187: {  	s18 =	simm.s32 $0x18000  }
0x188: {  	[tilespmem:s18], [sflag:$0x1] =	stream.indirect_vreg.gather [hbm4b:s6+s2], $0x80, v3, vm0, $0xb8;
	[tilespmem:$0x18800] =	vst v63  }
0x189: {  	_ =	swait.ge [sflag:s16], $0x3000  }
0x18a: {  	[sflag:s16] =	ssyncset.done $0x0  }
0x18b: {  	s12 =	simm.s32 $0x800;
	s18 =	rddreg [dreg:$0xb];
	[sflag:s16] =	ssyncadd.s32 $0xFFFFD000  }
0x18c: {  	[hbm4b:s18+s2] =	stream.linear.scatter [tilespmem:s12], [sflag:$0x2], $0x3000, $0x38;
	[tilespmem:$0x18800] =	vst v63  }
0x18d: {  	_ =	swait.ge [sflag:s16], $0x3000  }
0x18e: {  	[sflag:s16] =	ssyncset.done $0x0  }
0x18f: {  	s0 =	simm.s32 $0x3800;
	s12 =	rddreg [dreg:$0xc];
	[sflag:s16] =	ssyncadd.s32 $0xFFFFD000  }
0x190: {  	[hbm4b:s12+s2] =	stream.linear.scatter [tilespmem:s0], [sflag:$0x2], $0x3000, $0x38;
	[tilespmem:$0x18800] =	vst v63  }
0x191: {  	_ =	swait.ge [sflag:s16], $0x3000  }
0x192: {  	[sflag:s16] =	ssyncset.done $0x0  }
0x193: {  	s9 =	simm.s32 $0x6800;
	s0 =	rddreg [dreg:$0xd];
	[sflag:s16] =	ssyncadd.s32 $0xFFFFD000  }
0x194: {  	[hbm4b:s0+s2] =	stream.linear.scatter [tilespmem:s9], [sflag:$0x2], $0x3000, $0x38;
	[tilespmem:$0x18800] =	vst v63  }
0x195: {  	_ =	swait.ge [sflag:s16], $0x3000  }
0x196: {  	[sflag:s16] =	ssyncset.done $0x0  }
0x197: {  	s11 =	simm.s32 $0x9800;
	s12 =	rddreg [dreg:$0xe];
	[sflag:s16] =	ssyncadd.s32 $0xFFFFD000  }
0x198: {  	[hbm4b:s12+s2] =	stream.linear.scatter [tilespmem:s11], [sflag:$0x2], $0x3000, $0x38;
	[tilespmem:$0x18800] =	vst v63  }
0x199: {  	_ =	swait.ge [sflag:s16], $0x3000  }
0x19a: {  	[sflag:s16] =	ssyncset.done $0x0  }
0x19b: {  	s0 =	rddreg [dreg:$0xf];
	[sflag:s16] =	ssyncadd.s32 $0xFFFFD000  }
0x19c: {  	[hbm4b:s0+s2] =	stream.linear.scatter [tilespmem:s17], [sflag:$0x2], $0x3000, $0x38;
	[tilespmem:$0x18800] =	vst v63  }
0x19d: {  	_ =	swait.ge [sflag:s16], $0x3000  }
0x19e: {  	[sflag:s16] =	ssyncset.done $0x0  }
0x19f: {  	s9 =	rddreg [dreg:$0x10];
	[sflag:s16] =	ssyncadd.s32 $0xFFFFD000  }
0x1a0: {  	[hbm4b:s9+s2] =	stream.linear.scatter [tilespmem:s10], [sflag:$0x2], $0x3000, $0x38;
	[tilespmem:$0x18800] =	vst v63  }
0x1a1: {  	_ =	swait.ge [sflag:s16], $0x3000  }
0x1a2: {  	[sflag:s16] =	ssyncset.done $0x0  }
0x1a3: {  	s11 =	rddreg [dreg:$0x11];
	[sflag:s16] =	ssyncadd.s32 $0xFFFFD000  }
0x1a4: {  	[hbm4b:s11+s2] =	stream.linear.scatter [tilespmem:s8], [sflag:$0x2], $0x3000, $0x38;
	[tilespmem:$0x18800] =	vst v63  }
0x1a5: {  	_ =	swait.ge [sflag:s16], $0x3000  }
0x1a6: {  	[sflag:s16] =	ssyncset.done $0x0  }
0x1a7: {  	s12 =	rddreg [dreg:$0x12];
	[sflag:s16] =	ssyncadd.s32 $0xFFFFD000  }
0x1a8: {  	[hbm4b:s12+s2] =	stream.linear.scatter [tilespmem:s1], [sflag:$0x2], $0x3000, $0x38;
	[tilespmem:$0x18800] =	vst v63  }
0x1a9: {  	_ =	swait.ge [sflag:s3], $0x3000  }
0x1aa: {  	[sflag:s3] =	ssyncset.done $0x0  }
0x1ab: {  	[sflag:s3] =	ssyncadd.s32 $0xFFFFD000  }
0x1ac: {  	_ =	swait.ge [sflag:s3], $0x3000  }
0x1ad: {  	[sflag:s3] =	ssyncset.done $0x0  }
0x1ae: {  	[sflag:s3] =	ssyncadd.s32 $0xFFFFD000  }
0x1af: {  	_ =	swait.ge [sflag:s3], $0x3000  }
0x1b0: {  	[sflag:s3] =	ssyncset.done $0x0  }
0x1b1: {  	[sflag:s3] =	ssyncadd.s32 $0xFFFFD000  }
0x1b2: {  	_ =	swait.ge [sflag:s3], $0x3000  }
0x1b3: {  	[sflag:s3] =	ssyncset.done $0x0  }
0x1b4: {  	[sflag:s3] =	ssyncadd.s32 $0xFFFFD000  }
0x1b5: {  	_ =	swait.ge [sflag:s3], $0x3000  }
0x1b6: {  	[sflag:s3] =	ssyncset.done $0x0  }
0x1b7: {  	[sflag:s3] =	ssyncadd.s32 $0xFFFFD000  }
0x1b8: {  	_ =	swait.ge [sflag:s3], $0x3000  }
0x1b9: {  	[sflag:s3] =	ssyncset.done $0x0  }
0x1ba: {  	[sflag:s3] =	ssyncadd.s32 $0xFFFFD000  }
0x1bb: {  	p0 =	sne.s32 s7, $0x1;
	_ =	swait.ge [sflag:s3], $0x3000  }
.Ltmp0:
0x1bc: {  	[sflag:s3] =	ssyncset.done $0x0;
	(pc) =	sbr.rel @p0 .LBB2_1-.Ltmp0, $4  }
0x1bd: {  	[sflag:s3] =	ssyncadd.s32 $0xFFFFD000  }
0x1be: {  	_ =	swait.ge [sflag:s3], $0x3000  }
0x1bf: {  	[sflag:s3] =	ssyncset.done $0x0  }
0x1c0: {  	s7 =	sadd.s32 $0xFFFFFFFF, s7;
	[sflag:s3] =	ssyncadd.s32 $0xFFFFD000  }
0x1c1: {  	_ =	sfence.sel $0x180000  }
0x1c2: {  	[bflag:$0x0] =	sbarrier.arrive $0xFFFF  }
0x1c3: {  	_ =	strace $0x9000004A  }
0x1c4: {  	s0 =	stileid.u32;
	[bflag:$0x2] =	sbarrier.arrive $0xFFFF  }
0x1c5: {  	p0 =	sne.s32 s0, $0x0;
	s0 =	rddreg [dreg:$0x2]  }
0x1c6: {  	s0 =	sadd.s32 @!p0 $0x100000, s0  }
0x1c7: {  	[sflag:s0] =	ssyncadd.tile.s32 @!p0 $0x1;
	_ =	shalt  }
.Lfunc_end2:
_tile_overlayer_lowered:
.L_overlay_start_2:
0x1c8: {  	(tag) =	ssettag $0x2  }
0x1c9: {  	s0 =	rddreg [dreg:$0x0];
	s2 =	stileid.u32  }
0x1ca: {  	s1 =	rddreg [dreg:$0x1];
	p0 =	sne.s32 s2, $0x0  }
0x1cb: {  	s3 =	rddreg [dreg:$0x2];
	[bflag:$0x3] =	sbarrier.arrive $0xFFFF;
	s2 =	simm.s32 @!p0 $0x1C03  }
0x1cc: {  	[timem:s3], [sflag:s2] =	dma.local @!p0 [hbm:s0], s1  }
0x1cd: {  	s0 =	simm.s32 @!p0 $0x3  }
0x1ce: {  	_ =	swait.ge @!p0 [sflag:s0], s1  }
0x1cf: {  	s1 =	ssub.s32 @!p0 $0x0, s1;
	[sflag:s0] =	ssyncset.done @!p0 $0x0  }
0x1d0: {  	[sflag:s0] =	ssyncadd.s32 @!p0 s1  }
0x1d1: {  	[bflag:$0x3] =	sbarrier.arrive $0xFFFF  }
0x1d2: {  	_ =	shalt  }

</sc_bundles>
